<compile_context>
chip_gen: v7x
topology: tpu7x:2x2x1
jax: 0.10.2.dev20260603
libtpu: 0.0.44.dev20260713+nightly
codegen_flags: <defaults>
</compile_context>

<pallas_src>
import functools

import jax
import jax.numpy as jnp
from jax import lax
from jax.experimental import pallas as pl
from jax.experimental.pallas import tpu as pltpu
from jax.experimental.pallas import tpu_sc as plsc

F32 = jnp.float32
CHUNK = 128
ACC_W = 48



def _tables_body(nf_ref, ws_ref, wd_ref, be_ref, a_ref, b_ref):
    x = nf_ref[...]
    a_ref[...] = jnp.dot(x, ws_ref[...], preferred_element_type=F32)
    b_ref[...] = jnp.dot(x, wd_ref[...], preferred_element_type=F32) + be_ref[...]


def _addh_body(a0_ref, h_ref, weh_ref, out_ref):
    out_ref[...] = a0_ref[...] + jnp.dot(
        h_ref[...], weh_ref[...], preferred_element_type=F32)


def _hfin_body(racc_ref, w2_ref, b2_ref, h_ref):
    r = racc_ref[0] + racc_ref[1]
    h_ref[...] = (jnp.dot(r[:, :32], w2_ref[...], preferred_element_type=F32)
                  + r[:, 32:33] * b2_ref[...])


def _node_body(nf_ref, h_ref, wn1_ref, wn2_ref, bn_ref, wn2b_ref, bn2_ref,
               wnro_ref, bnro_ref, wela_ref, welb_ref, bel_ref,
               nout_ref, u_ref):
    z = jnp.maximum(
        jnp.dot(nf_ref[...], wn1_ref[...], preferred_element_type=F32)
        + jnp.dot(h_ref[...], wn2_ref[...], preferred_element_type=F32)
        + bn_ref[...], 0.0)
    nf2 = jnp.dot(z, wn2b_ref[...], preferred_element_type=F32) + bn2_ref[...]
    nout_ref[...] = jnp.dot(nf2, wnro_ref[...], preferred_element_type=F32) + bnro_ref[...]
    p = jnp.dot(nf2, wela_ref[...], preferred_element_type=F32)
    q = jnp.dot(nf2, welb_ref[...], preferred_element_type=F32) + bel_ref[...]
    u_ref[...] = jnp.concatenate([p, q], axis=1).astype(jnp.bfloat16)


def _eout_body(s_ref, wel2_ref, bel2_ref, wcat_ref, bcat_ref, ero_ref, eo_ref):
    comb = (jnp.dot(s_ref[...].astype(F32), wel2_ref[...],
                    preferred_element_type=F32)
            + 2.0 * bel2_ref[...])
    r = jnp.dot(comb, wcat_ref[...], preferred_element_type=F32) + bcat_ref[...]
    ero_ref[...] = r[:, :32]
    eo_ref[...] = r[:, 32:34]


def _full_spec(shape):
    ndim = len(shape)
    return pl.BlockSpec(shape, lambda *i, _nd=ndim: (0,) * _nd)



def _load_my_indices(eidx, sidx, didx, wid, n_main, n_leftover, nw):
    c_start = wid * n_main
    pltpu.sync_copy(eidx.at[0, pl.ds(c_start, n_main)], sidx.at[pl.ds(0, n_main)])
    pltpu.sync_copy(eidx.at[1, pl.ds(c_start, n_main)], didx.at[pl.ds(0, n_main)])
    nchunks_main = n_main * nw

    @pl.when(wid < n_leftover)
    def _():
        c_extra = nchunks_main + wid
        pltpu.sync_copy(eidx.at[0, pl.ds(c_extra, 1)], sidx.at[pl.ds(n_main, 1)])
        pltpu.sync_copy(eidx.at[1, pl.ds(c_extra, 1)], didx.at[pl.ds(n_main, 1)])


def _sc_accum_body(n_nodes, n_chunks, nc, ns,
                   atab, btab, eidx, zeros48, racc_out,
                   sidx, didx, ar0, ar1, br0, br1, v0, v1, acc,
                   sg0, sg1, ss0, ss1):
    cid = lax.axis_index("c")
    sid = lax.axis_index("s")
    nw = nc * ns
    wid = sid * nc + cid
    n_main = n_chunks // nw
    n_leftover = n_chunks - n_main * nw
    rows_per_tile = n_nodes // ns
    base = sid * rows_per_tile

    pltpu.sync_copy(zeros48.at[pl.ds(base, rows_per_tile)],
                    acc.at[pl.ds(base, rows_per_tile)])

    _load_my_indices(eidx, sidx, didx, wid, n_main, n_leftover, nw)

    lane = lax.broadcasted_iota(jnp.int32, (16,), 0)
    onesv = jnp.where(lane == 0, 1.0, 0.0).astype(F32)

    @plsc.parallel_loop(0, CHUNK, unroll=8)
    def _(j):
        v0[j, pl.ds(32, 16)] = onesv
        v1[j, pl.ds(32, 16)] = onesv

    plsc.subcore_barrier()

    nmine = n_main + jnp.where(wid < n_leftover, 1, 0)

    def gissue(t, ad, bd, sem):
        pltpu.async_copy(atab.at[sidx.at[t]], ad, sem)
        pltpu.async_copy(btab.at[didx.at[t]], bd, sem)

    def gwait(ad, bd, sem):
        pltpu.make_async_copy(atab.at[sidx.at[0]], ad, sem).wait()
        pltpu.make_async_copy(btab.at[didx.at[0]], bd, sem).wait()

    def sissue(t, v, sem):
        pltpu.async_copy(v, acc.at[didx.at[t]], sem, add=True)

    def swait(v, sem):
        pltpu.make_async_copy(v, acc.at[didx.at[0]], sem).wait()

    def compute(ar, br, v):
        @plsc.parallel_loop(0, CHUNK, unroll=8)
        def _(j):
            for k in (0, 16):
                s = pl.ds(k, 16)
                v[j, s] = jnp.maximum(ar[j, s] + br[j, s], 0.0)

    gissue(0, ar0, br0, sg0)
    gissue(1, ar1, br1, sg1)

    def pair_body(u, carry):
        c0 = 2 * u
        c1 = c0 + 1

        gwait(ar0, br0, sg0)

        @pl.when(u > 0)
        def _():
            swait(v0, ss0)

        compute(ar0, br0, v0)
        sissue(c0, v0, ss0)

        @pl.when(c0 + 2 < nmine)
        def _():
            gissue(c0 + 2, ar0, br0, sg0)

        gwait(ar1, br1, sg1)

        @pl.when(u > 0)
        def _():
            swait(v1, ss1)

        compute(ar1, br1, v1)
        sissue(c1, v1, ss1)

        @pl.when(c1 + 2 < nmine)
        def _():
            gissue(c1 + 2, ar1, br1, sg1)

        return carry

    lax.fori_loop(0, n_main // 2, pair_body, 0)

    @pl.when(nmine > n_main)
    def _():
        gwait(ar0, br0, sg0)
        swait(v0, ss0)
        compute(ar0, br0, v0)
        sissue(n_main, v0, ss0)

    swait(v0, ss0)
    swait(v1, ss1)
    plsc.subcore_barrier()
    pltpu.sync_copy(acc.at[pl.ds(base, rows_per_tile)],
                    racc_out.at[cid, pl.ds(base, rows_per_tile)])


def _sc_edge_s_body(n_chunks, nc, ns,
                    utab, eidx, s_out,
                    sidx, didx, us0, us1, ud0, ud1, sv0, sv1,
                    sg0, sg1, st0, st1):
    cid = lax.axis_index("c")
    sid = lax.axis_index("s")
    nw = nc * ns
    wid = sid * nc + cid
    n_main = n_chunks // nw
    n_leftover = n_chunks - n_main * nw
    c_start = wid * n_main
    nchunks_main = n_main * nw

    _load_my_indices(eidx, sidx, didx, wid, n_main, n_leftover, nw)

    nmine = n_main + jnp.where(wid < n_leftover, 1, 0)

    def chunk_of(t):
        return jnp.where(t < n_main, c_start + t, nchunks_main + wid)

    def gissue(t, ua, ub, sem):
        pltpu.async_copy(utab.at[sidx.at[t]], ua, sem)
        pltpu.async_copy(utab.at[didx.at[t]], ub, sem)

    def gwait(ua, ub, sem):
        pltpu.make_async_copy(utab.at[sidx.at[0]], ua, sem).wait()
        pltpu.make_async_copy(utab.at[didx.at[0]], ub, sem).wait()

    def sissue(t, sv, sem):
        pltpu.async_copy(sv, s_out.at[pl.ds(chunk_of(t) * CHUNK, CHUNK)], sem)

    def swait(sv, sem):
        pltpu.make_async_copy(sv, s_out.at[pl.ds(0, CHUNK)], sem).wait()

    zero_b = jnp.zeros((32,), jnp.bfloat16)

    def compute(ua, ub, sv):
        @plsc.parallel_loop(0, CHUNK, unroll=8)
        def _(j):
            lo = pl.ds(0, 32)
            hi = pl.ds(32, 32)
            t1 = jnp.maximum(ua[j, lo] + ub[j, hi], zero_b)
            t2 = jnp.maximum(ub[j, lo] + ua[j, hi], zero_b)
            sv[j, lo] = t1 + t2

    gissue(0, us0, ud0, sg0)
    gissue(1, us1, ud1, sg1)

    def pair_body(u, carry):
        c0 = 2 * u
        c1 = c0 + 1

        gwait(us0, ud0, sg0)

        @pl.when(u > 0)
        def _():
            swait(sv0, st0)

        compute(us0, ud0, sv0)
        sissue(c0, sv0, st0)

        @pl.when(c0 + 2 < nmine)
        def _():
            gissue(c0 + 2, us0, ud0, sg0)

        gwait(us1, ud1, sg1)

        @pl.when(u > 0)
        def _():
            swait(sv1, st1)

        compute(us1, ud1, sv1)
        sissue(c1, sv1, st1)

        @pl.when(c1 + 2 < nmine)
        def _():
            gissue(c1 + 2, us1, ud1, sg1)

        return carry

    lax.fori_loop(0, n_main // 2, pair_body, 0)

    @pl.when(nmine > n_main)
    def _():
        gwait(us0, ud0, sg0)
        swait(sv0, st0)
        compute(us0, ud0, sv0)
        sissue(n_main, sv0, st0)

    swait(sv0, st0)
    swait(sv1, st1)



def kernel(node_feat, edge_index, msg_passing_steps,
           W_edge, b_edge, W_edge2, b_edge2,
           W_node, b_node, W_node2, b_node2,
           W_el, b_el, W_el2, b_el2,
           W_logit, b_logit, W_nro, b_nro, W_ero, b_ero):
    n, dim_in = node_feat.shape
    e = edge_index.shape[1]
    hid = W_edge.shape[1]
    edge_dim = W_edge2.shape[1]
    hid2 = W_node2.shape[1]
    dim_out = W_nro.shape[1]

    n_chunks = e // CHUNK
    eidx = edge_index.reshape(2, n_chunks, CHUNK)

    We_h = W_edge[0:edge_dim]
    We_s = W_edge[edge_dim:edge_dim + dim_in]
    We_d = W_edge[edge_dim + dim_in:]
    Wn1 = W_node[0:dim_in]
    Wn2 = W_node[dim_in:]
    Wel_a = W_el[0:hid2]
    Wel_b = W_el[hid2:]

    be_r = b_edge.reshape(1, -1)
    be2_r = b_edge2.reshape(1, -1)
    bn_r = b_node.reshape(1, -1)
    bn2_r = b_node2.reshape(1, -1)
    bel_r = b_el.reshape(1, -1)
    bel2_r = b_el2.reshape(1, -1)
    bnro_r = b_nro.reshape(1, -1)
    bero_r = b_ero.reshape(1, -1)
    blog_r = b_logit.reshape(1, -1)

    sc_info = plsc.get_sparse_core_info()
    nc, ns = sc_info.num_cores, sc_info.num_subcores
    nw = nc * ns
    npw = n_chunks // nw + 1
    mesh = plsc.VectorSubcoreMesh(core_axis_name="c", subcore_axis_name="s",
                                  num_cores=nc, num_subcores=ns)

    a0, btab = pl.pallas_call(
        _tables_body,
        out_shape=(jax.ShapeDtypeStruct((n, hid), F32),
                   jax.ShapeDtypeStruct((n, hid), F32)),
    )(node_feat, We_s, We_d, be_r)

    zeros48 = jnp.zeros((n, ACC_W), F32)

    sc_accum = pl.kernel(
        functools.partial(_sc_accum_body, n, n_chunks, nc, ns),
        out_type=jax.ShapeDtypeStruct((nc, n, ACC_W), F32),
        mesh=mesh,
        scratch_types=[
            pltpu.VMEM((npw, CHUNK), jnp.int32),
            pltpu.VMEM((npw, CHUNK), jnp.int32),
            pltpu.VMEM((CHUNK, hid), F32),
            pltpu.VMEM((CHUNK, hid), F32),
            pltpu.VMEM((CHUNK, hid), F32),
            pltpu.VMEM((CHUNK, hid), F32),
            pltpu.VMEM((CHUNK, ACC_W), F32),
            pltpu.VMEM((CHUNK, ACC_W), F32),
            pltpu.VMEM_SHARED((n, ACC_W), F32),
            pltpu.SemaphoreType.DMA,
            pltpu.SemaphoreType.DMA,
            pltpu.SemaphoreType.DMA,
            pltpu.SemaphoreType.DMA,
        ],
        compiler_params=pltpu.CompilerParams(use_tc_tiling_on_sc=False),
    )

    def hfin(racc):
        return pl.pallas_call(
            _hfin_body,
            out_shape=jax.ShapeDtypeStruct((n, edge_dim), F32),
        )(racc, W_edge2, be2_r)

    def step(_, h):
        atab = pl.pallas_call(
            _addh_body,
            out_shape=jax.ShapeDtypeStruct((n, hid), F32),
        )(a0, h, We_h)
        return hfin(sc_accum(atab, btab, eidx, zeros48))

    def one_step():
        return hfin(sc_accum(a0, btab, eidx, zeros48))

    def general():
        return lax.fori_loop(0, msg_passing_steps, step,
                             jnp.zeros((n, edge_dim), F32))

    h = lax.cond(msg_passing_steps == 1, one_step, general)

    n_out, utab = pl.pallas_call(
        _node_body,
        out_shape=(jax.ShapeDtypeStruct((n, dim_out), F32),
                   jax.ShapeDtypeStruct((n, 2 * hid2), jnp.bfloat16)),
    )(node_feat, h, Wn1, Wn2, bn_r, W_node2, bn2_r,
      W_nro, bnro_r, Wel_a, Wel_b, bel_r)

    s = pl.kernel(
        functools.partial(_sc_edge_s_body, n_chunks, nc, ns),
        out_type=jax.ShapeDtypeStruct((e, hid), jnp.bfloat16),
        mesh=mesh,
        scratch_types=[
            pltpu.VMEM((npw, CHUNK), jnp.int32),
            pltpu.VMEM((npw, CHUNK), jnp.int32),
            pltpu.VMEM((CHUNK, 2 * hid2), jnp.bfloat16),
            pltpu.VMEM((CHUNK, 2 * hid2), jnp.bfloat16),
            pltpu.VMEM((CHUNK, 2 * hid2), jnp.bfloat16),
            pltpu.VMEM((CHUNK, 2 * hid2), jnp.bfloat16),
            pltpu.VMEM((CHUNK, hid), jnp.bfloat16),
            pltpu.VMEM((CHUNK, hid), jnp.bfloat16),
            pltpu.SemaphoreType.DMA,
            pltpu.SemaphoreType.DMA,
            pltpu.SemaphoreType.DMA,
            pltpu.SemaphoreType.DMA,
        ],
        compiler_params=pltpu.CompilerParams(use_tc_tiling_on_sc=False),
    )(utab, eidx)

    wcat = jnp.concatenate([W_ero, W_logit], axis=1)
    bcat = jnp.concatenate([bero_r, blog_r], axis=1)
    be_blk = 8000
    grid = e // be_blk
    ero, eo = pl.pallas_call(
        _eout_body,
        grid=(grid,),
        in_specs=[
            pl.BlockSpec((be_blk, hid), lambda i: (i, 0)),
            _full_spec(W_el2.shape), _full_spec(bel2_r.shape),
            _full_spec(wcat.shape), _full_spec(bcat.shape),
        ],
        out_specs=(pl.BlockSpec((be_blk, dim_out), lambda i: (i, 0)),
                   pl.BlockSpec((be_blk, 2), lambda i: (i, 0))),
        out_shape=(jax.ShapeDtypeStruct((e, dim_out), F32),
                   jax.ShapeDtypeStruct((e, 2), F32)),
    )(s, W_el2, bel2_r, wcat, bcat)

    return (n_out, ero, eo)

# --- scband reference (transcript-rebuilt; emitter-appended) ---
"""Pipeline reference for scband-gnnblock-85847806312926 (READ-ONLY COPY).

The authoritative reference and input builder live on the scoring server;
editing this copy changes nothing except your own understanding.
"""

import jax, jax.numpy as jnp
import numpy as np

N = 10000
E = 320000
DIM_IN = 128
EDGE_DIM = 4
HID = 32
HID2 = 32
DIM_OUT = 32


def _lin(key, fan_in, fan_out):
    k1, k2 = jax.random.split(key)
    bound = 1.0 / np.sqrt(fan_in)
    W = jax.random.uniform(k1, (fan_in, fan_out), minval=-bound, maxval=bound, dtype=jnp.float32)
    b = jax.random.uniform(k2, (fan_out,), minval=-bound, maxval=bound, dtype=jnp.float32)
    return W, b


def setup_inputs(seed: int = 0) -> dict:
    key = jax.random.key(seed)
    ks = jax.random.split(key, 12)
    node_feat = jax.random.normal(ks[0], (N, DIM_IN), dtype=jnp.float32)
    edge_index = jax.random.randint(ks[1], (2, E), 0, N, dtype=jnp.int32)
    W_edge, b_edge = _lin(ks[2], 2 * DIM_IN + EDGE_DIM, HID)
    W_edge2, b_edge2 = _lin(ks[3], HID, EDGE_DIM)
    W_node, b_node = _lin(ks[4], DIM_IN + EDGE_DIM, HID)
    W_node2, b_node2 = _lin(ks[5], HID, HID2)
    W_el, b_el = _lin(ks[6], 2 * HID2, HID)
    W_el2, b_el2 = _lin(ks[7], HID, EDGE_DIM)
    W_logit, b_logit = _lin(ks[8], EDGE_DIM, 2)
    W_nro, b_nro = _lin(ks[9], HID2, DIM_OUT)
    W_ero, b_ero = _lin(ks[10], EDGE_DIM, DIM_OUT)
    return {
        "node_feat": node_feat,
        "edge_index": edge_index,
        "msg_passing_steps": 1,
        "W_edge": W_edge, "b_edge": b_edge,
        "W_edge2": W_edge2, "b_edge2": b_edge2,
        "W_node": W_node, "b_node": b_node,
        "W_node2": W_node2, "b_node2": b_node2,
        "W_el": W_el, "b_el": b_el,
        "W_el2": W_el2, "b_el2": b_el2,
        "W_logit": W_logit, "b_logit": b_logit,
        "W_nro": W_nro, "b_nro": b_nro,
        "W_ero": W_ero, "b_ero": b_ero,
    }


def reference(node_feat, edge_index, msg_passing_steps,
              W_edge, b_edge, W_edge2, b_edge2,
              W_node, b_node, W_node2, b_node2,
              W_el, b_el, W_el2, b_el2,
              W_logit, b_logit, W_nro, b_nro, W_ero, b_ero):
    src = edge_index[0]
    dst = edge_index[1]
    n = node_feat.shape[0]
    h = jnp.zeros((n, EDGE_DIM), dtype=node_feat.dtype)

    def _step(_, h):
        inp = jnp.concatenate([h[src], node_feat[src], node_feat[dst]], axis=-1)
        ef = jax.nn.relu(inp @ W_edge + b_edge) @ W_edge2 + b_edge2
        return jax.ops.segment_sum(ef, dst, num_segments=n)

    h = jax.lax.fori_loop(0, msg_passing_steps, _step, h)
    node_inp = jnp.concatenate([node_feat, h], axis=-1)
    nf = jax.nn.relu(node_inp @ W_node + b_node) @ W_node2 + b_node2
    n_out = nf @ W_nro + b_nro
    e_inp = jnp.concatenate([nf[src], nf[dst]], axis=-1)
    e_inp_flip = jnp.concatenate([nf[dst], nf[src]], axis=-1)
    comb = (jax.nn.relu(e_inp @ W_el + b_el) @ W_el2 + b_el2) \
         + (jax.nn.relu(e_inp_flip @ W_el + b_el) @ W_el2 + b_el2)
    e_out_readout = comb @ W_ero + b_ero
    e_out = comb @ W_logit + b_logit
    return (n_out, e_out_readout, e_out)

if __name__ == "__main__":
    import jax
    _d = setup_inputs()
    print(jax.jit(kernel)(*tuple(_d.values())))

</pallas_src>

<mosaic_0001>
#map = affine_map<(d0, d1) -> (0, 0)>
#map1 = affine_map<(d0, d1) -> (0, 0, 0)>
module attributes {stable_mosaic.version = 14 : i64} {
  func.func @_sc_accum_body(%arg0: i32, %arg1: i32, %arg2: memref<10000x32xf32, #tpu.memory_space<hbm>>, %arg3: memref<10000x32xf32, #tpu.memory_space<hbm>>, %arg4: memref<2x2500x128xi32, #tpu.memory_space<hbm>>, %arg5: memref<10000x48xf32, #tpu.memory_space<hbm>>, %arg6: memref<2x10000x48xf32, #tpu.memory_space<hbm>>, %arg7: memref<79x128xi32, #tpu.memory_space<vmem>>, %arg8: memref<79x128xi32, #tpu.memory_space<vmem>>, %arg9: memref<128x32xf32, #tpu.memory_space<vmem>>, %arg10: memref<128x32xf32, #tpu.memory_space<vmem>>, %arg11: memref<128x32xf32, #tpu.memory_space<vmem>>, %arg12: memref<128x32xf32, #tpu.memory_space<vmem>>, %arg13: memref<128x48xf32, #tpu.memory_space<vmem>>, %arg14: memref<128x48xf32, #tpu.memory_space<vmem>>, %arg15: memref<10000x48xf32, #tpu.memory_space<vmem_shared>>, %arg16: memref<!tpu.dma_semaphore, #tpu.memory_space<semaphore_mem>>, %arg17: memref<!tpu.dma_semaphore, #tpu.memory_space<semaphore_mem>>, %arg18: memref<!tpu.dma_semaphore, #tpu.memory_space<semaphore_mem>>, %arg19: memref<!tpu.dma_semaphore, #tpu.memory_space<semaphore_mem>>) attributes {dimension_semantics = [#tpu.dimension_semantics<core_parallel>, #tpu.dimension_semantics<subcore_parallel>], iteration_bounds = array<i64: 2, 16>, scalar_prefetch = 0 : i64, scratch_operands = 13 : i64, tpu.core_type = #tpu.core_type<sc_vector_subcore>, window_params = [{transform_indices = #map}, {transform_indices = #map}, {transform_indices = #map1}, {transform_indices = #map}, {transform_indices = #map1}]} {
    %mul3A = arith.constant 2 : i32
    %mul3A_0 = arith.muli %arg1, %mul3A : i32
    %add3A = arith.addi %mul3A_0, %arg0 : i32
    %mul3A_1 = arith.constant 625 : i32
    %mul3A_2 = arith.muli %arg1, %mul3A_1 : i32
    "tpu.region"() ({
      %run_scoped3A_71 = tpu.sem_alloc : memref<!tpu.dma_semaphore, #tpu.memory_space<semaphore_mem>>
      %dma_start3A_72 = arith.constant 0 : i32
      %dma_start3A_73 = tpu.memref_slice %arg15[%mul3A_2, %dma_start3A_72] : memref<10000x48xf32, #tpu.memory_space<vmem_shared>> -> memref<625x48xf32, #tpu.memory_space<vmem_shared>>
      %dma_start3A_74 = arith.constant 0 : i32
      %dma_start3A_75 = tpu.memref_slice %arg5[%mul3A_2, %dma_start3A_74] : memref<10000x48xf32, #tpu.memory_space<hbm>> -> memref<625x48xf32, #tpu.memory_space<hbm>>
      tpu.enqueue_dma source(%dma_start3A_75 : memref<625x48xf32, #tpu.memory_space<hbm>>) target(%dma_start3A_73 : memref<625x48xf32, #tpu.memory_space<vmem_shared>>) target_semaphore(%run_scoped3A_71 : memref<!tpu.dma_semaphore, #tpu.memory_space<semaphore_mem>>)
      %dma_wait3A_76 = arith.constant 0 : i32
      %dma_wait3A_77 = tpu.memref_slice %arg15[%mul3A_2, %dma_wait3A_76] : memref<10000x48xf32, #tpu.memory_space<vmem_shared>> -> memref<625x48xf32, #tpu.memory_space<vmem_shared>>
      %dma_wait3A_78 = arith.constant 0 : i32
      %dma_wait3A_79 = tpu.memref_slice %arg5[%mul3A_2, %dma_wait3A_78] : memref<10000x48xf32, #tpu.memory_space<hbm>> -> memref<625x48xf32, #tpu.memory_space<hbm>>
      tpu.wait_dma2 semaphore(%run_scoped3A_71 : memref<!tpu.dma_semaphore, #tpu.memory_space<semaphore_mem>>) src(%dma_wait3A_79 : memref<625x48xf32, #tpu.memory_space<hbm>>) dst(%dma_wait3A_77 : memref<625x48xf32, #tpu.memory_space<vmem_shared>>)
      tpu.yield
    }) : () -> ()
    %mul3A_3 = arith.constant 78 : i32
    %mul3A_4 = arith.muli %add3A, %mul3A_3 : i32
    %run_scoped3A = arith.constant 0 : i32
    "tpu.region"() ({
      %run_scoped3A_71 = tpu.sem_alloc : memref<!tpu.dma_semaphore, #tpu.memory_space<semaphore_mem>>
      %dma_start3A_72 = arith.constant 0 : i32
      %dma_start3A_73 = arith.constant 0 : i32
      %dma_start3A_74 = tpu.memref_slice %arg7[%dma_start3A_72, %dma_start3A_73] : memref<79x128xi32, #tpu.memory_space<vmem>> -> memref<78x128xi32, #tpu.memory_space<vmem>>
      %dma_start3A_75 = arith.constant 0 : i32
      %dma_start3A_76 = tpu.memref_slice %arg4[%run_scoped3A, %mul3A_4, %dma_start3A_75] : memref<2x2500x128xi32, #tpu.memory_space<hbm>> -> memref<1x78x128xi32, #tpu.memory_space<hbm>>
      %dma_start3A_77 = tpu.memref_squeeze %dma_start3A_76 : memref<1x78x128xi32, #tpu.memory_space<hbm>> -> memref<78x128xi32, #tpu.memory_space<hbm>>
      %dma_start3A_78 = arith.constant 0 : i32
      %dma_start3A_79 = arith.constant 0 : i32
      %dma_start3A_80 = tpu.memref_slice %arg7[%dma_start3A_78, %dma_start3A_79] : memref<79x128xi32, #tpu.memory_space<vmem>> -> memref<78x128xi32, #tpu.memory_space<vmem>>
      %dma_start3A_81 = arith.constant 0 : i32
      %dma_start3A_82 = tpu.memref_slice %arg4[%run_scoped3A, %mul3A_4, %dma_start3A_81] : memref<2x2500x128xi32, #tpu.memory_space<hbm>> -> memref<1x78x128xi32, #tpu.memory_space<hbm>>
      %dma_start3A_83 = tpu.memref_squeeze %dma_start3A_82 : memref<1x78x128xi32, #tpu.memory_space<hbm>> -> memref<78x128xi32, #tpu.memory_space<hbm>>
      tpu.enqueue_dma source(%dma_start3A_83 : memref<78x128xi32, #tpu.memory_space<hbm>>) target(%dma_start3A_80 : memref<78x128xi32, #tpu.memory_space<vmem>>) target_semaphore(%run_scoped3A_71 : memref<!tpu.dma_semaphore, #tpu.memory_space<semaphore_mem>>)
      %dma_wait3A_84 = arith.constant 0 : i32
      %dma_wait3A_85 = arith.constant 0 : i32
      %dma_wait3A_86 = tpu.memref_slice %arg7[%dma_wait3A_84, %dma_wait3A_85] : memref<79x128xi32, #tpu.memory_space<vmem>> -> memref<78x128xi32, #tpu.memory_space<vmem>>
      %dma_wait3A_87 = arith.constant 0 : i32
      %dma_wait3A_88 = tpu.memref_slice %arg4[%run_scoped3A, %mul3A_4, %dma_wait3A_87] : memref<2x2500x128xi32, #tpu.memory_space<hbm>> -> memref<1x78x128xi32, #tpu.memory_space<hbm>>
      %dma_wait3A_89 = tpu.memref_squeeze %dma_wait3A_88 : memref<1x78x128xi32, #tpu.memory_space<hbm>> -> memref<78x128xi32, #tpu.memory_space<hbm>>
      %dma_wait3A_90 = arith.constant 0 : i32
      %dma_wait3A_91 = arith.constant 0 : i32
      %dma_wait3A_92 = tpu.memref_slice %arg7[%dma_wait3A_90, %dma_wait3A_91] : memref<79x128xi32, #tpu.memory_space<vmem>> -> memref<78x128xi32, #tpu.memory_space<vmem>>
      %dma_wait3A_93 = arith.constant 0 : i32
      %dma_wait3A_94 = tpu.memref_slice %arg4[%run_scoped3A, %mul3A_4, %dma_wait3A_93] : memref<2x2500x128xi32, #tpu.memory_space<hbm>> -> memref<1x78x128xi32, #tpu.memory_space<hbm>>
      %dma_wait3A_95 = tpu.memref_squeeze %dma_wait3A_94 : memref<1x78x128xi32, #tpu.memory_space<hbm>> -> memref<78x128xi32, #tpu.memory_space<hbm>>
      tpu.wait_dma2 semaphore(%run_scoped3A_71 : memref<!tpu.dma_semaphore, #tpu.memory_space<semaphore_mem>>) src(%dma_wait3A_95 : memref<78x128xi32, #tpu.memory_space<hbm>>) dst(%dma_wait3A_92 : memref<78x128xi32, #tpu.memory_space<vmem>>)
      tpu.yield
    }) : () -> ()
    %run_scoped3A_5 = arith.constant 1 : i32
    "tpu.region"() ({
      %run_scoped3A_71 = tpu.sem_alloc : memref<!tpu.dma_semaphore, #tpu.memory_space<semaphore_mem>>
      %dma_start3A_72 = arith.constant 0 : i32
      %dma_start3A_73 = arith.constant 0 : i32
      %dma_start3A_74 = tpu.memref_slice %arg8[%dma_start3A_72, %dma_start3A_73] : memref<79x128xi32, #tpu.memory_space<vmem>> -> memref<78x128xi32, #tpu.memory_space<vmem>>
      %dma_start3A_75 = arith.constant 0 : i32
      %dma_start3A_76 = tpu.memref_slice %arg4[%run_scoped3A_5, %mul3A_4, %dma_start3A_75] : memref<2x2500x128xi32, #tpu.memory_space<hbm>> -> memref<1x78x128xi32, #tpu.memory_space<hbm>>
      %dma_start3A_77 = tpu.memref_squeeze %dma_start3A_76 : memref<1x78x128xi32, #tpu.memory_space<hbm>> -> memref<78x128xi32, #tpu.memory_space<hbm>>
      %dma_start3A_78 = arith.constant 0 : i32
      %dma_start3A_79 = arith.constant 0 : i32
      %dma_start3A_80 = tpu.memref_slice %arg8[%dma_start3A_78, %dma_start3A_79] : memref<79x128xi32, #tpu.memory_space<vmem>> -> memref<78x128xi32, #tpu.memory_space<vmem>>
      %dma_start3A_81 = arith.constant 0 : i32
      %dma_start3A_82 = tpu.memref_slice %arg4[%run_scoped3A_5, %mul3A_4, %dma_start3A_81] : memref<2x2500x128xi32, #tpu.memory_space<hbm>> -> memref<1x78x128xi32, #tpu.memory_space<hbm>>
      %dma_start3A_83 = tpu.memref_squeeze %dma_start3A_82 : memref<1x78x128xi32, #tpu.memory_space<hbm>> -> memref<78x128xi32, #tpu.memory_space<hbm>>
      tpu.enqueue_dma source(%dma_start3A_83 : memref<78x128xi32, #tpu.memory_space<hbm>>) target(%dma_start3A_80 : memref<78x128xi32, #tpu.memory_space<vmem>>) target_semaphore(%run_scoped3A_71 : memref<!tpu.dma_semaphore, #tpu.memory_space<semaphore_mem>>)
      %dma_wait3A_84 = arith.constant 0 : i32
      %dma_wait3A_85 = arith.constant 0 : i32
      %dma_wait3A_86 = tpu.memref_slice %arg8[%dma_wait3A_84, %dma_wait3A_85] : memref<79x128xi32, #tpu.memory_space<vmem>> -> memref<78x128xi32, #tpu.memory_space<vmem>>
      %dma_wait3A_87 = arith.constant 0 : i32
      %dma_wait3A_88 = tpu.memref_slice %arg4[%run_scoped3A_5, %mul3A_4, %dma_wait3A_87] : memref<2x2500x128xi32, #tpu.memory_space<hbm>> -> memref<1x78x128xi32, #tpu.memory_space<hbm>>
      %dma_wait3A_89 = tpu.memref_squeeze %dma_wait3A_88 : memref<1x78x128xi32, #tpu.memory_space<hbm>> -> memref<78x128xi32, #tpu.memory_space<hbm>>
      %dma_wait3A_90 = arith.constant 0 : i32
      %dma_wait3A_91 = arith.constant 0 : i32
      %dma_wait3A_92 = tpu.memref_slice %arg8[%dma_wait3A_90, %dma_wait3A_91] : memref<79x128xi32, #tpu.memory_space<vmem>> -> memref<78x128xi32, #tpu.memory_space<vmem>>
      %dma_wait3A_93 = arith.constant 0 : i32
      %dma_wait3A_94 = tpu.memref_slice %arg4[%run_scoped3A_5, %mul3A_4, %dma_wait3A_93] : memref<2x2500x128xi32, #tpu.memory_space<hbm>> -> memref<1x78x128xi32, #tpu.memory_space<hbm>>
      %dma_wait3A_95 = tpu.memref_squeeze %dma_wait3A_94 : memref<1x78x128xi32, #tpu.memory_space<hbm>> -> memref<78x128xi32, #tpu.memory_space<hbm>>
      tpu.wait_dma2 semaphore(%run_scoped3A_71 : memref<!tpu.dma_semaphore, #tpu.memory_space<semaphore_mem>>) src(%dma_wait3A_95 : memref<78x128xi32, #tpu.memory_space<hbm>>) dst(%dma_wait3A_92 : memref<78x128xi32, #tpu.memory_space<vmem>>)
      tpu.yield
    }) : () -> ()
    %lt3A = arith.constant 4 : i32
    %lt3A_6 = arith.cmpi slt, %add3A, %lt3A : i32
    %convert_element_type3A = arith.extui %lt3A_6 : i1 to i32
    %cond3A = arith.constant 0 : i32
    %cond3A_7 = arith.cmpi ne, %convert_element_type3A, %cond3A : i32
    scf.if %cond3A_7 {
      %add3A_71 = arith.constant 2496 : i32
      %add3A_72 = arith.addi %add3A_71, %add3A : i32
      %run_scoped3A_73 = arith.constant 0 : i32
      "tpu.region"() ({
        %run_scoped3A_75 = tpu.sem_alloc : memref<!tpu.dma_semaphore, #tpu.memory_space<semaphore_mem>>
        %dma_start3A_76 = arith.constant 78 : i32
        %dma_start3A_77 = arith.constant 0 : i32
        %dma_start3A_78 = tpu.memref_slice %arg7[%dma_start3A_76, %dma_start3A_77] : memref<79x128xi32, #tpu.memory_space<vmem>> -> memref<1x128xi32, #tpu.memory_space<vmem>>
        %dma_start3A_79 = arith.constant 0 : i32
        %dma_start3A_80 = tpu.memref_slice %arg4[%run_scoped3A_73, %add3A_72, %dma_start3A_79] : memref<2x2500x128xi32, #tpu.memory_space<hbm>> -> memref<1x1x128xi32, #tpu.memory_space<hbm>>
        %dma_start3A_81 = tpu.memref_squeeze %dma_start3A_80 : memref<1x1x128xi32, #tpu.memory_space<hbm>> -> memref<1x128xi32, #tpu.memory_space<hbm>>
        %dma_start3A_82 = arith.constant 78 : i32
        %dma_start3A_83 = arith.constant 0 : i32
        %dma_start3A_84 = tpu.memref_slice %arg7[%dma_start3A_82, %dma_start3A_83] : memref<79x128xi32, #tpu.memory_space<vmem>> -> memref<1x128xi32, #tpu.memory_space<vmem>>
        %dma_start3A_85 = arith.constant 0 : i32
        %dma_start3A_86 = tpu.memref_slice %arg4[%run_scoped3A_73, %add3A_72, %dma_start3A_85] : memref<2x2500x128xi32, #tpu.memory_space<hbm>> -> memref<1x1x128xi32, #tpu.memory_space<hbm>>
        %dma_start3A_87 = tpu.memref_squeeze %dma_start3A_86 : memref<1x1x128xi32, #tpu.memory_space<hbm>> -> memref<1x128xi32, #tpu.memory_space<hbm>>
        tpu.enqueue_dma source(%dma_start3A_87 : memref<1x128xi32, #tpu.memory_space<hbm>>) target(%dma_start3A_84 : memref<1x128xi32, #tpu.memory_space<vmem>>) target_semaphore(%run_scoped3A_75 : memref<!tpu.dma_semaphore, #tpu.memory_space<semaphore_mem>>)
        %dma_wait3A_88 = arith.constant 78 : i32
        %dma_wait3A_89 = arith.constant 0 : i32
        %dma_wait3A_90 = tpu.memref_slice %arg7[%dma_wait3A_88, %dma_wait3A_89] : memref<79x128xi32, #tpu.memory_space<vmem>> -> memref<1x128xi32, #tpu.memory_space<vmem>>
        %dma_wait3A_91 = arith.constant 0 : i32
        %dma_wait3A_92 = tpu.memref_slice %arg4[%run_scoped3A_73, %add3A_72, %dma_wait3A_91] : memref<2x2500x128xi32, #tpu.memory_space<hbm>> -> memref<1x1x128xi32, #tpu.memory_space<hbm>>
        %dma_wait3A_93 = tpu.memref_squeeze %dma_wait3A_92 : memref<1x1x128xi32, #tpu.memory_space<hbm>> -> memref<1x128xi32, #tpu.memory_space<hbm>>
        %dma_wait3A_94 = arith.constant 78 : i32
        %dma_wait3A_95 = arith.constant 0 : i32
        %dma_wait3A_96 = tpu.memref_slice %arg7[%dma_wait3A_94, %dma_wait3A_95] : memref<79x128xi32, #tpu.memory_space<vmem>> -> memref<1x128xi32, #tpu.memory_space<vmem>>
        %dma_wait3A_97 = arith.constant 0 : i32
        %dma_wait3A_98 = tpu.memref_slice %arg4[%run_scoped3A_73, %add3A_72, %dma_wait3A_97] : memref<2x2500x128xi32, #tpu.memory_space<hbm>> -> memref<1x1x128xi32, #tpu.memory_space<hbm>>
        %dma_wait3A_99 = tpu.memref_squeeze %dma_wait3A_98 : memref<1x1x128xi32, #tpu.memory_space<hbm>> -> memref<1x128xi32, #tpu.memory_space<hbm>>
        tpu.wait_dma2 semaphore(%run_scoped3A_75 : memref<!tpu.dma_semaphore, #tpu.memory_space<semaphore_mem>>) src(%dma_wait3A_99 : memref<1x128xi32, #tpu.memory_space<hbm>>) dst(%dma_wait3A_96 : memref<1x128xi32, #tpu.memory_space<vmem>>)
        tpu.yield
      }) : () -> ()
      %run_scoped3A_74 = arith.constant 1 : i32
      "tpu.region"() ({
        %run_scoped3A_75 = tpu.sem_alloc : memref<!tpu.dma_semaphore, #tpu.memory_space<semaphore_mem>>
        %dma_start3A_76 = arith.constant 78 : i32
        %dma_start3A_77 = arith.constant 0 : i32
        %dma_start3A_78 = tpu.memref_slice %arg8[%dma_start3A_76, %dma_start3A_77] : memref<79x128xi32, #tpu.memory_space<vmem>> -> memref<1x128xi32, #tpu.memory_space<vmem>>
        %dma_start3A_79 = arith.constant 0 : i32
        %dma_start3A_80 = tpu.memref_slice %arg4[%run_scoped3A_74, %add3A_72, %dma_start3A_79] : memref<2x2500x128xi32, #tpu.memory_space<hbm>> -> memref<1x1x128xi32, #tpu.memory_space<hbm>>
        %dma_start3A_81 = tpu.memref_squeeze %dma_start3A_80 : memref<1x1x128xi32, #tpu.memory_space<hbm>> -> memref<1x128xi32, #tpu.memory_space<hbm>>
        %dma_start3A_82 = arith.constant 78 : i32
        %dma_start3A_83 = arith.constant 0 : i32
        %dma_start3A_84 = tpu.memref_slice %arg8[%dma_start3A_82, %dma_start3A_83] : memref<79x128xi32, #tpu.memory_space<vmem>> -> memref<1x128xi32, #tpu.memory_space<vmem>>
        %dma_start3A_85 = arith.constant 0 : i32
        %dma_start3A_86 = tpu.memref_slice %arg4[%run_scoped3A_74, %add3A_72, %dma_start3A_85] : memref<2x2500x128xi32, #tpu.memory_space<hbm>> -> memref<1x1x128xi32, #tpu.memory_space<hbm>>
        %dma_start3A_87 = tpu.memref_squeeze %dma_start3A_86 : memref<1x1x128xi32, #tpu.memory_space<hbm>> -> memref<1x128xi32, #tpu.memory_space<hbm>>
        tpu.enqueue_dma source(%dma_start3A_87 : memref<1x128xi32, #tpu.memory_space<hbm>>) target(%dma_start3A_84 : memref<1x128xi32, #tpu.memory_space<vmem>>) target_semaphore(%run_scoped3A_75 : memref<!tpu.dma_semaphore, #tpu.memory_space<semaphore_mem>>)
        %dma_wait3A_88 = arith.constant 78 : i32
        %dma_wait3A_89 = arith.constant 0 : i32
        %dma_wait3A_90 = tpu.memref_slice %arg8[%dma_wait3A_88, %dma_wait3A_89] : memref<79x128xi32, #tpu.memory_space<vmem>> -> memref<1x128xi32, #tpu.memory_space<vmem>>
        %dma_wait3A_91 = arith.constant 0 : i32
        %dma_wait3A_92 = tpu.memref_slice %arg4[%run_scoped3A_74, %add3A_72, %dma_wait3A_91] : memref<2x2500x128xi32, #tpu.memory_space<hbm>> -> memref<1x1x128xi32, #tpu.memory_space<hbm>>
        %dma_wait3A_93 = tpu.memref_squeeze %dma_wait3A_92 : memref<1x1x128xi32, #tpu.memory_space<hbm>> -> memref<1x128xi32, #tpu.memory_space<hbm>>
        %dma_wait3A_94 = arith.constant 78 : i32
        %dma_wait3A_95 = arith.constant 0 : i32
        %dma_wait3A_96 = tpu.memref_slice %arg8[%dma_wait3A_94, %dma_wait3A_95] : memref<79x128xi32, #tpu.memory_space<vmem>> -> memref<1x128xi32, #tpu.memory_space<vmem>>
        %dma_wait3A_97 = arith.constant 0 : i32
        %dma_wait3A_98 = tpu.memref_slice %arg4[%run_scoped3A_74, %add3A_72, %dma_wait3A_97] : memref<2x2500x128xi32, #tpu.memory_space<hbm>> -> memref<1x1x128xi32, #tpu.memory_space<hbm>>
        %dma_wait3A_99 = tpu.memref_squeeze %dma_wait3A_98 : memref<1x1x128xi32, #tpu.memory_space<hbm>> -> memref<1x128xi32, #tpu.memory_space<hbm>>
        tpu.wait_dma2 semaphore(%run_scoped3A_75 : memref<!tpu.dma_semaphore, #tpu.memory_space<semaphore_mem>>) src(%dma_wait3A_99 : memref<1x128xi32, #tpu.memory_space<hbm>>) dst(%dma_wait3A_96 : memref<1x128xi32, #tpu.memory_space<vmem>>)
        tpu.yield
      }) : () -> ()
    } else {
    }
    %iota3A = tpu.iota {dimensions = array<i32: 0>} : vector<16xi32>
    %eq3A = arith.constant 0 : i32
    %eq3A_8 = vector.broadcast %eq3A : i32 to vector<16xi32>
    %eq3A_9 = arith.cmpi eq, %iota3A, %eq3A_8 : vector<16xi32>
    %jit3A = arith.constant 1.000000e+00 : f32
    %jit3A_10 = arith.constant 0.000000e+00 : f32
    %broadcast_in_dim3A = vector.broadcast %jit3A : f32 to vector<16xf32>
    %broadcast_in_dim3A_11 = vector.broadcast %jit3A_10 : f32 to vector<16xf32>
    %select_n3A = arith.select %eq3A_9, %broadcast_in_dim3A, %broadcast_in_dim3A_11 : vector<16xi1>, vector<16xf32>
    %parallel_loop3A = arith.constant 0 : i32
    %parallel_loop3A_12 = arith.constant 128 : i32
    %parallel_loop3A_13 = arith.constant 1 : i32
    scf.for %parallel_loop3A_71 = %parallel_loop3A to %parallel_loop3A_12 step %parallel_loop3A_13  : i32 {
      %parallel_loop3A_72 = arith.index_cast %parallel_loop3A_71 : i32 to index
      %parallel_loop3A_73 = arith.constant 32 : index
      %parallel_loop3A_74 = tpu.vector_load %arg13[%parallel_loop3A_72, %parallel_loop3A_73] {strides = array<i32>} : memref<128x48xf32, #tpu.memory_space<vmem>>, vector<1x16xf32>,
      %parallel_loop3A_75 = vector.shape_cast %parallel_loop3A_74 : vector<1x16xf32> to vector<16xf32>
      %parallel_loop3A_76 = vector.shape_cast %select_n3A : vector<16xf32> to vector<1x16xf32>
      tpu.vector_store %arg13[%parallel_loop3A_72, %parallel_loop3A_73], %parallel_loop3A_76 {strides = array<i32>} : memref<128x48xf32, #tpu.memory_space<vmem>>, vector<1x16xf32>,
      %parallel_loop3A_77 = arith.index_cast %parallel_loop3A_71 : i32 to index
      %parallel_loop3A_78 = arith.constant 32 : index
      %parallel_loop3A_79 = tpu.vector_load %arg14[%parallel_loop3A_77, %parallel_loop3A_78] {strides = array<i32>} : memref<128x48xf32, #tpu.memory_space<vmem>>, vector<1x16xf32>,
      %parallel_loop3A_80 = vector.shape_cast %parallel_loop3A_79 : vector<1x16xf32> to vector<16xf32>
      %parallel_loop3A_81 = vector.shape_cast %select_n3A : vector<16xf32> to vector<1x16xf32>
      tpu.vector_store %arg14[%parallel_loop3A_77, %parallel_loop3A_78], %parallel_loop3A_81 {strides = array<i32>} : memref<128x48xf32, #tpu.memory_space<vmem>>, vector<1x16xf32>,
    } {sc.loop_unroll_factor = 8 : i64, sc.parallel_access}
    %barrier3A = arith.constant 0 : index
    tpu.barrier barrier_id(%barrier3A)
    %lt3A_14 = arith.constant 4 : i32
    %lt3A_15 = arith.cmpi slt, %add3A, %lt3A_14 : i32
    %jit3A_16 = arith.constant 1 : i32
    %jit3A_17 = arith.constant 0 : i32
    %select_n3A_18 = arith.select %lt3A_15, %jit3A_16, %jit3A_17 : i32
    %add3A_19 = arith.constant 78 : i32
    %add3A_20 = arith.addi %add3A_19, %select_n3A_18 : i32
    %dma_start3A = arith.constant 0 : i32
    %dma_start3A_21 = arith.constant 0 : i32
    %dma_start3A_22 = tpu.memref_slice %arg7[%dma_start3A, %dma_start3A_21] : memref<79x128xi32, #tpu.memory_space<vmem>> -> memref<1x128xi32, #tpu.memory_space<vmem>>
    %dma_start3A_23 = tpu.memref_squeeze %dma_start3A_22 : memref<1x128xi32, #tpu.memory_space<vmem>> -> memref<128xi32, #tpu.memory_space<vmem>>
    %dma_start3A_24 = arith.constant 0 : i32
    %dma_start3A_25 = arith.constant 0 : i32
    %dma_start3A_26 = tpu.memref_slice %arg2[%dma_start3A_24, %dma_start3A_25] : memref<10000x32xf32, #tpu.memory_space<hbm>> -> memref<10000x32xf32, #tpu.memory_space<hbm>>
    tpu.enqueue_indirect_dma source(%dma_start3A_26 : memref<10000x32xf32, #tpu.memory_space<hbm>>) target(%arg9 : memref<128x32xf32, #tpu.memory_space<vmem>>) offsets(%dma_start3A_23 : memref<128xi32, #tpu.memory_space<vmem>>) semaphore(%arg16 : memref<!tpu.dma_semaphore, #tpu.memory_space<semaphore_mem>>)
    %dma_start3A_27 = arith.constant 0 : i32
    %dma_start3A_28 = arith.constant 0 : i32
    %dma_start3A_29 = tpu.memref_slice %arg8[%dma_start3A_27, %dma_start3A_28] : memref<79x128xi32, #tpu.memory_space<vmem>> -> memref<1x128xi32, #tpu.memory_space<vmem>>
    %dma_start3A_30 = tpu.memref_squeeze %dma_start3A_29 : memref<1x128xi32, #tpu.memory_space<vmem>> -> memref<128xi32, #tpu.memory_space<vmem>>
    %dma_start3A_31 = arith.constant 0 : i32
    %dma_start3A_32 = arith.constant 0 : i32
    %dma_start3A_33 = tpu.memref_slice %arg3[%dma_start3A_31, %dma_start3A_32] : memref<10000x32xf32, #tpu.memory_space<hbm>> -> memref<10000x32xf32, #tpu.memory_space<hbm>>
    tpu.enqueue_indirect_dma source(%dma_start3A_33 : memref<10000x32xf32, #tpu.memory_space<hbm>>) target(%arg11 : memref<128x32xf32, #tpu.memory_space<vmem>>) offsets(%dma_start3A_30 : memref<128xi32, #tpu.memory_space<vmem>>) semaphore(%arg16 : memref<!tpu.dma_semaphore, #tpu.memory_space<semaphore_mem>>)
    %dma_start3A_34 = arith.constant 1 : i32
    %dma_start3A_35 = arith.constant 0 : i32
    %dma_start3A_36 = tpu.memref_slice %arg7[%dma_start3A_34, %dma_start3A_35] : memref<79x128xi32, #tpu.memory_space<vmem>> -> memref<1x128xi32, #tpu.memory_space<vmem>>
    %dma_start3A_37 = tpu.memref_squeeze %dma_start3A_36 : memref<1x128xi32, #tpu.memory_space<vmem>> -> memref<128xi32, #tpu.memory_space<vmem>>
    %dma_start3A_38 = arith.constant 0 : i32
    %dma_start3A_39 = arith.constant 0 : i32
    %dma_start3A_40 = tpu.memref_slice %arg2[%dma_start3A_38, %dma_start3A_39] : memref<10000x32xf32, #tpu.memory_space<hbm>> -> memref<10000x32xf32, #tpu.memory_space<hbm>>
    tpu.enqueue_indirect_dma source(%dma_start3A_40 : memref<10000x32xf32, #tpu.memory_space<hbm>>) target(%arg10 : memref<128x32xf32, #tpu.memory_space<vmem>>) offsets(%dma_start3A_37 : memref<128xi32, #tpu.memory_space<vmem>>) semaphore(%arg17 : memref<!tpu.dma_semaphore, #tpu.memory_space<semaphore_mem>>)
    %dma_start3A_41 = arith.constant 1 : i32
    %dma_start3A_42 = arith.constant 0 : i32
    %dma_start3A_43 = tpu.memref_slice %arg8[%dma_start3A_41, %dma_start3A_42] : memref<79x128xi32, #tpu.memory_space<vmem>> -> memref<1x128xi32, #tpu.memory_space<vmem>>
    %dma_start3A_44 = tpu.memref_squeeze %dma_start3A_43 : memref<1x128xi32, #tpu.memory_space<vmem>> -> memref<128xi32, #tpu.memory_space<vmem>>
    %dma_start3A_45 = arith.constant 0 : i32
    %dma_start3A_46 = arith.constant 0 : i32
    %dma_start3A_47 = tpu.memref_slice %arg3[%dma_start3A_45, %dma_start3A_46] : memref<10000x32xf32, #tpu.memory_space<hbm>> -> memref<10000x32xf32, #tpu.memory_space<hbm>>
    tpu.enqueue_indirect_dma source(%dma_start3A_47 : memref<10000x32xf32, #tpu.memory_space<hbm>>) target(%arg12 : memref<128x32xf32, #tpu.memory_space<vmem>>) offsets(%dma_start3A_44 : memref<128xi32, #tpu.memory_space<vmem>>) semaphore(%arg17 : memref<!tpu.dma_semaphore, #tpu.memory_space<semaphore_mem>>)
    %scan3A = arith.constant 0 : i32
    %scan3A_48 = arith.constant 0 : i32
    %scan3A_49 = arith.constant 39 : i32
    %scan3A_50 = arith.addi %scan3A_48, %scan3A_49 : i32
    %scan3A_51 = arith.constant 1 : i32
    scf.for %scan3A_71 = %scan3A_48 to %scan3A_50 step %scan3A_51  : i32 {
      %mul3A_72 = arith.constant 2 : i32
      %mul3A_73 = arith.muli %mul3A_72, %scan3A_71 : i32
      %add3A_74 = arith.constant 1 : i32
      %add3A_75 = arith.addi %mul3A_73, %add3A_74 : i32
      %dma_wait3A_76 = arith.constant 0 : i32
      %dma_wait3A_77 = arith.constant 0 : i32
      %dma_wait3A_78 = tpu.memref_slice %arg7[%dma_wait3A_76, %dma_wait3A_77] : memref<79x128xi32, #tpu.memory_space<vmem>> -> memref<1x128xi32, #tpu.memory_space<vmem>>
      %dma_wait3A_79 = tpu.memref_squeeze %dma_wait3A_78 : memref<1x128xi32, #tpu.memory_space<vmem>> -> memref<128xi32, #tpu.memory_space<vmem>>
      %dma_wait3A_80 = arith.constant 0 : i32
      %dma_wait3A_81 = arith.constant 0 : i32
      %dma_wait3A_82 = tpu.memref_slice %arg2[%dma_wait3A_80, %dma_wait3A_81] : memref<10000x32xf32, #tpu.memory_space<hbm>> -> memref<10000x32xf32, #tpu.memory_space<hbm>>
      tpu.wait_indirect_dma semaphore(%arg16 : memref<!tpu.dma_semaphore, #tpu.memory_space<semaphore_mem>>) src(%dma_wait3A_82 : memref<10000x32xf32, #tpu.memory_space<hbm>>) dst(%arg9 : memref<128x32xf32, #tpu.memory_space<vmem>>)
      %dma_wait3A_83 = arith.constant 0 : i32
      %dma_wait3A_84 = arith.constant 0 : i32
      %dma_wait3A_85 = tpu.memref_slice %arg8[%dma_wait3A_83, %dma_wait3A_84] : memref<79x128xi32, #tpu.memory_space<vmem>> -> memref<1x128xi32, #tpu.memory_space<vmem>>
      %dma_wait3A_86 = tpu.memref_squeeze %dma_wait3A_85 : memref<1x128xi32, #tpu.memory_space<vmem>> -> memref<128xi32, #tpu.memory_space<vmem>>
      %dma_wait3A_87 = arith.constant 0 : i32
      %dma_wait3A_88 = arith.constant 0 : i32
      %dma_wait3A_89 = tpu.memref_slice %arg3[%dma_wait3A_87, %dma_wait3A_88] : memref<10000x32xf32, #tpu.memory_space<hbm>> -> memref<10000x32xf32, #tpu.memory_space<hbm>>
      tpu.wait_indirect_dma semaphore(%arg16 : memref<!tpu.dma_semaphore, #tpu.memory_space<semaphore_mem>>) src(%dma_wait3A_89 : memref<10000x32xf32, #tpu.memory_space<hbm>>) dst(%arg11 : memref<128x32xf32, #tpu.memory_space<vmem>>)
      %gt3A_90 = arith.constant 0 : i32
      %gt3A_91 = arith.cmpi sgt, %scan3A_71, %gt3A_90 : i32
      %convert_element_type3A_92 = arith.extui %gt3A_91 : i1 to i32
      %cond3A_93 = arith.constant 0 : i32
      %cond3A_94 = arith.cmpi ne, %convert_element_type3A_92, %cond3A_93 : i32
      scf.if %cond3A_94 {
        %dma_wait3A_144 = arith.constant 0 : i32
        %dma_wait3A_145 = arith.constant 0 : i32
        %dma_wait3A_146 = tpu.memref_slice %arg8[%dma_wait3A_144, %dma_wait3A_145] : memref<79x128xi32, #tpu.memory_space<vmem>> -> memref<1x128xi32, #tpu.memory_space<vmem>>
        %dma_wait3A_147 = tpu.memref_squeeze %dma_wait3A_146 : memref<1x128xi32, #tpu.memory_space<vmem>> -> memref<128xi32, #tpu.memory_space<vmem>>
        %dma_wait3A_148 = arith.constant 0 : i32
        %dma_wait3A_149 = arith.constant 0 : i32
        %dma_wait3A_150 = tpu.memref_slice %arg15[%dma_wait3A_148, %dma_wait3A_149] : memref<10000x48xf32, #tpu.memory_space<vmem_shared>> -> memref<10000x48xf32, #tpu.memory_space<vmem_shared>>
        tpu.wait_indirect_dma semaphore(%arg18 : memref<!tpu.dma_semaphore, #tpu.memory_space<semaphore_mem>>) src(%arg13 : memref<128x48xf32, #tpu.memory_space<vmem>>) dst(%dma_wait3A_150 : memref<10000x48xf32, #tpu.memory_space<vmem_shared>>)
      } else {
      }
      %parallel_loop3A_95 = arith.constant 0 : i32
      %parallel_loop3A_96 = arith.constant 128 : i32
      %parallel_loop3A_97 = arith.constant 1 : i32
      scf.for %parallel_loop3A_144 = %parallel_loop3A_95 to %parallel_loop3A_96 step %parallel_loop3A_97  : i32 {
        %parallel_loop3A_145 = arith.index_cast %parallel_loop3A_144 : i32 to index
        %parallel_loop3A_146 = arith.constant 0 : index
        %parallel_loop3A_147 = tpu.vector_load %arg9[%parallel_loop3A_145, %parallel_loop3A_146] {strides = array<i32>} : memref<128x32xf32, #tpu.memory_space<vmem>>, vector<1x16xf32>,
        %parallel_loop3A_148 = vector.shape_cast %parallel_loop3A_147 : vector<1x16xf32> to vector<16xf32>
        %parallel_loop3A_149 = arith.index_cast %parallel_loop3A_144 : i32 to index
        %parallel_loop3A_150 = arith.constant 0 : index
        %parallel_loop3A_151 = tpu.vector_load %arg11[%parallel_loop3A_149, %parallel_loop3A_150] {strides = array<i32>} : memref<128x32xf32, #tpu.memory_space<vmem>>, vector<1x16xf32>,
        %parallel_loop3A_152 = vector.shape_cast %parallel_loop3A_151 : vector<1x16xf32> to vector<16xf32>
        %parallel_loop3A_153 = arith.addf %parallel_loop3A_148, %parallel_loop3A_152 : vector<16xf32>
        %parallel_loop3A_154 = arith.constant 0.000000e+00 : f32
        %parallel_loop3A_155 = vector.broadcast %parallel_loop3A_154 : f32 to vector<16xf32>
        %parallel_loop3A_156 = arith.maximumf %parallel_loop3A_153, %parallel_loop3A_155 : vector<16xf32>
        %parallel_loop3A_157 = arith.index_cast %parallel_loop3A_144 : i32 to index
        %parallel_loop3A_158 = arith.constant 0 : index
        %parallel_loop3A_159 = tpu.vector_load %arg13[%parallel_loop3A_157, %parallel_loop3A_158] {strides = array<i32>} : memref<128x48xf32, #tpu.memory_space<vmem>>, vector<1x16xf32>,
        %parallel_loop3A_160 = vector.shape_cast %parallel_loop3A_159 : vector<1x16xf32> to vector<16xf32>
        %parallel_loop3A_161 = vector.shape_cast %parallel_loop3A_156 : vector<16xf32> to vector<1x16xf32>
        tpu.vector_store %arg13[%parallel_loop3A_157, %parallel_loop3A_158], %parallel_loop3A_161 {strides = array<i32>} : memref<128x48xf32, #tpu.memory_space<vmem>>, vector<1x16xf32>,
        %parallel_loop3A_162 = arith.index_cast %parallel_loop3A_144 : i32 to index
        %parallel_loop3A_163 = arith.constant 16 : index
        %parallel_loop3A_164 = tpu.vector_load %arg9[%parallel_loop3A_162, %parallel_loop3A_163] {strides = array<i32>} : memref<128x32xf32, #tpu.memory_space<vmem>>, vector<1x16xf32>,
        %parallel_loop3A_165 = vector.shape_cast %parallel_loop3A_164 : vector<1x16xf32> to vector<16xf32>
        %parallel_loop3A_166 = arith.index_cast %parallel_loop3A_144 : i32 to index
        %parallel_loop3A_167 = arith.constant 16 : index
        %parallel_loop3A_168 = tpu.vector_load %arg11[%parallel_loop3A_166, %parallel_loop3A_167] {strides = array<i32>} : memref<128x32xf32, #tpu.memory_space<vmem>>, vector<1x16xf32>,
        %parallel_loop3A_169 = vector.shape_cast %parallel_loop3A_168 : vector<1x16xf32> to vector<16xf32>
        %parallel_loop3A_170 = arith.addf %parallel_loop3A_165, %parallel_loop3A_169 : vector<16xf32>
        %parallel_loop3A_171 = arith.constant 0.000000e+00 : f32
        %parallel_loop3A_172 = vector.broadcast %parallel_loop3A_171 : f32 to vector<16xf32>
        %parallel_loop3A_173 = arith.maximumf %parallel_loop3A_170, %parallel_loop3A_172 : vector<16xf32>
        %parallel_loop3A_174 = arith.index_cast %parallel_loop3A_144 : i32 to index
        %parallel_loop3A_175 = arith.constant 16 : index
        %parallel_loop3A_176 = tpu.vector_load %arg13[%parallel_loop3A_174, %parallel_loop3A_175] {strides = array<i32>} : memref<128x48xf32, #tpu.memory_space<vmem>>, vector<1x16xf32>,
        %parallel_loop3A_177 = vector.shape_cast %parallel_loop3A_176 : vector<1x16xf32> to vector<16xf32>
        %parallel_loop3A_178 = vector.shape_cast %parallel_loop3A_173 : vector<16xf32> to vector<1x16xf32>
        tpu.vector_store %arg13[%parallel_loop3A_174, %parallel_loop3A_175], %parallel_loop3A_178 {strides = array<i32>} : memref<128x48xf32, #tpu.memory_space<vmem>>, vector<1x16xf32>,
      } {sc.loop_unroll_factor = 8 : i64, sc.parallel_access}
      %dma_start3A_98 = arith.constant 0 : i32
      %dma_start3A_99 = tpu.memref_slice %arg8[%mul3A_73, %dma_start3A_98] : memref<79x128xi32, #tpu.memory_space<vmem>> -> memref<1x128xi32, #tpu.memory_space<vmem>>
      %dma_start3A_100 = tpu.memref_squeeze %dma_start3A_99 : memref<1x128xi32, #tpu.memory_space<vmem>> -> memref<128xi32, #tpu.memory_space<vmem>>
      %dma_start3A_101 = arith.constant 0 : i32
      %dma_start3A_102 = arith.constant 0 : i32
      %dma_start3A_103 = tpu.memref_slice %arg15[%dma_start3A_101, %dma_start3A_102] : memref<10000x48xf32, #tpu.memory_space<vmem_shared>> -> memref<10000x48xf32, #tpu.memory_space<vmem_shared>>
      tpu.enqueue_indirect_dma source(%arg13 : memref<128x48xf32, #tpu.memory_space<vmem>>) target(%dma_start3A_103 : memref<10000x48xf32, #tpu.memory_space<vmem_shared>>) offsets(%dma_start3A_100 : memref<128xi32, #tpu.memory_space<vmem>>) semaphore(%arg18 : memref<!tpu.dma_semaphore, #tpu.memory_space<semaphore_mem>>) {add = true}
      %add3A_104 = arith.constant 2 : i32
      %add3A_105 = arith.addi %mul3A_73, %add3A_104 : i32
      %lt3A_106 = arith.cmpi slt, %add3A_105, %add3A_20 : i32
      %convert_element_type3A_107 = arith.extui %lt3A_106 : i1 to i32
      %cond3A_108 = arith.constant 0 : i32
      %cond3A_109 = arith.cmpi ne, %convert_element_type3A_107, %cond3A_108 : i32
      scf.if %cond3A_109 {
        %add3A_144 = arith.constant 2 : i32
        %add3A_145 = arith.addi %mul3A_73, %add3A_144 : i32
        %dma_start3A_146 = arith.constant 0 : i32
        %dma_start3A_147 = tpu.memref_slice %arg7[%add3A_145, %dma_start3A_146] : memref<79x128xi32, #tpu.memory_space<vmem>> -> memref<1x128xi32, #tpu.memory_space<vmem>>
        %dma_start3A_148 = tpu.memref_squeeze %dma_start3A_147 : memref<1x128xi32, #tpu.memory_space<vmem>> -> memref<128xi32, #tpu.memory_space<vmem>>
        %dma_start3A_149 = arith.constant 0 : i32
        %dma_start3A_150 = arith.constant 0 : i32
        %dma_start3A_151 = tpu.memref_slice %arg2[%dma_start3A_149, %dma_start3A_150] : memref<10000x32xf32, #tpu.memory_space<hbm>> -> memref<10000x32xf32, #tpu.memory_space<hbm>>
        tpu.enqueue_indirect_dma source(%dma_start3A_151 : memref<10000x32xf32, #tpu.memory_space<hbm>>) target(%arg9 : memref<128x32xf32, #tpu.memory_space<vmem>>) offsets(%dma_start3A_148 : memref<128xi32, #tpu.memory_space<vmem>>) semaphore(%arg16 : memref<!tpu.dma_semaphore, #tpu.memory_space<semaphore_mem>>)
        %dma_start3A_152 = arith.constant 0 : i32
        %dma_start3A_153 = tpu.memref_slice %arg8[%add3A_145, %dma_start3A_152] : memref<79x128xi32, #tpu.memory_space<vmem>> -> memref<1x128xi32, #tpu.memory_space<vmem>>
        %dma_start3A_154 = tpu.memref_squeeze %dma_start3A_153 : memref<1x128xi32, #tpu.memory_space<vmem>> -> memref<128xi32, #tpu.memory_space<vmem>>
        %dma_start3A_155 = arith.constant 0 : i32
        %dma_start3A_156 = arith.constant 0 : i32
        %dma_start3A_157 = tpu.memref_slice %arg3[%dma_start3A_155, %dma_start3A_156] : memref<10000x32xf32, #tpu.memory_space<hbm>> -> memref<10000x32xf32, #tpu.memory_space<hbm>>
        tpu.enqueue_indirect_dma source(%dma_start3A_157 : memref<10000x32xf32, #tpu.memory_space<hbm>>) target(%arg11 : memref<128x32xf32, #tpu.memory_space<vmem>>) offsets(%dma_start3A_154 : memref<128xi32, #tpu.memory_space<vmem>>) semaphore(%arg16 : memref<!tpu.dma_semaphore, #tpu.memory_space<semaphore_mem>>)
      } else {
      }
      %dma_wait3A_110 = arith.constant 0 : i32
      %dma_wait3A_111 = arith.constant 0 : i32
      %dma_wait3A_112 = tpu.memref_slice %arg7[%dma_wait3A_110, %dma_wait3A_111] : memref<79x128xi32, #tpu.memory_space<vmem>> -> memref<1x128xi32, #tpu.memory_space<vmem>>
      %dma_wait3A_113 = tpu.memref_squeeze %dma_wait3A_112 : memref<1x128xi32, #tpu.memory_space<vmem>> -> memref<128xi32, #tpu.memory_space<vmem>>
      %dma_wait3A_114 = arith.constant 0 : i32
      %dma_wait3A_115 = arith.constant 0 : i32
      %dma_wait3A_116 = tpu.memref_slice %arg2[%dma_wait3A_114, %dma_wait3A_115] : memref<10000x32xf32, #tpu.memory_space<hbm>> -> memref<10000x32xf32, #tpu.memory_space<hbm>>
      tpu.wait_indirect_dma semaphore(%arg17 : memref<!tpu.dma_semaphore, #tpu.memory_space<semaphore_mem>>) src(%dma_wait3A_116 : memref<10000x32xf32, #tpu.memory_space<hbm>>) dst(%arg10 : memref<128x32xf32, #tpu.memory_space<vmem>>)
      %dma_wait3A_117 = arith.constant 0 : i32
      %dma_wait3A_118 = arith.constant 0 : i32
      %dma_wait3A_119 = tpu.memref_slice %arg8[%dma_wait3A_117, %dma_wait3A_118] : memref<79x128xi32, #tpu.memory_space<vmem>> -> memref<1x128xi32, #tpu.memory_space<vmem>>
      %dma_wait3A_120 = tpu.memref_squeeze %dma_wait3A_119 : memref<1x128xi32, #tpu.memory_space<vmem>> -> memref<128xi32, #tpu.memory_space<vmem>>
      %dma_wait3A_121 = arith.constant 0 : i32
      %dma_wait3A_122 = arith.constant 0 : i32
      %dma_wait3A_123 = tpu.memref_slice %arg3[%dma_wait3A_121, %dma_wait3A_122] : memref<10000x32xf32, #tpu.memory_space<hbm>> -> memref<10000x32xf32, #tpu.memory_space<hbm>>
      tpu.wait_indirect_dma semaphore(%arg17 : memref<!tpu.dma_semaphore, #tpu.memory_space<semaphore_mem>>) src(%dma_wait3A_123 : memref<10000x32xf32, #tpu.memory_space<hbm>>) dst(%arg12 : memref<128x32xf32, #tpu.memory_space<vmem>>)
      %gt3A_124 = arith.constant 0 : i32
      %gt3A_125 = arith.cmpi sgt, %scan3A_71, %gt3A_124 : i32
      %convert_element_type3A_126 = arith.extui %gt3A_125 : i1 to i32
      %cond3A_127 = arith.constant 0 : i32
      %cond3A_128 = arith.cmpi ne, %convert_element_type3A_126, %cond3A_127 : i32
      scf.if %cond3A_128 {
        %dma_wait3A_144 = arith.constant 0 : i32
        %dma_wait3A_145 = arith.constant 0 : i32
        %dma_wait3A_146 = tpu.memref_slice %arg8[%dma_wait3A_144, %dma_wait3A_145] : memref<79x128xi32, #tpu.memory_space<vmem>> -> memref<1x128xi32, #tpu.memory_space<vmem>>
        %dma_wait3A_147 = tpu.memref_squeeze %dma_wait3A_146 : memref<1x128xi32, #tpu.memory_space<vmem>> -> memref<128xi32, #tpu.memory_space<vmem>>
        %dma_wait3A_148 = arith.constant 0 : i32
        %dma_wait3A_149 = arith.constant 0 : i32
        %dma_wait3A_150 = tpu.memref_slice %arg15[%dma_wait3A_148, %dma_wait3A_149] : memref<10000x48xf32, #tpu.memory_space<vmem_shared>> -> memref<10000x48xf32, #tpu.memory_space<vmem_shared>>
        tpu.wait_indirect_dma semaphore(%arg19 : memref<!tpu.dma_semaphore, #tpu.memory_space<semaphore_mem>>) src(%arg14 : memref<128x48xf32, #tpu.memory_space<vmem>>) dst(%dma_wait3A_150 : memref<10000x48xf32, #tpu.memory_space<vmem_shared>>)
      } else {
      }
      %parallel_loop3A_129 = arith.constant 0 : i32
      %parallel_loop3A_130 = arith.constant 128 : i32
      %parallel_loop3A_131 = arith.constant 1 : i32
      scf.for %parallel_loop3A_144 = %parallel_loop3A_129 to %parallel_loop3A_130 step %parallel_loop3A_131  : i32 {
        %parallel_loop3A_145 = arith.index_cast %parallel_loop3A_144 : i32 to index
        %parallel_loop3A_146 = arith.constant 0 : index
        %parallel_loop3A_147 = tpu.vector_load %arg10[%parallel_loop3A_145, %parallel_loop3A_146] {strides = array<i32>} : memref<128x32xf32, #tpu.memory_space<vmem>>, vector<1x16xf32>,
        %parallel_loop3A_148 = vector.shape_cast %parallel_loop3A_147 : vector<1x16xf32> to vector<16xf32>
        %parallel_loop3A_149 = arith.index_cast %parallel_loop3A_144 : i32 to index
        %parallel_loop3A_150 = arith.constant 0 : index
        %parallel_loop3A_151 = tpu.vector_load %arg12[%parallel_loop3A_149, %parallel_loop3A_150] {strides = array<i32>} : memref<128x32xf32, #tpu.memory_space<vmem>>, vector<1x16xf32>,
        %parallel_loop3A_152 = vector.shape_cast %parallel_loop3A_151 : vector<1x16xf32> to vector<16xf32>
        %parallel_loop3A_153 = arith.addf %parallel_loop3A_148, %parallel_loop3A_152 : vector<16xf32>
        %parallel_loop3A_154 = arith.constant 0.000000e+00 : f32
        %parallel_loop3A_155 = vector.broadcast %parallel_loop3A_154 : f32 to vector<16xf32>
        %parallel_loop3A_156 = arith.maximumf %parallel_loop3A_153, %parallel_loop3A_155 : vector<16xf32>
        %parallel_loop3A_157 = arith.index_cast %parallel_loop3A_144 : i32 to index
        %parallel_loop3A_158 = arith.constant 0 : index
        %parallel_loop3A_159 = tpu.vector_load %arg14[%parallel_loop3A_157, %parallel_loop3A_158] {strides = array<i32>} : memref<128x48xf32, #tpu.memory_space<vmem>>, vector<1x16xf32>,
        %parallel_loop3A_160 = vector.shape_cast %parallel_loop3A_159 : vector<1x16xf32> to vector<16xf32>
        %parallel_loop3A_161 = vector.shape_cast %parallel_loop3A_156 : vector<16xf32> to vector<1x16xf32>
        tpu.vector_store %arg14[%parallel_loop3A_157, %parallel_loop3A_158], %parallel_loop3A_161 {strides = array<i32>} : memref<128x48xf32, #tpu.memory_space<vmem>>, vector<1x16xf32>,
        %parallel_loop3A_162 = arith.index_cast %parallel_loop3A_144 : i32 to index
        %parallel_loop3A_163 = arith.constant 16 : index
        %parallel_loop3A_164 = tpu.vector_load %arg10[%parallel_loop3A_162, %parallel_loop3A_163] {strides = array<i32>} : memref<128x32xf32, #tpu.memory_space<vmem>>, vector<1x16xf32>,
        %parallel_loop3A_165 = vector.shape_cast %parallel_loop3A_164 : vector<1x16xf32> to vector<16xf32>
        %parallel_loop3A_166 = arith.index_cast %parallel_loop3A_144 : i32 to index
        %parallel_loop3A_167 = arith.constant 16 : index
        %parallel_loop3A_168 = tpu.vector_load %arg12[%parallel_loop3A_166, %parallel_loop3A_167] {strides = array<i32>} : memref<128x32xf32, #tpu.memory_space<vmem>>, vector<1x16xf32>,
        %parallel_loop3A_169 = vector.shape_cast %parallel_loop3A_168 : vector<1x16xf32> to vector<16xf32>
        %parallel_loop3A_170 = arith.addf %parallel_loop3A_165, %parallel_loop3A_169 : vector<16xf32>
        %parallel_loop3A_171 = arith.constant 0.000000e+00 : f32
        %parallel_loop3A_172 = vector.broadcast %parallel_loop3A_171 : f32 to vector<16xf32>
        %parallel_loop3A_173 = arith.maximumf %parallel_loop3A_170, %parallel_loop3A_172 : vector<16xf32>
        %parallel_loop3A_174 = arith.index_cast %parallel_loop3A_144 : i32 to index
        %parallel_loop3A_175 = arith.constant 16 : index
        %parallel_loop3A_176 = tpu.vector_load %arg14[%parallel_loop3A_174, %parallel_loop3A_175] {strides = array<i32>} : memref<128x48xf32, #tpu.memory_space<vmem>>, vector<1x16xf32>,
        %parallel_loop3A_177 = vector.shape_cast %parallel_loop3A_176 : vector<1x16xf32> to vector<16xf32>
        %parallel_loop3A_178 = vector.shape_cast %parallel_loop3A_173 : vector<16xf32> to vector<1x16xf32>
        tpu.vector_store %arg14[%parallel_loop3A_174, %parallel_loop3A_175], %parallel_loop3A_178 {strides = array<i32>} : memref<128x48xf32, #tpu.memory_space<vmem>>, vector<1x16xf32>,
      } {sc.loop_unroll_factor = 8 : i64, sc.parallel_access}
      %dma_start3A_132 = arith.constant 0 : i32
      %dma_start3A_133 = tpu.memref_slice %arg8[%add3A_75, %dma_start3A_132] : memref<79x128xi32, #tpu.memory_space<vmem>> -> memref<1x128xi32, #tpu.memory_space<vmem>>
      %dma_start3A_134 = tpu.memref_squeeze %dma_start3A_133 : memref<1x128xi32, #tpu.memory_space<vmem>> -> memref<128xi32, #tpu.memory_space<vmem>>
      %dma_start3A_135 = arith.constant 0 : i32
      %dma_start3A_136 = arith.constant 0 : i32
      %dma_start3A_137 = tpu.memref_slice %arg15[%dma_start3A_135, %dma_start3A_136] : memref<10000x48xf32, #tpu.memory_space<vmem_shared>> -> memref<10000x48xf32, #tpu.memory_space<vmem_shared>>
      tpu.enqueue_indirect_dma source(%arg14 : memref<128x48xf32, #tpu.memory_space<vmem>>) target(%dma_start3A_137 : memref<10000x48xf32, #tpu.memory_space<vmem_shared>>) offsets(%dma_start3A_134 : memref<128xi32, #tpu.memory_space<vmem>>) semaphore(%arg19 : memref<!tpu.dma_semaphore, #tpu.memory_space<semaphore_mem>>) {add = true}
      %add3A_138 = arith.constant 2 : i32
      %add3A_139 = arith.addi %add3A_75, %add3A_138 : i32
      %lt3A_140 = arith.cmpi slt, %add3A_139, %add3A_20 : i32
      %convert_element_type3A_141 = arith.extui %lt3A_140 : i1 to i32
      %cond3A_142 = arith.constant 0 : i32
      %cond3A_143 = arith.cmpi ne, %convert_element_type3A_141, %cond3A_142 : i32
      scf.if %cond3A_143 {
        %add3A_144 = arith.constant 2 : i32
        %add3A_145 = arith.addi %add3A_75, %add3A_144 : i32
        %dma_start3A_146 = arith.constant 0 : i32
        %dma_start3A_147 = tpu.memref_slice %arg7[%add3A_145, %dma_start3A_146] : memref<79x128xi32, #tpu.memory_space<vmem>> -> memref<1x128xi32, #tpu.memory_space<vmem>>
        %dma_start3A_148 = tpu.memref_squeeze %dma_start3A_147 : memref<1x128xi32, #tpu.memory_space<vmem>> -> memref<128xi32, #tpu.memory_space<vmem>>
        %dma_start3A_149 = arith.constant 0 : i32
        %dma_start3A_150 = arith.constant 0 : i32
        %dma_start3A_151 = tpu.memref_slice %arg2[%dma_start3A_149, %dma_start3A_150] : memref<10000x32xf32, #tpu.memory_space<hbm>> -> memref<10000x32xf32, #tpu.memory_space<hbm>>
        tpu.enqueue_indirect_dma source(%dma_start3A_151 : memref<10000x32xf32, #tpu.memory_space<hbm>>) target(%arg10 : memref<128x32xf32, #tpu.memory_space<vmem>>) offsets(%dma_start3A_148 : memref<128xi32, #tpu.memory_space<vmem>>) semaphore(%arg17 : memref<!tpu.dma_semaphore, #tpu.memory_space<semaphore_mem>>)
        %dma_start3A_152 = arith.constant 0 : i32
        %dma_start3A_153 = tpu.memref_slice %arg8[%add3A_145, %dma_start3A_152] : memref<79x128xi32, #tpu.memory_space<vmem>> -> memref<1x128xi32, #tpu.memory_space<vmem>>
        %dma_start3A_154 = tpu.memref_squeeze %dma_start3A_153 : memref<1x128xi32, #tpu.memory_space<vmem>> -> memref<128xi32, #tpu.memory_space<vmem>>
        %dma_start3A_155 = arith.constant 0 : i32
        %dma_start3A_156 = arith.constant 0 : i32
        %dma_start3A_157 = tpu.memref_slice %arg3[%dma_start3A_155, %dma_start3A_156] : memref<10000x32xf32, #tpu.memory_space<hbm>> -> memref<10000x32xf32, #tpu.memory_space<hbm>>
        tpu.enqueue_indirect_dma source(%dma_start3A_157 : memref<10000x32xf32, #tpu.memory_space<hbm>>) target(%arg12 : memref<128x32xf32, #tpu.memory_space<vmem>>) offsets(%dma_start3A_154 : memref<128xi32, #tpu.memory_space<vmem>>) semaphore(%arg17 : memref<!tpu.dma_semaphore, #tpu.memory_space<semaphore_mem>>)
      } else {
      }
    }
    %scan3A_52 = arith.constant 39 : i32
    %gt3A = arith.constant 78 : i32
    %gt3A_53 = arith.cmpi sgt, %add3A_20, %gt3A : i32
    %convert_element_type3A_54 = arith.extui %gt3A_53 : i1 to i32
    %cond3A_55 = arith.constant 0 : i32
    %cond3A_56 = arith.cmpi ne, %convert_element_type3A_54, %cond3A_55 : i32
    scf.if %cond3A_56 {
      %dma_wait3A_71 = arith.constant 0 : i32
      %dma_wait3A_72 = arith.constant 0 : i32
      %dma_wait3A_73 = tpu.memref_slice %arg7[%dma_wait3A_71, %dma_wait3A_72] : memref<79x128xi32, #tpu.memory_space<vmem>> -> memref<1x128xi32, #tpu.memory_space<vmem>>
      %dma_wait3A_74 = tpu.memref_squeeze %dma_wait3A_73 : memref<1x128xi32, #tpu.memory_space<vmem>> -> memref<128xi32, #tpu.memory_space<vmem>>
      %dma_wait3A_75 = arith.constant 0 : i32
      %dma_wait3A_76 = arith.constant 0 : i32
      %dma_wait3A_77 = tpu.memref_slice %arg2[%dma_wait3A_75, %dma_wait3A_76] : memref<10000x32xf32, #tpu.memory_space<hbm>> -> memref<10000x32xf32, #tpu.memory_space<hbm>>
      tpu.wait_indirect_dma semaphore(%arg16 : memref<!tpu.dma_semaphore, #tpu.memory_space<semaphore_mem>>) src(%dma_wait3A_77 : memref<10000x32xf32, #tpu.memory_space<hbm>>) dst(%arg9 : memref<128x32xf32, #tpu.memory_space<vmem>>)
      %dma_wait3A_78 = arith.constant 0 : i32
      %dma_wait3A_79 = arith.constant 0 : i32
      %dma_wait3A_80 = tpu.memref_slice %arg8[%dma_wait3A_78, %dma_wait3A_79] : memref<79x128xi32, #tpu.memory_space<vmem>> -> memref<1x128xi32, #tpu.memory_space<vmem>>
      %dma_wait3A_81 = tpu.memref_squeeze %dma_wait3A_80 : memref<1x128xi32, #tpu.memory_space<vmem>> -> memref<128xi32, #tpu.memory_space<vmem>>
      %dma_wait3A_82 = arith.constant 0 : i32
      %dma_wait3A_83 = arith.constant 0 : i32
      %dma_wait3A_84 = tpu.memref_slice %arg3[%dma_wait3A_82, %dma_wait3A_83] : memref<10000x32xf32, #tpu.memory_space<hbm>> -> memref<10000x32xf32, #tpu.memory_space<hbm>>
      tpu.wait_indirect_dma semaphore(%arg16 : memref<!tpu.dma_semaphore, #tpu.memory_space<semaphore_mem>>) src(%dma_wait3A_84 : memref<10000x32xf32, #tpu.memory_space<hbm>>) dst(%arg11 : memref<128x32xf32, #tpu.memory_space<vmem>>)
      %dma_wait3A_85 = arith.constant 0 : i32
      %dma_wait3A_86 = arith.constant 0 : i32
      %dma_wait3A_87 = tpu.memref_slice %arg8[%dma_wait3A_85, %dma_wait3A_86] : memref<79x128xi32, #tpu.memory_space<vmem>> -> memref<1x128xi32, #tpu.memory_space<vmem>>
      %dma_wait3A_88 = tpu.memref_squeeze %dma_wait3A_87 : memref<1x128xi32, #tpu.memory_space<vmem>> -> memref<128xi32, #tpu.memory_space<vmem>>
      %dma_wait3A_89 = arith.constant 0 : i32
      %dma_wait3A_90 = arith.constant 0 : i32
      %dma_wait3A_91 = tpu.memref_slice %arg15[%dma_wait3A_89, %dma_wait3A_90] : memref<10000x48xf32, #tpu.memory_space<vmem_shared>> -> memref<10000x48xf32, #tpu.memory_space<vmem_shared>>
      tpu.wait_indirect_dma semaphore(%arg18 : memref<!tpu.dma_semaphore, #tpu.memory_space<semaphore_mem>>) src(%arg13 : memref<128x48xf32, #tpu.memory_space<vmem>>) dst(%dma_wait3A_91 : memref<10000x48xf32, #tpu.memory_space<vmem_shared>>)
      %parallel_loop3A_92 = arith.constant 0 : i32
      %parallel_loop3A_93 = arith.constant 128 : i32
      %parallel_loop3A_94 = arith.constant 1 : i32
      scf.for %parallel_loop3A_102 = %parallel_loop3A_92 to %parallel_loop3A_93 step %parallel_loop3A_94  : i32 {
        %parallel_loop3A_103 = arith.index_cast %parallel_loop3A_102 : i32 to index
        %parallel_loop3A_104 = arith.constant 0 : index
        %parallel_loop3A_105 = tpu.vector_load %arg9[%parallel_loop3A_103, %parallel_loop3A_104] {strides = array<i32>} : memref<128x32xf32, #tpu.memory_space<vmem>>, vector<1x16xf32>,
        %parallel_loop3A_106 = vector.shape_cast %parallel_loop3A_105 : vector<1x16xf32> to vector<16xf32>
        %parallel_loop3A_107 = arith.index_cast %parallel_loop3A_102 : i32 to index
        %parallel_loop3A_108 = arith.constant 0 : index
        %parallel_loop3A_109 = tpu.vector_load %arg11[%parallel_loop3A_107, %parallel_loop3A_108] {strides = array<i32>} : memref<128x32xf32, #tpu.memory_space<vmem>>, vector<1x16xf32>,
        %parallel_loop3A_110 = vector.shape_cast %parallel_loop3A_109 : vector<1x16xf32> to vector<16xf32>
        %parallel_loop3A_111 = arith.addf %parallel_loop3A_106, %parallel_loop3A_110 : vector<16xf32>
        %parallel_loop3A_112 = arith.constant 0.000000e+00 : f32
        %parallel_loop3A_113 = vector.broadcast %parallel_loop3A_112 : f32 to vector<16xf32>
        %parallel_loop3A_114 = arith.maximumf %parallel_loop3A_111, %parallel_loop3A_113 : vector<16xf32>
        %parallel_loop3A_115 = arith.index_cast %parallel_loop3A_102 : i32 to index
        %parallel_loop3A_116 = arith.constant 0 : index
        %parallel_loop3A_117 = tpu.vector_load %arg13[%parallel_loop3A_115, %parallel_loop3A_116] {strides = array<i32>} : memref<128x48xf32, #tpu.memory_space<vmem>>, vector<1x16xf32>,
        %parallel_loop3A_118 = vector.shape_cast %parallel_loop3A_117 : vector<1x16xf32> to vector<16xf32>
        %parallel_loop3A_119 = vector.shape_cast %parallel_loop3A_114 : vector<16xf32> to vector<1x16xf32>
        tpu.vector_store %arg13[%parallel_loop3A_115, %parallel_loop3A_116], %parallel_loop3A_119 {strides = array<i32>} : memref<128x48xf32, #tpu.memory_space<vmem>>, vector<1x16xf32>,
        %parallel_loop3A_120 = arith.index_cast %parallel_loop3A_102 : i32 to index
        %parallel_loop3A_121 = arith.constant 16 : index
        %parallel_loop3A_122 = tpu.vector_load %arg9[%parallel_loop3A_120, %parallel_loop3A_121] {strides = array<i32>} : memref<128x32xf32, #tpu.memory_space<vmem>>, vector<1x16xf32>,
        %parallel_loop3A_123 = vector.shape_cast %parallel_loop3A_122 : vector<1x16xf32> to vector<16xf32>
        %parallel_loop3A_124 = arith.index_cast %parallel_loop3A_102 : i32 to index
        %parallel_loop3A_125 = arith.constant 16 : index
        %parallel_loop3A_126 = tpu.vector_load %arg11[%parallel_loop3A_124, %parallel_loop3A_125] {strides = array<i32>} : memref<128x32xf32, #tpu.memory_space<vmem>>, vector<1x16xf32>,
        %parallel_loop3A_127 = vector.shape_cast %parallel_loop3A_126 : vector<1x16xf32> to vector<16xf32>
        %parallel_loop3A_128 = arith.addf %parallel_loop3A_123, %parallel_loop3A_127 : vector<16xf32>
        %parallel_loop3A_129 = arith.constant 0.000000e+00 : f32
        %parallel_loop3A_130 = vector.broadcast %parallel_loop3A_129 : f32 to vector<16xf32>
        %parallel_loop3A_131 = arith.maximumf %parallel_loop3A_128, %parallel_loop3A_130 : vector<16xf32>
        %parallel_loop3A_132 = arith.index_cast %parallel_loop3A_102 : i32 to index
        %parallel_loop3A_133 = arith.constant 16 : index
        %parallel_loop3A_134 = tpu.vector_load %arg13[%parallel_loop3A_132, %parallel_loop3A_133] {strides = array<i32>} : memref<128x48xf32, #tpu.memory_space<vmem>>, vector<1x16xf32>,
        %parallel_loop3A_135 = vector.shape_cast %parallel_loop3A_134 : vector<1x16xf32> to vector<16xf32>
        %parallel_loop3A_136 = vector.shape_cast %parallel_loop3A_131 : vector<16xf32> to vector<1x16xf32>
        tpu.vector_store %arg13[%parallel_loop3A_132, %parallel_loop3A_133], %parallel_loop3A_136 {strides = array<i32>} : memref<128x48xf32, #tpu.memory_space<vmem>>, vector<1x16xf32>,
      } {sc.loop_unroll_factor = 8 : i64, sc.parallel_access}
      %dma_start3A_95 = arith.constant 78 : i32
      %dma_start3A_96 = arith.constant 0 : i32
      %dma_start3A_97 = tpu.memref_slice %arg8[%dma_start3A_95, %dma_start3A_96] : memref<79x128xi32, #tpu.memory_space<vmem>> -> memref<1x128xi32, #tpu.memory_space<vmem>>
      %dma_start3A_98 = tpu.memref_squeeze %dma_start3A_97 : memref<1x128xi32, #tpu.memory_space<vmem>> -> memref<128xi32, #tpu.memory_space<vmem>>
      %dma_start3A_99 = arith.constant 0 : i32
      %dma_start3A_100 = arith.constant 0 : i32
      %dma_start3A_101 = tpu.memref_slice %arg15[%dma_start3A_99, %dma_start3A_100] : memref<10000x48xf32, #tpu.memory_space<vmem_shared>> -> memref<10000x48xf32, #tpu.memory_space<vmem_shared>>
      tpu.enqueue_indirect_dma source(%arg13 : memref<128x48xf32, #tpu.memory_space<vmem>>) target(%dma_start3A_101 : memref<10000x48xf32, #tpu.memory_space<vmem_shared>>) offsets(%dma_start3A_98 : memref<128xi32, #tpu.memory_space<vmem>>) semaphore(%arg18 : memref<!tpu.dma_semaphore, #tpu.memory_space<semaphore_mem>>) {add = true}
    } else {
    }
    %dma_wait3A = arith.constant 0 : i32
    %dma_wait3A_57 = arith.constant 0 : i32
    %dma_wait3A_58 = tpu.memref_slice %arg8[%dma_wait3A, %dma_wait3A_57] : memref<79x128xi32, #tpu.memory_space<vmem>> -> memref<1x128xi32, #tpu.memory_space<vmem>>
    %dma_wait3A_59 = tpu.memref_squeeze %dma_wait3A_58 : memref<1x128xi32, #tpu.memory_space<vmem>> -> memref<128xi32, #tpu.memory_space<vmem>>
    %dma_wait3A_60 = arith.constant 0 : i32
    %dma_wait3A_61 = arith.constant 0 : i32
    %dma_wait3A_62 = tpu.memref_slice %arg15[%dma_wait3A_60, %dma_wait3A_61] : memref<10000x48xf32, #tpu.memory_space<vmem_shared>> -> memref<10000x48xf32, #tpu.memory_space<vmem_shared>>
    tpu.wait_indirect_dma semaphore(%arg18 : memref<!tpu.dma_semaphore, #tpu.memory_space<semaphore_mem>>) src(%arg13 : memref<128x48xf32, #tpu.memory_space<vmem>>) dst(%dma_wait3A_62 : memref<10000x48xf32, #tpu.memory_space<vmem_shared>>)
    %dma_wait3A_63 = arith.constant 0 : i32
    %dma_wait3A_64 = arith.constant 0 : i32
    %dma_wait3A_65 = tpu.memref_slice %arg8[%dma_wait3A_63, %dma_wait3A_64] : memref<79x128xi32, #tpu.memory_space<vmem>> -> memref<1x128xi32, #tpu.memory_space<vmem>>
    %dma_wait3A_66 = tpu.memref_squeeze %dma_wait3A_65 : memref<1x128xi32, #tpu.memory_space<vmem>> -> memref<128xi32, #tpu.memory_space<vmem>>
    %dma_wait3A_67 = arith.constant 0 : i32
    %dma_wait3A_68 = arith.constant 0 : i32
    %dma_wait3A_69 = tpu.memref_slice %arg15[%dma_wait3A_67, %dma_wait3A_68] : memref<10000x48xf32, #tpu.memory_space<vmem_shared>> -> memref<10000x48xf32, #tpu.memory_space<vmem_shared>>
    tpu.wait_indirect_dma semaphore(%arg19 : memref<!tpu.dma_semaphore, #tpu.memory_space<semaphore_mem>>) src(%arg14 : memref<128x48xf32, #tpu.memory_space<vmem>>) dst(%dma_wait3A_69 : memref<10000x48xf32, #tpu.memory_space<vmem_shared>>)
    %barrier3A_70 = arith.constant 0 : index
    tpu.barrier barrier_id(%barrier3A_70)
    "tpu.region"() ({
      %run_scoped3A_71 = tpu.sem_alloc : memref<!tpu.dma_semaphore, #tpu.memory_space<semaphore_mem>>
      %dma_start3A_72 = arith.constant 0 : i32
      %dma_start3A_73 = tpu.memref_slice %arg6[%arg0, %mul3A_2, %dma_start3A_72] : memref<2x10000x48xf32, #tpu.memory_space<hbm>> -> memref<1x625x48xf32, #tpu.memory_space<hbm>>
      %dma_start3A_74 = tpu.memref_squeeze %dma_start3A_73 : memref<1x625x48xf32, #tpu.memory_space<hbm>> -> memref<625x48xf32, #tpu.memory_space<hbm>>
      %dma_start3A_75 = arith.constant 0 : i32
      %dma_start3A_76 = tpu.memref_slice %arg15[%mul3A_2, %dma_start3A_75] : memref<10000x48xf32, #tpu.memory_space<vmem_shared>> -> memref<625x48xf32, #tpu.memory_space<vmem_shared>>
      tpu.enqueue_dma source(%dma_start3A_76 : memref<625x48xf32, #tpu.memory_space<vmem_shared>>) target(%dma_start3A_74 : memref<625x48xf32, #tpu.memory_space<hbm>>) target_semaphore(%run_scoped3A_71 : memref<!tpu.dma_semaphore, #tpu.memory_space<semaphore_mem>>)
      %dma_wait3A_77 = arith.constant 0 : i32
      %dma_wait3A_78 = tpu.memref_slice %arg6[%arg0, %mul3A_2, %dma_wait3A_77] : memref<2x10000x48xf32, #tpu.memory_space<hbm>> -> memref<1x625x48xf32, #tpu.memory_space<hbm>>
      %dma_wait3A_79 = tpu.memref_squeeze %dma_wait3A_78 : memref<1x625x48xf32, #tpu.memory_space<hbm>> -> memref<625x48xf32, #tpu.memory_space<hbm>>
      %dma_wait3A_80 = arith.constant 0 : i32
      %dma_wait3A_81 = tpu.memref_slice %arg15[%mul3A_2, %dma_wait3A_80] : memref<10000x48xf32, #tpu.memory_space<vmem_shared>> -> memref<625x48xf32, #tpu.memory_space<vmem_shared>>
      tpu.wait_dma2 semaphore(%run_scoped3A_71 : memref<!tpu.dma_semaphore, #tpu.memory_space<semaphore_mem>>) src(%dma_wait3A_81 : memref<625x48xf32, #tpu.memory_space<vmem_shared>>) dst(%dma_wait3A_79 : memref<625x48xf32, #tpu.memory_space<hbm>>)
      tpu.yield
    }) : () -> ()
    return
  }
}

#map = affine_map<(d0, d1) -> (0, 0)>
#map1 = affine_map<(d0, d1) -> (0, 0, 0)>
module attributes {stable_mosaic.version = 14 : i64} {
  func.func @_sc_edge_s_body(%arg0: i32, %arg1: i32, %arg2: memref<10000x64xbf16, #tpu.memory_space<hbm>>, %arg3: memref<2x2500x128xi32, #tpu.memory_space<hbm>>, %arg4: memref<320000x32xbf16, #tpu.memory_space<hbm>>, %arg5: memref<79x128xi32, #tpu.memory_space<vmem>>, %arg6: memref<79x128xi32, #tpu.memory_space<vmem>>, %arg7: memref<128x64xbf16, #tpu.memory_space<vmem>>, %arg8: memref<128x64xbf16, #tpu.memory_space<vmem>>, %arg9: memref<128x64xbf16, #tpu.memory_space<vmem>>, %arg10: memref<128x64xbf16, #tpu.memory_space<vmem>>, %arg11: memref<128x32xbf16, #tpu.memory_space<vmem>>, %arg12: memref<128x32xbf16, #tpu.memory_space<vmem>>, %arg13: memref<!tpu.dma_semaphore, #tpu.memory_space<semaphore_mem>>, %arg14: memref<!tpu.dma_semaphore, #tpu.memory_space<semaphore_mem>>, %arg15: memref<!tpu.dma_semaphore, #tpu.memory_space<semaphore_mem>>, %arg16: memref<!tpu.dma_semaphore, #tpu.memory_space<semaphore_mem>>) attributes {dimension_semantics = [#tpu.dimension_semantics<core_parallel>, #tpu.dimension_semantics<subcore_parallel>], iteration_bounds = array<i64: 2, 16>, scalar_prefetch = 0 : i64, scratch_operands = 12 : i64, tpu.core_type = #tpu.core_type<sc_vector_subcore>, window_params = [{transform_indices = #map}, {transform_indices = #map1}, {transform_indices = #map}]} {
    %mul3A = arith.constant 2 : i32
    %mul3A_0 = arith.muli %arg1, %mul3A : i32
    %add3A = arith.addi %mul3A_0, %arg0 : i32
    %mul3A_1 = arith.constant 78 : i32
    %mul3A_2 = arith.muli %add3A, %mul3A_1 : i32
    %mul3A_3 = arith.constant 78 : i32
    %mul3A_4 = arith.muli %add3A, %mul3A_3 : i32
    %run_scoped3A = arith.constant 0 : i32
    "tpu.region"() ({
      %run_scoped3A_61 = tpu.sem_alloc : memref<!tpu.dma_semaphore, #tpu.memory_space<semaphore_mem>>
      %dma_start3A_62 = arith.constant 0 : i32
      %dma_start3A_63 = arith.constant 0 : i32
      %dma_start3A_64 = tpu.memref_slice %arg5[%dma_start3A_62, %dma_start3A_63] : memref<79x128xi32, #tpu.memory_space<vmem>> -> memref<78x128xi32, #tpu.memory_space<vmem>>
      %dma_start3A_65 = arith.constant 0 : i32
      %dma_start3A_66 = tpu.memref_slice %arg3[%run_scoped3A, %mul3A_4, %dma_start3A_65] : memref<2x2500x128xi32, #tpu.memory_space<hbm>> -> memref<1x78x128xi32, #tpu.memory_space<hbm>>
      %dma_start3A_67 = tpu.memref_squeeze %dma_start3A_66 : memref<1x78x128xi32, #tpu.memory_space<hbm>> -> memref<78x128xi32, #tpu.memory_space<hbm>>
      %dma_start3A_68 = arith.constant 0 : i32
      %dma_start3A_69 = arith.constant 0 : i32
      %dma_start3A_70 = tpu.memref_slice %arg5[%dma_start3A_68, %dma_start3A_69] : memref<79x128xi32, #tpu.memory_space<vmem>> -> memref<78x128xi32, #tpu.memory_space<vmem>>
      %dma_start3A_71 = arith.constant 0 : i32
      %dma_start3A_72 = tpu.memref_slice %arg3[%run_scoped3A, %mul3A_4, %dma_start3A_71] : memref<2x2500x128xi32, #tpu.memory_space<hbm>> -> memref<1x78x128xi32, #tpu.memory_space<hbm>>
      %dma_start3A_73 = tpu.memref_squeeze %dma_start3A_72 : memref<1x78x128xi32, #tpu.memory_space<hbm>> -> memref<78x128xi32, #tpu.memory_space<hbm>>
      tpu.enqueue_dma source(%dma_start3A_73 : memref<78x128xi32, #tpu.memory_space<hbm>>) target(%dma_start3A_70 : memref<78x128xi32, #tpu.memory_space<vmem>>) target_semaphore(%run_scoped3A_61 : memref<!tpu.dma_semaphore, #tpu.memory_space<semaphore_mem>>)
      %dma_wait3A_74 = arith.constant 0 : i32
      %dma_wait3A_75 = arith.constant 0 : i32
      %dma_wait3A_76 = tpu.memref_slice %arg5[%dma_wait3A_74, %dma_wait3A_75] : memref<79x128xi32, #tpu.memory_space<vmem>> -> memref<78x128xi32, #tpu.memory_space<vmem>>
      %dma_wait3A_77 = arith.constant 0 : i32
      %dma_wait3A_78 = tpu.memref_slice %arg3[%run_scoped3A, %mul3A_4, %dma_wait3A_77] : memref<2x2500x128xi32, #tpu.memory_space<hbm>> -> memref<1x78x128xi32, #tpu.memory_space<hbm>>
      %dma_wait3A_79 = tpu.memref_squeeze %dma_wait3A_78 : memref<1x78x128xi32, #tpu.memory_space<hbm>> -> memref<78x128xi32, #tpu.memory_space<hbm>>
      %dma_wait3A_80 = arith.constant 0 : i32
      %dma_wait3A_81 = arith.constant 0 : i32
      %dma_wait3A_82 = tpu.memref_slice %arg5[%dma_wait3A_80, %dma_wait3A_81] : memref<79x128xi32, #tpu.memory_space<vmem>> -> memref<78x128xi32, #tpu.memory_space<vmem>>
      %dma_wait3A_83 = arith.constant 0 : i32
      %dma_wait3A_84 = tpu.memref_slice %arg3[%run_scoped3A, %mul3A_4, %dma_wait3A_83] : memref<2x2500x128xi32, #tpu.memory_space<hbm>> -> memref<1x78x128xi32, #tpu.memory_space<hbm>>
      %dma_wait3A_85 = tpu.memref_squeeze %dma_wait3A_84 : memref<1x78x128xi32, #tpu.memory_space<hbm>> -> memref<78x128xi32, #tpu.memory_space<hbm>>
      tpu.wait_dma2 semaphore(%run_scoped3A_61 : memref<!tpu.dma_semaphore, #tpu.memory_space<semaphore_mem>>) src(%dma_wait3A_85 : memref<78x128xi32, #tpu.memory_space<hbm>>) dst(%dma_wait3A_82 : memref<78x128xi32, #tpu.memory_space<vmem>>)
      tpu.yield
    }) : () -> ()
    %run_scoped3A_5 = arith.constant 1 : i32
    "tpu.region"() ({
      %run_scoped3A_61 = tpu.sem_alloc : memref<!tpu.dma_semaphore, #tpu.memory_space<semaphore_mem>>
      %dma_start3A_62 = arith.constant 0 : i32
      %dma_start3A_63 = arith.constant 0 : i32
      %dma_start3A_64 = tpu.memref_slice %arg6[%dma_start3A_62, %dma_start3A_63] : memref<79x128xi32, #tpu.memory_space<vmem>> -> memref<78x128xi32, #tpu.memory_space<vmem>>
      %dma_start3A_65 = arith.constant 0 : i32
      %dma_start3A_66 = tpu.memref_slice %arg3[%run_scoped3A_5, %mul3A_4, %dma_start3A_65] : memref<2x2500x128xi32, #tpu.memory_space<hbm>> -> memref<1x78x128xi32, #tpu.memory_space<hbm>>
      %dma_start3A_67 = tpu.memref_squeeze %dma_start3A_66 : memref<1x78x128xi32, #tpu.memory_space<hbm>> -> memref<78x128xi32, #tpu.memory_space<hbm>>
      %dma_start3A_68 = arith.constant 0 : i32
      %dma_start3A_69 = arith.constant 0 : i32
      %dma_start3A_70 = tpu.memref_slice %arg6[%dma_start3A_68, %dma_start3A_69] : memref<79x128xi32, #tpu.memory_space<vmem>> -> memref<78x128xi32, #tpu.memory_space<vmem>>
      %dma_start3A_71 = arith.constant 0 : i32
      %dma_start3A_72 = tpu.memref_slice %arg3[%run_scoped3A_5, %mul3A_4, %dma_start3A_71] : memref<2x2500x128xi32, #tpu.memory_space<hbm>> -> memref<1x78x128xi32, #tpu.memory_space<hbm>>
      %dma_start3A_73 = tpu.memref_squeeze %dma_start3A_72 : memref<1x78x128xi32, #tpu.memory_space<hbm>> -> memref<78x128xi32, #tpu.memory_space<hbm>>
      tpu.enqueue_dma source(%dma_start3A_73 : memref<78x128xi32, #tpu.memory_space<hbm>>) target(%dma_start3A_70 : memref<78x128xi32, #tpu.memory_space<vmem>>) target_semaphore(%run_scoped3A_61 : memref<!tpu.dma_semaphore, #tpu.memory_space<semaphore_mem>>)
      %dma_wait3A_74 = arith.constant 0 : i32
      %dma_wait3A_75 = arith.constant 0 : i32
      %dma_wait3A_76 = tpu.memref_slice %arg6[%dma_wait3A_74, %dma_wait3A_75] : memref<79x128xi32, #tpu.memory_space<vmem>> -> memref<78x128xi32, #tpu.memory_space<vmem>>
      %dma_wait3A_77 = arith.constant 0 : i32
      %dma_wait3A_78 = tpu.memref_slice %arg3[%run_scoped3A_5, %mul3A_4, %dma_wait3A_77] : memref<2x2500x128xi32, #tpu.memory_space<hbm>> -> memref<1x78x128xi32, #tpu.memory_space<hbm>>
      %dma_wait3A_79 = tpu.memref_squeeze %dma_wait3A_78 : memref<1x78x128xi32, #tpu.memory_space<hbm>> -> memref<78x128xi32, #tpu.memory_space<hbm>>
      %dma_wait3A_80 = arith.constant 0 : i32
      %dma_wait3A_81 = arith.constant 0 : i32
      %dma_wait3A_82 = tpu.memref_slice %arg6[%dma_wait3A_80, %dma_wait3A_81] : memref<79x128xi32, #tpu.memory_space<vmem>> -> memref<78x128xi32, #tpu.memory_space<vmem>>
      %dma_wait3A_83 = arith.constant 0 : i32
      %dma_wait3A_84 = tpu.memref_slice %arg3[%run_scoped3A_5, %mul3A_4, %dma_wait3A_83] : memref<2x2500x128xi32, #tpu.memory_space<hbm>> -> memref<1x78x128xi32, #tpu.memory_space<hbm>>
      %dma_wait3A_85 = tpu.memref_squeeze %dma_wait3A_84 : memref<1x78x128xi32, #tpu.memory_space<hbm>> -> memref<78x128xi32, #tpu.memory_space<hbm>>
      tpu.wait_dma2 semaphore(%run_scoped3A_61 : memref<!tpu.dma_semaphore, #tpu.memory_space<semaphore_mem>>) src(%dma_wait3A_85 : memref<78x128xi32, #tpu.memory_space<hbm>>) dst(%dma_wait3A_82 : memref<78x128xi32, #tpu.memory_space<vmem>>)
      tpu.yield
    }) : () -> ()
    %lt3A = arith.constant 4 : i32
    %lt3A_6 = arith.cmpi slt, %add3A, %lt3A : i32
    %convert_element_type3A = arith.extui %lt3A_6 : i1 to i32
    %cond3A = arith.constant 0 : i32
    %cond3A_7 = arith.cmpi ne, %convert_element_type3A, %cond3A : i32
    scf.if %cond3A_7 {
      %add3A_61 = arith.constant 2496 : i32
      %add3A_62 = arith.addi %add3A_61, %add3A : i32
      %run_scoped3A_63 = arith.constant 0 : i32
      "tpu.region"() ({
        %run_scoped3A_65 = tpu.sem_alloc : memref<!tpu.dma_semaphore, #tpu.memory_space<semaphore_mem>>
        %dma_start3A_66 = arith.constant 78 : i32
        %dma_start3A_67 = arith.constant 0 : i32
        %dma_start3A_68 = tpu.memref_slice %arg5[%dma_start3A_66, %dma_start3A_67] : memref<79x128xi32, #tpu.memory_space<vmem>> -> memref<1x128xi32, #tpu.memory_space<vmem>>
        %dma_start3A_69 = arith.constant 0 : i32
        %dma_start3A_70 = tpu.memref_slice %arg3[%run_scoped3A_63, %add3A_62, %dma_start3A_69] : memref<2x2500x128xi32, #tpu.memory_space<hbm>> -> memref<1x1x128xi32, #tpu.memory_space<hbm>>
        %dma_start3A_71 = tpu.memref_squeeze %dma_start3A_70 : memref<1x1x128xi32, #tpu.memory_space<hbm>> -> memref<1x128xi32, #tpu.memory_space<hbm>>
        %dma_start3A_72 = arith.constant 78 : i32
        %dma_start3A_73 = arith.constant 0 : i32
        %dma_start3A_74 = tpu.memref_slice %arg5[%dma_start3A_72, %dma_start3A_73] : memref<79x128xi32, #tpu.memory_space<vmem>> -> memref<1x128xi32, #tpu.memory_space<vmem>>
        %dma_start3A_75 = arith.constant 0 : i32
        %dma_start3A_76 = tpu.memref_slice %arg3[%run_scoped3A_63, %add3A_62, %dma_start3A_75] : memref<2x2500x128xi32, #tpu.memory_space<hbm>> -> memref<1x1x128xi32, #tpu.memory_space<hbm>>
        %dma_start3A_77 = tpu.memref_squeeze %dma_start3A_76 : memref<1x1x128xi32, #tpu.memory_space<hbm>> -> memref<1x128xi32, #tpu.memory_space<hbm>>
        tpu.enqueue_dma source(%dma_start3A_77 : memref<1x128xi32, #tpu.memory_space<hbm>>) target(%dma_start3A_74 : memref<1x128xi32, #tpu.memory_space<vmem>>) target_semaphore(%run_scoped3A_65 : memref<!tpu.dma_semaphore, #tpu.memory_space<semaphore_mem>>)
        %dma_wait3A_78 = arith.constant 78 : i32
        %dma_wait3A_79 = arith.constant 0 : i32
        %dma_wait3A_80 = tpu.memref_slice %arg5[%dma_wait3A_78, %dma_wait3A_79] : memref<79x128xi32, #tpu.memory_space<vmem>> -> memref<1x128xi32, #tpu.memory_space<vmem>>
        %dma_wait3A_81 = arith.constant 0 : i32
        %dma_wait3A_82 = tpu.memref_slice %arg3[%run_scoped3A_63, %add3A_62, %dma_wait3A_81] : memref<2x2500x128xi32, #tpu.memory_space<hbm>> -> memref<1x1x128xi32, #tpu.memory_space<hbm>>
        %dma_wait3A_83 = tpu.memref_squeeze %dma_wait3A_82 : memref<1x1x128xi32, #tpu.memory_space<hbm>> -> memref<1x128xi32, #tpu.memory_space<hbm>>
        %dma_wait3A_84 = arith.constant 78 : i32
        %dma_wait3A_85 = arith.constant 0 : i32
        %dma_wait3A_86 = tpu.memref_slice %arg5[%dma_wait3A_84, %dma_wait3A_85] : memref<79x128xi32, #tpu.memory_space<vmem>> -> memref<1x128xi32, #tpu.memory_space<vmem>>
        %dma_wait3A_87 = arith.constant 0 : i32
        %dma_wait3A_88 = tpu.memref_slice %arg3[%run_scoped3A_63, %add3A_62, %dma_wait3A_87] : memref<2x2500x128xi32, #tpu.memory_space<hbm>> -> memref<1x1x128xi32, #tpu.memory_space<hbm>>
        %dma_wait3A_89 = tpu.memref_squeeze %dma_wait3A_88 : memref<1x1x128xi32, #tpu.memory_space<hbm>> -> memref<1x128xi32, #tpu.memory_space<hbm>>
        tpu.wait_dma2 semaphore(%run_scoped3A_65 : memref<!tpu.dma_semaphore, #tpu.memory_space<semaphore_mem>>) src(%dma_wait3A_89 : memref<1x128xi32, #tpu.memory_space<hbm>>) dst(%dma_wait3A_86 : memref<1x128xi32, #tpu.memory_space<vmem>>)
        tpu.yield
      }) : () -> ()
      %run_scoped3A_64 = arith.constant 1 : i32
      "tpu.region"() ({
        %run_scoped3A_65 = tpu.sem_alloc : memref<!tpu.dma_semaphore, #tpu.memory_space<semaphore_mem>>
        %dma_start3A_66 = arith.constant 78 : i32
        %dma_start3A_67 = arith.constant 0 : i32
        %dma_start3A_68 = tpu.memref_slice %arg6[%dma_start3A_66, %dma_start3A_67] : memref<79x128xi32, #tpu.memory_space<vmem>> -> memref<1x128xi32, #tpu.memory_space<vmem>>
        %dma_start3A_69 = arith.constant 0 : i32
        %dma_start3A_70 = tpu.memref_slice %arg3[%run_scoped3A_64, %add3A_62, %dma_start3A_69] : memref<2x2500x128xi32, #tpu.memory_space<hbm>> -> memref<1x1x128xi32, #tpu.memory_space<hbm>>
        %dma_start3A_71 = tpu.memref_squeeze %dma_start3A_70 : memref<1x1x128xi32, #tpu.memory_space<hbm>> -> memref<1x128xi32, #tpu.memory_space<hbm>>
        %dma_start3A_72 = arith.constant 78 : i32
        %dma_start3A_73 = arith.constant 0 : i32
        %dma_start3A_74 = tpu.memref_slice %arg6[%dma_start3A_72, %dma_start3A_73] : memref<79x128xi32, #tpu.memory_space<vmem>> -> memref<1x128xi32, #tpu.memory_space<vmem>>
        %dma_start3A_75 = arith.constant 0 : i32
        %dma_start3A_76 = tpu.memref_slice %arg3[%run_scoped3A_64, %add3A_62, %dma_start3A_75] : memref<2x2500x128xi32, #tpu.memory_space<hbm>> -> memref<1x1x128xi32, #tpu.memory_space<hbm>>
        %dma_start3A_77 = tpu.memref_squeeze %dma_start3A_76 : memref<1x1x128xi32, #tpu.memory_space<hbm>> -> memref<1x128xi32, #tpu.memory_space<hbm>>
        tpu.enqueue_dma source(%dma_start3A_77 : memref<1x128xi32, #tpu.memory_space<hbm>>) target(%dma_start3A_74 : memref<1x128xi32, #tpu.memory_space<vmem>>) target_semaphore(%run_scoped3A_65 : memref<!tpu.dma_semaphore, #tpu.memory_space<semaphore_mem>>)
        %dma_wait3A_78 = arith.constant 78 : i32
        %dma_wait3A_79 = arith.constant 0 : i32
        %dma_wait3A_80 = tpu.memref_slice %arg6[%dma_wait3A_78, %dma_wait3A_79] : memref<79x128xi32, #tpu.memory_space<vmem>> -> memref<1x128xi32, #tpu.memory_space<vmem>>
        %dma_wait3A_81 = arith.constant 0 : i32
        %dma_wait3A_82 = tpu.memref_slice %arg3[%run_scoped3A_64, %add3A_62, %dma_wait3A_81] : memref<2x2500x128xi32, #tpu.memory_space<hbm>> -> memref<1x1x128xi32, #tpu.memory_space<hbm>>
        %dma_wait3A_83 = tpu.memref_squeeze %dma_wait3A_82 : memref<1x1x128xi32, #tpu.memory_space<hbm>> -> memref<1x128xi32, #tpu.memory_space<hbm>>
        %dma_wait3A_84 = arith.constant 78 : i32
        %dma_wait3A_85 = arith.constant 0 : i32
        %dma_wait3A_86 = tpu.memref_slice %arg6[%dma_wait3A_84, %dma_wait3A_85] : memref<79x128xi32, #tpu.memory_space<vmem>> -> memref<1x128xi32, #tpu.memory_space<vmem>>
        %dma_wait3A_87 = arith.constant 0 : i32
        %dma_wait3A_88 = tpu.memref_slice %arg3[%run_scoped3A_64, %add3A_62, %dma_wait3A_87] : memref<2x2500x128xi32, #tpu.memory_space<hbm>> -> memref<1x1x128xi32, #tpu.memory_space<hbm>>
        %dma_wait3A_89 = tpu.memref_squeeze %dma_wait3A_88 : memref<1x1x128xi32, #tpu.memory_space<hbm>> -> memref<1x128xi32, #tpu.memory_space<hbm>>
        tpu.wait_dma2 semaphore(%run_scoped3A_65 : memref<!tpu.dma_semaphore, #tpu.memory_space<semaphore_mem>>) src(%dma_wait3A_89 : memref<1x128xi32, #tpu.memory_space<hbm>>) dst(%dma_wait3A_86 : memref<1x128xi32, #tpu.memory_space<vmem>>)
        tpu.yield
      }) : () -> ()
    } else {
    }
    %lt3A_8 = arith.constant 4 : i32
    %lt3A_9 = arith.cmpi slt, %add3A, %lt3A_8 : i32
    %jit3A = arith.constant 1 : i32
    %jit3A_10 = arith.constant 0 : i32
    %select_n3A = arith.select %lt3A_9, %jit3A, %jit3A_10 : i32
    %add3A_11 = arith.constant 78 : i32
    %add3A_12 = arith.addi %add3A_11, %select_n3A : i32
    %broadcast_in_dim3A = arith.constant 0.000000e+00 : bf16
    %broadcast_in_dim3A_13 = vector.broadcast %broadcast_in_dim3A : bf16 to vector<32xbf16>
    %dma_start3A = arith.constant 0 : i32
    %dma_start3A_14 = arith.constant 0 : i32
    %dma_start3A_15 = tpu.memref_slice %arg5[%dma_start3A, %dma_start3A_14] : memref<79x128xi32, #tpu.memory_space<vmem>> -> memref<1x128xi32, #tpu.memory_space<vmem>>
    %dma_start3A_16 = tpu.memref_squeeze %dma_start3A_15 : memref<1x128xi32, #tpu.memory_space<vmem>> -> memref<128xi32, #tpu.memory_space<vmem>>
    %dma_start3A_17 = arith.constant 0 : i32
    %dma_start3A_18 = arith.constant 0 : i32
    %dma_start3A_19 = tpu.memref_slice %arg2[%dma_start3A_17, %dma_start3A_18] : memref<10000x64xbf16, #tpu.memory_space<hbm>> -> memref<10000x64xbf16, #tpu.memory_space<hbm>>
    tpu.enqueue_indirect_dma source(%dma_start3A_19 : memref<10000x64xbf16, #tpu.memory_space<hbm>>) target(%arg7 : memref<128x64xbf16, #tpu.memory_space<vmem>>) offsets(%dma_start3A_16 : memref<128xi32, #tpu.memory_space<vmem>>) semaphore(%arg13 : memref<!tpu.dma_semaphore, #tpu.memory_space<semaphore_mem>>)
    %dma_start3A_20 = arith.constant 0 : i32
    %dma_start3A_21 = arith.constant 0 : i32
    %dma_start3A_22 = tpu.memref_slice %arg6[%dma_start3A_20, %dma_start3A_21] : memref<79x128xi32, #tpu.memory_space<vmem>> -> memref<1x128xi32, #tpu.memory_space<vmem>>
    %dma_start3A_23 = tpu.memref_squeeze %dma_start3A_22 : memref<1x128xi32, #tpu.memory_space<vmem>> -> memref<128xi32, #tpu.memory_space<vmem>>
    %dma_start3A_24 = arith.constant 0 : i32
    %dma_start3A_25 = arith.constant 0 : i32
    %dma_start3A_26 = tpu.memref_slice %arg2[%dma_start3A_24, %dma_start3A_25] : memref<10000x64xbf16, #tpu.memory_space<hbm>> -> memref<10000x64xbf16, #tpu.memory_space<hbm>>
    tpu.enqueue_indirect_dma source(%dma_start3A_26 : memref<10000x64xbf16, #tpu.memory_space<hbm>>) target(%arg9 : memref<128x64xbf16, #tpu.memory_space<vmem>>) offsets(%dma_start3A_23 : memref<128xi32, #tpu.memory_space<vmem>>) semaphore(%arg13 : memref<!tpu.dma_semaphore, #tpu.memory_space<semaphore_mem>>)
    %dma_start3A_27 = arith.constant 1 : i32
    %dma_start3A_28 = arith.constant 0 : i32
    %dma_start3A_29 = tpu.memref_slice %arg5[%dma_start3A_27, %dma_start3A_28] : memref<79x128xi32, #tpu.memory_space<vmem>> -> memref<1x128xi32, #tpu.memory_space<vmem>>
    %dma_start3A_30 = tpu.memref_squeeze %dma_start3A_29 : memref<1x128xi32, #tpu.memory_space<vmem>> -> memref<128xi32, #tpu.memory_space<vmem>>
    %dma_start3A_31 = arith.constant 0 : i32
    %dma_start3A_32 = arith.constant 0 : i32
    %dma_start3A_33 = tpu.memref_slice %arg2[%dma_start3A_31, %dma_start3A_32] : memref<10000x64xbf16, #tpu.memory_space<hbm>> -> memref<10000x64xbf16, #tpu.memory_space<hbm>>
    tpu.enqueue_indirect_dma source(%dma_start3A_33 : memref<10000x64xbf16, #tpu.memory_space<hbm>>) target(%arg8 : memref<128x64xbf16, #tpu.memory_space<vmem>>) offsets(%dma_start3A_30 : memref<128xi32, #tpu.memory_space<vmem>>) semaphore(%arg14 : memref<!tpu.dma_semaphore, #tpu.memory_space<semaphore_mem>>)
    %dma_start3A_34 = arith.constant 1 : i32
    %dma_start3A_35 = arith.constant 0 : i32
    %dma_start3A_36 = tpu.memref_slice %arg6[%dma_start3A_34, %dma_start3A_35] : memref<79x128xi32, #tpu.memory_space<vmem>> -> memref<1x128xi32, #tpu.memory_space<vmem>>
    %dma_start3A_37 = tpu.memref_squeeze %dma_start3A_36 : memref<1x128xi32, #tpu.memory_space<vmem>> -> memref<128xi32, #tpu.memory_space<vmem>>
    %dma_start3A_38 = arith.constant 0 : i32
    %dma_start3A_39 = arith.constant 0 : i32
    %dma_start3A_40 = tpu.memref_slice %arg2[%dma_start3A_38, %dma_start3A_39] : memref<10000x64xbf16, #tpu.memory_space<hbm>> -> memref<10000x64xbf16, #tpu.memory_space<hbm>>
    tpu.enqueue_indirect_dma source(%dma_start3A_40 : memref<10000x64xbf16, #tpu.memory_space<hbm>>) target(%arg10 : memref<128x64xbf16, #tpu.memory_space<vmem>>) offsets(%dma_start3A_37 : memref<128xi32, #tpu.memory_space<vmem>>) semaphore(%arg14 : memref<!tpu.dma_semaphore, #tpu.memory_space<semaphore_mem>>)
    %scan3A = arith.constant 0 : i32
    %scan3A_41 = arith.constant 0 : i32
    %scan3A_42 = arith.constant 39 : i32
    %scan3A_43 = arith.addi %scan3A_41, %scan3A_42 : i32
    %scan3A_44 = arith.constant 1 : i32
    scf.for %scan3A_61 = %scan3A_41 to %scan3A_43 step %scan3A_44  : i32 {
      %mul3A_62 = arith.constant 2 : i32
      %mul3A_63 = arith.muli %mul3A_62, %scan3A_61 : i32
      %add3A_64 = arith.constant 1 : i32
      %add3A_65 = arith.addi %mul3A_63, %add3A_64 : i32
      %dma_wait3A_66 = arith.constant 0 : i32
      %dma_wait3A_67 = arith.constant 0 : i32
      %dma_wait3A_68 = tpu.memref_slice %arg5[%dma_wait3A_66, %dma_wait3A_67] : memref<79x128xi32, #tpu.memory_space<vmem>> -> memref<1x128xi32, #tpu.memory_space<vmem>>
      %dma_wait3A_69 = tpu.memref_squeeze %dma_wait3A_68 : memref<1x128xi32, #tpu.memory_space<vmem>> -> memref<128xi32, #tpu.memory_space<vmem>>
      %dma_wait3A_70 = arith.constant 0 : i32
      %dma_wait3A_71 = arith.constant 0 : i32
      %dma_wait3A_72 = tpu.memref_slice %arg2[%dma_wait3A_70, %dma_wait3A_71] : memref<10000x64xbf16, #tpu.memory_space<hbm>> -> memref<10000x64xbf16, #tpu.memory_space<hbm>>
      tpu.wait_indirect_dma semaphore(%arg13 : memref<!tpu.dma_semaphore, #tpu.memory_space<semaphore_mem>>) src(%dma_wait3A_72 : memref<10000x64xbf16, #tpu.memory_space<hbm>>) dst(%arg7 : memref<128x64xbf16, #tpu.memory_space<vmem>>)
      %dma_wait3A_73 = arith.constant 0 : i32
      %dma_wait3A_74 = arith.constant 0 : i32
      %dma_wait3A_75 = tpu.memref_slice %arg6[%dma_wait3A_73, %dma_wait3A_74] : memref<79x128xi32, #tpu.memory_space<vmem>> -> memref<1x128xi32, #tpu.memory_space<vmem>>
      %dma_wait3A_76 = tpu.memref_squeeze %dma_wait3A_75 : memref<1x128xi32, #tpu.memory_space<vmem>> -> memref<128xi32, #tpu.memory_space<vmem>>
      %dma_wait3A_77 = arith.constant 0 : i32
      %dma_wait3A_78 = arith.constant 0 : i32
      %dma_wait3A_79 = tpu.memref_slice %arg2[%dma_wait3A_77, %dma_wait3A_78] : memref<10000x64xbf16, #tpu.memory_space<hbm>> -> memref<10000x64xbf16, #tpu.memory_space<hbm>>
      tpu.wait_indirect_dma semaphore(%arg13 : memref<!tpu.dma_semaphore, #tpu.memory_space<semaphore_mem>>) src(%dma_wait3A_79 : memref<10000x64xbf16, #tpu.memory_space<hbm>>) dst(%arg9 : memref<128x64xbf16, #tpu.memory_space<vmem>>)
      %gt3A_80 = arith.constant 0 : i32
      %gt3A_81 = arith.cmpi sgt, %scan3A_61, %gt3A_80 : i32
      %convert_element_type3A_82 = arith.extui %gt3A_81 : i1 to i32
      %cond3A_83 = arith.constant 0 : i32
      %cond3A_84 = arith.cmpi ne, %convert_element_type3A_82, %cond3A_83 : i32
      scf.if %cond3A_84 {
        %dma_wait3A_145 = arith.constant 0 : i32
        %dma_wait3A_146 = arith.constant 0 : i32
        %dma_wait3A_147 = tpu.memref_slice %arg4[%dma_wait3A_145, %dma_wait3A_146] : memref<320000x32xbf16, #tpu.memory_space<hbm>> -> memref<128x32xbf16, #tpu.memory_space<hbm>>
        %dma_wait3A_148 = arith.constant 0 : i32
        %dma_wait3A_149 = arith.constant 0 : i32
        %dma_wait3A_150 = tpu.memref_slice %arg4[%dma_wait3A_148, %dma_wait3A_149] : memref<320000x32xbf16, #tpu.memory_space<hbm>> -> memref<128x32xbf16, #tpu.memory_space<hbm>>
        tpu.wait_dma2 semaphore(%arg15 : memref<!tpu.dma_semaphore, #tpu.memory_space<semaphore_mem>>) src(%arg11 : memref<128x32xbf16, #tpu.memory_space<vmem>>) dst(%dma_wait3A_150 : memref<128x32xbf16, #tpu.memory_space<hbm>>)
      } else {
      }
      %parallel_loop3A = arith.constant 0 : i32
      %parallel_loop3A_85 = arith.constant 128 : i32
      %parallel_loop3A_86 = arith.constant 1 : i32
      scf.for %parallel_loop3A_145 = %parallel_loop3A to %parallel_loop3A_85 step %parallel_loop3A_86  : i32 {
        %parallel_loop3A_146 = arith.index_cast %parallel_loop3A_145 : i32 to index
        %parallel_loop3A_147 = arith.constant 0 : index
        %parallel_loop3A_148 = tpu.vector_load %arg7[%parallel_loop3A_146, %parallel_loop3A_147] {strides = array<i32>} : memref<128x64xbf16, #tpu.memory_space<vmem>>, vector<1x32xbf16>,
        %parallel_loop3A_149 = vector.shape_cast %parallel_loop3A_148 : vector<1x32xbf16> to vector<32xbf16>
        %parallel_loop3A_150 = arith.index_cast %parallel_loop3A_145 : i32 to index
        %parallel_loop3A_151 = arith.constant 32 : index
        %parallel_loop3A_152 = tpu.vector_load %arg9[%parallel_loop3A_150, %parallel_loop3A_151] {strides = array<i32>} : memref<128x64xbf16, #tpu.memory_space<vmem>>, vector<1x32xbf16>,
        %parallel_loop3A_153 = vector.shape_cast %parallel_loop3A_152 : vector<1x32xbf16> to vector<32xbf16>
        %parallel_loop3A_154 = arith.addf %parallel_loop3A_149, %parallel_loop3A_153 : vector<32xbf16>
        %parallel_loop3A_155 = arith.maximumf %parallel_loop3A_154, %broadcast_in_dim3A_13 : vector<32xbf16>
        %parallel_loop3A_156 = arith.index_cast %parallel_loop3A_145 : i32 to index
        %parallel_loop3A_157 = arith.constant 0 : index
        %parallel_loop3A_158 = tpu.vector_load %arg9[%parallel_loop3A_156, %parallel_loop3A_157] {strides = array<i32>} : memref<128x64xbf16, #tpu.memory_space<vmem>>, vector<1x32xbf16>,
        %parallel_loop3A_159 = vector.shape_cast %parallel_loop3A_158 : vector<1x32xbf16> to vector<32xbf16>
        %parallel_loop3A_160 = arith.index_cast %parallel_loop3A_145 : i32 to index
        %parallel_loop3A_161 = arith.constant 32 : index
        %parallel_loop3A_162 = tpu.vector_load %arg7[%parallel_loop3A_160, %parallel_loop3A_161] {strides = array<i32>} : memref<128x64xbf16, #tpu.memory_space<vmem>>, vector<1x32xbf16>,
        %parallel_loop3A_163 = vector.shape_cast %parallel_loop3A_162 : vector<1x32xbf16> to vector<32xbf16>
        %parallel_loop3A_164 = arith.addf %parallel_loop3A_159, %parallel_loop3A_163 : vector<32xbf16>
        %parallel_loop3A_165 = arith.maximumf %parallel_loop3A_164, %broadcast_in_dim3A_13 : vector<32xbf16>
        %parallel_loop3A_166 = arith.addf %parallel_loop3A_155, %parallel_loop3A_165 : vector<32xbf16>
        %parallel_loop3A_167 = arith.index_cast %parallel_loop3A_145 : i32 to index
        %parallel_loop3A_168 = arith.constant 0 : index
        %parallel_loop3A_169 = tpu.vector_load %arg11[%parallel_loop3A_167, %parallel_loop3A_168] {strides = array<i32>} : memref<128x32xbf16, #tpu.memory_space<vmem>>, vector<1x32xbf16>,
        %parallel_loop3A_170 = vector.shape_cast %parallel_loop3A_169 : vector<1x32xbf16> to vector<32xbf16>
        %parallel_loop3A_171 = vector.shape_cast %parallel_loop3A_166 : vector<32xbf16> to vector<1x32xbf16>
        tpu.vector_store %arg11[%parallel_loop3A_167, %parallel_loop3A_168], %parallel_loop3A_171 {strides = array<i32>} : memref<128x32xbf16, #tpu.memory_space<vmem>>, vector<1x32xbf16>,
      } {sc.loop_unroll_factor = 8 : i64, sc.parallel_access}
      %lt3A_87 = arith.constant 78 : i32
      %lt3A_88 = arith.cmpi slt, %mul3A_63, %lt3A_87 : i32
      %add3A_89 = arith.addi %mul3A_2, %mul3A_63 : i32
      %add3A_90 = arith.constant 2496 : i32
      %add3A_91 = arith.addi %add3A_90, %add3A : i32
      %select_n3A_92 = arith.select %lt3A_88, %add3A_89, %add3A_91 : i32
      %mul3A_93 = arith.constant 128 : i32
      %mul3A_94 = arith.muli %select_n3A_92, %mul3A_93 : i32
      %dma_start3A_95 = arith.constant 0 : i32
      %dma_start3A_96 = tpu.memref_slice %arg4[%mul3A_94, %dma_start3A_95] : memref<320000x32xbf16, #tpu.memory_space<hbm>> -> memref<128x32xbf16, #tpu.memory_space<hbm>>
      %dma_start3A_97 = arith.constant 0 : i32
      %dma_start3A_98 = tpu.memref_slice %arg4[%mul3A_94, %dma_start3A_97] : memref<320000x32xbf16, #tpu.memory_space<hbm>> -> memref<128x32xbf16, #tpu.memory_space<hbm>>
      tpu.enqueue_dma source(%arg11 : memref<128x32xbf16, #tpu.memory_space<vmem>>) target(%dma_start3A_98 : memref<128x32xbf16, #tpu.memory_space<hbm>>) target_semaphore(%arg15 : memref<!tpu.dma_semaphore, #tpu.memory_space<semaphore_mem>>)
      %add3A_99 = arith.constant 2 : i32
      %add3A_100 = arith.addi %mul3A_63, %add3A_99 : i32
      %lt3A_101 = arith.cmpi slt, %add3A_100, %add3A_12 : i32
      %convert_element_type3A_102 = arith.extui %lt3A_101 : i1 to i32
      %cond3A_103 = arith.constant 0 : i32
      %cond3A_104 = arith.cmpi ne, %convert_element_type3A_102, %cond3A_103 : i32
      scf.if %cond3A_104 {
        %add3A_145 = arith.constant 2 : i32
        %add3A_146 = arith.addi %mul3A_63, %add3A_145 : i32
        %dma_start3A_147 = arith.constant 0 : i32
        %dma_start3A_148 = tpu.memref_slice %arg5[%add3A_146, %dma_start3A_147] : memref<79x128xi32, #tpu.memory_space<vmem>> -> memref<1x128xi32, #tpu.memory_space<vmem>>
        %dma_start3A_149 = tpu.memref_squeeze %dma_start3A_148 : memref<1x128xi32, #tpu.memory_space<vmem>> -> memref<128xi32, #tpu.memory_space<vmem>>
        %dma_start3A_150 = arith.constant 0 : i32
        %dma_start3A_151 = arith.constant 0 : i32
        %dma_start3A_152 = tpu.memref_slice %arg2[%dma_start3A_150, %dma_start3A_151] : memref<10000x64xbf16, #tpu.memory_space<hbm>> -> memref<10000x64xbf16, #tpu.memory_space<hbm>>
        tpu.enqueue_indirect_dma source(%dma_start3A_152 : memref<10000x64xbf16, #tpu.memory_space<hbm>>) target(%arg7 : memref<128x64xbf16, #tpu.memory_space<vmem>>) offsets(%dma_start3A_149 : memref<128xi32, #tpu.memory_space<vmem>>) semaphore(%arg13 : memref<!tpu.dma_semaphore, #tpu.memory_space<semaphore_mem>>)
        %dma_start3A_153 = arith.constant 0 : i32
        %dma_start3A_154 = tpu.memref_slice %arg6[%add3A_146, %dma_start3A_153] : memref<79x128xi32, #tpu.memory_space<vmem>> -> memref<1x128xi32, #tpu.memory_space<vmem>>
        %dma_start3A_155 = tpu.memref_squeeze %dma_start3A_154 : memref<1x128xi32, #tpu.memory_space<vmem>> -> memref<128xi32, #tpu.memory_space<vmem>>
        %dma_start3A_156 = arith.constant 0 : i32
        %dma_start3A_157 = arith.constant 0 : i32
        %dma_start3A_158 = tpu.memref_slice %arg2[%dma_start3A_156, %dma_start3A_157] : memref<10000x64xbf16, #tpu.memory_space<hbm>> -> memref<10000x64xbf16, #tpu.memory_space<hbm>>
        tpu.enqueue_indirect_dma source(%dma_start3A_158 : memref<10000x64xbf16, #tpu.memory_space<hbm>>) target(%arg9 : memref<128x64xbf16, #tpu.memory_space<vmem>>) offsets(%dma_start3A_155 : memref<128xi32, #tpu.memory_space<vmem>>) semaphore(%arg13 : memref<!tpu.dma_semaphore, #tpu.memory_space<semaphore_mem>>)
      } else {
      }
      %dma_wait3A_105 = arith.constant 0 : i32
      %dma_wait3A_106 = arith.constant 0 : i32
      %dma_wait3A_107 = tpu.memref_slice %arg5[%dma_wait3A_105, %dma_wait3A_106] : memref<79x128xi32, #tpu.memory_space<vmem>> -> memref<1x128xi32, #tpu.memory_space<vmem>>
      %dma_wait3A_108 = tpu.memref_squeeze %dma_wait3A_107 : memref<1x128xi32, #tpu.memory_space<vmem>> -> memref<128xi32, #tpu.memory_space<vmem>>
      %dma_wait3A_109 = arith.constant 0 : i32
      %dma_wait3A_110 = arith.constant 0 : i32
      %dma_wait3A_111 = tpu.memref_slice %arg2[%dma_wait3A_109, %dma_wait3A_110] : memref<10000x64xbf16, #tpu.memory_space<hbm>> -> memref<10000x64xbf16, #tpu.memory_space<hbm>>
      tpu.wait_indirect_dma semaphore(%arg14 : memref<!tpu.dma_semaphore, #tpu.memory_space<semaphore_mem>>) src(%dma_wait3A_111 : memref<10000x64xbf16, #tpu.memory_space<hbm>>) dst(%arg8 : memref<128x64xbf16, #tpu.memory_space<vmem>>)
      %dma_wait3A_112 = arith.constant 0 : i32
      %dma_wait3A_113 = arith.constant 0 : i32
      %dma_wait3A_114 = tpu.memref_slice %arg6[%dma_wait3A_112, %dma_wait3A_113] : memref<79x128xi32, #tpu.memory_space<vmem>> -> memref<1x128xi32, #tpu.memory_space<vmem>>
      %dma_wait3A_115 = tpu.memref_squeeze %dma_wait3A_114 : memref<1x128xi32, #tpu.memory_space<vmem>> -> memref<128xi32, #tpu.memory_space<vmem>>
      %dma_wait3A_116 = arith.constant 0 : i32
      %dma_wait3A_117 = arith.constant 0 : i32
      %dma_wait3A_118 = tpu.memref_slice %arg2[%dma_wait3A_116, %dma_wait3A_117] : memref<10000x64xbf16, #tpu.memory_space<hbm>> -> memref<10000x64xbf16, #tpu.memory_space<hbm>>
      tpu.wait_indirect_dma semaphore(%arg14 : memref<!tpu.dma_semaphore, #tpu.memory_space<semaphore_mem>>) src(%dma_wait3A_118 : memref<10000x64xbf16, #tpu.memory_space<hbm>>) dst(%arg10 : memref<128x64xbf16, #tpu.memory_space<vmem>>)
      %gt3A_119 = arith.constant 0 : i32
      %gt3A_120 = arith.cmpi sgt, %scan3A_61, %gt3A_119 : i32
      %convert_element_type3A_121 = arith.extui %gt3A_120 : i1 to i32
      %cond3A_122 = arith.constant 0 : i32
      %cond3A_123 = arith.cmpi ne, %convert_element_type3A_121, %cond3A_122 : i32
      scf.if %cond3A_123 {
        %dma_wait3A_145 = arith.constant 0 : i32
        %dma_wait3A_146 = arith.constant 0 : i32
        %dma_wait3A_147 = tpu.memref_slice %arg4[%dma_wait3A_145, %dma_wait3A_146] : memref<320000x32xbf16, #tpu.memory_space<hbm>> -> memref<128x32xbf16, #tpu.memory_space<hbm>>
        %dma_wait3A_148 = arith.constant 0 : i32
        %dma_wait3A_149 = arith.constant 0 : i32
        %dma_wait3A_150 = tpu.memref_slice %arg4[%dma_wait3A_148, %dma_wait3A_149] : memref<320000x32xbf16, #tpu.memory_space<hbm>> -> memref<128x32xbf16, #tpu.memory_space<hbm>>
        tpu.wait_dma2 semaphore(%arg16 : memref<!tpu.dma_semaphore, #tpu.memory_space<semaphore_mem>>) src(%arg12 : memref<128x32xbf16, #tpu.memory_space<vmem>>) dst(%dma_wait3A_150 : memref<128x32xbf16, #tpu.memory_space<hbm>>)
      } else {
      }
      %parallel_loop3A_124 = arith.constant 0 : i32
      %parallel_loop3A_125 = arith.constant 128 : i32
      %parallel_loop3A_126 = arith.constant 1 : i32
      scf.for %parallel_loop3A_145 = %parallel_loop3A_124 to %parallel_loop3A_125 step %parallel_loop3A_126  : i32 {
        %parallel_loop3A_146 = arith.index_cast %parallel_loop3A_145 : i32 to index
        %parallel_loop3A_147 = arith.constant 0 : index
        %parallel_loop3A_148 = tpu.vector_load %arg8[%parallel_loop3A_146, %parallel_loop3A_147] {strides = array<i32>} : memref<128x64xbf16, #tpu.memory_space<vmem>>, vector<1x32xbf16>,
        %parallel_loop3A_149 = vector.shape_cast %parallel_loop3A_148 : vector<1x32xbf16> to vector<32xbf16>
        %parallel_loop3A_150 = arith.index_cast %parallel_loop3A_145 : i32 to index
        %parallel_loop3A_151 = arith.constant 32 : index
        %parallel_loop3A_152 = tpu.vector_load %arg10[%parallel_loop3A_150, %parallel_loop3A_151] {strides = array<i32>} : memref<128x64xbf16, #tpu.memory_space<vmem>>, vector<1x32xbf16>,
        %parallel_loop3A_153 = vector.shape_cast %parallel_loop3A_152 : vector<1x32xbf16> to vector<32xbf16>
        %parallel_loop3A_154 = arith.addf %parallel_loop3A_149, %parallel_loop3A_153 : vector<32xbf16>
        %parallel_loop3A_155 = arith.maximumf %parallel_loop3A_154, %broadcast_in_dim3A_13 : vector<32xbf16>
        %parallel_loop3A_156 = arith.index_cast %parallel_loop3A_145 : i32 to index
        %parallel_loop3A_157 = arith.constant 0 : index
        %parallel_loop3A_158 = tpu.vector_load %arg10[%parallel_loop3A_156, %parallel_loop3A_157] {strides = array<i32>} : memref<128x64xbf16, #tpu.memory_space<vmem>>, vector<1x32xbf16>,
        %parallel_loop3A_159 = vector.shape_cast %parallel_loop3A_158 : vector<1x32xbf16> to vector<32xbf16>
        %parallel_loop3A_160 = arith.index_cast %parallel_loop3A_145 : i32 to index
        %parallel_loop3A_161 = arith.constant 32 : index
        %parallel_loop3A_162 = tpu.vector_load %arg8[%parallel_loop3A_160, %parallel_loop3A_161] {strides = array<i32>} : memref<128x64xbf16, #tpu.memory_space<vmem>>, vector<1x32xbf16>,
        %parallel_loop3A_163 = vector.shape_cast %parallel_loop3A_162 : vector<1x32xbf16> to vector<32xbf16>
        %parallel_loop3A_164 = arith.addf %parallel_loop3A_159, %parallel_loop3A_163 : vector<32xbf16>
        %parallel_loop3A_165 = arith.maximumf %parallel_loop3A_164, %broadcast_in_dim3A_13 : vector<32xbf16>
        %parallel_loop3A_166 = arith.addf %parallel_loop3A_155, %parallel_loop3A_165 : vector<32xbf16>
        %parallel_loop3A_167 = arith.index_cast %parallel_loop3A_145 : i32 to index
        %parallel_loop3A_168 = arith.constant 0 : index
        %parallel_loop3A_169 = tpu.vector_load %arg12[%parallel_loop3A_167, %parallel_loop3A_168] {strides = array<i32>} : memref<128x32xbf16, #tpu.memory_space<vmem>>, vector<1x32xbf16>,
        %parallel_loop3A_170 = vector.shape_cast %parallel_loop3A_169 : vector<1x32xbf16> to vector<32xbf16>
        %parallel_loop3A_171 = vector.shape_cast %parallel_loop3A_166 : vector<32xbf16> to vector<1x32xbf16>
        tpu.vector_store %arg12[%parallel_loop3A_167, %parallel_loop3A_168], %parallel_loop3A_171 {strides = array<i32>} : memref<128x32xbf16, #tpu.memory_space<vmem>>, vector<1x32xbf16>,
      } {sc.loop_unroll_factor = 8 : i64, sc.parallel_access}
      %lt3A_127 = arith.constant 78 : i32
      %lt3A_128 = arith.cmpi slt, %add3A_65, %lt3A_127 : i32
      %add3A_129 = arith.addi %mul3A_2, %add3A_65 : i32
      %add3A_130 = arith.constant 2496 : i32
      %add3A_131 = arith.addi %add3A_130, %add3A : i32
      %select_n3A_132 = arith.select %lt3A_128, %add3A_129, %add3A_131 : i32
      %mul3A_133 = arith.constant 128 : i32
      %mul3A_134 = arith.muli %select_n3A_132, %mul3A_133 : i32
      %dma_start3A_135 = arith.constant 0 : i32
      %dma_start3A_136 = tpu.memref_slice %arg4[%mul3A_134, %dma_start3A_135] : memref<320000x32xbf16, #tpu.memory_space<hbm>> -> memref<128x32xbf16, #tpu.memory_space<hbm>>
      %dma_start3A_137 = arith.constant 0 : i32
      %dma_start3A_138 = tpu.memref_slice %arg4[%mul3A_134, %dma_start3A_137] : memref<320000x32xbf16, #tpu.memory_space<hbm>> -> memref<128x32xbf16, #tpu.memory_space<hbm>>
      tpu.enqueue_dma source(%arg12 : memref<128x32xbf16, #tpu.memory_space<vmem>>) target(%dma_start3A_138 : memref<128x32xbf16, #tpu.memory_space<hbm>>) target_semaphore(%arg16 : memref<!tpu.dma_semaphore, #tpu.memory_space<semaphore_mem>>)
      %add3A_139 = arith.constant 2 : i32
      %add3A_140 = arith.addi %add3A_65, %add3A_139 : i32
      %lt3A_141 = arith.cmpi slt, %add3A_140, %add3A_12 : i32
      %convert_element_type3A_142 = arith.extui %lt3A_141 : i1 to i32
      %cond3A_143 = arith.constant 0 : i32
      %cond3A_144 = arith.cmpi ne, %convert_element_type3A_142, %cond3A_143 : i32
      scf.if %cond3A_144 {
        %add3A_145 = arith.constant 2 : i32
        %add3A_146 = arith.addi %add3A_65, %add3A_145 : i32
        %dma_start3A_147 = arith.constant 0 : i32
        %dma_start3A_148 = tpu.memref_slice %arg5[%add3A_146, %dma_start3A_147] : memref<79x128xi32, #tpu.memory_space<vmem>> -> memref<1x128xi32, #tpu.memory_space<vmem>>
        %dma_start3A_149 = tpu.memref_squeeze %dma_start3A_148 : memref<1x128xi32, #tpu.memory_space<vmem>> -> memref<128xi32, #tpu.memory_space<vmem>>
        %dma_start3A_150 = arith.constant 0 : i32
        %dma_start3A_151 = arith.constant 0 : i32
        %dma_start3A_152 = tpu.memref_slice %arg2[%dma_start3A_150, %dma_start3A_151] : memref<10000x64xbf16, #tpu.memory_space<hbm>> -> memref<10000x64xbf16, #tpu.memory_space<hbm>>
        tpu.enqueue_indirect_dma source(%dma_start3A_152 : memref<10000x64xbf16, #tpu.memory_space<hbm>>) target(%arg8 : memref<128x64xbf16, #tpu.memory_space<vmem>>) offsets(%dma_start3A_149 : memref<128xi32, #tpu.memory_space<vmem>>) semaphore(%arg14 : memref<!tpu.dma_semaphore, #tpu.memory_space<semaphore_mem>>)
        %dma_start3A_153 = arith.constant 0 : i32
        %dma_start3A_154 = tpu.memref_slice %arg6[%add3A_146, %dma_start3A_153] : memref<79x128xi32, #tpu.memory_space<vmem>> -> memref<1x128xi32, #tpu.memory_space<vmem>>
        %dma_start3A_155 = tpu.memref_squeeze %dma_start3A_154 : memref<1x128xi32, #tpu.memory_space<vmem>> -> memref<128xi32, #tpu.memory_space<vmem>>
        %dma_start3A_156 = arith.constant 0 : i32
        %dma_start3A_157 = arith.constant 0 : i32
        %dma_start3A_158 = tpu.memref_slice %arg2[%dma_start3A_156, %dma_start3A_157] : memref<10000x64xbf16, #tpu.memory_space<hbm>> -> memref<10000x64xbf16, #tpu.memory_space<hbm>>
        tpu.enqueue_indirect_dma source(%dma_start3A_158 : memref<10000x64xbf16, #tpu.memory_space<hbm>>) target(%arg10 : memref<128x64xbf16, #tpu.memory_space<vmem>>) offsets(%dma_start3A_155 : memref<128xi32, #tpu.memory_space<vmem>>) semaphore(%arg14 : memref<!tpu.dma_semaphore, #tpu.memory_space<semaphore_mem>>)
      } else {
      }
    }
    %scan3A_45 = arith.constant 39 : i32
    %gt3A = arith.constant 78 : i32
    %gt3A_46 = arith.cmpi sgt, %add3A_12, %gt3A : i32
    %convert_element_type3A_47 = arith.extui %gt3A_46 : i1 to i32
    %cond3A_48 = arith.constant 0 : i32
    %cond3A_49 = arith.cmpi ne, %convert_element_type3A_47, %cond3A_48 : i32
    scf.if %cond3A_49 {
      %dma_wait3A_61 = arith.constant 0 : i32
      %dma_wait3A_62 = arith.constant 0 : i32
      %dma_wait3A_63 = tpu.memref_slice %arg5[%dma_wait3A_61, %dma_wait3A_62] : memref<79x128xi32, #tpu.memory_space<vmem>> -> memref<1x128xi32, #tpu.memory_space<vmem>>
      %dma_wait3A_64 = tpu.memref_squeeze %dma_wait3A_63 : memref<1x128xi32, #tpu.memory_space<vmem>> -> memref<128xi32, #tpu.memory_space<vmem>>
      %dma_wait3A_65 = arith.constant 0 : i32
      %dma_wait3A_66 = arith.constant 0 : i32
      %dma_wait3A_67 = tpu.memref_slice %arg2[%dma_wait3A_65, %dma_wait3A_66] : memref<10000x64xbf16, #tpu.memory_space<hbm>> -> memref<10000x64xbf16, #tpu.memory_space<hbm>>
      tpu.wait_indirect_dma semaphore(%arg13 : memref<!tpu.dma_semaphore, #tpu.memory_space<semaphore_mem>>) src(%dma_wait3A_67 : memref<10000x64xbf16, #tpu.memory_space<hbm>>) dst(%arg7 : memref<128x64xbf16, #tpu.memory_space<vmem>>)
      %dma_wait3A_68 = arith.constant 0 : i32
      %dma_wait3A_69 = arith.constant 0 : i32
      %dma_wait3A_70 = tpu.memref_slice %arg6[%dma_wait3A_68, %dma_wait3A_69] : memref<79x128xi32, #tpu.memory_space<vmem>> -> memref<1x128xi32, #tpu.memory_space<vmem>>
      %dma_wait3A_71 = tpu.memref_squeeze %dma_wait3A_70 : memref<1x128xi32, #tpu.memory_space<vmem>> -> memref<128xi32, #tpu.memory_space<vmem>>
      %dma_wait3A_72 = arith.constant 0 : i32
      %dma_wait3A_73 = arith.constant 0 : i32
      %dma_wait3A_74 = tpu.memref_slice %arg2[%dma_wait3A_72, %dma_wait3A_73] : memref<10000x64xbf16, #tpu.memory_space<hbm>> -> memref<10000x64xbf16, #tpu.memory_space<hbm>>
      tpu.wait_indirect_dma semaphore(%arg13 : memref<!tpu.dma_semaphore, #tpu.memory_space<semaphore_mem>>) src(%dma_wait3A_74 : memref<10000x64xbf16, #tpu.memory_space<hbm>>) dst(%arg9 : memref<128x64xbf16, #tpu.memory_space<vmem>>)
      %dma_wait3A_75 = arith.constant 0 : i32
      %dma_wait3A_76 = arith.constant 0 : i32
      %dma_wait3A_77 = tpu.memref_slice %arg4[%dma_wait3A_75, %dma_wait3A_76] : memref<320000x32xbf16, #tpu.memory_space<hbm>> -> memref<128x32xbf16, #tpu.memory_space<hbm>>
      %dma_wait3A_78 = arith.constant 0 : i32
      %dma_wait3A_79 = arith.constant 0 : i32
      %dma_wait3A_80 = tpu.memref_slice %arg4[%dma_wait3A_78, %dma_wait3A_79] : memref<320000x32xbf16, #tpu.memory_space<hbm>> -> memref<128x32xbf16, #tpu.memory_space<hbm>>
      tpu.wait_dma2 semaphore(%arg15 : memref<!tpu.dma_semaphore, #tpu.memory_space<semaphore_mem>>) src(%arg11 : memref<128x32xbf16, #tpu.memory_space<vmem>>) dst(%dma_wait3A_80 : memref<128x32xbf16, #tpu.memory_space<hbm>>)
      %parallel_loop3A = arith.constant 0 : i32
      %parallel_loop3A_81 = arith.constant 128 : i32
      %parallel_loop3A_82 = arith.constant 1 : i32
      scf.for %parallel_loop3A_95 = %parallel_loop3A to %parallel_loop3A_81 step %parallel_loop3A_82  : i32 {
        %parallel_loop3A_96 = arith.index_cast %parallel_loop3A_95 : i32 to index
        %parallel_loop3A_97 = arith.constant 0 : index
        %parallel_loop3A_98 = tpu.vector_load %arg7[%parallel_loop3A_96, %parallel_loop3A_97] {strides = array<i32>} : memref<128x64xbf16, #tpu.memory_space<vmem>>, vector<1x32xbf16>,
        %parallel_loop3A_99 = vector.shape_cast %parallel_loop3A_98 : vector<1x32xbf16> to vector<32xbf16>
        %parallel_loop3A_100 = arith.index_cast %parallel_loop3A_95 : i32 to index
        %parallel_loop3A_101 = arith.constant 32 : index
        %parallel_loop3A_102 = tpu.vector_load %arg9[%parallel_loop3A_100, %parallel_loop3A_101] {strides = array<i32>} : memref<128x64xbf16, #tpu.memory_space<vmem>>, vector<1x32xbf16>,
        %parallel_loop3A_103 = vector.shape_cast %parallel_loop3A_102 : vector<1x32xbf16> to vector<32xbf16>
        %parallel_loop3A_104 = arith.addf %parallel_loop3A_99, %parallel_loop3A_103 : vector<32xbf16>
        %parallel_loop3A_105 = arith.maximumf %parallel_loop3A_104, %broadcast_in_dim3A_13 : vector<32xbf16>
        %parallel_loop3A_106 = arith.index_cast %parallel_loop3A_95 : i32 to index
        %parallel_loop3A_107 = arith.constant 0 : index
        %parallel_loop3A_108 = tpu.vector_load %arg9[%parallel_loop3A_106, %parallel_loop3A_107] {strides = array<i32>} : memref<128x64xbf16, #tpu.memory_space<vmem>>, vector<1x32xbf16>,
        %parallel_loop3A_109 = vector.shape_cast %parallel_loop3A_108 : vector<1x32xbf16> to vector<32xbf16>
        %parallel_loop3A_110 = arith.index_cast %parallel_loop3A_95 : i32 to index
        %parallel_loop3A_111 = arith.constant 32 : index
        %parallel_loop3A_112 = tpu.vector_load %arg7[%parallel_loop3A_110, %parallel_loop3A_111] {strides = array<i32>} : memref<128x64xbf16, #tpu.memory_space<vmem>>, vector<1x32xbf16>,
        %parallel_loop3A_113 = vector.shape_cast %parallel_loop3A_112 : vector<1x32xbf16> to vector<32xbf16>
        %parallel_loop3A_114 = arith.addf %parallel_loop3A_109, %parallel_loop3A_113 : vector<32xbf16>
        %parallel_loop3A_115 = arith.maximumf %parallel_loop3A_114, %broadcast_in_dim3A_13 : vector<32xbf16>
        %parallel_loop3A_116 = arith.addf %parallel_loop3A_105, %parallel_loop3A_115 : vector<32xbf16>
        %parallel_loop3A_117 = arith.index_cast %parallel_loop3A_95 : i32 to index
        %parallel_loop3A_118 = arith.constant 0 : index
        %parallel_loop3A_119 = tpu.vector_load %arg11[%parallel_loop3A_117, %parallel_loop3A_118] {strides = array<i32>} : memref<128x32xbf16, #tpu.memory_space<vmem>>, vector<1x32xbf16>,
        %parallel_loop3A_120 = vector.shape_cast %parallel_loop3A_119 : vector<1x32xbf16> to vector<32xbf16>
        %parallel_loop3A_121 = vector.shape_cast %parallel_loop3A_116 : vector<32xbf16> to vector<1x32xbf16>
        tpu.vector_store %arg11[%parallel_loop3A_117, %parallel_loop3A_118], %parallel_loop3A_121 {strides = array<i32>} : memref<128x32xbf16, #tpu.memory_space<vmem>>, vector<1x32xbf16>,
      } {sc.loop_unroll_factor = 8 : i64, sc.parallel_access}
      %add3A_83 = arith.constant 78 : i32
      %add3A_84 = arith.addi %mul3A_2, %add3A_83 : i32
      %add3A_85 = arith.constant 2496 : i32
      %add3A_86 = arith.addi %add3A_85, %add3A : i32
      %jit3A_87 = arith.constant false
      %select_n3A_88 = arith.select %jit3A_87, %add3A_84, %add3A_86 : i32
      %mul3A_89 = arith.constant 128 : i32
      %mul3A_90 = arith.muli %select_n3A_88, %mul3A_89 : i32
      %dma_start3A_91 = arith.constant 0 : i32
      %dma_start3A_92 = tpu.memref_slice %arg4[%mul3A_90, %dma_start3A_91] : memref<320000x32xbf16, #tpu.memory_space<hbm>> -> memref<128x32xbf16, #tpu.memory_space<hbm>>
      %dma_start3A_93 = arith.constant 0 : i32
      %dma_start3A_94 = tpu.memref_slice %arg4[%mul3A_90, %dma_start3A_93] : memref<320000x32xbf16, #tpu.memory_space<hbm>> -> memref<128x32xbf16, #tpu.memory_space<hbm>>
      tpu.enqueue_dma source(%arg11 : memref<128x32xbf16, #tpu.memory_space<vmem>>) target(%dma_start3A_94 : memref<128x32xbf16, #tpu.memory_space<hbm>>) target_semaphore(%arg15 : memref<!tpu.dma_semaphore, #tpu.memory_space<semaphore_mem>>)
    } else {
    }
    %dma_wait3A = arith.constant 0 : i32
    %dma_wait3A_50 = arith.constant 0 : i32
    %dma_wait3A_51 = tpu.memref_slice %arg4[%dma_wait3A, %dma_wait3A_50] : memref<320000x32xbf16, #tpu.memory_space<hbm>> -> memref<128x32xbf16, #tpu.memory_space<hbm>>
    %dma_wait3A_52 = arith.constant 0 : i32
    %dma_wait3A_53 = arith.constant 0 : i32
    %dma_wait3A_54 = tpu.memref_slice %arg4[%dma_wait3A_52, %dma_wait3A_53] : memref<320000x32xbf16, #tpu.memory_space<hbm>> -> memref<128x32xbf16, #tpu.memory_space<hbm>>
    tpu.wait_dma2 semaphore(%arg15 : memref<!tpu.dma_semaphore, #tpu.memory_space<semaphore_mem>>) src(%arg11 : memref<128x32xbf16, #tpu.memory_space<vmem>>) dst(%dma_wait3A_54 : memref<128x32xbf16, #tpu.memory_space<hbm>>)
    %dma_wait3A_55 = arith.constant 0 : i32
    %dma_wait3A_56 = arith.constant 0 : i32
    %dma_wait3A_57 = tpu.memref_slice %arg4[%dma_wait3A_55, %dma_wait3A_56] : memref<320000x32xbf16, #tpu.memory_space<hbm>> -> memref<128x32xbf16, #tpu.memory_space<hbm>>
    %dma_wait3A_58 = arith.constant 0 : i32
    %dma_wait3A_59 = arith.constant 0 : i32
    %dma_wait3A_60 = tpu.memref_slice %arg4[%dma_wait3A_58, %dma_wait3A_59] : memref<320000x32xbf16, #tpu.memory_space<hbm>> -> memref<128x32xbf16, #tpu.memory_space<hbm>>
    tpu.wait_dma2 semaphore(%arg16 : memref<!tpu.dma_semaphore, #tpu.memory_space<semaphore_mem>>) src(%arg12 : memref<128x32xbf16, #tpu.memory_space<vmem>>) dst(%dma_wait3A_60 : memref<128x32xbf16, #tpu.memory_space<hbm>>)
    return
  }
}

#map = affine_map<(d0, d1) -> (0, 0)>
#map1 = affine_map<(d0, d1) -> (0, 0, 0)>
module attributes {stable_mosaic.version = 14 : i64} {
  func.func @_sc_accum_body(%arg0: i32, %arg1: i32, %arg2: memref<10000x32xf32, #tpu.memory_space<hbm>>, %arg3: memref<10000x32xf32, #tpu.memory_space<hbm>>, %arg4: memref<2x2500x128xi32, #tpu.memory_space<hbm>>, %arg5: memref<10000x48xf32, #tpu.memory_space<hbm>>, %arg6: memref<2x10000x48xf32, #tpu.memory_space<hbm>>, %arg7: memref<79x128xi32, #tpu.memory_space<vmem>>, %arg8: memref<79x128xi32, #tpu.memory_space<vmem>>, %arg9: memref<128x32xf32, #tpu.memory_space<vmem>>, %arg10: memref<128x32xf32, #tpu.memory_space<vmem>>, %arg11: memref<128x32xf32, #tpu.memory_space<vmem>>, %arg12: memref<128x32xf32, #tpu.memory_space<vmem>>, %arg13: memref<128x48xf32, #tpu.memory_space<vmem>>, %arg14: memref<128x48xf32, #tpu.memory_space<vmem>>, %arg15: memref<10000x48xf32, #tpu.memory_space<vmem_shared>>, %arg16: memref<!tpu.dma_semaphore, #tpu.memory_space<semaphore_mem>>, %arg17: memref<!tpu.dma_semaphore, #tpu.memory_space<semaphore_mem>>, %arg18: memref<!tpu.dma_semaphore, #tpu.memory_space<semaphore_mem>>, %arg19: memref<!tpu.dma_semaphore, #tpu.memory_space<semaphore_mem>>) attributes {dimension_semantics = [#tpu.dimension_semantics<core_parallel>, #tpu.dimension_semantics<subcore_parallel>], iteration_bounds = array<i64: 2, 16>, scalar_prefetch = 0 : i64, scratch_operands = 13 : i64, tpu.core_type = #tpu.core_type<sc_vector_subcore>, window_params = [{transform_indices = #map}, {transform_indices = #map}, {transform_indices = #map1}, {transform_indices = #map}, {transform_indices = #map1}]} {
    %mul3A = arith.constant 2 : i32
    %mul3A_0 = arith.muli %arg1, %mul3A : i32
    %add3A = arith.addi %mul3A_0, %arg0 : i32
    %mul3A_1 = arith.constant 625 : i32
    %mul3A_2 = arith.muli %arg1, %mul3A_1 : i32
    "tpu.region"() ({
      %run_scoped3A_71 = tpu.sem_alloc : memref<!tpu.dma_semaphore, #tpu.memory_space<semaphore_mem>>
      %dma_start3A_72 = arith.constant 0 : i32
      %dma_start3A_73 = tpu.memref_slice %arg15[%mul3A_2, %dma_start3A_72] : memref<10000x48xf32, #tpu.memory_space<vmem_shared>> -> memref<625x48xf32, #tpu.memory_space<vmem_shared>>
      %dma_start3A_74 = arith.constant 0 : i32
      %dma_start3A_75 = tpu.memref_slice %arg5[%mul3A_2, %dma_start3A_74] : memref<10000x48xf32, #tpu.memory_space<hbm>> -> memref<625x48xf32, #tpu.memory_space<hbm>>
      tpu.enqueue_dma source(%dma_start3A_75 : memref<625x48xf32, #tpu.memory_space<hbm>>) target(%dma_start3A_73 : memref<625x48xf32, #tpu.memory_space<vmem_shared>>) target_semaphore(%run_scoped3A_71 : memref<!tpu.dma_semaphore, #tpu.memory_space<semaphore_mem>>)
      %dma_wait3A_76 = arith.constant 0 : i32
      %dma_wait3A_77 = tpu.memref_slice %arg15[%mul3A_2, %dma_wait3A_76] : memref<10000x48xf32, #tpu.memory_space<vmem_shared>> -> memref<625x48xf32, #tpu.memory_space<vmem_shared>>
      %dma_wait3A_78 = arith.constant 0 : i32
      %dma_wait3A_79 = tpu.memref_slice %arg5[%mul3A_2, %dma_wait3A_78] : memref<10000x48xf32, #tpu.memory_space<hbm>> -> memref<625x48xf32, #tpu.memory_space<hbm>>
      tpu.wait_dma2 semaphore(%run_scoped3A_71 : memref<!tpu.dma_semaphore, #tpu.memory_space<semaphore_mem>>) src(%dma_wait3A_79 : memref<625x48xf32, #tpu.memory_space<hbm>>) dst(%dma_wait3A_77 : memref<625x48xf32, #tpu.memory_space<vmem_shared>>)
      tpu.yield
    }) : () -> ()
    %mul3A_3 = arith.constant 78 : i32
    %mul3A_4 = arith.muli %add3A, %mul3A_3 : i32
    %run_scoped3A = arith.constant 0 : i32
    "tpu.region"() ({
      %run_scoped3A_71 = tpu.sem_alloc : memref<!tpu.dma_semaphore, #tpu.memory_space<semaphore_mem>>
      %dma_start3A_72 = arith.constant 0 : i32
      %dma_start3A_73 = arith.constant 0 : i32
      %dma_start3A_74 = tpu.memref_slice %arg7[%dma_start3A_72, %dma_start3A_73] : memref<79x128xi32, #tpu.memory_space<vmem>> -> memref<78x128xi32, #tpu.memory_space<vmem>>
      %dma_start3A_75 = arith.constant 0 : i32
      %dma_start3A_76 = tpu.memref_slice %arg4[%run_scoped3A, %mul3A_4, %dma_start3A_75] : memref<2x2500x128xi32, #tpu.memory_space<hbm>> -> memref<1x78x128xi32, #tpu.memory_space<hbm>>
      %dma_start3A_77 = tpu.memref_squeeze %dma_start3A_76 : memref<1x78x128xi32, #tpu.memory_space<hbm>> -> memref<78x128xi32, #tpu.memory_space<hbm>>
      %dma_start3A_78 = arith.constant 0 : i32
      %dma_start3A_79 = arith.constant 0 : i32
      %dma_start3A_80 = tpu.memref_slice %arg7[%dma_start3A_78, %dma_start3A_79] : memref<79x128xi32, #tpu.memory_space<vmem>> -> memref<78x128xi32, #tpu.memory_space<vmem>>
      %dma_start3A_81 = arith.constant 0 : i32
      %dma_start3A_82 = tpu.memref_slice %arg4[%run_scoped3A, %mul3A_4, %dma_start3A_81] : memref<2x2500x128xi32, #tpu.memory_space<hbm>> -> memref<1x78x128xi32, #tpu.memory_space<hbm>>
      %dma_start3A_83 = tpu.memref_squeeze %dma_start3A_82 : memref<1x78x128xi32, #tpu.memory_space<hbm>> -> memref<78x128xi32, #tpu.memory_space<hbm>>
      tpu.enqueue_dma source(%dma_start3A_83 : memref<78x128xi32, #tpu.memory_space<hbm>>) target(%dma_start3A_80 : memref<78x128xi32, #tpu.memory_space<vmem>>) target_semaphore(%run_scoped3A_71 : memref<!tpu.dma_semaphore, #tpu.memory_space<semaphore_mem>>)
      %dma_wait3A_84 = arith.constant 0 : i32
      %dma_wait3A_85 = arith.constant 0 : i32
      %dma_wait3A_86 = tpu.memref_slice %arg7[%dma_wait3A_84, %dma_wait3A_85] : memref<79x128xi32, #tpu.memory_space<vmem>> -> memref<78x128xi32, #tpu.memory_space<vmem>>
      %dma_wait3A_87 = arith.constant 0 : i32
      %dma_wait3A_88 = tpu.memref_slice %arg4[%run_scoped3A, %mul3A_4, %dma_wait3A_87] : memref<2x2500x128xi32, #tpu.memory_space<hbm>> -> memref<1x78x128xi32, #tpu.memory_space<hbm>>
      %dma_wait3A_89 = tpu.memref_squeeze %dma_wait3A_88 : memref<1x78x128xi32, #tpu.memory_space<hbm>> -> memref<78x128xi32, #tpu.memory_space<hbm>>
      %dma_wait3A_90 = arith.constant 0 : i32
      %dma_wait3A_91 = arith.constant 0 : i32
      %dma_wait3A_92 = tpu.memref_slice %arg7[%dma_wait3A_90, %dma_wait3A_91] : memref<79x128xi32, #tpu.memory_space<vmem>> -> memref<78x128xi32, #tpu.memory_space<vmem>>
      %dma_wait3A_93 = arith.constant 0 : i32
      %dma_wait3A_94 = tpu.memref_slice %arg4[%run_scoped3A, %mul3A_4, %dma_wait3A_93] : memref<2x2500x128xi32, #tpu.memory_space<hbm>> -> memref<1x78x128xi32, #tpu.memory_space<hbm>>
      %dma_wait3A_95 = tpu.memref_squeeze %dma_wait3A_94 : memref<1x78x128xi32, #tpu.memory_space<hbm>> -> memref<78x128xi32, #tpu.memory_space<hbm>>
      tpu.wait_dma2 semaphore(%run_scoped3A_71 : memref<!tpu.dma_semaphore, #tpu.memory_space<semaphore_mem>>) src(%dma_wait3A_95 : memref<78x128xi32, #tpu.memory_space<hbm>>) dst(%dma_wait3A_92 : memref<78x128xi32, #tpu.memory_space<vmem>>)
      tpu.yield
    }) : () -> ()
    %run_scoped3A_5 = arith.constant 1 : i32
    "tpu.region"() ({
      %run_scoped3A_71 = tpu.sem_alloc : memref<!tpu.dma_semaphore, #tpu.memory_space<semaphore_mem>>
      %dma_start3A_72 = arith.constant 0 : i32
      %dma_start3A_73 = arith.constant 0 : i32
      %dma_start3A_74 = tpu.memref_slice %arg8[%dma_start3A_72, %dma_start3A_73] : memref<79x128xi32, #tpu.memory_space<vmem>> -> memref<78x128xi32, #tpu.memory_space<vmem>>
      %dma_start3A_75 = arith.constant 0 : i32
      %dma_start3A_76 = tpu.memref_slice %arg4[%run_scoped3A_5, %mul3A_4, %dma_start3A_75] : memref<2x2500x128xi32, #tpu.memory_space<hbm>> -> memref<1x78x128xi32, #tpu.memory_space<hbm>>
      %dma_start3A_77 = tpu.memref_squeeze %dma_start3A_76 : memref<1x78x128xi32, #tpu.memory_space<hbm>> -> memref<78x128xi32, #tpu.memory_space<hbm>>
      %dma_start3A_78 = arith.constant 0 : i32
      %dma_start3A_79 = arith.constant 0 : i32
      %dma_start3A_80 = tpu.memref_slice %arg8[%dma_start3A_78, %dma_start3A_79] : memref<79x128xi32, #tpu.memory_space<vmem>> -> memref<78x128xi32, #tpu.memory_space<vmem>>
      %dma_start3A_81 = arith.constant 0 : i32
      %dma_start3A_82 = tpu.memref_slice %arg4[%run_scoped3A_5, %mul3A_4, %dma_start3A_81] : memref<2x2500x128xi32, #tpu.memory_space<hbm>> -> memref<1x78x128xi32, #tpu.memory_space<hbm>>
      %dma_start3A_83 = tpu.memref_squeeze %dma_start3A_82 : memref<1x78x128xi32, #tpu.memory_space<hbm>> -> memref<78x128xi32, #tpu.memory_space<hbm>>
      tpu.enqueue_dma source(%dma_start3A_83 : memref<78x128xi32, #tpu.memory_space<hbm>>) target(%dma_start3A_80 : memref<78x128xi32, #tpu.memory_space<vmem>>) target_semaphore(%run_scoped3A_71 : memref<!tpu.dma_semaphore, #tpu.memory_space<semaphore_mem>>)
      %dma_wait3A_84 = arith.constant 0 : i32
      %dma_wait3A_85 = arith.constant 0 : i32
      %dma_wait3A_86 = tpu.memref_slice %arg8[%dma_wait3A_84, %dma_wait3A_85] : memref<79x128xi32, #tpu.memory_space<vmem>> -> memref<78x128xi32, #tpu.memory_space<vmem>>
      %dma_wait3A_87 = arith.constant 0 : i32
      %dma_wait3A_88 = tpu.memref_slice %arg4[%run_scoped3A_5, %mul3A_4, %dma_wait3A_87] : memref<2x2500x128xi32, #tpu.memory_space<hbm>> -> memref<1x78x128xi32, #tpu.memory_space<hbm>>
      %dma_wait3A_89 = tpu.memref_squeeze %dma_wait3A_88 : memref<1x78x128xi32, #tpu.memory_space<hbm>> -> memref<78x128xi32, #tpu.memory_space<hbm>>
      %dma_wait3A_90 = arith.constant 0 : i32
      %dma_wait3A_91 = arith.constant 0 : i32
      %dma_wait3A_92 = tpu.memref_slice %arg8[%dma_wait3A_90, %dma_wait3A_91] : memref<79x128xi32, #tpu.memory_space<vmem>> -> memref<78x128xi32, #tpu.memory_space<vmem>>
      %dma_wait3A_93 = arith.constant 0 : i32
      %dma_wait3A_94 = tpu.memref_slice %arg4[%run_scoped3A_5, %mul3A_4, %dma_wait3A_93] : memref<2x2500x128xi32, #tpu.memory_space<hbm>> -> memref<1x78x128xi32, #tpu.memory_space<hbm>>
      %dma_wait3A_95 = tpu.memref_squeeze %dma_wait3A_94 : memref<1x78x128xi32, #tpu.memory_space<hbm>> -> memref<78x128xi32, #tpu.memory_space<hbm>>
      tpu.wait_dma2 semaphore(%run_scoped3A_71 : memref<!tpu.dma_semaphore, #tpu.memory_space<semaphore_mem>>) src(%dma_wait3A_95 : memref<78x128xi32, #tpu.memory_space<hbm>>) dst(%dma_wait3A_92 : memref<78x128xi32, #tpu.memory_space<vmem>>)
      tpu.yield
    }) : () -> ()
    %lt3A = arith.constant 4 : i32
    %lt3A_6 = arith.cmpi slt, %add3A, %lt3A : i32
    %convert_element_type3A = arith.extui %lt3A_6 : i1 to i32
    %cond3A = arith.constant 0 : i32
    %cond3A_7 = arith.cmpi ne, %convert_element_type3A, %cond3A : i32
    scf.if %cond3A_7 {
      %add3A_71 = arith.constant 2496 : i32
      %add3A_72 = arith.addi %add3A_71, %add3A : i32
      %run_scoped3A_73 = arith.constant 0 : i32
      "tpu.region"() ({
        %run_scoped3A_75 = tpu.sem_alloc : memref<!tpu.dma_semaphore, #tpu.memory_space<semaphore_mem>>
        %dma_start3A_76 = arith.constant 78 : i32
        %dma_start3A_77 = arith.constant 0 : i32
        %dma_start3A_78 = tpu.memref_slice %arg7[%dma_start3A_76, %dma_start3A_77] : memref<79x128xi32, #tpu.memory_space<vmem>> -> memref<1x128xi32, #tpu.memory_space<vmem>>
        %dma_start3A_79 = arith.constant 0 : i32
        %dma_start3A_80 = tpu.memref_slice %arg4[%run_scoped3A_73, %add3A_72, %dma_start3A_79] : memref<2x2500x128xi32, #tpu.memory_space<hbm>> -> memref<1x1x128xi32, #tpu.memory_space<hbm>>
        %dma_start3A_81 = tpu.memref_squeeze %dma_start3A_80 : memref<1x1x128xi32, #tpu.memory_space<hbm>> -> memref<1x128xi32, #tpu.memory_space<hbm>>
        %dma_start3A_82 = arith.constant 78 : i32
        %dma_start3A_83 = arith.constant 0 : i32
        %dma_start3A_84 = tpu.memref_slice %arg7[%dma_start3A_82, %dma_start3A_83] : memref<79x128xi32, #tpu.memory_space<vmem>> -> memref<1x128xi32, #tpu.memory_space<vmem>>
        %dma_start3A_85 = arith.constant 0 : i32
        %dma_start3A_86 = tpu.memref_slice %arg4[%run_scoped3A_73, %add3A_72, %dma_start3A_85] : memref<2x2500x128xi32, #tpu.memory_space<hbm>> -> memref<1x1x128xi32, #tpu.memory_space<hbm>>
        %dma_start3A_87 = tpu.memref_squeeze %dma_start3A_86 : memref<1x1x128xi32, #tpu.memory_space<hbm>> -> memref<1x128xi32, #tpu.memory_space<hbm>>
        tpu.enqueue_dma source(%dma_start3A_87 : memref<1x128xi32, #tpu.memory_space<hbm>>) target(%dma_start3A_84 : memref<1x128xi32, #tpu.memory_space<vmem>>) target_semaphore(%run_scoped3A_75 : memref<!tpu.dma_semaphore, #tpu.memory_space<semaphore_mem>>)
        %dma_wait3A_88 = arith.constant 78 : i32
        %dma_wait3A_89 = arith.constant 0 : i32
        %dma_wait3A_90 = tpu.memref_slice %arg7[%dma_wait3A_88, %dma_wait3A_89] : memref<79x128xi32, #tpu.memory_space<vmem>> -> memref<1x128xi32, #tpu.memory_space<vmem>>
        %dma_wait3A_91 = arith.constant 0 : i32
        %dma_wait3A_92 = tpu.memref_slice %arg4[%run_scoped3A_73, %add3A_72, %dma_wait3A_91] : memref<2x2500x128xi32, #tpu.memory_space<hbm>> -> memref<1x1x128xi32, #tpu.memory_space<hbm>>
        %dma_wait3A_93 = tpu.memref_squeeze %dma_wait3A_92 : memref<1x1x128xi32, #tpu.memory_space<hbm>> -> memref<1x128xi32, #tpu.memory_space<hbm>>
        %dma_wait3A_94 = arith.constant 78 : i32
        %dma_wait3A_95 = arith.constant 0 : i32
        %dma_wait3A_96 = tpu.memref_slice %arg7[%dma_wait3A_94, %dma_wait3A_95] : memref<79x128xi32, #tpu.memory_space<vmem>> -> memref<1x128xi32, #tpu.memory_space<vmem>>
        %dma_wait3A_97 = arith.constant 0 : i32
        %dma_wait3A_98 = tpu.memref_slice %arg4[%run_scoped3A_73, %add3A_72, %dma_wait3A_97] : memref<2x2500x128xi32, #tpu.memory_space<hbm>> -> memref<1x1x128xi32, #tpu.memory_space<hbm>>
        %dma_wait3A_99 = tpu.memref_squeeze %dma_wait3A_98 : memref<1x1x128xi32, #tpu.memory_space<hbm>> -> memref<1x128xi32, #tpu.memory_space<hbm>>
        tpu.wait_dma2 semaphore(%run_scoped3A_75 : memref<!tpu.dma_semaphore, #tpu.memory_space<semaphore_mem>>) src(%dma_wait3A_99 : memref<1x128xi32, #tpu.memory_space<hbm>>) dst(%dma_wait3A_96 : memref<1x128xi32, #tpu.memory_space<vmem>>)
        tpu.yield
      }) : () -> ()
      %run_scoped3A_74 = arith.constant 1 : i32
      "tpu.region"() ({
        %run_scoped3A_75 = tpu.sem_alloc : memref<!tpu.dma_semaphore, #tpu.memory_space<semaphore_mem>>
        %dma_start3A_76 = arith.constant 78 : i32
        %dma_start3A_77 = arith.constant 0 : i32
        %dma_start3A_78 = tpu.memref_slice %arg8[%dma_start3A_76, %dma_start3A_77] : memref<79x128xi32, #tpu.memory_space<vmem>> -> memref<1x128xi32, #tpu.memory_space<vmem>>
        %dma_start3A_79 = arith.constant 0 : i32
        %dma_start3A_80 = tpu.memref_slice %arg4[%run_scoped3A_74, %add3A_72, %dma_start3A_79] : memref<2x2500x128xi32, #tpu.memory_space<hbm>> -> memref<1x1x128xi32, #tpu.memory_space<hbm>>
        %dma_start3A_81 = tpu.memref_squeeze %dma_start3A_80 : memref<1x1x128xi32, #tpu.memory_space<hbm>> -> memref<1x128xi32, #tpu.memory_space<hbm>>
        %dma_start3A_82 = arith.constant 78 : i32
        %dma_start3A_83 = arith.constant 0 : i32
        %dma_start3A_84 = tpu.memref_slice %arg8[%dma_start3A_82, %dma_start3A_83] : memref<79x128xi32, #tpu.memory_space<vmem>> -> memref<1x128xi32, #tpu.memory_space<vmem>>
        %dma_start3A_85 = arith.constant 0 : i32
        %dma_start3A_86 = tpu.memref_slice %arg4[%run_scoped3A_74, %add3A_72, %dma_start3A_85] : memref<2x2500x128xi32, #tpu.memory_space<hbm>> -> memref<1x1x128xi32, #tpu.memory_space<hbm>>
        %dma_start3A_87 = tpu.memref_squeeze %dma_start3A_86 : memref<1x1x128xi32, #tpu.memory_space<hbm>> -> memref<1x128xi32, #tpu.memory_space<hbm>>
        tpu.enqueue_dma source(%dma_start3A_87 : memref<1x128xi32, #tpu.memory_space<hbm>>) target(%dma_start3A_84 : memref<1x128xi32, #tpu.memory_space<vmem>>) target_semaphore(%run_scoped3A_75 : memref<!tpu.dma_semaphore, #tpu.memory_space<semaphore_mem>>)
        %dma_wait3A_88 = arith.constant 78 : i32
        %dma_wait3A_89 = arith.constant 0 : i32
        %dma_wait3A_90 = tpu.memref_slice %arg8[%dma_wait3A_88, %dma_wait3A_89] : memref<79x128xi32, #tpu.memory_space<vmem>> -> memref<1x128xi32, #tpu.memory_space<vmem>>
        %dma_wait3A_91 = arith.constant 0 : i32
        %dma_wait3A_92 = tpu.memref_slice %arg4[%run_scoped3A_74, %add3A_72, %dma_wait3A_91] : memref<2x2500x128xi32, #tpu.memory_space<hbm>> -> memref<1x1x128xi32, #tpu.memory_space<hbm>>
        %dma_wait3A_93 = tpu.memref_squeeze %dma_wait3A_92 : memref<1x1x128xi32, #tpu.memory_space<hbm>> -> memref<1x128xi32, #tpu.memory_space<hbm>>
        %dma_wait3A_94 = arith.constant 78 : i32
        %dma_wait3A_95 = arith.constant 0 : i32
        %dma_wait3A_96 = tpu.memref_slice %arg8[%dma_wait3A_94, %dma_wait3A_95] : memref<79x128xi32, #tpu.memory_space<vmem>> -> memref<1x128xi32, #tpu.memory_space<vmem>>
        %dma_wait3A_97 = arith.constant 0 : i32
        %dma_wait3A_98 = tpu.memref_slice %arg4[%run_scoped3A_74, %add3A_72, %dma_wait3A_97] : memref<2x2500x128xi32, #tpu.memory_space<hbm>> -> memref<1x1x128xi32, #tpu.memory_space<hbm>>
        %dma_wait3A_99 = tpu.memref_squeeze %dma_wait3A_98 : memref<1x1x128xi32, #tpu.memory_space<hbm>> -> memref<1x128xi32, #tpu.memory_space<hbm>>
        tpu.wait_dma2 semaphore(%run_scoped3A_75 : memref<!tpu.dma_semaphore, #tpu.memory_space<semaphore_mem>>) src(%dma_wait3A_99 : memref<1x128xi32, #tpu.memory_space<hbm>>) dst(%dma_wait3A_96 : memref<1x128xi32, #tpu.memory_space<vmem>>)
        tpu.yield
      }) : () -> ()
    } else {
    }
    %iota3A = tpu.iota {dimensions = array<i32: 0>} : vector<16xi32>
    %eq3A = arith.constant 0 : i32
    %eq3A_8 = vector.broadcast %eq3A : i32 to vector<16xi32>
    %eq3A_9 = arith.cmpi eq, %iota3A, %eq3A_8 : vector<16xi32>
    %jit3A = arith.constant 1.000000e+00 : f32
    %jit3A_10 = arith.constant 0.000000e+00 : f32
    %broadcast_in_dim3A = vector.broadcast %jit3A : f32 to vector<16xf32>
    %broadcast_in_dim3A_11 = vector.broadcast %jit3A_10 : f32 to vector<16xf32>
    %select_n3A = arith.select %eq3A_9, %broadcast_in_dim3A, %broadcast_in_dim3A_11 : vector<16xi1>, vector<16xf32>
    %parallel_loop3A = arith.constant 0 : i32
    %parallel_loop3A_12 = arith.constant 128 : i32
    %parallel_loop3A_13 = arith.constant 1 : i32
    scf.for %parallel_loop3A_71 = %parallel_loop3A to %parallel_loop3A_12 step %parallel_loop3A_13  : i32 {
      %parallel_loop3A_72 = arith.index_cast %parallel_loop3A_71 : i32 to index
      %parallel_loop3A_73 = arith.constant 32 : index
      %parallel_loop3A_74 = tpu.vector_load %arg13[%parallel_loop3A_72, %parallel_loop3A_73] {strides = array<i32>} : memref<128x48xf32, #tpu.memory_space<vmem>>, vector<1x16xf32>,
      %parallel_loop3A_75 = vector.shape_cast %parallel_loop3A_74 : vector<1x16xf32> to vector<16xf32>
      %parallel_loop3A_76 = vector.shape_cast %select_n3A : vector<16xf32> to vector<1x16xf32>
      tpu.vector_store %arg13[%parallel_loop3A_72, %parallel_loop3A_73], %parallel_loop3A_76 {strides = array<i32>} : memref<128x48xf32, #tpu.memory_space<vmem>>, vector<1x16xf32>,
      %parallel_loop3A_77 = arith.index_cast %parallel_loop3A_71 : i32 to index
      %parallel_loop3A_78 = arith.constant 32 : index
      %parallel_loop3A_79 = tpu.vector_load %arg14[%parallel_loop3A_77, %parallel_loop3A_78] {strides = array<i32>} : memref<128x48xf32, #tpu.memory_space<vmem>>, vector<1x16xf32>,
      %parallel_loop3A_80 = vector.shape_cast %parallel_loop3A_79 : vector<1x16xf32> to vector<16xf32>
      %parallel_loop3A_81 = vector.shape_cast %select_n3A : vector<16xf32> to vector<1x16xf32>
      tpu.vector_store %arg14[%parallel_loop3A_77, %parallel_loop3A_78], %parallel_loop3A_81 {strides = array<i32>} : memref<128x48xf32, #tpu.memory_space<vmem>>, vector<1x16xf32>,
    } {sc.loop_unroll_factor = 8 : i64, sc.parallel_access}
    %barrier3A = arith.constant 0 : index
    tpu.barrier barrier_id(%barrier3A)
    %lt3A_14 = arith.constant 4 : i32
    %lt3A_15 = arith.cmpi slt, %add3A, %lt3A_14 : i32
    %jit3A_16 = arith.constant 1 : i32
    %jit3A_17 = arith.constant 0 : i32
    %select_n3A_18 = arith.select %lt3A_15, %jit3A_16, %jit3A_17 : i32
    %add3A_19 = arith.constant 78 : i32
    %add3A_20 = arith.addi %add3A_19, %select_n3A_18 : i32
    %dma_start3A = arith.constant 0 : i32
    %dma_start3A_21 = arith.constant 0 : i32
    %dma_start3A_22 = tpu.memref_slice %arg7[%dma_start3A, %dma_start3A_21] : memref<79x128xi32, #tpu.memory_space<vmem>> -> memref<1x128xi32, #tpu.memory_space<vmem>>
    %dma_start3A_23 = tpu.memref_squeeze %dma_start3A_22 : memref<1x128xi32, #tpu.memory_space<vmem>> -> memref<128xi32, #tpu.memory_space<vmem>>
    %dma_start3A_24 = arith.constant 0 : i32
    %dma_start3A_25 = arith.constant 0 : i32
    %dma_start3A_26 = tpu.memref_slice %arg2[%dma_start3A_24, %dma_start3A_25] : memref<10000x32xf32, #tpu.memory_space<hbm>> -> memref<10000x32xf32, #tpu.memory_space<hbm>>
    tpu.enqueue_indirect_dma source(%dma_start3A_26 : memref<10000x32xf32, #tpu.memory_space<hbm>>) target(%arg9 : memref<128x32xf32, #tpu.memory_space<vmem>>) offsets(%dma_start3A_23 : memref<128xi32, #tpu.memory_space<vmem>>) semaphore(%arg16 : memref<!tpu.dma_semaphore, #tpu.memory_space<semaphore_mem>>)
    %dma_start3A_27 = arith.constant 0 : i32
    %dma_start3A_28 = arith.constant 0 : i32
    %dma_start3A_29 = tpu.memref_slice %arg8[%dma_start3A_27, %dma_start3A_28] : memref<79x128xi32, #tpu.memory_space<vmem>> -> memref<1x128xi32, #tpu.memory_space<vmem>>
    %dma_start3A_30 = tpu.memref_squeeze %dma_start3A_29 : memref<1x128xi32, #tpu.memory_space<vmem>> -> memref<128xi32, #tpu.memory_space<vmem>>
    %dma_start3A_31 = arith.constant 0 : i32
    %dma_start3A_32 = arith.constant 0 : i32
    %dma_start3A_33 = tpu.memref_slice %arg3[%dma_start3A_31, %dma_start3A_32] : memref<10000x32xf32, #tpu.memory_space<hbm>> -> memref<10000x32xf32, #tpu.memory_space<hbm>>
    tpu.enqueue_indirect_dma source(%dma_start3A_33 : memref<10000x32xf32, #tpu.memory_space<hbm>>) target(%arg11 : memref<128x32xf32, #tpu.memory_space<vmem>>) offsets(%dma_start3A_30 : memref<128xi32, #tpu.memory_space<vmem>>) semaphore(%arg16 : memref<!tpu.dma_semaphore, #tpu.memory_space<semaphore_mem>>)
    %dma_start3A_34 = arith.constant 1 : i32
    %dma_start3A_35 = arith.constant 0 : i32
    %dma_start3A_36 = tpu.memref_slice %arg7[%dma_start3A_34, %dma_start3A_35] : memref<79x128xi32, #tpu.memory_space<vmem>> -> memref<1x128xi32, #tpu.memory_space<vmem>>
    %dma_start3A_37 = tpu.memref_squeeze %dma_start3A_36 : memref<1x128xi32, #tpu.memory_space<vmem>> -> memref<128xi32, #tpu.memory_space<vmem>>
    %dma_start3A_38 = arith.constant 0 : i32
    %dma_start3A_39 = arith.constant 0 : i32
    %dma_start3A_40 = tpu.memref_slice %arg2[%dma_start3A_38, %dma_start3A_39] : memref<10000x32xf32, #tpu.memory_space<hbm>> -> memref<10000x32xf32, #tpu.memory_space<hbm>>
    tpu.enqueue_indirect_dma source(%dma_start3A_40 : memref<10000x32xf32, #tpu.memory_space<hbm>>) target(%arg10 : memref<128x32xf32, #tpu.memory_space<vmem>>) offsets(%dma_start3A_37 : memref<128xi32, #tpu.memory_space<vmem>>) semaphore(%arg17 : memref<!tpu.dma_semaphore, #tpu.memory_space<semaphore_mem>>)
    %dma_start3A_41 = arith.constant 1 : i32
    %dma_start3A_42 = arith.constant 0 : i32
    %dma_start3A_43 = tpu.memref_slice %arg8[%dma_start3A_41, %dma_start3A_42] : memref<79x128xi32, #tpu.memory_space<vmem>> -> memref<1x128xi32, #tpu.memory_space<vmem>>
    %dma_start3A_44 = tpu.memref_squeeze %dma_start3A_43 : memref<1x128xi32, #tpu.memory_space<vmem>> -> memref<128xi32, #tpu.memory_space<vmem>>
    %dma_start3A_45 = arith.constant 0 : i32
    %dma_start3A_46 = arith.constant 0 : i32
    %dma_start3A_47 = tpu.memref_slice %arg3[%dma_start3A_45, %dma_start3A_46] : memref<10000x32xf32, #tpu.memory_space<hbm>> -> memref<10000x32xf32, #tpu.memory_space<hbm>>
    tpu.enqueue_indirect_dma source(%dma_start3A_47 : memref<10000x32xf32, #tpu.memory_space<hbm>>) target(%arg12 : memref<128x32xf32, #tpu.memory_space<vmem>>) offsets(%dma_start3A_44 : memref<128xi32, #tpu.memory_space<vmem>>) semaphore(%arg17 : memref<!tpu.dma_semaphore, #tpu.memory_space<semaphore_mem>>)
    %scan3A = arith.constant 0 : i32
    %scan3A_48 = arith.constant 0 : i32
    %scan3A_49 = arith.constant 39 : i32
    %scan3A_50 = arith.addi %scan3A_48, %scan3A_49 : i32
    %scan3A_51 = arith.constant 1 : i32
    scf.for %scan3A_71 = %scan3A_48 to %scan3A_50 step %scan3A_51  : i32 {
      %mul3A_72 = arith.constant 2 : i32
      %mul3A_73 = arith.muli %mul3A_72, %scan3A_71 : i32
      %add3A_74 = arith.constant 1 : i32
      %add3A_75 = arith.addi %mul3A_73, %add3A_74 : i32
      %dma_wait3A_76 = arith.constant 0 : i32
      %dma_wait3A_77 = arith.constant 0 : i32
      %dma_wait3A_78 = tpu.memref_slice %arg7[%dma_wait3A_76, %dma_wait3A_77] : memref<79x128xi32, #tpu.memory_space<vmem>> -> memref<1x128xi32, #tpu.memory_space<vmem>>
      %dma_wait3A_79 = tpu.memref_squeeze %dma_wait3A_78 : memref<1x128xi32, #tpu.memory_space<vmem>> -> memref<128xi32, #tpu.memory_space<vmem>>
      %dma_wait3A_80 = arith.constant 0 : i32
      %dma_wait3A_81 = arith.constant 0 : i32
      %dma_wait3A_82 = tpu.memref_slice %arg2[%dma_wait3A_80, %dma_wait3A_81] : memref<10000x32xf32, #tpu.memory_space<hbm>> -> memref<10000x32xf32, #tpu.memory_space<hbm>>
      tpu.wait_indirect_dma semaphore(%arg16 : memref<!tpu.dma_semaphore, #tpu.memory_space<semaphore_mem>>) src(%dma_wait3A_82 : memref<10000x32xf32, #tpu.memory_space<hbm>>) dst(%arg9 : memref<128x32xf32, #tpu.memory_space<vmem>>)
      %dma_wait3A_83 = arith.constant 0 : i32
      %dma_wait3A_84 = arith.constant 0 : i32
      %dma_wait3A_85 = tpu.memref_slice %arg8[%dma_wait3A_83, %dma_wait3A_84] : memref<79x128xi32, #tpu.memory_space<vmem>> -> memref<1x128xi32, #tpu.memory_space<vmem>>
      %dma_wait3A_86 = tpu.memref_squeeze %dma_wait3A_85 : memref<1x128xi32, #tpu.memory_space<vmem>> -> memref<128xi32, #tpu.memory_space<vmem>>
      %dma_wait3A_87 = arith.constant 0 : i32
      %dma_wait3A_88 = arith.constant 0 : i32
      %dma_wait3A_89 = tpu.memref_slice %arg3[%dma_wait3A_87, %dma_wait3A_88] : memref<10000x32xf32, #tpu.memory_space<hbm>> -> memref<10000x32xf32, #tpu.memory_space<hbm>>
      tpu.wait_indirect_dma semaphore(%arg16 : memref<!tpu.dma_semaphore, #tpu.memory_space<semaphore_mem>>) src(%dma_wait3A_89 : memref<10000x32xf32, #tpu.memory_space<hbm>>) dst(%arg11 : memref<128x32xf32, #tpu.memory_space<vmem>>)
      %gt3A_90 = arith.constant 0 : i32
      %gt3A_91 = arith.cmpi sgt, %scan3A_71, %gt3A_90 : i32
      %convert_element_type3A_92 = arith.extui %gt3A_91 : i1 to i32
      %cond3A_93 = arith.constant 0 : i32
      %cond3A_94 = arith.cmpi ne, %convert_element_type3A_92, %cond3A_93 : i32
      scf.if %cond3A_94 {
        %dma_wait3A_144 = arith.constant 0 : i32
        %dma_wait3A_145 = arith.constant 0 : i32
        %dma_wait3A_146 = tpu.memref_slice %arg8[%dma_wait3A_144, %dma_wait3A_145] : memref<79x128xi32, #tpu.memory_space<vmem>> -> memref<1x128xi32, #tpu.memory_space<vmem>>
        %dma_wait3A_147 = tpu.memref_squeeze %dma_wait3A_146 : memref<1x128xi32, #tpu.memory_space<vmem>> -> memref<128xi32, #tpu.memory_space<vmem>>
        %dma_wait3A_148 = arith.constant 0 : i32
        %dma_wait3A_149 = arith.constant 0 : i32
        %dma_wait3A_150 = tpu.memref_slice %arg15[%dma_wait3A_148, %dma_wait3A_149] : memref<10000x48xf32, #tpu.memory_space<vmem_shared>> -> memref<10000x48xf32, #tpu.memory_space<vmem_shared>>
        tpu.wait_indirect_dma semaphore(%arg18 : memref<!tpu.dma_semaphore, #tpu.memory_space<semaphore_mem>>) src(%arg13 : memref<128x48xf32, #tpu.memory_space<vmem>>) dst(%dma_wait3A_150 : memref<10000x48xf32, #tpu.memory_space<vmem_shared>>)
      } else {
      }
      %parallel_loop3A_95 = arith.constant 0 : i32
      %parallel_loop3A_96 = arith.constant 128 : i32
      %parallel_loop3A_97 = arith.constant 1 : i32
      scf.for %parallel_loop3A_144 = %parallel_loop3A_95 to %parallel_loop3A_96 step %parallel_loop3A_97  : i32 {
        %parallel_loop3A_145 = arith.index_cast %parallel_loop3A_144 : i32 to index
        %parallel_loop3A_146 = arith.constant 0 : index
        %parallel_loop3A_147 = tpu.vector_load %arg9[%parallel_loop3A_145, %parallel_loop3A_146] {strides = array<i32>} : memref<128x32xf32, #tpu.memory_space<vmem>>, vector<1x16xf32>,
        %parallel_loop3A_148 = vector.shape_cast %parallel_loop3A_147 : vector<1x16xf32> to vector<16xf32>
        %parallel_loop3A_149 = arith.index_cast %parallel_loop3A_144 : i32 to index
        %parallel_loop3A_150 = arith.constant 0 : index
        %parallel_loop3A_151 = tpu.vector_load %arg11[%parallel_loop3A_149, %parallel_loop3A_150] {strides = array<i32>} : memref<128x32xf32, #tpu.memory_space<vmem>>, vector<1x16xf32>,
        %parallel_loop3A_152 = vector.shape_cast %parallel_loop3A_151 : vector<1x16xf32> to vector<16xf32>
        %parallel_loop3A_153 = arith.addf %parallel_loop3A_148, %parallel_loop3A_152 : vector<16xf32>
        %parallel_loop3A_154 = arith.constant 0.000000e+00 : f32
        %parallel_loop3A_155 = vector.broadcast %parallel_loop3A_154 : f32 to vector<16xf32>
        %parallel_loop3A_156 = arith.maximumf %parallel_loop3A_153, %parallel_loop3A_155 : vector<16xf32>
        %parallel_loop3A_157 = arith.index_cast %parallel_loop3A_144 : i32 to index
        %parallel_loop3A_158 = arith.constant 0 : index
        %parallel_loop3A_159 = tpu.vector_load %arg13[%parallel_loop3A_157, %parallel_loop3A_158] {strides = array<i32>} : memref<128x48xf32, #tpu.memory_space<vmem>>, vector<1x16xf32>,
        %parallel_loop3A_160 = vector.shape_cast %parallel_loop3A_159 : vector<1x16xf32> to vector<16xf32>
        %parallel_loop3A_161 = vector.shape_cast %parallel_loop3A_156 : vector<16xf32> to vector<1x16xf32>
        tpu.vector_store %arg13[%parallel_loop3A_157, %parallel_loop3A_158], %parallel_loop3A_161 {strides = array<i32>} : memref<128x48xf32, #tpu.memory_space<vmem>>, vector<1x16xf32>,
        %parallel_loop3A_162 = arith.index_cast %parallel_loop3A_144 : i32 to index
        %parallel_loop3A_163 = arith.constant 16 : index
        %parallel_loop3A_164 = tpu.vector_load %arg9[%parallel_loop3A_162, %parallel_loop3A_163] {strides = array<i32>} : memref<128x32xf32, #tpu.memory_space<vmem>>, vector<1x16xf32>,
        %parallel_loop3A_165 = vector.shape_cast %parallel_loop3A_164 : vector<1x16xf32> to vector<16xf32>
        %parallel_loop3A_166 = arith.index_cast %parallel_loop3A_144 : i32 to index
        %parallel_loop3A_167 = arith.constant 16 : index
        %parallel_loop3A_168 = tpu.vector_load %arg11[%parallel_loop3A_166, %parallel_loop3A_167] {strides = array<i32>} : memref<128x32xf32, #tpu.memory_space<vmem>>, vector<1x16xf32>,
        %parallel_loop3A_169 = vector.shape_cast %parallel_loop3A_168 : vector<1x16xf32> to vector<16xf32>
        %parallel_loop3A_170 = arith.addf %parallel_loop3A_165, %parallel_loop3A_169 : vector<16xf32>
        %parallel_loop3A_171 = arith.constant 0.000000e+00 : f32
        %parallel_loop3A_172 = vector.broadcast %parallel_loop3A_171 : f32 to vector<16xf32>
        %parallel_loop3A_173 = arith.maximumf %parallel_loop3A_170, %parallel_loop3A_172 : vector<16xf32>
        %parallel_loop3A_174 = arith.index_cast %parallel_loop3A_144 : i32 to index
        %parallel_loop3A_175 = arith.constant 16 : index
        %parallel_loop3A_176 = tpu.vector_load %arg13[%parallel_loop3A_174, %parallel_loop3A_175] {strides = array<i32>} : memref<128x48xf32, #tpu.memory_space<vmem>>, vector<1x16xf32>,
        %parallel_loop3A_177 = vector.shape_cast %parallel_loop3A_176 : vector<1x16xf32> to vector<16xf32>
        %parallel_loop3A_178 = vector.shape_cast %parallel_loop3A_173 : vector<16xf32> to vector<1x16xf32>
        tpu.vector_store %arg13[%parallel_loop3A_174, %parallel_loop3A_175], %parallel_loop3A_178 {strides = array<i32>} : memref<128x48xf32, #tpu.memory_space<vmem>>, vector<1x16xf32>,
      } {sc.loop_unroll_factor = 8 : i64, sc.parallel_access}
      %dma_start3A_98 = arith.constant 0 : i32
      %dma_start3A_99 = tpu.memref_slice %arg8[%mul3A_73, %dma_start3A_98] : memref<79x128xi32, #tpu.memory_space<vmem>> -> memref<1x128xi32, #tpu.memory_space<vmem>>
      %dma_start3A_100 = tpu.memref_squeeze %dma_start3A_99 : memref<1x128xi32, #tpu.memory_space<vmem>> -> memref<128xi32, #tpu.memory_space<vmem>>
      %dma_start3A_101 = arith.constant 0 : i32
      %dma_start3A_102 = arith.constant 0 : i32
      %dma_start3A_103 = tpu.memref_slice %arg15[%dma_start3A_101, %dma_start3A_102] : memref<10000x48xf32, #tpu.memory_space<vmem_shared>> -> memref<10000x48xf32, #tpu.memory_space<vmem_shared>>
      tpu.enqueue_indirect_dma source(%arg13 : memref<128x48xf32, #tpu.memory_space<vmem>>) target(%dma_start3A_103 : memref<10000x48xf32, #tpu.memory_space<vmem_shared>>) offsets(%dma_start3A_100 : memref<128xi32, #tpu.memory_space<vmem>>) semaphore(%arg18 : memref<!tpu.dma_semaphore, #tpu.memory_space<semaphore_mem>>) {add = true}
      %add3A_104 = arith.constant 2 : i32
      %add3A_105 = arith.addi %mul3A_73, %add3A_104 : i32
      %lt3A_106 = arith.cmpi slt, %add3A_105, %add3A_20 : i32
      %convert_element_type3A_107 = arith.extui %lt3A_106 : i1 to i32
      %cond3A_108 = arith.constant 0 : i32
      %cond3A_109 = arith.cmpi ne, %convert_element_type3A_107, %cond3A_108 : i32
      scf.if %cond3A_109 {
        %add3A_144 = arith.constant 2 : i32
        %add3A_145 = arith.addi %mul3A_73, %add3A_144 : i32
        %dma_start3A_146 = arith.constant 0 : i32
        %dma_start3A_147 = tpu.memref_slice %arg7[%add3A_145, %dma_start3A_146] : memref<79x128xi32, #tpu.memory_space<vmem>> -> memref<1x128xi32, #tpu.memory_space<vmem>>
        %dma_start3A_148 = tpu.memref_squeeze %dma_start3A_147 : memref<1x128xi32, #tpu.memory_space<vmem>> -> memref<128xi32, #tpu.memory_space<vmem>>
        %dma_start3A_149 = arith.constant 0 : i32
        %dma_start3A_150 = arith.constant 0 : i32
        %dma_start3A_151 = tpu.memref_slice %arg2[%dma_start3A_149, %dma_start3A_150] : memref<10000x32xf32, #tpu.memory_space<hbm>> -> memref<10000x32xf32, #tpu.memory_space<hbm>>
        tpu.enqueue_indirect_dma source(%dma_start3A_151 : memref<10000x32xf32, #tpu.memory_space<hbm>>) target(%arg9 : memref<128x32xf32, #tpu.memory_space<vmem>>) offsets(%dma_start3A_148 : memref<128xi32, #tpu.memory_space<vmem>>) semaphore(%arg16 : memref<!tpu.dma_semaphore, #tpu.memory_space<semaphore_mem>>)
        %dma_start3A_152 = arith.constant 0 : i32
        %dma_start3A_153 = tpu.memref_slice %arg8[%add3A_145, %dma_start3A_152] : memref<79x128xi32, #tpu.memory_space<vmem>> -> memref<1x128xi32, #tpu.memory_space<vmem>>
        %dma_start3A_154 = tpu.memref_squeeze %dma_start3A_153 : memref<1x128xi32, #tpu.memory_space<vmem>> -> memref<128xi32, #tpu.memory_space<vmem>>
        %dma_start3A_155 = arith.constant 0 : i32
        %dma_start3A_156 = arith.constant 0 : i32
        %dma_start3A_157 = tpu.memref_slice %arg3[%dma_start3A_155, %dma_start3A_156] : memref<10000x32xf32, #tpu.memory_space<hbm>> -> memref<10000x32xf32, #tpu.memory_space<hbm>>
        tpu.enqueue_indirect_dma source(%dma_start3A_157 : memref<10000x32xf32, #tpu.memory_space<hbm>>) target(%arg11 : memref<128x32xf32, #tpu.memory_space<vmem>>) offsets(%dma_start3A_154 : memref<128xi32, #tpu.memory_space<vmem>>) semaphore(%arg16 : memref<!tpu.dma_semaphore, #tpu.memory_space<semaphore_mem>>)
      } else {
      }
      %dma_wait3A_110 = arith.constant 0 : i32
      %dma_wait3A_111 = arith.constant 0 : i32
      %dma_wait3A_112 = tpu.memref_slice %arg7[%dma_wait3A_110, %dma_wait3A_111] : memref<79x128xi32, #tpu.memory_space<vmem>> -> memref<1x128xi32, #tpu.memory_space<vmem>>
      %dma_wait3A_113 = tpu.memref_squeeze %dma_wait3A_112 : memref<1x128xi32, #tpu.memory_space<vmem>> -> memref<128xi32, #tpu.memory_space<vmem>>
      %dma_wait3A_114 = arith.constant 0 : i32
      %dma_wait3A_115 = arith.constant 0 : i32
      %dma_wait3A_116 = tpu.memref_slice %arg2[%dma_wait3A_114, %dma_wait3A_115] : memref<10000x32xf32, #tpu.memory_space<hbm>> -> memref<10000x32xf32, #tpu.memory_space<hbm>>
      tpu.wait_indirect_dma semaphore(%arg17 : memref<!tpu.dma_semaphore, #tpu.memory_space<semaphore_mem>>) src(%dma_wait3A_116 : memref<10000x32xf32, #tpu.memory_space<hbm>>) dst(%arg10 : memref<128x32xf32, #tpu.memory_space<vmem>>)
      %dma_wait3A_117 = arith.constant 0 : i32
      %dma_wait3A_118 = arith.constant 0 : i32
      %dma_wait3A_119 = tpu.memref_slice %arg8[%dma_wait3A_117, %dma_wait3A_118] : memref<79x128xi32, #tpu.memory_space<vmem>> -> memref<1x128xi32, #tpu.memory_space<vmem>>
      %dma_wait3A_120 = tpu.memref_squeeze %dma_wait3A_119 : memref<1x128xi32, #tpu.memory_space<vmem>> -> memref<128xi32, #tpu.memory_space<vmem>>
      %dma_wait3A_121 = arith.constant 0 : i32
      %dma_wait3A_122 = arith.constant 0 : i32
      %dma_wait3A_123 = tpu.memref_slice %arg3[%dma_wait3A_121, %dma_wait3A_122] : memref<10000x32xf32, #tpu.memory_space<hbm>> -> memref<10000x32xf32, #tpu.memory_space<hbm>>
      tpu.wait_indirect_dma semaphore(%arg17 : memref<!tpu.dma_semaphore, #tpu.memory_space<semaphore_mem>>) src(%dma_wait3A_123 : memref<10000x32xf32, #tpu.memory_space<hbm>>) dst(%arg12 : memref<128x32xf32, #tpu.memory_space<vmem>>)
      %gt3A_124 = arith.constant 0 : i32
      %gt3A_125 = arith.cmpi sgt, %scan3A_71, %gt3A_124 : i32
      %convert_element_type3A_126 = arith.extui %gt3A_125 : i1 to i32
      %cond3A_127 = arith.constant 0 : i32
      %cond3A_128 = arith.cmpi ne, %convert_element_type3A_126, %cond3A_127 : i32
      scf.if %cond3A_128 {
        %dma_wait3A_144 = arith.constant 0 : i32
        %dma_wait3A_145 = arith.constant 0 : i32
        %dma_wait3A_146 = tpu.memref_slice %arg8[%dma_wait3A_144, %dma_wait3A_145] : memref<79x128xi32, #tpu.memory_space<vmem>> -> memref<1x128xi32, #tpu.memory_space<vmem>>
        %dma_wait3A_147 = tpu.memref_squeeze %dma_wait3A_146 : memref<1x128xi32, #tpu.memory_space<vmem>> -> memref<128xi32, #tpu.memory_space<vmem>>
        %dma_wait3A_148 = arith.constant 0 : i32
        %dma_wait3A_149 = arith.constant 0 : i32
        %dma_wait3A_150 = tpu.memref_slice %arg15[%dma_wait3A_148, %dma_wait3A_149] : memref<10000x48xf32, #tpu.memory_space<vmem_shared>> -> memref<10000x48xf32, #tpu.memory_space<vmem_shared>>
        tpu.wait_indirect_dma semaphore(%arg19 : memref<!tpu.dma_semaphore, #tpu.memory_space<semaphore_mem>>) src(%arg14 : memref<128x48xf32, #tpu.memory_space<vmem>>) dst(%dma_wait3A_150 : memref<10000x48xf32, #tpu.memory_space<vmem_shared>>)
      } else {
      }
      %parallel_loop3A_129 = arith.constant 0 : i32
      %parallel_loop3A_130 = arith.constant 128 : i32
      %parallel_loop3A_131 = arith.constant 1 : i32
      scf.for %parallel_loop3A_144 = %parallel_loop3A_129 to %parallel_loop3A_130 step %parallel_loop3A_131  : i32 {
        %parallel_loop3A_145 = arith.index_cast %parallel_loop3A_144 : i32 to index
        %parallel_loop3A_146 = arith.constant 0 : index
        %parallel_loop3A_147 = tpu.vector_load %arg10[%parallel_loop3A_145, %parallel_loop3A_146] {strides = array<i32>} : memref<128x32xf32, #tpu.memory_space<vmem>>, vector<1x16xf32>,
        %parallel_loop3A_148 = vector.shape_cast %parallel_loop3A_147 : vector<1x16xf32> to vector<16xf32>
        %parallel_loop3A_149 = arith.index_cast %parallel_loop3A_144 : i32 to index
        %parallel_loop3A_150 = arith.constant 0 : index
        %parallel_loop3A_151 = tpu.vector_load %arg12[%parallel_loop3A_149, %parallel_loop3A_150] {strides = array<i32>} : memref<128x32xf32, #tpu.memory_space<vmem>>, vector<1x16xf32>,
        %parallel_loop3A_152 = vector.shape_cast %parallel_loop3A_151 : vector<1x16xf32> to vector<16xf32>
        %parallel_loop3A_153 = arith.addf %parallel_loop3A_148, %parallel_loop3A_152 : vector<16xf32>
        %parallel_loop3A_154 = arith.constant 0.000000e+00 : f32
        %parallel_loop3A_155 = vector.broadcast %parallel_loop3A_154 : f32 to vector<16xf32>
        %parallel_loop3A_156 = arith.maximumf %parallel_loop3A_153, %parallel_loop3A_155 : vector<16xf32>
        %parallel_loop3A_157 = arith.index_cast %parallel_loop3A_144 : i32 to index
        %parallel_loop3A_158 = arith.constant 0 : index
        %parallel_loop3A_159 = tpu.vector_load %arg14[%parallel_loop3A_157, %parallel_loop3A_158] {strides = array<i32>} : memref<128x48xf32, #tpu.memory_space<vmem>>, vector<1x16xf32>,
        %parallel_loop3A_160 = vector.shape_cast %parallel_loop3A_159 : vector<1x16xf32> to vector<16xf32>
        %parallel_loop3A_161 = vector.shape_cast %parallel_loop3A_156 : vector<16xf32> to vector<1x16xf32>
        tpu.vector_store %arg14[%parallel_loop3A_157, %parallel_loop3A_158], %parallel_loop3A_161 {strides = array<i32>} : memref<128x48xf32, #tpu.memory_space<vmem>>, vector<1x16xf32>,
        %parallel_loop3A_162 = arith.index_cast %parallel_loop3A_144 : i32 to index
        %parallel_loop3A_163 = arith.constant 16 : index
        %parallel_loop3A_164 = tpu.vector_load %arg10[%parallel_loop3A_162, %parallel_loop3A_163] {strides = array<i32>} : memref<128x32xf32, #tpu.memory_space<vmem>>, vector<1x16xf32>,
        %parallel_loop3A_165 = vector.shape_cast %parallel_loop3A_164 : vector<1x16xf32> to vector<16xf32>
        %parallel_loop3A_166 = arith.index_cast %parallel_loop3A_144 : i32 to index
        %parallel_loop3A_167 = arith.constant 16 : index
        %parallel_loop3A_168 = tpu.vector_load %arg12[%parallel_loop3A_166, %parallel_loop3A_167] {strides = array<i32>} : memref<128x32xf32, #tpu.memory_space<vmem>>, vector<1x16xf32>,
        %parallel_loop3A_169 = vector.shape_cast %parallel_loop3A_168 : vector<1x16xf32> to vector<16xf32>
        %parallel_loop3A_170 = arith.addf %parallel_loop3A_165, %parallel_loop3A_169 : vector<16xf32>
        %parallel_loop3A_171 = arith.constant 0.000000e+00 : f32
        %parallel_loop3A_172 = vector.broadcast %parallel_loop3A_171 : f32 to vector<16xf32>
        %parallel_loop3A_173 = arith.maximumf %parallel_loop3A_170, %parallel_loop3A_172 : vector<16xf32>
        %parallel_loop3A_174 = arith.index_cast %parallel_loop3A_144 : i32 to index
        %parallel_loop3A_175 = arith.constant 16 : index
        %parallel_loop3A_176 = tpu.vector_load %arg14[%parallel_loop3A_174, %parallel_loop3A_175] {strides = array<i32>} : memref<128x48xf32, #tpu.memory_space<vmem>>, vector<1x16xf32>,
        %parallel_loop3A_177 = vector.shape_cast %parallel_loop3A_176 : vector<1x16xf32> to vector<16xf32>
        %parallel_loop3A_178 = vector.shape_cast %parallel_loop3A_173 : vector<16xf32> to vector<1x16xf32>
        tpu.vector_store %arg14[%parallel_loop3A_174, %parallel_loop3A_175], %parallel_loop3A_178 {strides = array<i32>} : memref<128x48xf32, #tpu.memory_space<vmem>>, vector<1x16xf32>,
      } {sc.loop_unroll_factor = 8 : i64, sc.parallel_access}
      %dma_start3A_132 = arith.constant 0 : i32
      %dma_start3A_133 = tpu.memref_slice %arg8[%add3A_75, %dma_start3A_132] : memref<79x128xi32, #tpu.memory_space<vmem>> -> memref<1x128xi32, #tpu.memory_space<vmem>>
      %dma_start3A_134 = tpu.memref_squeeze %dma_start3A_133 : memref<1x128xi32, #tpu.memory_space<vmem>> -> memref<128xi32, #tpu.memory_space<vmem>>
      %dma_start3A_135 = arith.constant 0 : i32
      %dma_start3A_136 = arith.constant 0 : i32
      %dma_start3A_137 = tpu.memref_slice %arg15[%dma_start3A_135, %dma_start3A_136] : memref<10000x48xf32, #tpu.memory_space<vmem_shared>> -> memref<10000x48xf32, #tpu.memory_space<vmem_shared>>
      tpu.enqueue_indirect_dma source(%arg14 : memref<128x48xf32, #tpu.memory_space<vmem>>) target(%dma_start3A_137 : memref<10000x48xf32, #tpu.memory_space<vmem_shared>>) offsets(%dma_start3A_134 : memref<128xi32, #tpu.memory_space<vmem>>) semaphore(%arg19 : memref<!tpu.dma_semaphore, #tpu.memory_space<semaphore_mem>>) {add = true}
      %add3A_138 = arith.constant 2 : i32
      %add3A_139 = arith.addi %add3A_75, %add3A_138 : i32
      %lt3A_140 = arith.cmpi slt, %add3A_139, %add3A_20 : i32
      %convert_element_type3A_141 = arith.extui %lt3A_140 : i1 to i32
      %cond3A_142 = arith.constant 0 : i32
      %cond3A_143 = arith.cmpi ne, %convert_element_type3A_141, %cond3A_142 : i32
      scf.if %cond3A_143 {
        %add3A_144 = arith.constant 2 : i32
        %add3A_145 = arith.addi %add3A_75, %add3A_144 : i32
        %dma_start3A_146 = arith.constant 0 : i32
        %dma_start3A_147 = tpu.memref_slice %arg7[%add3A_145, %dma_start3A_146] : memref<79x128xi32, #tpu.memory_space<vmem>> -> memref<1x128xi32, #tpu.memory_space<vmem>>
        %dma_start3A_148 = tpu.memref_squeeze %dma_start3A_147 : memref<1x128xi32, #tpu.memory_space<vmem>> -> memref<128xi32, #tpu.memory_space<vmem>>
        %dma_start3A_149 = arith.constant 0 : i32
        %dma_start3A_150 = arith.constant 0 : i32
        %dma_start3A_151 = tpu.memref_slice %arg2[%dma_start3A_149, %dma_start3A_150] : memref<10000x32xf32, #tpu.memory_space<hbm>> -> memref<10000x32xf32, #tpu.memory_space<hbm>>
        tpu.enqueue_indirect_dma source(%dma_start3A_151 : memref<10000x32xf32, #tpu.memory_space<hbm>>) target(%arg10 : memref<128x32xf32, #tpu.memory_space<vmem>>) offsets(%dma_start3A_148 : memref<128xi32, #tpu.memory_space<vmem>>) semaphore(%arg17 : memref<!tpu.dma_semaphore, #tpu.memory_space<semaphore_mem>>)
        %dma_start3A_152 = arith.constant 0 : i32
        %dma_start3A_153 = tpu.memref_slice %arg8[%add3A_145, %dma_start3A_152] : memref<79x128xi32, #tpu.memory_space<vmem>> -> memref<1x128xi32, #tpu.memory_space<vmem>>
        %dma_start3A_154 = tpu.memref_squeeze %dma_start3A_153 : memref<1x128xi32, #tpu.memory_space<vmem>> -> memref<128xi32, #tpu.memory_space<vmem>>
        %dma_start3A_155 = arith.constant 0 : i32
        %dma_start3A_156 = arith.constant 0 : i32
        %dma_start3A_157 = tpu.memref_slice %arg3[%dma_start3A_155, %dma_start3A_156] : memref<10000x32xf32, #tpu.memory_space<hbm>> -> memref<10000x32xf32, #tpu.memory_space<hbm>>
        tpu.enqueue_indirect_dma source(%dma_start3A_157 : memref<10000x32xf32, #tpu.memory_space<hbm>>) target(%arg12 : memref<128x32xf32, #tpu.memory_space<vmem>>) offsets(%dma_start3A_154 : memref<128xi32, #tpu.memory_space<vmem>>) semaphore(%arg17 : memref<!tpu.dma_semaphore, #tpu.memory_space<semaphore_mem>>)
      } else {
      }
    }
    %scan3A_52 = arith.constant 39 : i32
    %gt3A = arith.constant 78 : i32
    %gt3A_53 = arith.cmpi sgt, %add3A_20, %gt3A : i32
    %convert_element_type3A_54 = arith.extui %gt3A_53 : i1 to i32
    %cond3A_55 = arith.constant 0 : i32
    %cond3A_56 = arith.cmpi ne, %convert_element_type3A_54, %cond3A_55 : i32
    scf.if %cond3A_56 {
      %dma_wait3A_71 = arith.constant 0 : i32
      %dma_wait3A_72 = arith.constant 0 : i32
      %dma_wait3A_73 = tpu.memref_slice %arg7[%dma_wait3A_71, %dma_wait3A_72] : memref<79x128xi32, #tpu.memory_space<vmem>> -> memref<1x128xi32, #tpu.memory_space<vmem>>
      %dma_wait3A_74 = tpu.memref_squeeze %dma_wait3A_73 : memref<1x128xi32, #tpu.memory_space<vmem>> -> memref<128xi32, #tpu.memory_space<vmem>>
      %dma_wait3A_75 = arith.constant 0 : i32
      %dma_wait3A_76 = arith.constant 0 : i32
      %dma_wait3A_77 = tpu.memref_slice %arg2[%dma_wait3A_75, %dma_wait3A_76] : memref<10000x32xf32, #tpu.memory_space<hbm>> -> memref<10000x32xf32, #tpu.memory_space<hbm>>
      tpu.wait_indirect_dma semaphore(%arg16 : memref<!tpu.dma_semaphore, #tpu.memory_space<semaphore_mem>>) src(%dma_wait3A_77 : memref<10000x32xf32, #tpu.memory_space<hbm>>) dst(%arg9 : memref<128x32xf32, #tpu.memory_space<vmem>>)
      %dma_wait3A_78 = arith.constant 0 : i32
      %dma_wait3A_79 = arith.constant 0 : i32
      %dma_wait3A_80 = tpu.memref_slice %arg8[%dma_wait3A_78, %dma_wait3A_79] : memref<79x128xi32, #tpu.memory_space<vmem>> -> memref<1x128xi32, #tpu.memory_space<vmem>>
      %dma_wait3A_81 = tpu.memref_squeeze %dma_wait3A_80 : memref<1x128xi32, #tpu.memory_space<vmem>> -> memref<128xi32, #tpu.memory_space<vmem>>
      %dma_wait3A_82 = arith.constant 0 : i32
      %dma_wait3A_83 = arith.constant 0 : i32
      %dma_wait3A_84 = tpu.memref_slice %arg3[%dma_wait3A_82, %dma_wait3A_83] : memref<10000x32xf32, #tpu.memory_space<hbm>> -> memref<10000x32xf32, #tpu.memory_space<hbm>>
      tpu.wait_indirect_dma semaphore(%arg16 : memref<!tpu.dma_semaphore, #tpu.memory_space<semaphore_mem>>) src(%dma_wait3A_84 : memref<10000x32xf32, #tpu.memory_space<hbm>>) dst(%arg11 : memref<128x32xf32, #tpu.memory_space<vmem>>)
      %dma_wait3A_85 = arith.constant 0 : i32
      %dma_wait3A_86 = arith.constant 0 : i32
      %dma_wait3A_87 = tpu.memref_slice %arg8[%dma_wait3A_85, %dma_wait3A_86] : memref<79x128xi32, #tpu.memory_space<vmem>> -> memref<1x128xi32, #tpu.memory_space<vmem>>
      %dma_wait3A_88 = tpu.memref_squeeze %dma_wait3A_87 : memref<1x128xi32, #tpu.memory_space<vmem>> -> memref<128xi32, #tpu.memory_space<vmem>>
      %dma_wait3A_89 = arith.constant 0 : i32
      %dma_wait3A_90 = arith.constant 0 : i32
      %dma_wait3A_91 = tpu.memref_slice %arg15[%dma_wait3A_89, %dma_wait3A_90] : memref<10000x48xf32, #tpu.memory_space<vmem_shared>> -> memref<10000x48xf32, #tpu.memory_space<vmem_shared>>
      tpu.wait_indirect_dma semaphore(%arg18 : memref<!tpu.dma_semaphore, #tpu.memory_space<semaphore_mem>>) src(%arg13 : memref<128x48xf32, #tpu.memory_space<vmem>>) dst(%dma_wait3A_91 : memref<10000x48xf32, #tpu.memory_space<vmem_shared>>)
      %parallel_loop3A_92 = arith.constant 0 : i32
      %parallel_loop3A_93 = arith.constant 128 : i32
      %parallel_loop3A_94 = arith.constant 1 : i32
      scf.for %parallel_loop3A_102 = %parallel_loop3A_92 to %parallel_loop3A_93 step %parallel_loop3A_94  : i32 {
        %parallel_loop3A_103 = arith.index_cast %parallel_loop3A_102 : i32 to index
        %parallel_loop3A_104 = arith.constant 0 : index
        %parallel_loop3A_105 = tpu.vector_load %arg9[%parallel_loop3A_103, %parallel_loop3A_104] {strides = array<i32>} : memref<128x32xf32, #tpu.memory_space<vmem>>, vector<1x16xf32>,
        %parallel_loop3A_106 = vector.shape_cast %parallel_loop3A_105 : vector<1x16xf32> to vector<16xf32>
        %parallel_loop3A_107 = arith.index_cast %parallel_loop3A_102 : i32 to index
        %parallel_loop3A_108 = arith.constant 0 : index
        %parallel_loop3A_109 = tpu.vector_load %arg11[%parallel_loop3A_107, %parallel_loop3A_108] {strides = array<i32>} : memref<128x32xf32, #tpu.memory_space<vmem>>, vector<1x16xf32>,
        %parallel_loop3A_110 = vector.shape_cast %parallel_loop3A_109 : vector<1x16xf32> to vector<16xf32>
        %parallel_loop3A_111 = arith.addf %parallel_loop3A_106, %parallel_loop3A_110 : vector<16xf32>
        %parallel_loop3A_112 = arith.constant 0.000000e+00 : f32
        %parallel_loop3A_113 = vector.broadcast %parallel_loop3A_112 : f32 to vector<16xf32>
        %parallel_loop3A_114 = arith.maximumf %parallel_loop3A_111, %parallel_loop3A_113 : vector<16xf32>
        %parallel_loop3A_115 = arith.index_cast %parallel_loop3A_102 : i32 to index
        %parallel_loop3A_116 = arith.constant 0 : index
        %parallel_loop3A_117 = tpu.vector_load %arg13[%parallel_loop3A_115, %parallel_loop3A_116] {strides = array<i32>} : memref<128x48xf32, #tpu.memory_space<vmem>>, vector<1x16xf32>,
        %parallel_loop3A_118 = vector.shape_cast %parallel_loop3A_117 : vector<1x16xf32> to vector<16xf32>
        %parallel_loop3A_119 = vector.shape_cast %parallel_loop3A_114 : vector<16xf32> to vector<1x16xf32>
        tpu.vector_store %arg13[%parallel_loop3A_115, %parallel_loop3A_116], %parallel_loop3A_119 {strides = array<i32>} : memref<128x48xf32, #tpu.memory_space<vmem>>, vector<1x16xf32>,
        %parallel_loop3A_120 = arith.index_cast %parallel_loop3A_102 : i32 to index
        %parallel_loop3A_121 = arith.constant 16 : index
        %parallel_loop3A_122 = tpu.vector_load %arg9[%parallel_loop3A_120, %parallel_loop3A_121] {strides = array<i32>} : memref<128x32xf32, #tpu.memory_space<vmem>>, vector<1x16xf32>,
        %parallel_loop3A_123 = vector.shape_cast %parallel_loop3A_122 : vector<1x16xf32> to vector<16xf32>
        %parallel_loop3A_124 = arith.index_cast %parallel_loop3A_102 : i32 to index
        %parallel_loop3A_125 = arith.constant 16 : index
        %parallel_loop3A_126 = tpu.vector_load %arg11[%parallel_loop3A_124, %parallel_loop3A_125] {strides = array<i32>} : memref<128x32xf32, #tpu.memory_space<vmem>>, vector<1x16xf32>,
        %parallel_loop3A_127 = vector.shape_cast %parallel_loop3A_126 : vector<1x16xf32> to vector<16xf32>
        %parallel_loop3A_128 = arith.addf %parallel_loop3A_123, %parallel_loop3A_127 : vector<16xf32>
        %parallel_loop3A_129 = arith.constant 0.000000e+00 : f32
        %parallel_loop3A_130 = vector.broadcast %parallel_loop3A_129 : f32 to vector<16xf32>
        %parallel_loop3A_131 = arith.maximumf %parallel_loop3A_128, %parallel_loop3A_130 : vector<16xf32>
        %parallel_loop3A_132 = arith.index_cast %parallel_loop3A_102 : i32 to index
        %parallel_loop3A_133 = arith.constant 16 : index
        %parallel_loop3A_134 = tpu.vector_load %arg13[%parallel_loop3A_132, %parallel_loop3A_133] {strides = array<i32>} : memref<128x48xf32, #tpu.memory_space<vmem>>, vector<1x16xf32>,
        %parallel_loop3A_135 = vector.shape_cast %parallel_loop3A_134 : vector<1x16xf32> to vector<16xf32>
        %parallel_loop3A_136 = vector.shape_cast %parallel_loop3A_131 : vector<16xf32> to vector<1x16xf32>
        tpu.vector_store %arg13[%parallel_loop3A_132, %parallel_loop3A_133], %parallel_loop3A_136 {strides = array<i32>} : memref<128x48xf32, #tpu.memory_space<vmem>>, vector<1x16xf32>,
      } {sc.loop_unroll_factor = 8 : i64, sc.parallel_access}
      %dma_start3A_95 = arith.constant 78 : i32
      %dma_start3A_96 = arith.constant 0 : i32
      %dma_start3A_97 = tpu.memref_slice %arg8[%dma_start3A_95, %dma_start3A_96] : memref<79x128xi32, #tpu.memory_space<vmem>> -> memref<1x128xi32, #tpu.memory_space<vmem>>
      %dma_start3A_98 = tpu.memref_squeeze %dma_start3A_97 : memref<1x128xi32, #tpu.memory_space<vmem>> -> memref<128xi32, #tpu.memory_space<vmem>>
      %dma_start3A_99 = arith.constant 0 : i32
      %dma_start3A_100 = arith.constant 0 : i32
      %dma_start3A_101 = tpu.memref_slice %arg15[%dma_start3A_99, %dma_start3A_100] : memref<10000x48xf32, #tpu.memory_space<vmem_shared>> -> memref<10000x48xf32, #tpu.memory_space<vmem_shared>>
      tpu.enqueue_indirect_dma source(%arg13 : memref<128x48xf32, #tpu.memory_space<vmem>>) target(%dma_start3A_101 : memref<10000x48xf32, #tpu.memory_space<vmem_shared>>) offsets(%dma_start3A_98 : memref<128xi32, #tpu.memory_space<vmem>>) semaphore(%arg18 : memref<!tpu.dma_semaphore, #tpu.memory_space<semaphore_mem>>) {add = true}
    } else {
    }
    %dma_wait3A = arith.constant 0 : i32
    %dma_wait3A_57 = arith.constant 0 : i32
    %dma_wait3A_58 = tpu.memref_slice %arg8[%dma_wait3A, %dma_wait3A_57] : memref<79x128xi32, #tpu.memory_space<vmem>> -> memref<1x128xi32, #tpu.memory_space<vmem>>
    %dma_wait3A_59 = tpu.memref_squeeze %dma_wait3A_58 : memref<1x128xi32, #tpu.memory_space<vmem>> -> memref<128xi32, #tpu.memory_space<vmem>>
    %dma_wait3A_60 = arith.constant 0 : i32
    %dma_wait3A_61 = arith.constant 0 : i32
    %dma_wait3A_62 = tpu.memref_slice %arg15[%dma_wait3A_60, %dma_wait3A_61] : memref<10000x48xf32, #tpu.memory_space<vmem_shared>> -> memref<10000x48xf32, #tpu.memory_space<vmem_shared>>
    tpu.wait_indirect_dma semaphore(%arg18 : memref<!tpu.dma_semaphore, #tpu.memory_space<semaphore_mem>>) src(%arg13 : memref<128x48xf32, #tpu.memory_space<vmem>>) dst(%dma_wait3A_62 : memref<10000x48xf32, #tpu.memory_space<vmem_shared>>)
    %dma_wait3A_63 = arith.constant 0 : i32
    %dma_wait3A_64 = arith.constant 0 : i32
    %dma_wait3A_65 = tpu.memref_slice %arg8[%dma_wait3A_63, %dma_wait3A_64] : memref<79x128xi32, #tpu.memory_space<vmem>> -> memref<1x128xi32, #tpu.memory_space<vmem>>
    %dma_wait3A_66 = tpu.memref_squeeze %dma_wait3A_65 : memref<1x128xi32, #tpu.memory_space<vmem>> -> memref<128xi32, #tpu.memory_space<vmem>>
    %dma_wait3A_67 = arith.constant 0 : i32
    %dma_wait3A_68 = arith.constant 0 : i32
    %dma_wait3A_69 = tpu.memref_slice %arg15[%dma_wait3A_67, %dma_wait3A_68] : memref<10000x48xf32, #tpu.memory_space<vmem_shared>> -> memref<10000x48xf32, #tpu.memory_space<vmem_shared>>
    tpu.wait_indirect_dma semaphore(%arg19 : memref<!tpu.dma_semaphore, #tpu.memory_space<semaphore_mem>>) src(%arg14 : memref<128x48xf32, #tpu.memory_space<vmem>>) dst(%dma_wait3A_69 : memref<10000x48xf32, #tpu.memory_space<vmem_shared>>)
    %barrier3A_70 = arith.constant 0 : index
    tpu.barrier barrier_id(%barrier3A_70)
    "tpu.region"() ({
      %run_scoped3A_71 = tpu.sem_alloc : memref<!tpu.dma_semaphore, #tpu.memory_space<semaphore_mem>>
      %dma_start3A_72 = arith.constant 0 : i32
      %dma_start3A_73 = tpu.memref_slice %arg6[%arg0, %mul3A_2, %dma_start3A_72] : memref<2x10000x48xf32, #tpu.memory_space<hbm>> -> memref<1x625x48xf32, #tpu.memory_space<hbm>>
      %dma_start3A_74 = tpu.memref_squeeze %dma_start3A_73 : memref<1x625x48xf32, #tpu.memory_space<hbm>> -> memref<625x48xf32, #tpu.memory_space<hbm>>
      %dma_start3A_75 = arith.constant 0 : i32
      %dma_start3A_76 = tpu.memref_slice %arg15[%mul3A_2, %dma_start3A_75] : memref<10000x48xf32, #tpu.memory_space<vmem_shared>> -> memref<625x48xf32, #tpu.memory_space<vmem_shared>>
      tpu.enqueue_dma source(%dma_start3A_76 : memref<625x48xf32, #tpu.memory_space<vmem_shared>>) target(%dma_start3A_74 : memref<625x48xf32, #tpu.memory_space<hbm>>) target_semaphore(%run_scoped3A_71 : memref<!tpu.dma_semaphore, #tpu.memory_space<semaphore_mem>>)
      %dma_wait3A_77 = arith.constant 0 : i32
      %dma_wait3A_78 = tpu.memref_slice %arg6[%arg0, %mul3A_2, %dma_wait3A_77] : memref<2x10000x48xf32, #tpu.memory_space<hbm>> -> memref<1x625x48xf32, #tpu.memory_space<hbm>>
      %dma_wait3A_79 = tpu.memref_squeeze %dma_wait3A_78 : memref<1x625x48xf32, #tpu.memory_space<hbm>> -> memref<625x48xf32, #tpu.memory_space<hbm>>
      %dma_wait3A_80 = arith.constant 0 : i32
      %dma_wait3A_81 = tpu.memref_slice %arg15[%mul3A_2, %dma_wait3A_80] : memref<10000x48xf32, #tpu.memory_space<vmem_shared>> -> memref<625x48xf32, #tpu.memory_space<vmem_shared>>
      tpu.wait_dma2 semaphore(%run_scoped3A_71 : memref<!tpu.dma_semaphore, #tpu.memory_space<semaphore_mem>>) src(%dma_wait3A_81 : memref<625x48xf32, #tpu.memory_space<vmem_shared>>) dst(%dma_wait3A_79 : memref<625x48xf32, #tpu.memory_space<hbm>>)
      tpu.yield
    }) : () -> ()
    return
  }
}

module attributes {stable_mosaic.version = 14 : i64} {
  func.func @_tables_body(%arg0: memref<10000x128xf32, #tpu.memory_space<vmem>>, %arg1: memref<128x32xf32, #tpu.memory_space<vmem>>, %arg2: memref<128x32xf32, #tpu.memory_space<vmem>>, %arg3: memref<1x32xf32, #tpu.memory_space<vmem>>, %arg4: memref<10000x32xf32, #tpu.memory_space<vmem>>, %arg5: memref<10000x32xf32, #tpu.memory_space<vmem>>) attributes {dimension_semantics = [], scalar_prefetch = 0 : i64, scratch_operands = 0 : i64, tpu.core_type = #tpu.core_type<tc>} {
    %get3A = arith.constant 0 : index
    %get3A_0 = arith.constant 0 : index
    %get3A_1 = vector.load %arg0[%get3A, %get3A_0] : memref<10000x128xf32, #tpu.memory_space<vmem>>, vector<10000x128xf32>
    %get3A_2 = arith.constant 0 : index
    %get3A_3 = arith.constant 0 : index
    %get3A_4 = vector.load %arg1[%get3A_2, %get3A_3] : memref<128x32xf32, #tpu.memory_space<vmem>>, vector<128x32xf32>
    %dot_general3A = arith.constant dense<0.000000e+00> : vector<10000x32xf32>
    %dot_general3A_5 = tpu.matmul %get3A_1, %get3A_4, %dot_general3A {dimension_numbers = #tpu.dot_dimension_numbers<[1], [0], [0], [1], [0, 0, 1, 1], [], []>, transpose_lhs_hint = false} : vector<10000x128xf32>, vector<128x32xf32>, vector<10000x32xf32> -> vector<10000x32xf32>
    %swap3A = arith.constant 0 : index
    %swap3A_6 = arith.constant 0 : index
    %swap3A_7 = vector.load %arg4[%swap3A, %swap3A_6] : memref<10000x32xf32, #tpu.memory_space<vmem>>, vector<10000x32xf32>
    tpu.vector_store %arg4[%swap3A, %swap3A_6], %dot_general3A_5 {strides = array<i32>} : memref<10000x32xf32, #tpu.memory_space<vmem>>, vector<10000x32xf32>,
    %get3A_8 = arith.constant 0 : index
    %get3A_9 = arith.constant 0 : index
    %get3A_10 = vector.load %arg2[%get3A_8, %get3A_9] : memref<128x32xf32, #tpu.memory_space<vmem>>, vector<128x32xf32>
    %dot_general3A_11 = arith.constant dense<0.000000e+00> : vector<10000x32xf32>
    %dot_general3A_12 = tpu.matmul %get3A_1, %get3A_10, %dot_general3A_11 {dimension_numbers = #tpu.dot_dimension_numbers<[1], [0], [0], [1], [0, 0, 1, 1], [], []>, transpose_lhs_hint = false} : vector<10000x128xf32>, vector<128x32xf32>, vector<10000x32xf32> -> vector<10000x32xf32>
    %get3A_13 = arith.constant 0 : index
    %get3A_14 = arith.constant 0 : index
    %get3A_15 = vector.load %arg3[%get3A_13, %get3A_14] : memref<1x32xf32, #tpu.memory_space<vmem>>, vector<1x32xf32>
    %add3A = vector.broadcast %get3A_15 : vector<1x32xf32> to vector<10000x32xf32>
    %add3A_16 = arith.addf %dot_general3A_12, %add3A : vector<10000x32xf32>
    %swap3A_17 = arith.constant 0 : index
    %swap3A_18 = arith.constant 0 : index
    %swap3A_19 = vector.load %arg5[%swap3A_17, %swap3A_18] : memref<10000x32xf32, #tpu.memory_space<vmem>>, vector<10000x32xf32>
    tpu.vector_store %arg5[%swap3A_17, %swap3A_18], %add3A_16 {strides = array<i32>} : memref<10000x32xf32, #tpu.memory_space<vmem>>, vector<10000x32xf32>,
    return
  }
}

module attributes {stable_mosaic.version = 14 : i64} {
  func.func @_addh_body(%arg0: memref<10000x32xf32, #tpu.memory_space<vmem>>, %arg1: memref<10000x4xf32, #tpu.memory_space<vmem>>, %arg2: memref<4x32xf32, #tpu.memory_space<vmem>>, %arg3: memref<10000x32xf32, #tpu.memory_space<vmem>>) attributes {dimension_semantics = [], scalar_prefetch = 0 : i64, scratch_operands = 0 : i64, tpu.core_type = #tpu.core_type<tc>} {
    %get3A = arith.constant 0 : index
    %get3A_0 = arith.constant 0 : index
    %get3A_1 = vector.load %arg0[%get3A, %get3A_0] : memref<10000x32xf32, #tpu.memory_space<vmem>>, vector<10000x32xf32>
    %get3A_2 = arith.constant 0 : index
    %get3A_3 = arith.constant 0 : index
    %get3A_4 = vector.load %arg1[%get3A_2, %get3A_3] : memref<10000x4xf32, #tpu.memory_space<vmem>>, vector<10000x4xf32>
    %get3A_5 = arith.constant 0 : index
    %get3A_6 = arith.constant 0 : index
    %get3A_7 = vector.load %arg2[%get3A_5, %get3A_6] : memref<4x32xf32, #tpu.memory_space<vmem>>, vector<4x32xf32>
    %dot_general3A = arith.constant dense<0.000000e+00> : vector<10000x32xf32>
    %dot_general3A_8 = tpu.matmul %get3A_4, %get3A_7, %dot_general3A {dimension_numbers = #tpu.dot_dimension_numbers<[1], [0], [0], [1], [0, 0, 1, 1], [], []>, transpose_lhs_hint = false} : vector<10000x4xf32>, vector<4x32xf32>, vector<10000x32xf32> -> vector<10000x32xf32>
    %add3A = arith.addf %get3A_1, %dot_general3A_8 : vector<10000x32xf32>
    %swap3A = arith.constant 0 : index
    %swap3A_9 = arith.constant 0 : index
    %swap3A_10 = vector.load %arg3[%swap3A, %swap3A_9] : memref<10000x32xf32, #tpu.memory_space<vmem>>, vector<10000x32xf32>
    tpu.vector_store %arg3[%swap3A, %swap3A_9], %add3A {strides = array<i32>} : memref<10000x32xf32, #tpu.memory_space<vmem>>, vector<10000x32xf32>,
    return
  }
}

module attributes {stable_mosaic.version = 14 : i64} {
  func.func @_hfin_body(%arg0: memref<2x10000x48xf32, #tpu.memory_space<vmem>>, %arg1: memref<32x4xf32, #tpu.memory_space<vmem>>, %arg2: memref<1x4xf32, #tpu.memory_space<vmem>>, %arg3: memref<10000x4xf32, #tpu.memory_space<vmem>>) attributes {dimension_semantics = [], scalar_prefetch = 0 : i64, scratch_operands = 0 : i64, tpu.core_type = #tpu.core_type<tc>} {
    %get3A = arith.constant 0 : index
    %get3A_0 = arith.constant 0 : index
    %get3A_1 = arith.constant 0 : index
    %get3A_2 = vector.load %arg0[%get3A, %get3A_0, %get3A_1] : memref<2x10000x48xf32, #tpu.memory_space<vmem>>, vector<1x10000x48xf32>
    %get3A_3 = vector.shape_cast %get3A_2 : vector<1x10000x48xf32> to vector<10000x48xf32>
    %get3A_4 = arith.constant 1 : index
    %get3A_5 = arith.constant 0 : index
    %get3A_6 = arith.constant 0 : index
    %get3A_7 = vector.load %arg0[%get3A_4, %get3A_5, %get3A_6] : memref<2x10000x48xf32, #tpu.memory_space<vmem>>, vector<1x10000x48xf32>
    %get3A_8 = vector.shape_cast %get3A_7 : vector<1x10000x48xf32> to vector<10000x48xf32>
    %add3A = arith.addf %get3A_3, %get3A_8 : vector<10000x48xf32>
    %slice3A = vector.extract_strided_slice %add3A {offsets = [0, 0], sizes = [10000, 32], strides = [1, 1]} : vector<10000x48xf32> to vector<10000x32xf32>
    %get3A_9 = arith.constant 0 : index
    %get3A_10 = arith.constant 0 : index
    %get3A_11 = vector.load %arg1[%get3A_9, %get3A_10] : memref<32x4xf32, #tpu.memory_space<vmem>>, vector<32x4xf32>
    %dot_general3A = arith.constant dense<0.000000e+00> : vector<10000x4xf32>
    %dot_general3A_12 = tpu.matmul %slice3A, %get3A_11, %dot_general3A {dimension_numbers = #tpu.dot_dimension_numbers<[1], [0], [0], [1], [0, 0, 1, 1], [], []>, transpose_lhs_hint = false} : vector<10000x32xf32>, vector<32x4xf32>, vector<10000x4xf32> -> vector<10000x4xf32>
    %slice3A_13 = vector.extract_strided_slice %add3A {offsets = [0, 32], sizes = [10000, 1], strides = [1, 1]} : vector<10000x48xf32> to vector<10000x1xf32>
    %get3A_14 = arith.constant 0 : index
    %get3A_15 = arith.constant 0 : index
    %get3A_16 = vector.load %arg2[%get3A_14, %get3A_15] : memref<1x4xf32, #tpu.memory_space<vmem>>, vector<1x4xf32>
    %mul3A = vector.broadcast %slice3A_13 : vector<10000x1xf32> to vector<10000x4xf32>
    %mul3A_17 = vector.broadcast %get3A_16 : vector<1x4xf32> to vector<10000x4xf32>
    %mul3A_18 = arith.mulf %mul3A, %mul3A_17 : vector<10000x4xf32>
    %add3A_19 = arith.addf %dot_general3A_12, %mul3A_18 : vector<10000x4xf32>
    %swap3A = arith.constant 0 : index
    %swap3A_20 = arith.constant 0 : index
    %swap3A_21 = vector.load %arg3[%swap3A, %swap3A_20] : memref<10000x4xf32, #tpu.memory_space<vmem>>, vector<10000x4xf32>
    tpu.vector_store %arg3[%swap3A, %swap3A_20], %add3A_19 {strides = array<i32>} : memref<10000x4xf32, #tpu.memory_space<vmem>>, vector<10000x4xf32>,
    return
  }
}

module attributes {stable_mosaic.version = 14 : i64} {
  func.func @_hfin_body(%arg0: memref<2x10000x48xf32, #tpu.memory_space<vmem>>, %arg1: memref<32x4xf32, #tpu.memory_space<vmem>>, %arg2: memref<1x4xf32, #tpu.memory_space<vmem>>, %arg3: memref<10000x4xf32, #tpu.memory_space<vmem>>) attributes {dimension_semantics = [], scalar_prefetch = 0 : i64, scratch_operands = 0 : i64, tpu.core_type = #tpu.core_type<tc>} {
    %get3A = arith.constant 0 : index
    %get3A_0 = arith.constant 0 : index
    %get3A_1 = arith.constant 0 : index
    %get3A_2 = vector.load %arg0[%get3A, %get3A_0, %get3A_1] : memref<2x10000x48xf32, #tpu.memory_space<vmem>>, vector<1x10000x48xf32>
    %get3A_3 = vector.shape_cast %get3A_2 : vector<1x10000x48xf32> to vector<10000x48xf32>
    %get3A_4 = arith.constant 1 : index
    %get3A_5 = arith.constant 0 : index
    %get3A_6 = arith.constant 0 : index
    %get3A_7 = vector.load %arg0[%get3A_4, %get3A_5, %get3A_6] : memref<2x10000x48xf32, #tpu.memory_space<vmem>>, vector<1x10000x48xf32>
    %get3A_8 = vector.shape_cast %get3A_7 : vector<1x10000x48xf32> to vector<10000x48xf32>
    %add3A = arith.addf %get3A_3, %get3A_8 : vector<10000x48xf32>
    %slice3A = vector.extract_strided_slice %add3A {offsets = [0, 0], sizes = [10000, 32], strides = [1, 1]} : vector<10000x48xf32> to vector<10000x32xf32>
    %get3A_9 = arith.constant 0 : index
    %get3A_10 = arith.constant 0 : index
    %get3A_11 = vector.load %arg1[%get3A_9, %get3A_10] : memref<32x4xf32, #tpu.memory_space<vmem>>, vector<32x4xf32>
    %dot_general3A = arith.constant dense<0.000000e+00> : vector<10000x4xf32>
    %dot_general3A_12 = tpu.matmul %slice3A, %get3A_11, %dot_general3A {dimension_numbers = #tpu.dot_dimension_numbers<[1], [0], [0], [1], [0, 0, 1, 1], [], []>, transpose_lhs_hint = false} : vector<10000x32xf32>, vector<32x4xf32>, vector<10000x4xf32> -> vector<10000x4xf32>
    %slice3A_13 = vector.extract_strided_slice %add3A {offsets = [0, 32], sizes = [10000, 1], strides = [1, 1]} : vector<10000x48xf32> to vector<10000x1xf32>
    %get3A_14 = arith.constant 0 : index
    %get3A_15 = arith.constant 0 : index
    %get3A_16 = vector.load %arg2[%get3A_14, %get3A_15] : memref<1x4xf32, #tpu.memory_space<vmem>>, vector<1x4xf32>
    %mul3A = vector.broadcast %slice3A_13 : vector<10000x1xf32> to vector<10000x4xf32>
    %mul3A_17 = vector.broadcast %get3A_16 : vector<1x4xf32> to vector<10000x4xf32>
    %mul3A_18 = arith.mulf %mul3A, %mul3A_17 : vector<10000x4xf32>
    %add3A_19 = arith.addf %dot_general3A_12, %mul3A_18 : vector<10000x4xf32>
    %swap3A = arith.constant 0 : index
    %swap3A_20 = arith.constant 0 : index
    %swap3A_21 = vector.load %arg3[%swap3A, %swap3A_20] : memref<10000x4xf32, #tpu.memory_space<vmem>>, vector<10000x4xf32>
    tpu.vector_store %arg3[%swap3A, %swap3A_20], %add3A_19 {strides = array<i32>} : memref<10000x4xf32, #tpu.memory_space<vmem>>, vector<10000x4xf32>,
    return
  }
}

module attributes {stable_mosaic.version = 14 : i64} {
  func.func @_node_body(%arg0: memref<10000x128xf32, #tpu.memory_space<vmem>>, %arg1: memref<10000x4xf32, #tpu.memory_space<vmem>>, %arg2: memref<128x32xf32, #tpu.memory_space<vmem>>, %arg3: memref<4x32xf32, #tpu.memory_space<vmem>>, %arg4: memref<1x32xf32, #tpu.memory_space<vmem>>, %arg5: memref<32x32xf32, #tpu.memory_space<vmem>>, %arg6: memref<1x32xf32, #tpu.memory_space<vmem>>, %arg7: memref<32x32xf32, #tpu.memory_space<vmem>>, %arg8: memref<1x32xf32, #tpu.memory_space<vmem>>, %arg9: memref<32x32xf32, #tpu.memory_space<vmem>>, %arg10: memref<32x32xf32, #tpu.memory_space<vmem>>, %arg11: memref<1x32xf32, #tpu.memory_space<vmem>>, %arg12: memref<10000x32xf32, #tpu.memory_space<vmem>>, %arg13: memref<10000x64xbf16, #tpu.memory_space<vmem>>) attributes {dimension_semantics = [], scalar_prefetch = 0 : i64, scratch_operands = 0 : i64, tpu.core_type = #tpu.core_type<tc>} {
    %get3A = arith.constant 0 : index
    %get3A_0 = arith.constant 0 : index
    %get3A_1 = vector.load %arg0[%get3A, %get3A_0] : memref<10000x128xf32, #tpu.memory_space<vmem>>, vector<10000x128xf32>
    %get3A_2 = arith.constant 0 : index
    %get3A_3 = arith.constant 0 : index
    %get3A_4 = vector.load %arg2[%get3A_2, %get3A_3] : memref<128x32xf32, #tpu.memory_space<vmem>>, vector<128x32xf32>
    %dot_general3A = arith.constant dense<0.000000e+00> : vector<10000x32xf32>
    %dot_general3A_5 = tpu.matmul %get3A_1, %get3A_4, %dot_general3A {dimension_numbers = #tpu.dot_dimension_numbers<[1], [0], [0], [1], [0, 0, 1, 1], [], []>, transpose_lhs_hint = false} : vector<10000x128xf32>, vector<128x32xf32>, vector<10000x32xf32> -> vector<10000x32xf32>
    %get3A_6 = arith.constant 0 : index
    %get3A_7 = arith.constant 0 : index
    %get3A_8 = vector.load %arg1[%get3A_6, %get3A_7] : memref<10000x4xf32, #tpu.memory_space<vmem>>, vector<10000x4xf32>
    %get3A_9 = arith.constant 0 : index
    %get3A_10 = arith.constant 0 : index
    %get3A_11 = vector.load %arg3[%get3A_9, %get3A_10] : memref<4x32xf32, #tpu.memory_space<vmem>>, vector<4x32xf32>
    %dot_general3A_12 = arith.constant dense<0.000000e+00> : vector<10000x32xf32>
    %dot_general3A_13 = tpu.matmul %get3A_8, %get3A_11, %dot_general3A_12 {dimension_numbers = #tpu.dot_dimension_numbers<[1], [0], [0], [1], [0, 0, 1, 1], [], []>, transpose_lhs_hint = false} : vector<10000x4xf32>, vector<4x32xf32>, vector<10000x32xf32> -> vector<10000x32xf32>
    %add3A = arith.addf %dot_general3A_5, %dot_general3A_13 : vector<10000x32xf32>
    %get3A_14 = arith.constant 0 : index
    %get3A_15 = arith.constant 0 : index
    %get3A_16 = vector.load %arg4[%get3A_14, %get3A_15] : memref<1x32xf32, #tpu.memory_space<vmem>>, vector<1x32xf32>
    %add3A_17 = vector.broadcast %get3A_16 : vector<1x32xf32> to vector<10000x32xf32>
    %add3A_18 = arith.addf %add3A, %add3A_17 : vector<10000x32xf32>
    %max3A = arith.constant 0.000000e+00 : f32
    %max3A_19 = vector.broadcast %max3A : f32 to vector<10000x32xf32>
    %max3A_20 = arith.maximumf %add3A_18, %max3A_19 : vector<10000x32xf32>
    %get3A_21 = arith.constant 0 : index
    %get3A_22 = arith.constant 0 : index
    %get3A_23 = vector.load %arg5[%get3A_21, %get3A_22] : memref<32x32xf32, #tpu.memory_space<vmem>>, vector<32x32xf32>
    %dot_general3A_24 = arith.constant dense<0.000000e+00> : vector<10000x32xf32>
    %dot_general3A_25 = tpu.matmul %max3A_20, %get3A_23, %dot_general3A_24 {dimension_numbers = #tpu.dot_dimension_numbers<[1], [0], [0], [1], [0, 0, 1, 1], [], []>, transpose_lhs_hint = false} : vector<10000x32xf32>, vector<32x32xf32>, vector<10000x32xf32> -> vector<10000x32xf32>
    %get3A_26 = arith.constant 0 : index
    %get3A_27 = arith.constant 0 : index
    %get3A_28 = vector.load %arg6[%get3A_26, %get3A_27] : memref<1x32xf32, #tpu.memory_space<vmem>>, vector<1x32xf32>
    %add3A_29 = vector.broadcast %get3A_28 : vector<1x32xf32> to vector<10000x32xf32>
    %add3A_30 = arith.addf %dot_general3A_25, %add3A_29 : vector<10000x32xf32>
    %get3A_31 = arith.constant 0 : index
    %get3A_32 = arith.constant 0 : index
    %get3A_33 = vector.load %arg7[%get3A_31, %get3A_32] : memref<32x32xf32, #tpu.memory_space<vmem>>, vector<32x32xf32>
    %dot_general3A_34 = arith.constant dense<0.000000e+00> : vector<10000x32xf32>
    %dot_general3A_35 = tpu.matmul %add3A_30, %get3A_33, %dot_general3A_34 {dimension_numbers = #tpu.dot_dimension_numbers<[1], [0], [0], [1], [0, 0, 1, 1], [], []>, transpose_lhs_hint = false} : vector<10000x32xf32>, vector<32x32xf32>, vector<10000x32xf32> -> vector<10000x32xf32>
    %get3A_36 = arith.constant 0 : index
    %get3A_37 = arith.constant 0 : index
    %get3A_38 = vector.load %arg8[%get3A_36, %get3A_37] : memref<1x32xf32, #tpu.memory_space<vmem>>, vector<1x32xf32>
    %add3A_39 = vector.broadcast %get3A_38 : vector<1x32xf32> to vector<10000x32xf32>
    %add3A_40 = arith.addf %dot_general3A_35, %add3A_39 : vector<10000x32xf32>
    %swap3A = arith.constant 0 : index
    %swap3A_41 = arith.constant 0 : index
    %swap3A_42 = vector.load %arg12[%swap3A, %swap3A_41] : memref<10000x32xf32, #tpu.memory_space<vmem>>, vector<10000x32xf32>
    tpu.vector_store %arg12[%swap3A, %swap3A_41], %add3A_40 {strides = array<i32>} : memref<10000x32xf32, #tpu.memory_space<vmem>>, vector<10000x32xf32>,
    %get3A_43 = arith.constant 0 : index
    %get3A_44 = arith.constant 0 : index
    %get3A_45 = vector.load %arg9[%get3A_43, %get3A_44] : memref<32x32xf32, #tpu.memory_space<vmem>>, vector<32x32xf32>
    %dot_general3A_46 = arith.constant dense<0.000000e+00> : vector<10000x32xf32>
    %dot_general3A_47 = tpu.matmul %add3A_30, %get3A_45, %dot_general3A_46 {dimension_numbers = #tpu.dot_dimension_numbers<[1], [0], [0], [1], [0, 0, 1, 1], [], []>, transpose_lhs_hint = false} : vector<10000x32xf32>, vector<32x32xf32>, vector<10000x32xf32> -> vector<10000x32xf32>
    %get3A_48 = arith.constant 0 : index
    %get3A_49 = arith.constant 0 : index
    %get3A_50 = vector.load %arg10[%get3A_48, %get3A_49] : memref<32x32xf32, #tpu.memory_space<vmem>>, vector<32x32xf32>
    %dot_general3A_51 = arith.constant dense<0.000000e+00> : vector<10000x32xf32>
    %dot_general3A_52 = tpu.matmul %add3A_30, %get3A_50, %dot_general3A_51 {dimension_numbers = #tpu.dot_dimension_numbers<[1], [0], [0], [1], [0, 0, 1, 1], [], []>, transpose_lhs_hint = false} : vector<10000x32xf32>, vector<32x32xf32>, vector<10000x32xf32> -> vector<10000x32xf32>
    %get3A_53 = arith.constant 0 : index
    %get3A_54 = arith.constant 0 : index
    %get3A_55 = vector.load %arg11[%get3A_53, %get3A_54] : memref<1x32xf32, #tpu.memory_space<vmem>>, vector<1x32xf32>
    %add3A_56 = vector.broadcast %get3A_55 : vector<1x32xf32> to vector<10000x32xf32>
    %add3A_57 = arith.addf %dot_general3A_52, %add3A_56 : vector<10000x32xf32>
    %concatenate3A = tpu.concatenate %dot_general3A_47, %add3A_57 in 1 : vector<10000x32xf32>, vector<10000x32xf32> -> vector<10000x64xf32>
    %convert_element_type3A = arith.truncf %concatenate3A : vector<10000x64xf32> to vector<10000x64xbf16>
    %swap3A_58 = arith.constant 0 : index
    %swap3A_59 = arith.constant 0 : index
    %swap3A_60 = vector.load %arg13[%swap3A_58, %swap3A_59] : memref<10000x64xbf16, #tpu.memory_space<vmem>>, vector<10000x64xbf16>
    tpu.vector_store %arg13[%swap3A_58, %swap3A_59], %convert_element_type3A {strides = array<i32>} : memref<10000x64xbf16, #tpu.memory_space<vmem>>, vector<10000x64xbf16>,
    return
  }
}

module attributes {stable_mosaic.version = 14 : i64} {
  func.func @_eout_body(%arg0: i32, %arg1: memref<8000x32xbf16, #tpu.memory_space<vmem>>, %arg2: memref<32x4xf32, #tpu.memory_space<vmem>>, %arg3: memref<1x4xf32, #tpu.memory_space<vmem>>, %arg4: memref<4x34xf32, #tpu.memory_space<vmem>>, %arg5: memref<1x34xf32, #tpu.memory_space<vmem>>, %arg6: memref<8000x32xf32, #tpu.memory_space<vmem>>, %arg7: memref<8000x2xf32, #tpu.memory_space<vmem>>) attributes {dimension_semantics = [#tpu.dimension_semantics<arbitrary>], iteration_bounds = array<i64: 40>, scalar_prefetch = 0 : i64, scratch_operands = 0 : i64, tpu.core_type = #tpu.core_type<tc>, window_params = [{transform_indices = @transform_0, window_bounds = array<i64: 8000, 32>}, {pipeline_mode = #tpu.pipeline_mode<synchronous>, transform_indices = @transform_1, window_bounds = array<i64: 32, 4>}, {pipeline_mode = #tpu.pipeline_mode<synchronous>, transform_indices = @transform_2, window_bounds = array<i64: 1, 4>}, {pipeline_mode = #tpu.pipeline_mode<synchronous>, transform_indices = @transform_3, window_bounds = array<i64: 4, 34>}, {pipeline_mode = #tpu.pipeline_mode<synchronous>, transform_indices = @transform_4, window_bounds = array<i64: 1, 34>}, {transform_indices = @transform_5, window_bounds = array<i64: 8000, 32>}, {transform_indices = @transform_6, window_bounds = array<i64: 8000, 2>}]} {
    %get3A = arith.constant 0 : index
    %get3A_0 = arith.constant 0 : index
    %get3A_1 = vector.load %arg1[%get3A, %get3A_0] : memref<8000x32xbf16, #tpu.memory_space<vmem>>, vector<8000x32xbf16>
    %convert_element_type3A = arith.extf %get3A_1 : vector<8000x32xbf16> to vector<8000x32xf32>
    %get3A_2 = arith.constant 0 : index
    %get3A_3 = arith.constant 0 : index
    %get3A_4 = vector.load %arg2[%get3A_2, %get3A_3] : memref<32x4xf32, #tpu.memory_space<vmem>>, vector<32x4xf32>
    %dot_general3A = arith.constant dense<0.000000e+00> : vector<8000x4xf32>
    %dot_general3A_5 = tpu.matmul %convert_element_type3A, %get3A_4, %dot_general3A {dimension_numbers = #tpu.dot_dimension_numbers<[1], [0], [0], [1], [0, 0, 1, 1], [], []>, transpose_lhs_hint = false} : vector<8000x32xf32>, vector<32x4xf32>, vector<8000x4xf32> -> vector<8000x4xf32>
    %get3A_6 = arith.constant 0 : index
    %get3A_7 = arith.constant 0 : index
    %get3A_8 = vector.load %arg3[%get3A_6, %get3A_7] : memref<1x4xf32, #tpu.memory_space<vmem>>, vector<1x4xf32>
    %mul3A = arith.constant 2.000000e+00 : f32
    %mul3A_9 = vector.broadcast %mul3A : f32 to vector<1x4xf32>
    %mul3A_10 = arith.mulf %mul3A_9, %get3A_8 : vector<1x4xf32>
    %add3A = vector.broadcast %mul3A_10 : vector<1x4xf32> to vector<8000x4xf32>
    %add3A_11 = arith.addf %dot_general3A_5, %add3A : vector<8000x4xf32>
    %get3A_12 = arith.constant 0 : index
    %get3A_13 = arith.constant 0 : index
    %get3A_14 = vector.load %arg4[%get3A_12, %get3A_13] : memref<4x34xf32, #tpu.memory_space<vmem>>, vector<4x34xf32>
    %dot_general3A_15 = arith.constant dense<0.000000e+00> : vector<8000x34xf32>
    %dot_general3A_16 = tpu.matmul %add3A_11, %get3A_14, %dot_general3A_15 {dimension_numbers = #tpu.dot_dimension_numbers<[1], [0], [0], [1], [0, 0, 1, 1], [], []>, transpose_lhs_hint = false} : vector<8000x4xf32>, vector<4x34xf32>, vector<8000x34xf32> -> vector<8000x34xf32>
    %get3A_17 = arith.constant 0 : index
    %get3A_18 = arith.constant 0 : index
    %get3A_19 = vector.load %arg5[%get3A_17, %get3A_18] : memref<1x34xf32, #tpu.memory_space<vmem>>, vector<1x34xf32>
    %add3A_20 = vector.broadcast %get3A_19 : vector<1x34xf32> to vector<8000x34xf32>
    %add3A_21 = arith.addf %dot_general3A_16, %add3A_20 : vector<8000x34xf32>
    %slice3A = vector.extract_strided_slice %add3A_21 {offsets = [0, 0], sizes = [8000, 32], strides = [1, 1]} : vector<8000x34xf32> to vector<8000x32xf32>
    %swap3A = arith.constant 0 : index
    %swap3A_22 = arith.constant 0 : index
    %swap3A_23 = vector.load %arg6[%swap3A, %swap3A_22] : memref<8000x32xf32, #tpu.memory_space<vmem>>, vector<8000x32xf32>
    tpu.vector_store %arg6[%swap3A, %swap3A_22], %slice3A {strides = array<i32>} : memref<8000x32xf32, #tpu.memory_space<vmem>>, vector<8000x32xf32>,
    %slice3A_24 = vector.extract_strided_slice %add3A_21 {offsets = [0, 32], sizes = [8000, 2], strides = [1, 1]} : vector<8000x34xf32> to vector<8000x2xf32>
    %swap3A_25 = arith.constant 0 : index
    %swap3A_26 = arith.constant 0 : index
    %swap3A_27 = vector.load %arg7[%swap3A_25, %swap3A_26] : memref<8000x2xf32, #tpu.memory_space<vmem>>, vector<8000x2xf32>
    tpu.vector_store %arg7[%swap3A_25, %swap3A_26], %slice3A_24 {strides = array<i32>} : memref<8000x2xf32, #tpu.memory_space<vmem>>, vector<8000x2xf32>,
    return
  }
  func.func @transform_0(%arg0: i32) -> (i32, i32) {
    %c0_i32 = arith.constant 0 : i32
    %c0_i32_0 = arith.constant 0 : i32
    return %arg0, %c0_i32 : i32, i32
  }
  func.func @transform_1(%arg0: i32) -> (i32, i32) {
    %c0_i32 = arith.constant 0 : i32
    %c0_i32_0 = arith.constant 0 : i32
    %c0_i32_1 = arith.constant 0 : i32
    return %c0_i32, %c0_i32_0 : i32, i32
  }
  func.func @transform_2(%arg0: i32) -> (i32, i32) {
    %c0_i32 = arith.constant 0 : i32
    %c0_i32_0 = arith.constant 0 : i32
    %c0_i32_1 = arith.constant 0 : i32
    return %c0_i32, %c0_i32_0 : i32, i32
  }
  func.func @transform_3(%arg0: i32) -> (i32, i32) {
    %c0_i32 = arith.constant 0 : i32
    %c0_i32_0 = arith.constant 0 : i32
    %c0_i32_1 = arith.constant 0 : i32
    return %c0_i32, %c0_i32_0 : i32, i32
  }
  func.func @transform_4(%arg0: i32) -> (i32, i32) {
    %c0_i32 = arith.constant 0 : i32
    %c0_i32_0 = arith.constant 0 : i32
    %c0_i32_1 = arith.constant 0 : i32
    return %c0_i32, %c0_i32_0 : i32, i32
  }
  func.func @transform_5(%arg0: i32) -> (i32, i32) {
    %c0_i32 = arith.constant 0 : i32
    %c0_i32_0 = arith.constant 0 : i32
    return %arg0, %c0_i32 : i32, i32
  }
  func.func @transform_6(%arg0: i32) -> (i32, i32) {
    %c0_i32 = arith.constant 0 : i32
    %c0_i32_0 = arith.constant 0 : i32
    return %arg0, %c0_i32 : i32, i32
  }
}

</mosaic_0001>

<sc_bundles>
// kernel: body.14.cloned.1.call-start
scs
__scs_entry_jumppad:
0x0: {  	(pc) =	sbr.rel $0x88, $3  }
0x1: {  	(tag) =	ssettag $0x0;
	lr =	simm.s32 $0x1  }
0x2: {  	[smem:$0x3F8C] =	sst lr;
	_ =	strace $0xD0000000  }
0x3: {  	_ = 	snop  }
0x4: {  	_ = 	snop  }
0x5: {  	_ = 	snop  }
0x6: {  	_ = 	snop  }
0x7: {  	_ = 	snop  }
__scs_overlays_trampoline_lowered:
0x8: {  	[smem:$0x3F9B] =	sst s0  }
0x9: {  	[smem:$0x3F9C] =	sst s1  }
0xa: {  	[smem:$0x3F9D] =	sst s2  }
0xb: {  	[smem:$0x3F9E] =	sst s3  }
0xc: {  	[smem:$0x3F9F] =	sst s4  }
0xd: {  	[smem:$0x3FA0] =	sst s5  }
0xe: {  	[smem:$0x3FA1] =	sst s6  }
0xf: {  	[smem:$0x3FA2] =	sst s7  }
0x10: {  	[smem:$0x3FA3] =	sst s8  }
0x11: {  	[smem:$0x3FA4] =	sst s9;
	s0 =	simm.s32 @!p0 $0x0  }
0x12: {  	s1 =	sld [smem:$0x3F8A];
	s0 =	simm.s32 @p0 $0x1  }
0x13: {  	[smem:$0x3FA5] =	sst s0;
	s0 =	simm.s32 @!p1 $0x0  }
0x14: {  	s2 =	sld [smem:$0x3F89];
	s0 =	simm.s32 @p1 $0x1  }
0x15: {  	[smem:$0x3FA6] =	sst s0;
	s0 =	simm.s32 @!p2 $0x0  }
0x16: {  	s3 =	sld [smem:$0x3FDB];
	s0 =	simm.s32 @p2 $0x1  }
0x17: {  	s4 =	simm.s32 $0x1BF5;
	[smem:$0x3FA8] =	sst s0  }
0x18: {  	s0 =	sld [smem:$0x3F8B];
	_ =	swait.ge [sflag:s4], $0x0  }
0x19: {  	s7 =	sld [smem:$0x3F8C]  }
0x1a: {  	s8 =	sadd.s32 $0xFFFFE003, lr  }
0x1b: {  	s9 =	sadd.s32 $0xFFFFFEF7, lr;
	s5 =	simm.s32 $0xFFFFFFFF;
	p2 =	slt.u32 s8, $0xFFFFF086  }
0x1c: {  	p1 =	slt.u32 s9, $0xF7A;
	s5 =	simm.s32 @!p2 $0x0  }
0x1d: {  	s5 =	simm.s32 @p1 $0x1;
	p0 =	seq.s32 s7, s2  }
0x1e: {  	s7 =	smul.u32 @!p0 $0xF7A, s2;
	p2 =	seq.s32 @!p0 s5, $0x0  }
0x1f: {  	s9 =	smul.u32 $0xF7A, s1;
	s8 =	simm.s32 @!p0 $0x1BF5;
	p2 =	por !p2, p0  }
0x20: {  	[sflag:s8] =	ssyncset.s32 @!p0 $0xFFFFF086;
	s6 =	sadd.s32 @!p0 s3, s7;
	s7 =	simm.s32 @!p0 $0x108  }
0x21: {  	s3 =	sadd.s32 s3, s9;
	s6 =	sadd.s32 @!p0 $0x88, s6;
	s7 =	simm.s32 @p2 $0x1082  }
0x22: {  	[simem:s7], [sflag:s8] =	dma.local @!p0 [hbm:s6], $0xF7A  }
0x23: {  	s9 =	sor.u32 $0xD0000000, s2;
	s6 =	simm.s32 $0x108;
	_ =	swait.ge @!p0 [sflag:s8], $0x0  }
0x24: {  	s3 =	sadd.s32 $0x88, s3;
	s6 =	simm.s32 @!p1 $0x1082;
	[sflag:s4] =	ssyncset.s32 $0xFFFFF086  }
0x25: {  	[simem:s6], [sflag:s4] =	dma.local [hbm:s3], $0xF7A  }
0x26: {  	[smem:$0x3F8C] =	sst s1;
	(tag) =	ssettag s2;
	_ =	strace s9  }
0x27: {  	s1 =	sld [smem:$0x3F9C]  }
0x28: {  	s2 =	sld [smem:$0x3F9D]  }
0x29: {  	s4 =	sld [smem:$0x3F9F]  }
0x2a: {  	p0 =	seq.s32 s5, $0x0;
	s5 =	sld [smem:$0x3FA0]  }
0x2b: {  	s6 =	sld [smem:$0x3FA1]  }
0x2c: {  	s7 =	sld [smem:$0x3FA2]  }
0x2d: {  	s3 =	simm.s32 $0x108;
	s8 =	sld [smem:$0x3FA3]  }
0x2e: {  	s3 =	simm.s32 @!p0 $0x1082;
	s9 =	sld [smem:$0x3FA4]  }
0x2f: {  	lr =	sadd.s32 s0, s3;
	s0 =	sld [smem:$0x3F9B]  }
0x30: {  	s3 =	sld [smem:$0x3F9E]  }
0x31: {  	[smem:$0x3FA7] =	sst s10  }
0x32: {  	s10 =	sld [smem:$0x3FA5];
	_ =	sdelay $0x3  }
0x33: {  	p0 =	seq.s32 s10, $0x1;
	s10 =	sld [smem:$0x3FA7];
	_ =	sdelay $0x3  }
0x34: {  	[smem:$0x3FA7] =	sst s10  }
0x35: {  	s10 =	sld [smem:$0x3FA6];
	_ =	sdelay $0x3  }
0x36: {  	p1 =	seq.s32 s10, $0x1;
	s10 =	sld [smem:$0x3FA7];
	_ =	sdelay $0x3  }
0x37: {  	[smem:$0x3FA7] =	sst s10  }
0x38: {  	s10 =	sld [smem:$0x3FA8]  }
0x39: {  	_ = 	snop;
	(pc) =	sbr.ind lr, $3  }
0x3a: {  	_ = 	snop  }
0x3b: {  	_ = 	snop  }
0x3c: {  	p2 =	seq.s32 s10, $0x1;
	s10 =	sld [smem:$0x3FA7]  }
0x3d: {  	_ =	shalt  }
0x3e: {  	_ =	shalt  }
0x3f: {  	_ =	shalt  }
0x40: {  	_ =	shalt  }
0x41: {  	_ =	shalt  }
0x42: {  	_ =	shalt  }
0x43: {  	_ =	shalt  }
0x44: {  	_ =	shalt  }
0x45: {  	_ =	shalt  }
0x46: {  	_ =	shalt  }
0x47: {  	_ =	shalt  }
0x48: {  	_ =	shalt  }
0x49: {  	_ =	shalt  }
0x4a: {  	_ =	shalt  }
0x4b: {  	_ =	shalt  }
0x4c: {  	_ =	shalt  }
0x4d: {  	_ =	shalt  }
0x4e: {  	_ =	shalt  }
0x4f: {  	_ =	shalt  }
0x50: {  	_ =	shalt  }
0x51: {  	_ =	shalt  }
0x52: {  	_ =	shalt  }
0x53: {  	_ =	shalt  }
0x54: {  	_ =	shalt  }
0x55: {  	_ =	shalt  }
0x56: {  	_ =	shalt  }
0x57: {  	_ =	shalt  }
0x58: {  	_ =	shalt  }
0x59: {  	_ =	shalt  }
0x5a: {  	_ =	shalt  }
0x5b: {  	_ =	shalt  }
0x5c: {  	_ =	shalt  }
0x5d: {  	_ =	shalt  }
0x5e: {  	_ =	shalt  }
0x5f: {  	_ =	shalt  }
0x60: {  	_ =	shalt  }
0x61: {  	_ =	shalt  }
0x62: {  	_ =	shalt  }
0x63: {  	_ =	shalt  }
0x64: {  	_ =	shalt  }
0x65: {  	_ =	shalt  }
0x66: {  	_ =	shalt  }
0x67: {  	_ =	shalt  }
0x68: {  	_ =	shalt  }
0x69: {  	_ =	shalt  }
0x6a: {  	_ =	shalt  }
0x6b: {  	_ =	shalt  }
0x6c: {  	_ =	shalt  }
0x6d: {  	_ =	shalt  }
0x6e: {  	_ =	shalt  }
0x6f: {  	_ =	shalt  }
0x70: {  	_ =	shalt  }
0x71: {  	_ =	shalt  }
0x72: {  	_ =	shalt  }
0x73: {  	_ =	shalt  }
0x74: {  	_ =	shalt  }
0x75: {  	_ =	shalt  }
0x76: {  	_ =	shalt  }
0x77: {  	_ =	shalt  }
0x78: {  	_ =	shalt  }
0x79: {  	_ =	shalt  }
0x7a: {  	_ =	shalt  }
0x7b: {  	_ =	shalt  }
0x7c: {  	_ =	shalt  }
0x7d: {  	_ =	shalt  }
0x7e: {  	_ =	shalt  }
0x7f: {  	_ =	shalt  }
0x80: {  	_ =	shalt  }
0x81: {  	_ =	shalt  }
0x82: {  	_ =	shalt  }
0x83: {  	_ =	shalt  }
0x84: {  	_ =	shalt  }
0x85: {  	_ =	shalt  }
0x86: {  	_ =	shalt  }
0x87: {  	_ =	shalt  }
.Lfunc_end0:
.L_simem_size_0:
called_computation.1_lowered:
.L_overlay_start_0:
0x88: {  	s2 =	sld [smem:$0x3FD9]  }
0x89: {  	s3 =	sld [smem:$0x3FFE];
	_ =	sdelay $0x1  }
0x8a: {  	s1 =	srdreg.scid  }
0x8b: {  	s0 =	sand.u32 $0x1, s1  }
0x8c: {  	s14 =	sshll.u32 s0, $0xA;
	s2 =	sadd.s32 s3, s2  }
0x8d: {  	s2 =	sadd.s32 s2, s14  }
0x8e: {  	[smem:$0x3FB3] =	sst s2  }
0x8f: {  	_ = 	snop  }
0x90: {  	s2 =	sld [smem:$0x3FD0];
	_ =	sdelay $0x2  }
0x91: {  	s15 =	simm.s32 $0xA;
	s4 =	simm.s32 $0x10  }
0x92: {  	[smem:s4], [sflag:s15] =	dma.local [hbm:s2], $0x1  }
0x93: {  	_ =	swait.eq [sflag:s15], $0x1  }
0x94: {  	[sflag:s15] =	ssyncset.done $0x0  }
0x95: {  	[sflag:s15] =	ssyncadd.s32 $0xFFFFFFFF  }
0x96: {  	s16 =	sld [smem:$0x10];
	(tm) =	ssettm $0x1  }
0x97: {  	s17 =	sld [smem:$0x3FFB];
	_ =	sdelay $0x3  }
0x98: {  	_ =	strace s17  }
0x99: {  	s3 =	sld [smem:$0x3FFC];
	_ =	sdelay $0x3  }
0x9a: {  	_ =	strace s3  }
0x9b: {  	s3 =	sld [smem:$0x3FFD];
	_ =	sdelay $0x3  }
0x9c: {  	_ =	strace s3  }
0x9d: {  	_ =	strace $0x8FFFFFFF  }
0x9e: {  	s18 =	sld [smem:$0x3FDB];
	_ =	sdelay $0x1  }
0x9f: {  	s19 =	simm.s32 $_scs_section_size  }
0xa0: {  	s5 =	simm.s32 $_size__tile_overlayer_lowered;
	s6 =	simm.s32 $_tile_overlayer_lowered  }
0xa1: {  	s22 =	simm.s32 $0x1BFF;
	s21 =	sshll.u32 s6, $0x1;
	s3 =	sadd.s32 s19, s18  }
0xa2: {  	s7 =	simm.s32 $0x0;
	s20 =	sshll.u32 s5, $0x1;
	s5 =	sadd.s32 s21, s3  }
0xa3: {  	[timem:s7], [sflag:s22] =	dma.local [hbm:s5], s20  }
0xa4: {  	_ =	swait.ge [sflag:s22], s20  }
0xa5: {  	s4 =	ssub.s32 $0x0, s20;
	[sflag:s22] =	ssyncset.done $0x0  }
0xa6: {  	[sflag:s22] =	ssyncadd.s32 s4;
	_ =	sdelay $0x1  }
0xa7: {  	s23 =	simm.s32 $0x1B8B  }
0xa8: {  	_ =	swait.ge [sflag:s23], $0x1  }
0xa9: {  	[sflag:s23] =	ssyncset.done $0x0  }
0xaa: {  	s25 =	simm.s32 $0x1B8E;
	s24 =	sld [smem:$0x3FFE];
	[sflag:s23] =	ssyncadd.s32 $0xFFFFFFFF  }
0xab: {  	s26 =	simm.s32 $execute0_lowered;
	[smem:$0x3FD2] =	sst s25  }
0xac: {  	s5 =	sshll.u32 s26, $0x1;
	_ =	strace $0x8000004C;
	[dreg:$0x1] =	wrdreg $0xFFFFFFFF  }
0xad: {  	s28 =	simm.s32 $_size_execute0_lowered;
	s3 =	sadd.s32 s3, s5;
	[dreg:$0x0] =	wrdreg $0x0  }
0xae: {  	s5 =	sshll.u32 s28, $0x1;
	[dreg:$0x2] =	wrdreg s3  }
0xaf: {  	[dreg:$0x3] =	wrdreg s5  }
0xb0: {  	[dreg:$0x4] =	wrdreg $0xC0  }
0xb1: {  	_ =	task [dreg:s7], $0x5FFFF  }
0xb2: {  	[dreg:$0x1] =	wrdreg $0xFFFFFFFF  }
0xb3: {  	[dreg:$0x0] =	wrdreg $0x60  }
0xb4: {  	[dreg:$0x2] =	wrdreg s16  }
0xb5: {  	[dreg:$0x3] =	wrdreg s24  }
0xb6: {  	[dreg:$0x4] =	wrdreg $0xBF000  }
0xb7: {  	[dreg:$0x5] =	wrdreg $0x9  }
0xb8: {  	_ =	task.clear_ibuf [dreg:s7], $0x6FFFF;
	_ =	strace $0x9000004C  }
0xb9: {  	s29 =	simm.s32 $0x9;
	_ =	strace $0x8000004E  }
0xba: {  	_ =	swait.ge [sflag:s29], $0x1  }
0xbb: {  	[sflag:s29] =	ssyncadd.s32 $0xFFFFFFFF  }
0xbc: {  	_ =	strace $0x9000004E  }
0xbd: {  	_ =	sfence  }
0xbe: {  	s30 =	sld [smem:$0x0];
	_ =	sdelay $0x2  }
0xbf: {  	s31 =	sshll.u32 s1, $0xD;
	s1 =	sshrl.u32 s1, $0x2  }
0xc0: {  	s3 =	sand.u32 $0x4000, s31;
	s1 =	sadd.s32 s1, s30  }
0xc1: {  	s0 =	sor.u32 s3, s0;
	s1 =	sshll.u32 s1, $0x11  }
0xc2: {  	s0 =	sor.u32 s1, s0  }
0xc3: {  	s0 =	sadd.s32 $0x8F2B, s0  }
0xc4: {  	[sflag:s0] =	ssyncadd.remote.s32 $0x1  }
0xc5: {  	_ =	sfence.sel $0xFFFF  }
0xc6: {  	[dreg:$0x0] =	wrdreg $0xFFFFFFFF;
	(pc) =	sbr.abs _section_cstart, $3  }
0xc7: {  	[dreg:$0x1] =	wrdreg $0xFFFFFFFF  }
0xc8: {  	_ =	task.clear_ibuf [dreg:s7], $0x2FFFF;
	_ =	strace $0x9FFFFFFF  }
0xc9: {  	(tm) =	ssettm $0x7FFFFFFF  }
tec
execute0_lowered:
.L_overlay_start_1:
0x0: {  	(tag) =	ssettag $0x1  }
0x1: {  	s1 =	rddreg [dreg:$0x0]  }
0x2: {  	s0 =	rddreg [dreg:$0x1]  }
0x3: {  	s3 =	rddreg [dreg:$0x2];
	s4 =	simm.s32 $0x0;
	s15 =	stileid.u32  }
0x4: {  	s5 =	srdreg.scid;
	s16 =	simm.s32 $0x5;
	s17 =	simm.s32 $0x2780  }
0x5: {  	s18 =	simm.s32 $0x80;
	s28 =	simm.s32 $0xA700;
	s29 =	simm.s32 $0x3  }
0x6: {  	s31 =	simm.s32 $0x4;
	[smem:$0x7FF] =	sst s4;
	s2 =	smul.u32 $0x7530, s15  }
0x7: {  	s6 =	sand.u32 $0x1, s5;
	s5 =	sadd.s32 $0x2EA00, s0;
	s10 =	sadd.s32 $0x1B000, s0  }
0x8: {  	s9 =	sshll.u32 s15, $0x1;
	s25 =	sshll.u32 s15, $0x6;
	p0 =	slt.u32 s15, $0x2  }
0x9: {  	_ =	strace $0x8000004D;
	s8 =	smul.u32 $0x75300, s6;
	s11 =	ssub.s32 $0x2, s6  }
0xa: {  	s9 =	sor.u32 s6, s9;
	s7 =	sshrl.u32 s2, $0x3;
	s24 =	sshrl.u32 s11, $0x1  }
0xb: {  	s12 =	smul.u32 $0x2700, s9;
	s30 =	sshll.u32 s9, $0x4;
	s7 =	sadd.s32 s7, s0  }
0xc: {  	s8 =	sadd.s32 s2, s8;
	s14 =	ssub.s32 s11, s24;
	s2 =	sadd.s32 s2, s3  }
0xd: {  	s11 =	sadd.s32 s30, s10;
	s24 =	simm.s32 $0x1;
	s23 =	sshrl.u32 s8, $0x3  }
0xe: {  	s6 =	sadd.s32 $0x38800, s7;
	s26 =	sshrl.u32 s12, $0x3;
	s7 =	sor.u32 $0x1C05, s25  }
.Ltmp0:
0xf: {  	s12 =	simm.s32 $0x4F;
	s14 =	smax.u32 s14, $0x1;
	(pc) =	sbr.rel .LBB2_1-.Ltmp0, $4  }
0x10: {  	s25 =	simm.s32 $0x8F00;
	s0 =	sadd.s32 s23, s0;
	s8 =	sadd.s32 s10, s26  }
0x11: {  	s10 =	sadd.s32 $0x9C00, s11;
	s11 =	sadd.s32 $0x13840, s11;
	s12 =	simm.s32 @!p0 $0x4E  }
0x12: {  	v0 =	vimm.f32 $0.0e+00;
	vm0 =	vcmask $0x300;
	p0 =	sgt.u32 s15, $0x1;
	s15 =	sshrl.u32 s2, $0x3;
	s26 =	simm.s32 $0x2  }
0x13: {  	v0 =	vsel vm0, $0x3F800000, v0;
	s9 =	sadd.s32 $0x9C40, s8;
	s13 =	sadd.s32 $0x47400, s0;
	s0 =	simm.s32 $0x0  }
.LBB2_13:
0x14: {  	_ =	swait.ge [sflag:s29], $0x1800  }
0x15: {  	[sflag:s29] =	ssyncset.done $0x0  }
0x16: {  	[sflag:s29] =	ssyncadd.s32 $0xFFFFE800  }
0x17: {  	_ =	swait.ge [sflag:s31], $0x1800  }
0x18: {  	s0 =	sadd.s32 $0x1, s0;
	[sflag:s31] =	ssyncset.done $0x0  }
0x19: {  	p1 =	sne.s32 s0, s14;
	[sflag:s31] =	ssyncadd.s32 $0xFFFFE800  }
.Ltmp1:
0x1a: {  	[bflag:$0x0] =	sbarrier.arrive $0xFFFF;
	(pc) =	sbr.rel @!p1 .LBB2_14-.Ltmp1, $4  }
0x1b: {  	[hbm:s13], [sflag:s7] =	dma.local [spmem:s15], $0xEA6  }
0x1c: {  	_ =	swait.ge [sflag:s16], $0xEA6  }
0x1d: {  	[sflag:s16] =	ssyncset.done $0x0  }
0x1e: {  	[sflag:s16] =	ssyncadd.s32 $0xFFFFF15A  }
.LBB2_1:
0x1f: {  	[spmem:s15], [sflag:s7] =	dma.local [hbm:s6], $0xEA6  }
0x20: {  	_ =	swait.ge [sflag:s16], $0xEA6  }
0x21: {  	[sflag:s16] =	ssyncset.done $0x0  }
0x22: {  	[sflag:s16] =	ssyncadd.s32 $0xFFFFF15A  }
0x23: {  	[tilespmem:s4], [sflag:$0x5] =	stream.linear.gather [hbm4b:s8+s4], $0x2700, $0x38;
	[tilespmem:$0x13430] =	vst v63  }
0x24: {  	_ =	swait.ge [sflag:s16], $0x2700  }
0x25: {  	[sflag:s16] =	ssyncset.done $0x0  }
0x26: {  	[sflag:s16] =	ssyncadd.s32 $0xFFFFD900  }
0x27: {  	[tilespmem:s17], [sflag:$0x5] =	stream.linear.gather [hbm4b:s9+s4], $0x2700, $0x38;
	[tilespmem:$0x13430] =	vst v63  }
0x28: {  	_ =	swait.ge [sflag:s16], $0x2700  }
0x29: {  	[sflag:s16] =	ssyncset.done $0x0  }
0x2a: {  	s2 =	simm.s32 @!p0 $0x0;
	s19 =	simm.s32 @!p0 $0x2700;
	[sflag:s16] =	ssyncadd.s32 $0xFFFFD900  }
0x2b: {  	[tilespmem:s19], [sflag:$0x5] =	stream.linear.gather @!p0 [hbm4b:s10+s2], $0x80, $0x38;
	[tilespmem:$0x13430] =	vst v63  }
0x2c: {  	s19 =	simm.s32 @!p0 $0x5  }
0x2d: {  	_ =	swait.ge @!p0 [sflag:s19], $0x80  }
0x2e: {  	[sflag:s19] =	ssyncset.done @!p0 $0x0  }
0x2f: {  	s20 =	simm.s32 @!p0 $0x4E80;
	[sflag:s19] =	ssyncadd.s32 @!p0 $0xFFFFFF80  }
0x30: {  	[tilespmem:s20], [sflag:$0x5] =	stream.linear.gather @!p0 [hbm4b:s11+s2], $0x80, $0x38;
	[tilespmem:$0x13430] =	vst v63  }
0x31: {  	_ =	swait.ge @!p0 [sflag:s19], $0x80  }
0x32: {  	[sflag:s19] =	ssyncset.done @!p0 $0x0  }
0x33: {  	s30 =	simm.s32 $0x8FE0;
	[sflag:s19] =	ssyncadd.s32 @!p0 $0xFFFFFF80  }
0x34: {  	[tilespmem:s30+$0xFFFFFF70] =	vst v0  }
0x35: {  	[tilespmem:s30+$0xFFFFFFA0] =	vst v0  }
0x36: {  	[tilespmem:s30+$0xFFFFFFD0] =	vst v0  }
0x37: {  	[tilespmem:s30+$0x0] =	vst v0  }
0x38: {  	[tilespmem:s30+$0x30] =	vst v0  }
0x39: {  	[tilespmem:s30+$0x60] =	vst v0  }
0x3a: {  	[tilespmem:s30+$0x90] =	vst v0  }
0x3b: {  	s2 =	simm.s32 $0xA7E0;
	[tilespmem:s30+$0xFFFFFF40] =	vst v0  }
0x3c: {  	[tilespmem:s2+$0xFFFFFF70] =	vst v0  }
0x3d: {  	[tilespmem:s2+$0xFFFFFFA0] =	vst v0  }
0x3e: {  	[tilespmem:s2+$0xFFFFFFD0] =	vst v0  }
0x3f: {  	[tilespmem:s2+$0x0] =	vst v0  }
0x40: {  	[tilespmem:s2+$0x30] =	vst v0  }
0x41: {  	[tilespmem:s2+$0x60] =	vst v0  }
0x42: {  	[tilespmem:s2+$0x90] =	vst v0  }
0x43: {  	s20 =	simm.s32 $0x9160;
	s19 =	simm.s32 $0x0;
	[tilespmem:s2+$0xFFFFFF40] =	vst v0  }
.LBB2_2:
0x44: {  	[tilespmem:s20+$0xFFFFFF70] =	vst v0;
	s2 =	sadd.s32 $0x180, s2  }
0x45: {  	[tilespmem:s2+$0xFFFFFF70] =	vst v0  }
0x46: {  	[tilespmem:s20+$0xFFFFFFA0] =	vst v0  }
0x47: {  	[tilespmem:s2+$0xFFFFFFA0] =	vst v0  }
0x48: {  	[tilespmem:s20+$0xFFFFFFD0] =	vst v0  }
0x49: {  	[tilespmem:s2+$0xFFFFFFD0] =	vst v0  }
0x4a: {  	[tilespmem:s20+$0x0] =	vst v0  }
0x4b: {  	[tilespmem:s2+$0x0] =	vst v0  }
0x4c: {  	[tilespmem:s20+$0x30] =	vst v0  }
0x4d: {  	s19 =	sadd.s32 $0x8, s19;
	[tilespmem:s2+$0x30] =	vst v0  }
0x4e: {  	p1 =	slt.u32 s19, $0x78;
	[tilespmem:s20+$0x60] =	vst v0  }
.Ltmp2:
0x4f: {  	[tilespmem:s2+$0x60] =	vst v0;
	(pc) =	sbr.rel @p1 .LBB2_2-.Ltmp2, $4  }
0x50: {  	[tilespmem:s20+$0x90] =	vst v0  }
0x51: {  	[tilespmem:s2+$0x90] =	vst v0  }
0x52: {  	[tilespmem:s20+$0xFFFFFF40] =	vst v0  }
0x53: {  	s20 =	sadd.s32 $0x180, s20;
	[tilespmem:s2+$0xFFFFFF40] =	vst v0  }
0x54: {  	[bflag:$0x0] =	sbarrier.arrive $0xFFFF;
	s2 =	simm.s32 $0x0;
	s19 =	simm.s32 $0x4F00  }
0x55: {  	[tilespmem:s19], [sflag:$0x1] =	stream.indirect.gather [hbm4b:s1+s18], $0x20, s2, s18, $0xb8;
	[tilespmem:$0x13430] =	vst v63  }
0x56: {  	s22 =	simm.s32 $0x6F00  }
0x57: {  	[tilespmem:s22], [sflag:$0x1] =	stream.indirect.gather [hbm4b:s5+s18], $0x20, s17, s18, $0xb8;
	[tilespmem:$0x13430] =	vst v63  }
0x58: {  	s23 =	simm.s32 $0x5F00  }
0x59: {  	[tilespmem:s23], [sflag:$0x2] =	stream.indirect.gather [hbm4b:s1+s18], $0x20, s18, s18, $0xb8;
	[tilespmem:$0x13430] =	vst v63  }
0x5a: {  	s30 =	simm.s32 $0x2800;
	s20 =	simm.s32 $0x7F00  }
0x5b: {  	[tilespmem:s20], [sflag:$0x2] =	stream.indirect.gather [hbm4b:s5+s18], $0x20, s30, s18, $0xb8;
	[tilespmem:$0x13430] =	vst v63  }
.LBB2_4:
0x5c: {  	_ =	swait.ge [sflag:s24], $0x1000  }
0x5d: {  	[sflag:s24] =	ssyncset.done $0x0  }
0x5e: {  	[sflag:s24] =	ssyncadd.s32 $0xFFFFF000  }
0x5f: {  	_ =	swait.ge [sflag:s24], $0x1000  }
0x60: {  	p1 =	seq.s32 s2, $0x0;
	[sflag:s24] =	ssyncset.done $0x0  }
0x61: {  	s19 =	simm.s32 @!p1 $0x3;
	[sflag:s24] =	ssyncadd.s32 $0xFFFFF000  }
0x62: {  	_ =	swait.ge @!p1 [sflag:s19], $0x1800  }
0x63: {  	[sflag:s19] =	ssyncset.done @!p1 $0x0  }
0x64: {  	s21 =	simm.s32 $0x4F80;
	[sflag:s19] =	ssyncadd.s32 @!p1 $0xFFFFE800  }
0x65: {  	s19 =	simm.s32 $0x6F80;
	v1 =	vld [tilespmem:s21+$0x60]  }
0x66: {  	v2 =	vld [tilespmem:s19+$0x60]  }
0x67: {  	v3 =	vld [tilespmem:s19+$0xFFFFFF80]  }
0x68: {  	v4 =	vld [tilespmem:s21+$0xFFFFFFA0]  }
0x69: {  	v5 =	vld [tilespmem:s19+$0xFFFFFFA0]  }
0x6a: {  	v6 =	vld [tilespmem:s21+$0xFFFFFFC0]  }
0x6b: {  	v7 =	vld [tilespmem:s19+$0xFFFFFFC0]  }
0x6c: {  	v8 =	vld [tilespmem:s19+$0xFFFFFFE0]  }
0x6d: {  	v9 =	vld [tilespmem:s21+$0x0]  }
0x6e: {  	v11 =	vld [tilespmem:s19+$0x0]  }
0x6f: {  	v12 =	vld [tilespmem:s21+$0x20]  }
0x70: {  	v13 =	vld [tilespmem:s21+$0x40];
	v1 =	vadd.f32 v2, v1  }
0x71: {  	v2 =	vld [tilespmem:s21+$0xFFFFFFE0];
	v4 =	vadd.f32 v5, v4  }
0x72: {  	s20 =	simm.s32 $0x8FC0;
	v5 =	vld [tilespmem:s19+$0x20];
	v1 =	vmax.f32 v1, $0.0e+00  }
0x73: {  	v6 =	vadd.f32 v7, v6;
	v7 =	vld [tilespmem:s19+$0x40];
	v4 =	vmax.f32 v4, $0.0e+00;
	[tilespmem:s20+$0x90] =	vst v1  }
0x74: {  	[tilespmem:s20+$0xFFFFFF70] =	vst v4;
	v4 =	vld [tilespmem:s21+$0xFFFFFF80]  }
0x75: {  	v1 =	vld [tilespmem:s21+$0x70]  }
0x76: {  	v6 =	vmax.f32 v6, $0.0e+00;
	v10 =	vld [tilespmem:s19+$0x70]  }
0x77: {  	[tilespmem:s20+$0xFFFFFFA0] =	vst v6;
	v6 =	vld [tilespmem:s19+$0xFFFFFFB0];
	v2 =	vadd.f32 v8, v2  }
0x78: {  	v61 =	vld [tilespmem:s21+$0xFFFFFFD0]  }
0x79: {  	v9 =	vadd.f32 v11, v9;
	v8 =	vld [tilespmem:s21+$0xFFFFFFB0];
	v2 =	vmax.f32 v2, $0.0e+00  }
0x7a: {  	[tilespmem:s20+$0xFFFFFFD0] =	vst v2;
	v2 =	vld [tilespmem:s19+$0xFFFFFFD0]  }
0x7b: {  	v9 =	vmax.f32 v9, $0.0e+00;
	v3 =	vadd.f32 v3, v4;
	v14 =	vld [tilespmem:s21+$0xFFFFFFF0]  }
0x7c: {  	[tilespmem:s20+$0x0] =	vst v9;
	v1 =	vadd.f32 v10, v1;
	v62 =	vld [tilespmem:s19+$0xFFFFFFF0]  }
0x7d: {  	v63 =	vld [tilespmem:s21+$0x10];
	v4 =	vadd.f32 v5, v12;
	v3 =	vmax.f32 v3, $0.0e+00  }
0x7e: {  	v5 =	vadd.f32 v7, v13;
	v7 =	vld [tilespmem:s19+$0x10];
	v1 =	vmax.f32 v1, $0.0e+00;
	[tilespmem:s20+$0xFFFFFF40] =	vst v3  }
0x7f: {  	v6 =	vadd.f32 v6, v8;
	v3 =	vmax.f32 v4, $0.0e+00;
	[tilespmem:s20+$0xA0] =	vst v1;
	v1 =	vld [tilespmem:s21+$0xFFFFFF90]  }
0x80: {  	[tilespmem:s20+$0x30] =	vst v3;
	v3 =	vmax.f32 v5, $0.0e+00;
	v4 =	vld [tilespmem:s19+$0xFFFFFF90];
	v5 =	vadd.f32 v2, v61  }
0x81: {  	[tilespmem:s20+$0x60] =	vst v3;
	v3 =	vmax.f32 v6, $0.0e+00;
	v2 =	vld [tilespmem:s21+$0x30];
	v6 =	vadd.f32 v62, v14  }
0x82: {  	[tilespmem:s20+$0xFFFFFF80] =	vst v3;
	v3 =	vmax.f32 v5, $0.0e+00;
	v5 =	vld [tilespmem:s19+$0x30]  }
0x83: {  	v7 =	vadd.f32 v7, v63;
	[tilespmem:s20+$0xFFFFFFB0] =	vst v3;
	v6 =	vmax.f32 v6, $0.0e+00;
	v3 =	vld [tilespmem:s21+$0x50]  }
0x84: {  	s30 =	sshll.u32 s2, $0x1;
	s22 =	simm.s32 $0x5080;
	s21 =	simm.s32 $0x0;
	[tilespmem:s20+$0xFFFFFFE0] =	vst v6;
	v6 =	vld [tilespmem:s19+$0x50]  }
.LBB2_5:
0x85: {  	v8 =	vld [tilespmem:s22+$0x60];
	v1 =	vadd.f32 v4, v1;
	v4 =	vmax.f32 v7, $0.0e+00;
	s19 =	sadd.s32 $0x100, s19  }
0x86: {  	v7 =	vld [tilespmem:s19+$0x60];
	[tilespmem:s20+$0x10] =	vst v4  }
0x87: {  	s21 =	sadd.s32 $0x8, s21;
	v4 =	vld [tilespmem:s19+$0xFFFFFF80];
	v1 =	vmax.f32 v1, $0.0e+00;
	v2 =	vadd.f32 v5, v2  }
0x88: {  	p2 =	slt.u32 s21, $0x78;
	v5 =	vld [tilespmem:s22+$0xFFFFFFA0];
	[tilespmem:s20+$0xFFFFFF50] =	vst v1  }
0x89: {  	v1 =	vld [tilespmem:s19+$0xFFFFFFA0];
	v2 =	vmax.f32 v2, $0.0e+00;
	v3 =	vadd.f32 v6, v3  }
0x8a: {  	v6 =	vld [tilespmem:s22+$0xFFFFFFC0];
	[tilespmem:s20+$0x40] =	vst v2  }
0x8b: {  	v2 =	vld [tilespmem:s19+$0xFFFFFFC0];
	v7 =	vadd.f32 v7, v8;
	v3 =	vmax.f32 v3, $0.0e+00  }
0x8c: {  	v8 =	vld [tilespmem:s22+$0xFFFFFFE0];
	[tilespmem:s20+$0x70] =	vst v3  }
0x8d: {  	s20 =	sadd.s32 $0x180, s20;
	v3 =	vld [tilespmem:s19+$0xFFFFFFE0];
	v7 =	vmax.f32 v7, $0.0e+00  }
0x8e: {  	v1 =	vadd.f32 v1, v5;
	v5 =	vld [tilespmem:s22+$0x0];
	[tilespmem:s20+$0x90] =	vst v7  }
0x8f: {  	v7 =	vld [tilespmem:s22+$0x70]  }
0x90: {  	v1 =	vmax.f32 v1, $0.0e+00;
	v2 =	vadd.f32 v2, v6;
	v6 =	vld [tilespmem:s19+$0x70]  }
0x91: {  	[tilespmem:s20+$0xFFFFFF70] =	vst v1;
	v1 =	vld [tilespmem:s19+$0x0]  }
0x92: {  	v2 =	vmax.f32 v2, $0.0e+00;
	v3 =	vadd.f32 v3, v8;
	v8 =	vld [tilespmem:s22+$0x20]  }
0x93: {  	[tilespmem:s20+$0xFFFFFFA0] =	vst v2;
	v2 =	vld [tilespmem:s19+$0x20]  }
0x94: {  	v3 =	vmax.f32 v3, $0.0e+00;
	v9 =	vld [tilespmem:s22+$0x40]  }
0x95: {  	[tilespmem:s20+$0xFFFFFFD0] =	vst v3;
	v3 =	vld [tilespmem:s19+$0x40];
	v6 =	vadd.f32 v6, v7  }
0x96: {  	v7 =	vld [tilespmem:s22+$0xFFFFFF80];
	v1 =	vadd.f32 v1, v5  }
0x97: {  	v5 =	vld [tilespmem:s22+$0xFFFFFFB0];
	v6 =	vmax.f32 v6, $0.0e+00  }
0x98: {  	v10 =	vld [tilespmem:s19+$0xFFFFFFB0];
	v1 =	vmax.f32 v1, $0.0e+00;
	v2 =	vadd.f32 v2, v8;
	[tilespmem:s20+$0xA0] =	vst v6  }
0x99: {  	v6 =	vld [tilespmem:s22+$0xFFFFFFD0];
	[tilespmem:s20+$0x0] =	vst v1  }
0x9a: {  	v8 =	vld [tilespmem:s19+$0xFFFFFFD0];
	v1 =	vmax.f32 v2, $0.0e+00;
	v2 =	vadd.f32 v3, v9  }
0x9b: {  	v3 =	vadd.f32 v4, v7;
	v7 =	vld [tilespmem:s22+$0xFFFFFFF0];
	[tilespmem:s20+$0x30] =	vst v1  }
0x9c: {  	v9 =	vld [tilespmem:s19+$0xFFFFFFF0];
	v1 =	vmax.f32 v2, $0.0e+00  }
0x9d: {  	v2 =	vmax.f32 v3, $0.0e+00;
	v3 =	vadd.f32 v10, v5;
	v10 =	vld [tilespmem:s22+$0x10];
	[tilespmem:s20+$0x60] =	vst v1  }
0x9e: {  	[tilespmem:s20+$0xFFFFFF40] =	vst v2;
	v11 =	vld [tilespmem:s19+$0x10]  }
0x9f: {  	v1 =	vld [tilespmem:s22+$0xFFFFFF90];
	v2 =	vmax.f32 v3, $0.0e+00;
	v3 =	vadd.f32 v8, v6  }
.Ltmp3:
0xa0: {  	v4 =	vld [tilespmem:s19+$0xFFFFFF90];
	[tilespmem:s20+$0xFFFFFF80] =	vst v2;
	(pc) =	sbr.rel @p2 .LBB2_5-.Ltmp3, $4  }
0xa1: {  	v3 =	vmax.f32 v3, $0.0e+00;
	v6 =	vadd.f32 v9, v7;
	v2 =	vld [tilespmem:s22+$0x30]  }
0xa2: {  	[tilespmem:s20+$0xFFFFFFB0] =	vst v3;
	v5 =	vld [tilespmem:s19+$0x30]  }
0xa3: {  	v6 =	vmax.f32 v6, $0.0e+00;
	v7 =	vadd.f32 v11, v10;
	v3 =	vld [tilespmem:s22+$0x50]  }
0xa4: {  	s22 =	sadd.s32 $0x100, s22;
	[tilespmem:s20+$0xFFFFFFE0] =	vst v6;
	v6 =	vld [tilespmem:s19+$0x50]  }
0xa5: {  	_ =	sdelay $0x1  }
0xa6: {  	v1 =	vadd.f32 v4, v1  }
0xa7: {  	v4 =	vmax.f32 v7, $0.0e+00;
	v2 =	vadd.f32 v5, v2  }
0xa8: {  	[tilespmem:s20+$0x10] =	vst v4;
	v1 =	vmax.f32 v1, $0.0e+00;
	v3 =	vadd.f32 v6, v3  }
0xa9: {  	s19 =	sshll.u32 s2, $0x8;
	[tilespmem:s20+$0xFFFFFF50] =	vst v1;
	v1 =	vmax.f32 v2, $0.0e+00  }
0xaa: {  	s19 =	sand.u32 $0x3FFFFF00, s19;
	[tilespmem:s20+$0x40] =	vst v1;
	v1 =	vmax.f32 v3, $0.0e+00  }
0xab: {  	s22 =	sadd.s32 $0x2780, s19;
	[tilespmem:s20+$0x70] =	vst v1;
	s20 =	sadd.s32 $0x2, s30  }
0xac: {  	[spmem:s3] =	stream.indirect.scatter.add.f32 [tilespmem:s25], [sflag:$0x3], $0x30, s22, s18, $0xb8;
	[tilespmem:$0x13430] =	vst v63  }
0xad: {  	p2 =	sge.u32 s20, s12  }
0xae: {  	s20 =	sshll.u32 @!p2 s20, $0x7;
	s21 =	simm.s32 @!p2 $0x80;
	s22 =	simm.s32 @!p2 $0x4F00  }
0xaf: {  	[tilespmem:s22], [sflag:$0x1] =	stream.indirect.gather @!p2 [hbm4b:s1+s21], $0x20, s20, s21, $0xb8;
	[tilespmem:$0x13430] =	vst v63  }
0xb0: {  	s20 =	sadd.s32 @!p2 $0x2780, s20;
	s22 =	simm.s32 @!p2 $0x6F00  }
0xb1: {  	[tilespmem:s22], [sflag:$0x1] =	stream.indirect.gather @!p2 [hbm4b:s5+s21], $0x20, s20, s21, $0xb8;
	[tilespmem:$0x13430] =	vst v63  }
0xb2: {  	_ =	swait.ge [sflag:s26], $0x1000  }
0xb3: {  	[sflag:s26] =	ssyncset.done $0x0  }
0xb4: {  	[sflag:s26] =	ssyncadd.s32 $0xFFFFF000  }
0xb5: {  	_ =	swait.ge [sflag:s26], $0x1000  }
0xb6: {  	[sflag:s26] =	ssyncset.done $0x0  }
0xb7: {  	s20 =	simm.s32 @!p1 $0x4;
	[sflag:s26] =	ssyncadd.s32 $0xFFFFF000  }
0xb8: {  	_ =	swait.ge @!p1 [sflag:s20], $0x1800  }
0xb9: {  	[sflag:s20] =	ssyncset.done @!p1 $0x0  }
0xba: {  	s23 =	simm.s32 $0x5F80;
	[sflag:s20] =	ssyncadd.s32 @!p1 $0xFFFFE800  }
0xbb: {  	s21 =	simm.s32 $0x7F80;
	v1 =	vld [tilespmem:s23+$0x60]  }
0xbc: {  	v2 =	vld [tilespmem:s21+$0x60]  }
0xbd: {  	v3 =	vld [tilespmem:s21+$0xFFFFFF80]  }
0xbe: {  	v4 =	vld [tilespmem:s23+$0xFFFFFFA0]  }
0xbf: {  	v5 =	vld [tilespmem:s21+$0xFFFFFFA0]  }
0xc0: {  	v6 =	vld [tilespmem:s23+$0xFFFFFFC0]  }
0xc1: {  	v7 =	vld [tilespmem:s21+$0xFFFFFFC0]  }
0xc2: {  	v8 =	vld [tilespmem:s21+$0xFFFFFFE0]  }
0xc3: {  	v9 =	vld [tilespmem:s23+$0x0]  }
0xc4: {  	v11 =	vld [tilespmem:s21+$0x0]  }
0xc5: {  	v12 =	vld [tilespmem:s23+$0x20]  }
0xc6: {  	v13 =	vld [tilespmem:s23+$0x40];
	v1 =	vadd.f32 v2, v1  }
0xc7: {  	v2 =	vld [tilespmem:s23+$0xFFFFFFE0];
	v4 =	vadd.f32 v5, v4  }
0xc8: {  	s20 =	simm.s32 $0xA7C0;
	v5 =	vld [tilespmem:s21+$0x20];
	v1 =	vmax.f32 v1, $0.0e+00  }
0xc9: {  	v6 =	vadd.f32 v7, v6;
	v7 =	vld [tilespmem:s21+$0x40];
	v4 =	vmax.f32 v4, $0.0e+00;
	[tilespmem:s20+$0x90] =	vst v1  }
0xca: {  	[tilespmem:s20+$0xFFFFFF70] =	vst v4;
	v4 =	vld [tilespmem:s23+$0xFFFFFF80]  }
0xcb: {  	v1 =	vld [tilespmem:s23+$0x70]  }
0xcc: {  	v6 =	vmax.f32 v6, $0.0e+00;
	v10 =	vld [tilespmem:s21+$0x70]  }
0xcd: {  	[tilespmem:s20+$0xFFFFFFA0] =	vst v6;
	v6 =	vld [tilespmem:s21+$0xFFFFFFB0];
	v2 =	vadd.f32 v8, v2  }
0xce: {  	v61 =	vld [tilespmem:s23+$0xFFFFFFD0]  }
0xcf: {  	v9 =	vadd.f32 v11, v9;
	v8 =	vld [tilespmem:s23+$0xFFFFFFB0];
	v2 =	vmax.f32 v2, $0.0e+00  }
0xd0: {  	[tilespmem:s20+$0xFFFFFFD0] =	vst v2;
	v2 =	vld [tilespmem:s21+$0xFFFFFFD0]  }
0xd1: {  	v9 =	vmax.f32 v9, $0.0e+00;
	v3 =	vadd.f32 v3, v4;
	v14 =	vld [tilespmem:s23+$0xFFFFFFF0]  }
0xd2: {  	[tilespmem:s20+$0x0] =	vst v9;
	v1 =	vadd.f32 v10, v1;
	v62 =	vld [tilespmem:s21+$0xFFFFFFF0]  }
0xd3: {  	v63 =	vld [tilespmem:s23+$0x10];
	v4 =	vadd.f32 v5, v12;
	v3 =	vmax.f32 v3, $0.0e+00  }
0xd4: {  	v5 =	vadd.f32 v7, v13;
	v7 =	vld [tilespmem:s21+$0x10];
	v1 =	vmax.f32 v1, $0.0e+00;
	[tilespmem:s20+$0xFFFFFF40] =	vst v3  }
0xd5: {  	v6 =	vadd.f32 v6, v8;
	v3 =	vmax.f32 v4, $0.0e+00;
	[tilespmem:s20+$0xA0] =	vst v1;
	v1 =	vld [tilespmem:s23+$0xFFFFFF90]  }
0xd6: {  	[tilespmem:s20+$0x30] =	vst v3;
	v3 =	vmax.f32 v5, $0.0e+00;
	v4 =	vld [tilespmem:s21+$0xFFFFFF90];
	v5 =	vadd.f32 v2, v61  }
0xd7: {  	[tilespmem:s20+$0x60] =	vst v3;
	v3 =	vmax.f32 v6, $0.0e+00;
	v2 =	vld [tilespmem:s23+$0x30];
	v6 =	vadd.f32 v62, v14  }
0xd8: {  	[tilespmem:s20+$0xFFFFFF80] =	vst v3;
	v3 =	vmax.f32 v5, $0.0e+00;
	v5 =	vld [tilespmem:s21+$0x30]  }
0xd9: {  	v7 =	vadd.f32 v7, v63;
	[tilespmem:s20+$0xFFFFFFB0] =	vst v3;
	v6 =	vmax.f32 v6, $0.0e+00;
	v3 =	vld [tilespmem:s23+$0x50]  }
0xda: {  	s22 =	simm.s32 $0x0;
	s23 =	simm.s32 $0x6080;
	[tilespmem:s20+$0xFFFFFFE0] =	vst v6;
	v6 =	vld [tilespmem:s21+$0x50]  }
.LBB2_7:
0xdb: {  	v8 =	vld [tilespmem:s23+$0x60];
	v1 =	vadd.f32 v4, v1;
	v4 =	vmax.f32 v7, $0.0e+00;
	s21 =	sadd.s32 $0x100, s21  }
0xdc: {  	v7 =	vld [tilespmem:s21+$0x60];
	[tilespmem:s20+$0x10] =	vst v4  }
0xdd: {  	s22 =	sadd.s32 $0x8, s22;
	v4 =	vld [tilespmem:s21+$0xFFFFFF80];
	v1 =	vmax.f32 v1, $0.0e+00;
	v2 =	vadd.f32 v5, v2  }
0xde: {  	p1 =	slt.u32 s22, $0x78;
	v5 =	vld [tilespmem:s23+$0xFFFFFFA0];
	[tilespmem:s20+$0xFFFFFF50] =	vst v1  }
0xdf: {  	v1 =	vld [tilespmem:s21+$0xFFFFFFA0];
	v2 =	vmax.f32 v2, $0.0e+00;
	v3 =	vadd.f32 v6, v3  }
0xe0: {  	v6 =	vld [tilespmem:s23+$0xFFFFFFC0];
	[tilespmem:s20+$0x40] =	vst v2  }
0xe1: {  	v2 =	vld [tilespmem:s21+$0xFFFFFFC0];
	v7 =	vadd.f32 v7, v8;
	v3 =	vmax.f32 v3, $0.0e+00  }
0xe2: {  	v8 =	vld [tilespmem:s23+$0xFFFFFFE0];
	[tilespmem:s20+$0x70] =	vst v3  }
0xe3: {  	s20 =	sadd.s32 $0x180, s20;
	v3 =	vld [tilespmem:s21+$0xFFFFFFE0];
	v7 =	vmax.f32 v7, $0.0e+00  }
0xe4: {  	v1 =	vadd.f32 v1, v5;
	v5 =	vld [tilespmem:s23+$0x0];
	[tilespmem:s20+$0x90] =	vst v7  }
0xe5: {  	v7 =	vld [tilespmem:s23+$0x70]  }
0xe6: {  	v1 =	vmax.f32 v1, $0.0e+00;
	v2 =	vadd.f32 v2, v6;
	v6 =	vld [tilespmem:s21+$0x70]  }
0xe7: {  	[tilespmem:s20+$0xFFFFFF70] =	vst v1;
	v1 =	vld [tilespmem:s21+$0x0]  }
0xe8: {  	v2 =	vmax.f32 v2, $0.0e+00;
	v3 =	vadd.f32 v3, v8;
	v8 =	vld [tilespmem:s23+$0x20]  }
0xe9: {  	[tilespmem:s20+$0xFFFFFFA0] =	vst v2;
	v2 =	vld [tilespmem:s21+$0x20]  }
0xea: {  	v3 =	vmax.f32 v3, $0.0e+00;
	v9 =	vld [tilespmem:s23+$0x40]  }
0xeb: {  	[tilespmem:s20+$0xFFFFFFD0] =	vst v3;
	v3 =	vld [tilespmem:s21+$0x40];
	v6 =	vadd.f32 v6, v7  }
0xec: {  	v7 =	vld [tilespmem:s23+$0xFFFFFF80];
	v1 =	vadd.f32 v1, v5  }
0xed: {  	v5 =	vld [tilespmem:s23+$0xFFFFFFB0];
	v6 =	vmax.f32 v6, $0.0e+00  }
0xee: {  	v10 =	vld [tilespmem:s21+$0xFFFFFFB0];
	v1 =	vmax.f32 v1, $0.0e+00;
	v2 =	vadd.f32 v2, v8;
	[tilespmem:s20+$0xA0] =	vst v6  }
0xef: {  	v6 =	vld [tilespmem:s23+$0xFFFFFFD0];
	[tilespmem:s20+$0x0] =	vst v1  }
0xf0: {  	v8 =	vld [tilespmem:s21+$0xFFFFFFD0];
	v1 =	vmax.f32 v2, $0.0e+00;
	v2 =	vadd.f32 v3, v9  }
0xf1: {  	v3 =	vadd.f32 v4, v7;
	v7 =	vld [tilespmem:s23+$0xFFFFFFF0];
	[tilespmem:s20+$0x30] =	vst v1  }
0xf2: {  	v9 =	vld [tilespmem:s21+$0xFFFFFFF0];
	v1 =	vmax.f32 v2, $0.0e+00  }
0xf3: {  	v2 =	vmax.f32 v3, $0.0e+00;
	v3 =	vadd.f32 v10, v5;
	v10 =	vld [tilespmem:s23+$0x10];
	[tilespmem:s20+$0x60] =	vst v1  }
0xf4: {  	[tilespmem:s20+$0xFFFFFF40] =	vst v2;
	v11 =	vld [tilespmem:s21+$0x10]  }
0xf5: {  	v1 =	vld [tilespmem:s23+$0xFFFFFF90];
	v2 =	vmax.f32 v3, $0.0e+00;
	v3 =	vadd.f32 v8, v6  }
.Ltmp4:
0xf6: {  	v4 =	vld [tilespmem:s21+$0xFFFFFF90];
	[tilespmem:s20+$0xFFFFFF80] =	vst v2;
	(pc) =	sbr.rel @p1 .LBB2_7-.Ltmp4, $4  }
0xf7: {  	v3 =	vmax.f32 v3, $0.0e+00;
	v6 =	vadd.f32 v9, v7;
	v2 =	vld [tilespmem:s23+$0x30]  }
0xf8: {  	[tilespmem:s20+$0xFFFFFFB0] =	vst v3;
	v5 =	vld [tilespmem:s21+$0x30]  }
0xf9: {  	v6 =	vmax.f32 v6, $0.0e+00;
	v7 =	vadd.f32 v11, v10;
	v3 =	vld [tilespmem:s23+$0x50]  }
0xfa: {  	s23 =	sadd.s32 $0x100, s23;
	[tilespmem:s20+$0xFFFFFFE0] =	vst v6;
	v6 =	vld [tilespmem:s21+$0x50]  }
0xfb: {  	_ =	sdelay $0x1  }
0xfc: {  	v1 =	vadd.f32 v4, v1  }
0xfd: {  	v63 =	vmax.f32 v7, $0.0e+00;
	v2 =	vadd.f32 v5, v2  }
0xfe: {  	[tilespmem:s20+$0x10] =	vst v63;
	v1 =	vmax.f32 v1, $0.0e+00;
	v3 =	vadd.f32 v6, v3  }
0xff: {  	[tilespmem:s20+$0xFFFFFF50] =	vst v1;
	v1 =	vmax.f32 v2, $0.0e+00  }
0x100: {  	[tilespmem:s20+$0x40] =	vst v1;
	v1 =	vmax.f32 v3, $0.0e+00  }
0x101: {  	s19 =	sadd.s32 $0x2800, s19;
	[tilespmem:s20+$0x70] =	vst v1  }
0x102: {  	[spmem:s3] =	stream.indirect.scatter.add.f32 [tilespmem:s28], [sflag:$0x4], $0x30, s19, s18, $0xb8;
	[tilespmem:$0x13430] =	vst v63  }
0x103: {  	s19 =	sadd.s32 $0x3, s30  }
0x104: {  	p1 =	sge.u32 s19, s12  }
0x105: {  	s19 =	sshll.u32 @!p1 s19, $0x7;
	s20 =	simm.s32 @!p1 $0x80;
	s21 =	simm.s32 @!p1 $0x5F00  }
0x106: {  	[tilespmem:s21], [sflag:$0x2] =	stream.indirect.gather @!p1 [hbm4b:s1+s20], $0x20, s19, s20, $0xb8;
	[tilespmem:$0x13430] =	vst v63  }
0x107: {  	s2 =	sadd.s32 $0x1, s2;
	s19 =	sadd.s32 @!p1 $0x2780, s19;
	s21 =	simm.s32 @!p1 $0x7F00  }
0x108: {  	[tilespmem:s21], [sflag:$0x2] =	stream.indirect.gather @!p1 [hbm4b:s5+s20], $0x20, s19, s20, $0xb8;
	[tilespmem:$0x13430] =	vst v63  }
0x109: {  	p1 =	sne.s32 s2, $0x27  }
.Ltmp5:
0x10a: {  	_ = 	snop;
	(pc) =	sbr.rel @p1 .LBB2_4-.Ltmp5, $1  }
0x10b: {  	_ =	sdelay $0x3  }
.Ltmp6:
0x10c: {  	(pc) =	sbr.rel @p0 .LBB2_13-.Ltmp6, $1  }
0x10d: {  	_ =	sdelay $0x3  }
0x10e: {  	_ =	swait.ge [sflag:s24], $0x1000  }
0x10f: {  	[sflag:s24] =	ssyncset.done $0x0  }
0x110: {  	[sflag:s24] =	ssyncadd.s32 $0xFFFFF000  }
0x111: {  	_ =	swait.ge [sflag:s24], $0x1000  }
0x112: {  	[sflag:s24] =	ssyncset.done $0x0  }
0x113: {  	[sflag:s24] =	ssyncadd.s32 $0xFFFFF000  }
0x114: {  	_ =	swait.ge [sflag:s29], $0x1800  }
0x115: {  	[sflag:s29] =	ssyncset.done $0x0  }
0x116: {  	s20 =	simm.s32 $0x4F80;
	[sflag:s29] =	ssyncadd.s32 $0xFFFFE800  }
0x117: {  	s19 =	simm.s32 $0x6F80;
	v1 =	vld [tilespmem:s20+$0x60]  }
0x118: {  	v2 =	vld [tilespmem:s19+$0x60]  }
0x119: {  	v3 =	vld [tilespmem:s19+$0xFFFFFF80]  }
0x11a: {  	v4 =	vld [tilespmem:s20+$0xFFFFFFA0]  }
0x11b: {  	v5 =	vld [tilespmem:s19+$0xFFFFFFA0]  }
0x11c: {  	v6 =	vld [tilespmem:s20+$0xFFFFFFC0]  }
0x11d: {  	v7 =	vld [tilespmem:s19+$0xFFFFFFC0]  }
0x11e: {  	v8 =	vld [tilespmem:s19+$0xFFFFFFE0]  }
0x11f: {  	v9 =	vld [tilespmem:s20+$0x0]  }
0x120: {  	v11 =	vld [tilespmem:s19+$0x0]  }
0x121: {  	v12 =	vld [tilespmem:s20+$0x20]  }
0x122: {  	v13 =	vld [tilespmem:s20+$0x40];
	v1 =	vadd.f32 v2, v1  }
0x123: {  	v2 =	vld [tilespmem:s20+$0xFFFFFFE0];
	v4 =	vadd.f32 v5, v4  }
0x124: {  	s2 =	simm.s32 $0x8FC0;
	v5 =	vld [tilespmem:s19+$0x20];
	v1 =	vmax.f32 v1, $0.0e+00  }
0x125: {  	v6 =	vadd.f32 v7, v6;
	v7 =	vld [tilespmem:s19+$0x40];
	v4 =	vmax.f32 v4, $0.0e+00;
	[tilespmem:s2+$0x90] =	vst v1  }
0x126: {  	[tilespmem:s2+$0xFFFFFF70] =	vst v4;
	v4 =	vld [tilespmem:s20+$0xFFFFFF80]  }
0x127: {  	v1 =	vld [tilespmem:s20+$0x70]  }
0x128: {  	v6 =	vmax.f32 v6, $0.0e+00;
	v10 =	vld [tilespmem:s19+$0x70]  }
0x129: {  	[tilespmem:s2+$0xFFFFFFA0] =	vst v6;
	v6 =	vld [tilespmem:s19+$0xFFFFFFB0];
	v2 =	vadd.f32 v8, v2  }
0x12a: {  	v61 =	vld [tilespmem:s20+$0xFFFFFFD0]  }
0x12b: {  	v9 =	vadd.f32 v11, v9;
	v8 =	vld [tilespmem:s20+$0xFFFFFFB0];
	v2 =	vmax.f32 v2, $0.0e+00  }
0x12c: {  	[tilespmem:s2+$0xFFFFFFD0] =	vst v2;
	v2 =	vld [tilespmem:s19+$0xFFFFFFD0]  }
0x12d: {  	v9 =	vmax.f32 v9, $0.0e+00;
	v3 =	vadd.f32 v3, v4;
	v14 =	vld [tilespmem:s20+$0xFFFFFFF0]  }
0x12e: {  	[tilespmem:s2+$0x0] =	vst v9;
	v1 =	vadd.f32 v10, v1;
	v62 =	vld [tilespmem:s19+$0xFFFFFFF0]  }
0x12f: {  	v63 =	vld [tilespmem:s20+$0x10];
	v4 =	vadd.f32 v5, v12;
	v3 =	vmax.f32 v3, $0.0e+00  }
0x130: {  	v5 =	vadd.f32 v7, v13;
	v7 =	vld [tilespmem:s19+$0x10];
	v1 =	vmax.f32 v1, $0.0e+00;
	[tilespmem:s2+$0xFFFFFF40] =	vst v3  }
0x131: {  	v6 =	vadd.f32 v6, v8;
	v3 =	vmax.f32 v4, $0.0e+00;
	[tilespmem:s2+$0xA0] =	vst v1;
	v1 =	vld [tilespmem:s20+$0xFFFFFF90]  }
0x132: {  	[tilespmem:s2+$0x30] =	vst v3;
	v3 =	vmax.f32 v5, $0.0e+00;
	v4 =	vld [tilespmem:s19+$0xFFFFFF90];
	v5 =	vadd.f32 v2, v61  }
0x133: {  	[tilespmem:s2+$0x60] =	vst v3;
	v3 =	vmax.f32 v6, $0.0e+00;
	v2 =	vld [tilespmem:s20+$0x30];
	v6 =	vadd.f32 v62, v14  }
0x134: {  	[tilespmem:s2+$0xFFFFFF80] =	vst v3;
	v3 =	vmax.f32 v5, $0.0e+00;
	v5 =	vld [tilespmem:s19+$0x30]  }
0x135: {  	v7 =	vadd.f32 v7, v63;
	[tilespmem:s2+$0xFFFFFFB0] =	vst v3;
	v6 =	vmax.f32 v6, $0.0e+00;
	v3 =	vld [tilespmem:s20+$0x50]  }
0x136: {  	s21 =	simm.s32 $0x5080;
	s20 =	simm.s32 $0x0;
	[tilespmem:s2+$0xFFFFFFE0] =	vst v6;
	v6 =	vld [tilespmem:s19+$0x50]  }
.LBB2_11:
0x137: {  	v8 =	vld [tilespmem:s21+$0x60];
	v1 =	vadd.f32 v4, v1;
	v4 =	vmax.f32 v7, $0.0e+00;
	s19 =	sadd.s32 $0x100, s19  }
0x138: {  	v7 =	vld [tilespmem:s19+$0x60];
	[tilespmem:s2+$0x10] =	vst v4  }
0x139: {  	s20 =	sadd.s32 $0x8, s20;
	v4 =	vld [tilespmem:s19+$0xFFFFFF80];
	v1 =	vmax.f32 v1, $0.0e+00;
	v2 =	vadd.f32 v5, v2  }
0x13a: {  	p1 =	slt.u32 s20, $0x78;
	v5 =	vld [tilespmem:s21+$0xFFFFFFA0];
	[tilespmem:s2+$0xFFFFFF50] =	vst v1  }
0x13b: {  	v1 =	vld [tilespmem:s19+$0xFFFFFFA0];
	v2 =	vmax.f32 v2, $0.0e+00;
	v3 =	vadd.f32 v6, v3  }
0x13c: {  	v6 =	vld [tilespmem:s21+$0xFFFFFFC0];
	[tilespmem:s2+$0x40] =	vst v2  }
0x13d: {  	v2 =	vld [tilespmem:s19+$0xFFFFFFC0];
	v7 =	vadd.f32 v7, v8;
	v3 =	vmax.f32 v3, $0.0e+00  }
0x13e: {  	v8 =	vld [tilespmem:s21+$0xFFFFFFE0];
	[tilespmem:s2+$0x70] =	vst v3  }
0x13f: {  	s2 =	sadd.s32 $0x180, s2;
	v3 =	vld [tilespmem:s19+$0xFFFFFFE0];
	v7 =	vmax.f32 v7, $0.0e+00  }
0x140: {  	v1 =	vadd.f32 v1, v5;
	v5 =	vld [tilespmem:s21+$0x0];
	[tilespmem:s2+$0x90] =	vst v7  }
0x141: {  	v7 =	vld [tilespmem:s21+$0x70]  }
0x142: {  	v1 =	vmax.f32 v1, $0.0e+00;
	v2 =	vadd.f32 v2, v6;
	v6 =	vld [tilespmem:s19+$0x70]  }
0x143: {  	[tilespmem:s2+$0xFFFFFF70] =	vst v1;
	v1 =	vld [tilespmem:s19+$0x0]  }
0x144: {  	v2 =	vmax.f32 v2, $0.0e+00;
	v3 =	vadd.f32 v3, v8;
	v8 =	vld [tilespmem:s21+$0x20]  }
0x145: {  	[tilespmem:s2+$0xFFFFFFA0] =	vst v2;
	v2 =	vld [tilespmem:s19+$0x20]  }
0x146: {  	v3 =	vmax.f32 v3, $0.0e+00;
	v9 =	vld [tilespmem:s21+$0x40]  }
0x147: {  	[tilespmem:s2+$0xFFFFFFD0] =	vst v3;
	v3 =	vld [tilespmem:s19+$0x40];
	v6 =	vadd.f32 v6, v7  }
0x148: {  	v7 =	vld [tilespmem:s21+$0xFFFFFF80];
	v1 =	vadd.f32 v1, v5  }
0x149: {  	v5 =	vld [tilespmem:s21+$0xFFFFFFB0];
	v6 =	vmax.f32 v6, $0.0e+00  }
0x14a: {  	v10 =	vld [tilespmem:s19+$0xFFFFFFB0];
	v1 =	vmax.f32 v1, $0.0e+00;
	v2 =	vadd.f32 v2, v8;
	[tilespmem:s2+$0xA0] =	vst v6  }
0x14b: {  	v6 =	vld [tilespmem:s21+$0xFFFFFFD0];
	[tilespmem:s2+$0x0] =	vst v1  }
0x14c: {  	v8 =	vld [tilespmem:s19+$0xFFFFFFD0];
	v1 =	vmax.f32 v2, $0.0e+00;
	v2 =	vadd.f32 v3, v9  }
0x14d: {  	v3 =	vadd.f32 v4, v7;
	v7 =	vld [tilespmem:s21+$0xFFFFFFF0];
	[tilespmem:s2+$0x30] =	vst v1  }
0x14e: {  	v9 =	vld [tilespmem:s19+$0xFFFFFFF0];
	v1 =	vmax.f32 v2, $0.0e+00  }
0x14f: {  	v2 =	vmax.f32 v3, $0.0e+00;
	v3 =	vadd.f32 v10, v5;
	v10 =	vld [tilespmem:s21+$0x10];
	[tilespmem:s2+$0x60] =	vst v1  }
0x150: {  	[tilespmem:s2+$0xFFFFFF40] =	vst v2;
	v11 =	vld [tilespmem:s19+$0x10]  }
0x151: {  	v1 =	vld [tilespmem:s21+$0xFFFFFF90];
	v2 =	vmax.f32 v3, $0.0e+00;
	v3 =	vadd.f32 v8, v6  }
.Ltmp7:
0x152: {  	v4 =	vld [tilespmem:s19+$0xFFFFFF90];
	[tilespmem:s2+$0xFFFFFF80] =	vst v2;
	(pc) =	sbr.rel @p1 .LBB2_11-.Ltmp7, $4  }
0x153: {  	v3 =	vmax.f32 v3, $0.0e+00;
	v6 =	vadd.f32 v9, v7;
	v2 =	vld [tilespmem:s21+$0x30]  }
0x154: {  	[tilespmem:s2+$0xFFFFFFB0] =	vst v3;
	v5 =	vld [tilespmem:s19+$0x30]  }
0x155: {  	v6 =	vmax.f32 v6, $0.0e+00;
	v7 =	vadd.f32 v11, v10;
	v3 =	vld [tilespmem:s21+$0x50]  }
0x156: {  	s21 =	sadd.s32 $0x100, s21;
	[tilespmem:s2+$0xFFFFFFE0] =	vst v6;
	v6 =	vld [tilespmem:s19+$0x50]  }
0x157: {  	_ =	sdelay $0x1  }
0x158: {  	v1 =	vadd.f32 v4, v1  }
0x159: {  	v63 =	vmax.f32 v7, $0.0e+00;
	v2 =	vadd.f32 v5, v2  }
.Ltmp8:
0x15a: {  	[tilespmem:s2+$0x10] =	vst v63;
	v1 =	vmax.f32 v1, $0.0e+00;
	v3 =	vadd.f32 v6, v3;
	(pc) =	sbr.rel .LBB2_13-.Ltmp8, $4  }
0x15b: {  	[tilespmem:s2+$0xFFFFFF50] =	vst v1;
	v1 =	vmax.f32 v2, $0.0e+00  }
0x15c: {  	[tilespmem:s2+$0x40] =	vst v1;
	v1 =	vmax.f32 v3, $0.0e+00  }
0x15d: {  	s30 =	simm.s32 $0x4E80;
	[tilespmem:s2+$0x70] =	vst v1  }
0x15e: {  	[spmem:s3] =	stream.indirect.scatter.add.f32 [tilespmem:s25], [sflag:$0x3], $0x30, s30, s18, $0xb8;
	[tilespmem:$0x13430] =	vst v63  }
.LBB2_14:
0x15f: {  	_ =	sfence.sel $0x180000  }
0x160: {  	[bflag:$0x0] =	sbarrier.arrive $0xFFFF  }
0x161: {  	_ =	strace $0x9000004D  }
0x162: {  	s0 =	stileid.u32;
	[bflag:$0x2] =	sbarrier.arrive $0xFFFF  }
0x163: {  	p0 =	sne.s32 s0, $0x0;
	s0 =	rddreg [dreg:$0x3]  }
0x164: {  	s0 =	sadd.s32 @!p0 $0x100000, s0  }
0x165: {  	[sflag:s0] =	ssyncadd.tile.s32 @!p0 $0x1;
	_ =	shalt  }
.Lfunc_end2:
_tile_overlayer_lowered:
.L_overlay_start_2:
0x166: {  	(tag) =	ssettag $0x2  }
0x167: {  	s0 =	rddreg [dreg:$0x0];
	s2 =	stileid.u32  }
0x168: {  	s1 =	rddreg [dreg:$0x1];
	p0 =	sne.s32 s2, $0x0  }
0x169: {  	s3 =	rddreg [dreg:$0x2];
	[bflag:$0x3] =	sbarrier.arrive $0xFFFF;
	s2 =	simm.s32 @!p0 $0x1C05  }
0x16a: {  	[timem:s3], [sflag:s2] =	dma.local @!p0 [hbm:s0], s1  }
0x16b: {  	s0 =	simm.s32 @!p0 $0x5  }
0x16c: {  	_ =	swait.ge @!p0 [sflag:s0], s1  }
0x16d: {  	s1 =	ssub.s32 @!p0 $0x0, s1;
	[sflag:s0] =	ssyncset.done @!p0 $0x0  }
0x16e: {  	[sflag:s0] =	ssyncadd.s32 @!p0 s1  }
0x16f: {  	[bflag:$0x3] =	sbarrier.arrive $0xFFFF  }
0x170: {  	_ =	shalt  }

// kernel: branch_1_fun.4.cloned.1.call-start
scs
__scs_entry_jumppad:
0x0: {  	(pc) =	sbr.rel $0x88, $3  }
0x1: {  	(tag) =	ssettag $0x0;
	lr =	simm.s32 $0x1  }
0x2: {  	[smem:$0x3F8C] =	sst lr;
	_ =	strace $0xD0000000  }
0x3: {  	_ = 	snop  }
0x4: {  	_ = 	snop  }
0x5: {  	_ = 	snop  }
0x6: {  	_ = 	snop  }
0x7: {  	_ = 	snop  }
__scs_overlays_trampoline_lowered:
0x8: {  	[smem:$0x3F9B] =	sst s0  }
0x9: {  	[smem:$0x3F9C] =	sst s1  }
0xa: {  	[smem:$0x3F9D] =	sst s2  }
0xb: {  	[smem:$0x3F9E] =	sst s3  }
0xc: {  	[smem:$0x3F9F] =	sst s4  }
0xd: {  	[smem:$0x3FA0] =	sst s5  }
0xe: {  	[smem:$0x3FA1] =	sst s6  }
0xf: {  	[smem:$0x3FA2] =	sst s7  }
0x10: {  	[smem:$0x3FA3] =	sst s8  }
0x11: {  	[smem:$0x3FA4] =	sst s9;
	s0 =	simm.s32 @!p0 $0x0  }
0x12: {  	s1 =	sld [smem:$0x3F8A];
	s0 =	simm.s32 @p0 $0x1  }
0x13: {  	[smem:$0x3FA5] =	sst s0;
	s0 =	simm.s32 @!p1 $0x0  }
0x14: {  	s2 =	sld [smem:$0x3F89];
	s0 =	simm.s32 @p1 $0x1  }
0x15: {  	[smem:$0x3FA6] =	sst s0;
	s0 =	simm.s32 @!p2 $0x0  }
0x16: {  	s3 =	sld [smem:$0x3FDB];
	s0 =	simm.s32 @p2 $0x1  }
0x17: {  	s4 =	simm.s32 $0x1BF5;
	[smem:$0x3FA8] =	sst s0  }
0x18: {  	s0 =	sld [smem:$0x3F8B];
	_ =	swait.ge [sflag:s4], $0x0  }
0x19: {  	s7 =	sld [smem:$0x3F8C]  }
0x1a: {  	s8 =	sadd.s32 $0xFFFFE003, lr  }
0x1b: {  	s9 =	sadd.s32 $0xFFFFFEF7, lr;
	s5 =	simm.s32 $0xFFFFFFFF;
	p2 =	slt.u32 s8, $0xFFFFF086  }
0x1c: {  	p1 =	slt.u32 s9, $0xF7A;
	s5 =	simm.s32 @!p2 $0x0  }
0x1d: {  	s5 =	simm.s32 @p1 $0x1;
	p0 =	seq.s32 s7, s2  }
0x1e: {  	s7 =	smul.u32 @!p0 $0xF7A, s2;
	p2 =	seq.s32 @!p0 s5, $0x0  }
0x1f: {  	s9 =	smul.u32 $0xF7A, s1;
	s8 =	simm.s32 @!p0 $0x1BF5;
	p2 =	por !p2, p0  }
0x20: {  	[sflag:s8] =	ssyncset.s32 @!p0 $0xFFFFF086;
	s6 =	sadd.s32 @!p0 s3, s7;
	s7 =	simm.s32 @!p0 $0x108  }
0x21: {  	s3 =	sadd.s32 s3, s9;
	s6 =	sadd.s32 @!p0 $0x88, s6;
	s7 =	simm.s32 @p2 $0x1082  }
0x22: {  	[simem:s7], [sflag:s8] =	dma.local @!p0 [hbm:s6], $0xF7A  }
0x23: {  	s9 =	sor.u32 $0xD0000000, s2;
	s6 =	simm.s32 $0x108;
	_ =	swait.ge @!p0 [sflag:s8], $0x0  }
0x24: {  	s3 =	sadd.s32 $0x88, s3;
	s6 =	simm.s32 @!p1 $0x1082;
	[sflag:s4] =	ssyncset.s32 $0xFFFFF086  }
0x25: {  	[simem:s6], [sflag:s4] =	dma.local [hbm:s3], $0xF7A  }
0x26: {  	[smem:$0x3F8C] =	sst s1;
	(tag) =	ssettag s2;
	_ =	strace s9  }
0x27: {  	s1 =	sld [smem:$0x3F9C]  }
0x28: {  	s2 =	sld [smem:$0x3F9D]  }
0x29: {  	s4 =	sld [smem:$0x3F9F]  }
0x2a: {  	p0 =	seq.s32 s5, $0x0;
	s5 =	sld [smem:$0x3FA0]  }
0x2b: {  	s6 =	sld [smem:$0x3FA1]  }
0x2c: {  	s7 =	sld [smem:$0x3FA2]  }
0x2d: {  	s3 =	simm.s32 $0x108;
	s8 =	sld [smem:$0x3FA3]  }
0x2e: {  	s3 =	simm.s32 @!p0 $0x1082;
	s9 =	sld [smem:$0x3FA4]  }
0x2f: {  	lr =	sadd.s32 s0, s3;
	s0 =	sld [smem:$0x3F9B]  }
0x30: {  	s3 =	sld [smem:$0x3F9E]  }
0x31: {  	[smem:$0x3FA7] =	sst s10  }
0x32: {  	s10 =	sld [smem:$0x3FA5];
	_ =	sdelay $0x3  }
0x33: {  	p0 =	seq.s32 s10, $0x1;
	s10 =	sld [smem:$0x3FA7];
	_ =	sdelay $0x3  }
0x34: {  	[smem:$0x3FA7] =	sst s10  }
0x35: {  	s10 =	sld [smem:$0x3FA6];
	_ =	sdelay $0x3  }
0x36: {  	p1 =	seq.s32 s10, $0x1;
	s10 =	sld [smem:$0x3FA7];
	_ =	sdelay $0x3  }
0x37: {  	[smem:$0x3FA7] =	sst s10  }
0x38: {  	s10 =	sld [smem:$0x3FA8]  }
0x39: {  	_ = 	snop;
	(pc) =	sbr.ind lr, $3  }
0x3a: {  	_ = 	snop  }
0x3b: {  	_ = 	snop  }
0x3c: {  	p2 =	seq.s32 s10, $0x1;
	s10 =	sld [smem:$0x3FA7]  }
0x3d: {  	_ =	shalt  }
0x3e: {  	_ =	shalt  }
0x3f: {  	_ =	shalt  }
0x40: {  	_ =	shalt  }
0x41: {  	_ =	shalt  }
0x42: {  	_ =	shalt  }
0x43: {  	_ =	shalt  }
0x44: {  	_ =	shalt  }
0x45: {  	_ =	shalt  }
0x46: {  	_ =	shalt  }
0x47: {  	_ =	shalt  }
0x48: {  	_ =	shalt  }
0x49: {  	_ =	shalt  }
0x4a: {  	_ =	shalt  }
0x4b: {  	_ =	shalt  }
0x4c: {  	_ =	shalt  }
0x4d: {  	_ =	shalt  }
0x4e: {  	_ =	shalt  }
0x4f: {  	_ =	shalt  }
0x50: {  	_ =	shalt  }
0x51: {  	_ =	shalt  }
0x52: {  	_ =	shalt  }
0x53: {  	_ =	shalt  }
0x54: {  	_ =	shalt  }
0x55: {  	_ =	shalt  }
0x56: {  	_ =	shalt  }
0x57: {  	_ =	shalt  }
0x58: {  	_ =	shalt  }
0x59: {  	_ =	shalt  }
0x5a: {  	_ =	shalt  }
0x5b: {  	_ =	shalt  }
0x5c: {  	_ =	shalt  }
0x5d: {  	_ =	shalt  }
0x5e: {  	_ =	shalt  }
0x5f: {  	_ =	shalt  }
0x60: {  	_ =	shalt  }
0x61: {  	_ =	shalt  }
0x62: {  	_ =	shalt  }
0x63: {  	_ =	shalt  }
0x64: {  	_ =	shalt  }
0x65: {  	_ =	shalt  }
0x66: {  	_ =	shalt  }
0x67: {  	_ =	shalt  }
0x68: {  	_ =	shalt  }
0x69: {  	_ =	shalt  }
0x6a: {  	_ =	shalt  }
0x6b: {  	_ =	shalt  }
0x6c: {  	_ =	shalt  }
0x6d: {  	_ =	shalt  }
0x6e: {  	_ =	shalt  }
0x6f: {  	_ =	shalt  }
0x70: {  	_ =	shalt  }
0x71: {  	_ =	shalt  }
0x72: {  	_ =	shalt  }
0x73: {  	_ =	shalt  }
0x74: {  	_ =	shalt  }
0x75: {  	_ =	shalt  }
0x76: {  	_ =	shalt  }
0x77: {  	_ =	shalt  }
0x78: {  	_ =	shalt  }
0x79: {  	_ =	shalt  }
0x7a: {  	_ =	shalt  }
0x7b: {  	_ =	shalt  }
0x7c: {  	_ =	shalt  }
0x7d: {  	_ =	shalt  }
0x7e: {  	_ =	shalt  }
0x7f: {  	_ =	shalt  }
0x80: {  	_ =	shalt  }
0x81: {  	_ =	shalt  }
0x82: {  	_ =	shalt  }
0x83: {  	_ =	shalt  }
0x84: {  	_ =	shalt  }
0x85: {  	_ =	shalt  }
0x86: {  	_ =	shalt  }
0x87: {  	_ =	shalt  }
.Lfunc_end0:
.L_simem_size_0:
called_computation_lowered:
.L_overlay_start_0:
0x88: {  	s2 =	sld [smem:$0x3FD9]  }
0x89: {  	s3 =	sld [smem:$0x3FFE];
	_ =	sdelay $0x1  }
0x8a: {  	s1 =	srdreg.scid  }
0x8b: {  	s0 =	sand.u32 $0x1, s1  }
0x8c: {  	s14 =	sshll.u32 s0, $0xA;
	s2 =	sadd.s32 s3, s2  }
0x8d: {  	s2 =	sadd.s32 s2, s14  }
0x8e: {  	[smem:$0x3FB3] =	sst s2  }
0x8f: {  	_ = 	snop  }
0x90: {  	s2 =	sld [smem:$0x3FD0];
	_ =	sdelay $0x2  }
0x91: {  	s15 =	simm.s32 $0xA;
	s4 =	simm.s32 $0x10  }
0x92: {  	[smem:s4], [sflag:s15] =	dma.local [hbm:s2], $0x1  }
0x93: {  	_ =	swait.eq [sflag:s15], $0x1  }
0x94: {  	[sflag:s15] =	ssyncset.done $0x0  }
0x95: {  	s16 =	sld [smem:$0x10];
	[sflag:s15] =	ssyncadd.s32 $0xFFFFFFFF  }
0x96: {  	s17 =	sld [smem:$0x11];
	(tm) =	ssettm $0x1  }
0x97: {  	s18 =	sld [smem:$0x3FFB];
	_ =	sdelay $0x3  }
0x98: {  	_ =	strace s18  }
0x99: {  	s4 =	sld [smem:$0x3FFC];
	_ =	sdelay $0x3  }
0x9a: {  	_ =	strace s4  }
0x9b: {  	s4 =	sld [smem:$0x3FFD];
	_ =	sdelay $0x3  }
0x9c: {  	_ =	strace s4  }
0x9d: {  	_ =	strace $0x8FFFFFFF  }
0x9e: {  	s19 =	sld [smem:$0x3FDB];
	_ =	sdelay $0x1  }
0x9f: {  	s5 =	simm.s32 $_scs_section_size  }
0xa0: {  	s6 =	simm.s32 $_size__tile_overlayer_lowered;
	s7 =	simm.s32 $_tile_overlayer_lowered  }
0xa1: {  	s22 =	simm.s32 $0x1BFF;
	s21 =	sshll.u32 s7, $0x1;
	s4 =	sadd.s32 s5, s19  }
0xa2: {  	s8 =	simm.s32 $0x0;
	s20 =	sshll.u32 s6, $0x1;
	s6 =	sadd.s32 s21, s4  }
0xa3: {  	[timem:s8], [sflag:s22] =	dma.local [hbm:s6], s20  }
0xa4: {  	_ =	swait.ge [sflag:s22], s20  }
0xa5: {  	s5 =	ssub.s32 $0x0, s20;
	[sflag:s22] =	ssyncset.done $0x0  }
0xa6: {  	[sflag:s22] =	ssyncadd.s32 s5;
	_ =	sdelay $0x1  }
0xa7: {  	s23 =	simm.s32 $0x1B8B  }
0xa8: {  	_ =	swait.ge [sflag:s23], $0x1  }
0xa9: {  	[sflag:s23] =	ssyncset.done $0x0  }
0xaa: {  	s25 =	simm.s32 $0x1B8E;
	s24 =	sld [smem:$0x3FFE];
	[sflag:s23] =	ssyncadd.s32 $0xFFFFFFFF  }
0xab: {  	s26 =	simm.s32 $execute0_lowered;
	[smem:$0x3FD2] =	sst s25  }
0xac: {  	s6 =	sshll.u32 s26, $0x1;
	_ =	strace $0x80000046;
	[dreg:$0x1] =	wrdreg $0xFFFFFFFF  }
0xad: {  	s28 =	simm.s32 $_size_execute0_lowered;
	s4 =	sadd.s32 s4, s6;
	[dreg:$0x0] =	wrdreg $0x0  }
0xae: {  	s6 =	sshll.u32 s28, $0x1;
	[dreg:$0x2] =	wrdreg s4  }
0xaf: {  	[dreg:$0x3] =	wrdreg s6  }
0xb0: {  	[dreg:$0x4] =	wrdreg $0xC0  }
0xb1: {  	_ =	task [dreg:s8], $0x5FFFF  }
0xb2: {  	[dreg:$0x1] =	wrdreg $0xFFFFFFFF  }
0xb3: {  	[dreg:$0x0] =	wrdreg $0x60  }
0xb4: {  	[dreg:$0x2] =	wrdreg s16  }
0xb5: {  	[dreg:$0x3] =	wrdreg s24  }
0xb6: {  	[dreg:$0x4] =	wrdreg s17  }
0xb7: {  	[dreg:$0x5] =	wrdreg $0xBF000  }
0xb8: {  	[dreg:$0x6] =	wrdreg $0x9  }
0xb9: {  	_ =	task.clear_ibuf [dreg:s8], $0x7FFFF;
	_ =	strace $0x90000046  }
0xba: {  	s29 =	simm.s32 $0x9;
	_ =	strace $0x80000048  }
0xbb: {  	_ =	swait.ge [sflag:s29], $0x1  }
0xbc: {  	[sflag:s29] =	ssyncadd.s32 $0xFFFFFFFF  }
0xbd: {  	_ =	strace $0x90000048  }
0xbe: {  	_ =	sfence  }
0xbf: {  	s30 =	sld [smem:$0x0];
	_ =	sdelay $0x2  }
0xc0: {  	s31 =	sshll.u32 s1, $0xD;
	s1 =	sshrl.u32 s1, $0x2  }
0xc1: {  	s3 =	sand.u32 $0x4000, s31;
	s1 =	sadd.s32 s1, s30  }
0xc2: {  	s0 =	sor.u32 s3, s0;
	s1 =	sshll.u32 s1, $0x11  }
0xc3: {  	s0 =	sor.u32 s1, s0  }
0xc4: {  	s0 =	sadd.s32 $0x8F2B, s0  }
0xc5: {  	[sflag:s0] =	ssyncadd.remote.s32 $0x1  }
0xc6: {  	_ =	sfence.sel $0xFFFF  }
0xc7: {  	[dreg:$0x0] =	wrdreg $0xFFFFFFFF;
	(pc) =	sbr.abs _section_cstart, $3  }
0xc8: {  	[dreg:$0x1] =	wrdreg $0xFFFFFFFF  }
0xc9: {  	_ =	task.clear_ibuf [dreg:s8], $0x2FFFF;
	_ =	strace $0x9FFFFFFF  }
0xca: {  	(tm) =	ssettm $0x7FFFFFFF  }
0xcb: {  	_ =	shalt  }
tec
execute0_lowered:
.L_overlay_start_1:
0x0: {  	(tag) =	ssettag $0x1  }
0x1: {  	s1 =	rddreg [dreg:$0x0]  }
0x2: {  	s0 =	rddreg [dreg:$0x1]  }
0x3: {  	s3 =	rddreg [dreg:$0x2]  }
0x4: {  	s2 =	rddreg [dreg:$0x3];
	s4 =	simm.s32 $0x0  }
0x5: {  	s16 =	stileid.u32;
	s6 =	srdreg.scid;
	s17 =	simm.s32 $0x2780  }
0x6: {  	s18 =	simm.s32 $0x80;
	s28 =	simm.s32 $0xA700;
	s29 =	simm.s32 $0x3  }
0x7: {  	s31 =	simm.s32 $0x4;
	[smem:$0x7FF] =	sst s4;
	s5 =	sadd.s32 $0x7400, s0  }
0x8: {  	s11 =	smul.u32 $0x7530, s16;
	s8 =	sand.u32 $0x1, s6;
	s20 =	sshll.u32 s16, $0x1  }
0x9: {  	s10 =	sadd.s32 $0x11200, s0;
	s22 =	sshll.u32 s16, $0x6;
	p0 =	slt.u32 s16, $0x2  }
0xa: {  	_ =	strace $0x80000047;
	s7 =	ssub.s32 $0x2, s8;
	s9 =	sor.u32 s8, s20  }
0xb: {  	s25 =	smul.u32 $0x75300, s8;
	s8 =	sor.u32 $0x1C05, s22;
	s21 =	sshrl.u32 s11, $0x3  }
0xc: {  	s12 =	sshrl.u32 s7, $0x1;
	s13 =	smul.u32 $0x2700, s9;
	s15 =	sadd.s32 s11, s2  }
0xd: {  	s24 =	sshll.u32 s9, $0x4;
	s0 =	sadd.s32 s21, s0;
	s14 =	ssub.s32 s7, s12  }
0xe: {  	s26 =	sadd.s32 s24, s10;
	s12 =	simm.s32 $0x4F;
	s15 =	sshrl.u32 s15, $0x3  }
0xf: {  	s24 =	simm.s32 $0x1;
	s6 =	sadd.s32 $0x24C00, s0;
	s23 =	sshrl.u32 s13, $0x3  }
.Ltmp0:
0x10: {  	s13 =	sadd.s32 s11, s25;
	s11 =	sadd.s32 $0x13840, s26;
	(pc) =	sbr.rel .LBB2_1-.Ltmp0, $4  }
0x11: {  	s12 =	simm.s32 @!p0 $0x4E;
	s14 =	smax.u32 s14, $0x1;
	p0 =	sgt.u32 s16, $0x1  }
0x12: {  	s16 =	simm.s32 $0x5;
	s25 =	simm.s32 $0x8F00;
	s0 =	simm.s32 $0x0  }
0x13: {  	v0 =	vimm.f32 $0.0e+00;
	vm0 =	vcmask $0x300;
	s7 =	sadd.s32 s10, s23;
	s10 =	sadd.s32 $0x9C00, s26;
	s30 =	sshrl.u32 s13, $0x3  }
0x14: {  	v0 =	vsel vm0, $0x3F800000, v0;
	s26 =	simm.s32 $0x2;
	s9 =	sadd.s32 $0x9C40, s7;
	s13 =	sadd.s32 s3, s30  }
.LBB2_13:
0x15: {  	_ =	swait.ge [sflag:s29], $0x1800  }
0x16: {  	[sflag:s29] =	ssyncset.done $0x0  }
0x17: {  	[sflag:s29] =	ssyncadd.s32 $0xFFFFE800  }
0x18: {  	_ =	swait.ge [sflag:s31], $0x1800  }
0x19: {  	s0 =	sadd.s32 $0x1, s0;
	[sflag:s31] =	ssyncset.done $0x0  }
0x1a: {  	p1 =	sne.s32 s0, s14;
	[sflag:s31] =	ssyncadd.s32 $0xFFFFE800  }
.Ltmp1:
0x1b: {  	[bflag:$0x0] =	sbarrier.arrive $0xFFFF;
	(pc) =	sbr.rel @!p1 .LBB2_14-.Ltmp1, $4  }
0x1c: {  	[hbm:s13], [sflag:s8] =	dma.local [spmem:s15], $0xEA6  }
0x1d: {  	_ =	swait.ge [sflag:s16], $0xEA6  }
0x1e: {  	[sflag:s16] =	ssyncset.done $0x0  }
0x1f: {  	[sflag:s16] =	ssyncadd.s32 $0xFFFFF15A  }
.LBB2_1:
0x20: {  	[spmem:s15], [sflag:s8] =	dma.local [hbm:s6], $0xEA6  }
0x21: {  	_ =	swait.ge [sflag:s16], $0xEA6  }
0x22: {  	[sflag:s16] =	ssyncset.done $0x0  }
0x23: {  	[sflag:s16] =	ssyncadd.s32 $0xFFFFF15A  }
0x24: {  	[tilespmem:s4], [sflag:$0x5] =	stream.linear.gather [hbm4b:s7+s4], $0x2700, $0x38;
	[tilespmem:$0x13430] =	vst v63  }
0x25: {  	_ =	swait.ge [sflag:s16], $0x2700  }
0x26: {  	[sflag:s16] =	ssyncset.done $0x0  }
0x27: {  	[sflag:s16] =	ssyncadd.s32 $0xFFFFD900  }
0x28: {  	[tilespmem:s17], [sflag:$0x5] =	stream.linear.gather [hbm4b:s9+s4], $0x2700, $0x38;
	[tilespmem:$0x13430] =	vst v63  }
0x29: {  	_ =	swait.ge [sflag:s16], $0x2700  }
0x2a: {  	[sflag:s16] =	ssyncset.done $0x0  }
0x2b: {  	s3 =	simm.s32 @!p0 $0x0;
	s19 =	simm.s32 @!p0 $0x2700;
	[sflag:s16] =	ssyncadd.s32 $0xFFFFD900  }
0x2c: {  	[tilespmem:s19], [sflag:$0x5] =	stream.linear.gather @!p0 [hbm4b:s10+s3], $0x80, $0x38;
	[tilespmem:$0x13430] =	vst v63  }
0x2d: {  	s19 =	simm.s32 @!p0 $0x5  }
0x2e: {  	_ =	swait.ge @!p0 [sflag:s19], $0x80  }
0x2f: {  	[sflag:s19] =	ssyncset.done @!p0 $0x0  }
0x30: {  	s20 =	simm.s32 @!p0 $0x4E80;
	[sflag:s19] =	ssyncadd.s32 @!p0 $0xFFFFFF80  }
0x31: {  	[tilespmem:s20], [sflag:$0x5] =	stream.linear.gather @!p0 [hbm4b:s11+s3], $0x80, $0x38;
	[tilespmem:$0x13430] =	vst v63  }
0x32: {  	_ =	swait.ge @!p0 [sflag:s19], $0x80  }
0x33: {  	[sflag:s19] =	ssyncset.done @!p0 $0x0  }
0x34: {  	s30 =	simm.s32 $0x8FE0;
	[sflag:s19] =	ssyncadd.s32 @!p0 $0xFFFFFF80  }
0x35: {  	[tilespmem:s30+$0xFFFFFF70] =	vst v0  }
0x36: {  	[tilespmem:s30+$0xFFFFFFA0] =	vst v0  }
0x37: {  	[tilespmem:s30+$0xFFFFFFD0] =	vst v0  }
0x38: {  	[tilespmem:s30+$0x0] =	vst v0  }
0x39: {  	[tilespmem:s30+$0x30] =	vst v0  }
0x3a: {  	[tilespmem:s30+$0x60] =	vst v0  }
0x3b: {  	[tilespmem:s30+$0x90] =	vst v0  }
0x3c: {  	s3 =	simm.s32 $0xA7E0;
	[tilespmem:s30+$0xFFFFFF40] =	vst v0  }
0x3d: {  	[tilespmem:s3+$0xFFFFFF70] =	vst v0  }
0x3e: {  	[tilespmem:s3+$0xFFFFFFA0] =	vst v0  }
0x3f: {  	[tilespmem:s3+$0xFFFFFFD0] =	vst v0  }
0x40: {  	[tilespmem:s3+$0x0] =	vst v0  }
0x41: {  	[tilespmem:s3+$0x30] =	vst v0  }
0x42: {  	[tilespmem:s3+$0x60] =	vst v0  }
0x43: {  	[tilespmem:s3+$0x90] =	vst v0  }
0x44: {  	s20 =	simm.s32 $0x9160;
	s19 =	simm.s32 $0x0;
	[tilespmem:s3+$0xFFFFFF40] =	vst v0  }
.LBB2_2:
0x45: {  	[tilespmem:s20+$0xFFFFFF70] =	vst v0;
	s3 =	sadd.s32 $0x180, s3  }
0x46: {  	[tilespmem:s3+$0xFFFFFF70] =	vst v0  }
0x47: {  	[tilespmem:s20+$0xFFFFFFA0] =	vst v0  }
0x48: {  	[tilespmem:s3+$0xFFFFFFA0] =	vst v0  }
0x49: {  	[tilespmem:s20+$0xFFFFFFD0] =	vst v0  }
0x4a: {  	[tilespmem:s3+$0xFFFFFFD0] =	vst v0  }
0x4b: {  	[tilespmem:s20+$0x0] =	vst v0  }
0x4c: {  	[tilespmem:s3+$0x0] =	vst v0  }
0x4d: {  	[tilespmem:s20+$0x30] =	vst v0  }
0x4e: {  	s19 =	sadd.s32 $0x8, s19;
	[tilespmem:s3+$0x30] =	vst v0  }
0x4f: {  	p1 =	slt.u32 s19, $0x78;
	[tilespmem:s20+$0x60] =	vst v0  }
.Ltmp2:
0x50: {  	[tilespmem:s3+$0x60] =	vst v0;
	(pc) =	sbr.rel @p1 .LBB2_2-.Ltmp2, $4  }
0x51: {  	[tilespmem:s20+$0x90] =	vst v0  }
0x52: {  	[tilespmem:s3+$0x90] =	vst v0  }
0x53: {  	[tilespmem:s20+$0xFFFFFF40] =	vst v0  }
0x54: {  	s20 =	sadd.s32 $0x180, s20;
	[tilespmem:s3+$0xFFFFFF40] =	vst v0  }
0x55: {  	[bflag:$0x0] =	sbarrier.arrive $0xFFFF;
	s3 =	simm.s32 $0x0;
	s19 =	simm.s32 $0x4F00  }
0x56: {  	[tilespmem:s19], [sflag:$0x1] =	stream.indirect.gather [hbm4b:s1+s18], $0x20, s3, s18, $0xb8;
	[tilespmem:$0x13430] =	vst v63  }
0x57: {  	s22 =	simm.s32 $0x6F00  }
0x58: {  	[tilespmem:s22], [sflag:$0x1] =	stream.indirect.gather [hbm4b:s5+s18], $0x20, s17, s18, $0xb8;
	[tilespmem:$0x13430] =	vst v63  }
0x59: {  	s23 =	simm.s32 $0x5F00  }
0x5a: {  	[tilespmem:s23], [sflag:$0x2] =	stream.indirect.gather [hbm4b:s1+s18], $0x20, s18, s18, $0xb8;
	[tilespmem:$0x13430] =	vst v63  }
0x5b: {  	s30 =	simm.s32 $0x2800;
	s20 =	simm.s32 $0x7F00  }
0x5c: {  	[tilespmem:s20], [sflag:$0x2] =	stream.indirect.gather [hbm4b:s5+s18], $0x20, s30, s18, $0xb8;
	[tilespmem:$0x13430] =	vst v63  }
.LBB2_4:
0x5d: {  	_ =	swait.ge [sflag:s24], $0x1000  }
0x5e: {  	[sflag:s24] =	ssyncset.done $0x0  }
0x5f: {  	[sflag:s24] =	ssyncadd.s32 $0xFFFFF000  }
0x60: {  	_ =	swait.ge [sflag:s24], $0x1000  }
0x61: {  	p1 =	seq.s32 s3, $0x0;
	[sflag:s24] =	ssyncset.done $0x0  }
0x62: {  	s19 =	simm.s32 @!p1 $0x3;
	[sflag:s24] =	ssyncadd.s32 $0xFFFFF000  }
0x63: {  	_ =	swait.ge @!p1 [sflag:s19], $0x1800  }
0x64: {  	[sflag:s19] =	ssyncset.done @!p1 $0x0  }
0x65: {  	s21 =	simm.s32 $0x4F80;
	[sflag:s19] =	ssyncadd.s32 @!p1 $0xFFFFE800  }
0x66: {  	s19 =	simm.s32 $0x6F80;
	v1 =	vld [tilespmem:s21+$0x60]  }
0x67: {  	v2 =	vld [tilespmem:s19+$0x60]  }
0x68: {  	v3 =	vld [tilespmem:s19+$0xFFFFFF80]  }
0x69: {  	v4 =	vld [tilespmem:s21+$0xFFFFFFA0]  }
0x6a: {  	v5 =	vld [tilespmem:s19+$0xFFFFFFA0]  }
0x6b: {  	v6 =	vld [tilespmem:s21+$0xFFFFFFC0]  }
0x6c: {  	v7 =	vld [tilespmem:s19+$0xFFFFFFC0]  }
0x6d: {  	v8 =	vld [tilespmem:s19+$0xFFFFFFE0]  }
0x6e: {  	v9 =	vld [tilespmem:s21+$0x0]  }
0x6f: {  	v11 =	vld [tilespmem:s19+$0x0]  }
0x70: {  	v12 =	vld [tilespmem:s21+$0x20]  }
0x71: {  	v13 =	vld [tilespmem:s21+$0x40];
	v1 =	vadd.f32 v2, v1  }
0x72: {  	v2 =	vld [tilespmem:s21+$0xFFFFFFE0];
	v4 =	vadd.f32 v5, v4  }
0x73: {  	s20 =	simm.s32 $0x8FC0;
	v5 =	vld [tilespmem:s19+$0x20];
	v1 =	vmax.f32 v1, $0.0e+00  }
0x74: {  	v6 =	vadd.f32 v7, v6;
	v7 =	vld [tilespmem:s19+$0x40];
	v4 =	vmax.f32 v4, $0.0e+00;
	[tilespmem:s20+$0x90] =	vst v1  }
0x75: {  	[tilespmem:s20+$0xFFFFFF70] =	vst v4;
	v4 =	vld [tilespmem:s21+$0xFFFFFF80]  }
0x76: {  	v1 =	vld [tilespmem:s21+$0x70]  }
0x77: {  	v6 =	vmax.f32 v6, $0.0e+00;
	v10 =	vld [tilespmem:s19+$0x70]  }
0x78: {  	[tilespmem:s20+$0xFFFFFFA0] =	vst v6;
	v6 =	vld [tilespmem:s19+$0xFFFFFFB0];
	v2 =	vadd.f32 v8, v2  }
0x79: {  	v61 =	vld [tilespmem:s21+$0xFFFFFFD0]  }
0x7a: {  	v9 =	vadd.f32 v11, v9;
	v8 =	vld [tilespmem:s21+$0xFFFFFFB0];
	v2 =	vmax.f32 v2, $0.0e+00  }
0x7b: {  	[tilespmem:s20+$0xFFFFFFD0] =	vst v2;
	v2 =	vld [tilespmem:s19+$0xFFFFFFD0]  }
0x7c: {  	v9 =	vmax.f32 v9, $0.0e+00;
	v3 =	vadd.f32 v3, v4;
	v14 =	vld [tilespmem:s21+$0xFFFFFFF0]  }
0x7d: {  	[tilespmem:s20+$0x0] =	vst v9;
	v1 =	vadd.f32 v10, v1;
	v62 =	vld [tilespmem:s19+$0xFFFFFFF0]  }
0x7e: {  	v63 =	vld [tilespmem:s21+$0x10];
	v4 =	vadd.f32 v5, v12;
	v3 =	vmax.f32 v3, $0.0e+00  }
0x7f: {  	v5 =	vadd.f32 v7, v13;
	v7 =	vld [tilespmem:s19+$0x10];
	v1 =	vmax.f32 v1, $0.0e+00;
	[tilespmem:s20+$0xFFFFFF40] =	vst v3  }
0x80: {  	v6 =	vadd.f32 v6, v8;
	v3 =	vmax.f32 v4, $0.0e+00;
	[tilespmem:s20+$0xA0] =	vst v1;
	v1 =	vld [tilespmem:s21+$0xFFFFFF90]  }
0x81: {  	[tilespmem:s20+$0x30] =	vst v3;
	v3 =	vmax.f32 v5, $0.0e+00;
	v4 =	vld [tilespmem:s19+$0xFFFFFF90];
	v5 =	vadd.f32 v2, v61  }
0x82: {  	[tilespmem:s20+$0x60] =	vst v3;
	v3 =	vmax.f32 v6, $0.0e+00;
	v2 =	vld [tilespmem:s21+$0x30];
	v6 =	vadd.f32 v62, v14  }
0x83: {  	[tilespmem:s20+$0xFFFFFF80] =	vst v3;
	v3 =	vmax.f32 v5, $0.0e+00;
	v5 =	vld [tilespmem:s19+$0x30]  }
0x84: {  	v7 =	vadd.f32 v7, v63;
	[tilespmem:s20+$0xFFFFFFB0] =	vst v3;
	v6 =	vmax.f32 v6, $0.0e+00;
	v3 =	vld [tilespmem:s21+$0x50]  }
0x85: {  	s30 =	sshll.u32 s3, $0x1;
	s22 =	simm.s32 $0x5080;
	s21 =	simm.s32 $0x0;
	[tilespmem:s20+$0xFFFFFFE0] =	vst v6;
	v6 =	vld [tilespmem:s19+$0x50]  }
.LBB2_5:
0x86: {  	v8 =	vld [tilespmem:s22+$0x60];
	v1 =	vadd.f32 v4, v1;
	v4 =	vmax.f32 v7, $0.0e+00;
	s19 =	sadd.s32 $0x100, s19  }
0x87: {  	v7 =	vld [tilespmem:s19+$0x60];
	[tilespmem:s20+$0x10] =	vst v4  }
0x88: {  	s21 =	sadd.s32 $0x8, s21;
	v4 =	vld [tilespmem:s19+$0xFFFFFF80];
	v1 =	vmax.f32 v1, $0.0e+00;
	v2 =	vadd.f32 v5, v2  }
0x89: {  	p2 =	slt.u32 s21, $0x78;
	v5 =	vld [tilespmem:s22+$0xFFFFFFA0];
	[tilespmem:s20+$0xFFFFFF50] =	vst v1  }
0x8a: {  	v1 =	vld [tilespmem:s19+$0xFFFFFFA0];
	v2 =	vmax.f32 v2, $0.0e+00;
	v3 =	vadd.f32 v6, v3  }
0x8b: {  	v6 =	vld [tilespmem:s22+$0xFFFFFFC0];
	[tilespmem:s20+$0x40] =	vst v2  }
0x8c: {  	v2 =	vld [tilespmem:s19+$0xFFFFFFC0];
	v7 =	vadd.f32 v7, v8;
	v3 =	vmax.f32 v3, $0.0e+00  }
0x8d: {  	v8 =	vld [tilespmem:s22+$0xFFFFFFE0];
	[tilespmem:s20+$0x70] =	vst v3  }
0x8e: {  	s20 =	sadd.s32 $0x180, s20;
	v3 =	vld [tilespmem:s19+$0xFFFFFFE0];
	v7 =	vmax.f32 v7, $0.0e+00  }
0x8f: {  	v1 =	vadd.f32 v1, v5;
	v5 =	vld [tilespmem:s22+$0x0];
	[tilespmem:s20+$0x90] =	vst v7  }
0x90: {  	v7 =	vld [tilespmem:s22+$0x70]  }
0x91: {  	v1 =	vmax.f32 v1, $0.0e+00;
	v2 =	vadd.f32 v2, v6;
	v6 =	vld [tilespmem:s19+$0x70]  }
0x92: {  	[tilespmem:s20+$0xFFFFFF70] =	vst v1;
	v1 =	vld [tilespmem:s19+$0x0]  }
0x93: {  	v2 =	vmax.f32 v2, $0.0e+00;
	v3 =	vadd.f32 v3, v8;
	v8 =	vld [tilespmem:s22+$0x20]  }
0x94: {  	[tilespmem:s20+$0xFFFFFFA0] =	vst v2;
	v2 =	vld [tilespmem:s19+$0x20]  }
0x95: {  	v3 =	vmax.f32 v3, $0.0e+00;
	v9 =	vld [tilespmem:s22+$0x40]  }
0x96: {  	[tilespmem:s20+$0xFFFFFFD0] =	vst v3;
	v3 =	vld [tilespmem:s19+$0x40];
	v6 =	vadd.f32 v6, v7  }
0x97: {  	v7 =	vld [tilespmem:s22+$0xFFFFFF80];
	v1 =	vadd.f32 v1, v5  }
0x98: {  	v5 =	vld [tilespmem:s22+$0xFFFFFFB0];
	v6 =	vmax.f32 v6, $0.0e+00  }
0x99: {  	v10 =	vld [tilespmem:s19+$0xFFFFFFB0];
	v1 =	vmax.f32 v1, $0.0e+00;
	v2 =	vadd.f32 v2, v8;
	[tilespmem:s20+$0xA0] =	vst v6  }
0x9a: {  	v6 =	vld [tilespmem:s22+$0xFFFFFFD0];
	[tilespmem:s20+$0x0] =	vst v1  }
0x9b: {  	v8 =	vld [tilespmem:s19+$0xFFFFFFD0];
	v1 =	vmax.f32 v2, $0.0e+00;
	v2 =	vadd.f32 v3, v9  }
0x9c: {  	v3 =	vadd.f32 v4, v7;
	v7 =	vld [tilespmem:s22+$0xFFFFFFF0];
	[tilespmem:s20+$0x30] =	vst v1  }
0x9d: {  	v9 =	vld [tilespmem:s19+$0xFFFFFFF0];
	v1 =	vmax.f32 v2, $0.0e+00  }
0x9e: {  	v2 =	vmax.f32 v3, $0.0e+00;
	v3 =	vadd.f32 v10, v5;
	v10 =	vld [tilespmem:s22+$0x10];
	[tilespmem:s20+$0x60] =	vst v1  }
0x9f: {  	[tilespmem:s20+$0xFFFFFF40] =	vst v2;
	v11 =	vld [tilespmem:s19+$0x10]  }
0xa0: {  	v1 =	vld [tilespmem:s22+$0xFFFFFF90];
	v2 =	vmax.f32 v3, $0.0e+00;
	v3 =	vadd.f32 v8, v6  }
.Ltmp3:
0xa1: {  	v4 =	vld [tilespmem:s19+$0xFFFFFF90];
	[tilespmem:s20+$0xFFFFFF80] =	vst v2;
	(pc) =	sbr.rel @p2 .LBB2_5-.Ltmp3, $4  }
0xa2: {  	v3 =	vmax.f32 v3, $0.0e+00;
	v6 =	vadd.f32 v9, v7;
	v2 =	vld [tilespmem:s22+$0x30]  }
0xa3: {  	[tilespmem:s20+$0xFFFFFFB0] =	vst v3;
	v5 =	vld [tilespmem:s19+$0x30]  }
0xa4: {  	v6 =	vmax.f32 v6, $0.0e+00;
	v7 =	vadd.f32 v11, v10;
	v3 =	vld [tilespmem:s22+$0x50]  }
0xa5: {  	s22 =	sadd.s32 $0x100, s22;
	[tilespmem:s20+$0xFFFFFFE0] =	vst v6;
	v6 =	vld [tilespmem:s19+$0x50]  }
0xa6: {  	_ =	sdelay $0x1  }
0xa7: {  	v1 =	vadd.f32 v4, v1  }
0xa8: {  	v4 =	vmax.f32 v7, $0.0e+00;
	v2 =	vadd.f32 v5, v2  }
0xa9: {  	[tilespmem:s20+$0x10] =	vst v4;
	v1 =	vmax.f32 v1, $0.0e+00;
	v3 =	vadd.f32 v6, v3  }
0xaa: {  	s19 =	sshll.u32 s3, $0x8;
	[tilespmem:s20+$0xFFFFFF50] =	vst v1;
	v1 =	vmax.f32 v2, $0.0e+00  }
0xab: {  	s19 =	sand.u32 $0x3FFFFF00, s19;
	[tilespmem:s20+$0x40] =	vst v1;
	v1 =	vmax.f32 v3, $0.0e+00  }
0xac: {  	s22 =	sadd.s32 $0x2780, s19;
	[tilespmem:s20+$0x70] =	vst v1;
	s20 =	sadd.s32 $0x2, s30  }
0xad: {  	[spmem:s2] =	stream.indirect.scatter.add.f32 [tilespmem:s25], [sflag:$0x3], $0x30, s22, s18, $0xb8;
	[tilespmem:$0x13430] =	vst v63  }
0xae: {  	p2 =	sge.u32 s20, s12  }
0xaf: {  	s20 =	sshll.u32 @!p2 s20, $0x7;
	s21 =	simm.s32 @!p2 $0x80;
	s22 =	simm.s32 @!p2 $0x4F00  }
0xb0: {  	[tilespmem:s22], [sflag:$0x1] =	stream.indirect.gather @!p2 [hbm4b:s1+s21], $0x20, s20, s21, $0xb8;
	[tilespmem:$0x13430] =	vst v63  }
0xb1: {  	s20 =	sadd.s32 @!p2 $0x2780, s20;
	s22 =	simm.s32 @!p2 $0x6F00  }
0xb2: {  	[tilespmem:s22], [sflag:$0x1] =	stream.indirect.gather @!p2 [hbm4b:s5+s21], $0x20, s20, s21, $0xb8;
	[tilespmem:$0x13430] =	vst v63  }
0xb3: {  	_ =	swait.ge [sflag:s26], $0x1000  }
0xb4: {  	[sflag:s26] =	ssyncset.done $0x0  }
0xb5: {  	[sflag:s26] =	ssyncadd.s32 $0xFFFFF000  }
0xb6: {  	_ =	swait.ge [sflag:s26], $0x1000  }
0xb7: {  	[sflag:s26] =	ssyncset.done $0x0  }
0xb8: {  	s20 =	simm.s32 @!p1 $0x4;
	[sflag:s26] =	ssyncadd.s32 $0xFFFFF000  }
0xb9: {  	_ =	swait.ge @!p1 [sflag:s20], $0x1800  }
0xba: {  	[sflag:s20] =	ssyncset.done @!p1 $0x0  }
0xbb: {  	s23 =	simm.s32 $0x5F80;
	[sflag:s20] =	ssyncadd.s32 @!p1 $0xFFFFE800  }
0xbc: {  	s21 =	simm.s32 $0x7F80;
	v1 =	vld [tilespmem:s23+$0x60]  }
0xbd: {  	v2 =	vld [tilespmem:s21+$0x60]  }
0xbe: {  	v3 =	vld [tilespmem:s21+$0xFFFFFF80]  }
0xbf: {  	v4 =	vld [tilespmem:s23+$0xFFFFFFA0]  }
0xc0: {  	v5 =	vld [tilespmem:s21+$0xFFFFFFA0]  }
0xc1: {  	v6 =	vld [tilespmem:s23+$0xFFFFFFC0]  }
0xc2: {  	v7 =	vld [tilespmem:s21+$0xFFFFFFC0]  }
0xc3: {  	v8 =	vld [tilespmem:s21+$0xFFFFFFE0]  }
0xc4: {  	v9 =	vld [tilespmem:s23+$0x0]  }
0xc5: {  	v11 =	vld [tilespmem:s21+$0x0]  }
0xc6: {  	v12 =	vld [tilespmem:s23+$0x20]  }
0xc7: {  	v13 =	vld [tilespmem:s23+$0x40];
	v1 =	vadd.f32 v2, v1  }
0xc8: {  	v2 =	vld [tilespmem:s23+$0xFFFFFFE0];
	v4 =	vadd.f32 v5, v4  }
0xc9: {  	s20 =	simm.s32 $0xA7C0;
	v5 =	vld [tilespmem:s21+$0x20];
	v1 =	vmax.f32 v1, $0.0e+00  }
0xca: {  	v6 =	vadd.f32 v7, v6;
	v7 =	vld [tilespmem:s21+$0x40];
	v4 =	vmax.f32 v4, $0.0e+00;
	[tilespmem:s20+$0x90] =	vst v1  }
0xcb: {  	[tilespmem:s20+$0xFFFFFF70] =	vst v4;
	v4 =	vld [tilespmem:s23+$0xFFFFFF80]  }
0xcc: {  	v1 =	vld [tilespmem:s23+$0x70]  }
0xcd: {  	v6 =	vmax.f32 v6, $0.0e+00;
	v10 =	vld [tilespmem:s21+$0x70]  }
0xce: {  	[tilespmem:s20+$0xFFFFFFA0] =	vst v6;
	v6 =	vld [tilespmem:s21+$0xFFFFFFB0];
	v2 =	vadd.f32 v8, v2  }
0xcf: {  	v61 =	vld [tilespmem:s23+$0xFFFFFFD0]  }
0xd0: {  	v9 =	vadd.f32 v11, v9;
	v8 =	vld [tilespmem:s23+$0xFFFFFFB0];
	v2 =	vmax.f32 v2, $0.0e+00  }
0xd1: {  	[tilespmem:s20+$0xFFFFFFD0] =	vst v2;
	v2 =	vld [tilespmem:s21+$0xFFFFFFD0]  }
0xd2: {  	v9 =	vmax.f32 v9, $0.0e+00;
	v3 =	vadd.f32 v3, v4;
	v14 =	vld [tilespmem:s23+$0xFFFFFFF0]  }
0xd3: {  	[tilespmem:s20+$0x0] =	vst v9;
	v1 =	vadd.f32 v10, v1;
	v62 =	vld [tilespmem:s21+$0xFFFFFFF0]  }
0xd4: {  	v63 =	vld [tilespmem:s23+$0x10];
	v4 =	vadd.f32 v5, v12;
	v3 =	vmax.f32 v3, $0.0e+00  }
0xd5: {  	v5 =	vadd.f32 v7, v13;
	v7 =	vld [tilespmem:s21+$0x10];
	v1 =	vmax.f32 v1, $0.0e+00;
	[tilespmem:s20+$0xFFFFFF40] =	vst v3  }
0xd6: {  	v6 =	vadd.f32 v6, v8;
	v3 =	vmax.f32 v4, $0.0e+00;
	[tilespmem:s20+$0xA0] =	vst v1;
	v1 =	vld [tilespmem:s23+$0xFFFFFF90]  }
0xd7: {  	[tilespmem:s20+$0x30] =	vst v3;
	v3 =	vmax.f32 v5, $0.0e+00;
	v4 =	vld [tilespmem:s21+$0xFFFFFF90];
	v5 =	vadd.f32 v2, v61  }
0xd8: {  	[tilespmem:s20+$0x60] =	vst v3;
	v3 =	vmax.f32 v6, $0.0e+00;
	v2 =	vld [tilespmem:s23+$0x30];
	v6 =	vadd.f32 v62, v14  }
0xd9: {  	[tilespmem:s20+$0xFFFFFF80] =	vst v3;
	v3 =	vmax.f32 v5, $0.0e+00;
	v5 =	vld [tilespmem:s21+$0x30]  }
0xda: {  	v7 =	vadd.f32 v7, v63;
	[tilespmem:s20+$0xFFFFFFB0] =	vst v3;
	v6 =	vmax.f32 v6, $0.0e+00;
	v3 =	vld [tilespmem:s23+$0x50]  }
0xdb: {  	s22 =	simm.s32 $0x0;
	s23 =	simm.s32 $0x6080;
	[tilespmem:s20+$0xFFFFFFE0] =	vst v6;
	v6 =	vld [tilespmem:s21+$0x50]  }
.LBB2_7:
0xdc: {  	v8 =	vld [tilespmem:s23+$0x60];
	v1 =	vadd.f32 v4, v1;
	v4 =	vmax.f32 v7, $0.0e+00;
	s21 =	sadd.s32 $0x100, s21  }
0xdd: {  	v7 =	vld [tilespmem:s21+$0x60];
	[tilespmem:s20+$0x10] =	vst v4  }
0xde: {  	s22 =	sadd.s32 $0x8, s22;
	v4 =	vld [tilespmem:s21+$0xFFFFFF80];
	v1 =	vmax.f32 v1, $0.0e+00;
	v2 =	vadd.f32 v5, v2  }
0xdf: {  	p1 =	slt.u32 s22, $0x78;
	v5 =	vld [tilespmem:s23+$0xFFFFFFA0];
	[tilespmem:s20+$0xFFFFFF50] =	vst v1  }
0xe0: {  	v1 =	vld [tilespmem:s21+$0xFFFFFFA0];
	v2 =	vmax.f32 v2, $0.0e+00;
	v3 =	vadd.f32 v6, v3  }
0xe1: {  	v6 =	vld [tilespmem:s23+$0xFFFFFFC0];
	[tilespmem:s20+$0x40] =	vst v2  }
0xe2: {  	v2 =	vld [tilespmem:s21+$0xFFFFFFC0];
	v7 =	vadd.f32 v7, v8;
	v3 =	vmax.f32 v3, $0.0e+00  }
0xe3: {  	v8 =	vld [tilespmem:s23+$0xFFFFFFE0];
	[tilespmem:s20+$0x70] =	vst v3  }
0xe4: {  	s20 =	sadd.s32 $0x180, s20;
	v3 =	vld [tilespmem:s21+$0xFFFFFFE0];
	v7 =	vmax.f32 v7, $0.0e+00  }
0xe5: {  	v1 =	vadd.f32 v1, v5;
	v5 =	vld [tilespmem:s23+$0x0];
	[tilespmem:s20+$0x90] =	vst v7  }
0xe6: {  	v7 =	vld [tilespmem:s23+$0x70]  }
0xe7: {  	v1 =	vmax.f32 v1, $0.0e+00;
	v2 =	vadd.f32 v2, v6;
	v6 =	vld [tilespmem:s21+$0x70]  }
0xe8: {  	[tilespmem:s20+$0xFFFFFF70] =	vst v1;
	v1 =	vld [tilespmem:s21+$0x0]  }
0xe9: {  	v2 =	vmax.f32 v2, $0.0e+00;
	v3 =	vadd.f32 v3, v8;
	v8 =	vld [tilespmem:s23+$0x20]  }
0xea: {  	[tilespmem:s20+$0xFFFFFFA0] =	vst v2;
	v2 =	vld [tilespmem:s21+$0x20]  }
0xeb: {  	v3 =	vmax.f32 v3, $0.0e+00;
	v9 =	vld [tilespmem:s23+$0x40]  }
0xec: {  	[tilespmem:s20+$0xFFFFFFD0] =	vst v3;
	v3 =	vld [tilespmem:s21+$0x40];
	v6 =	vadd.f32 v6, v7  }
0xed: {  	v7 =	vld [tilespmem:s23+$0xFFFFFF80];
	v1 =	vadd.f32 v1, v5  }
0xee: {  	v5 =	vld [tilespmem:s23+$0xFFFFFFB0];
	v6 =	vmax.f32 v6, $0.0e+00  }
0xef: {  	v10 =	vld [tilespmem:s21+$0xFFFFFFB0];
	v1 =	vmax.f32 v1, $0.0e+00;
	v2 =	vadd.f32 v2, v8;
	[tilespmem:s20+$0xA0] =	vst v6  }
0xf0: {  	v6 =	vld [tilespmem:s23+$0xFFFFFFD0];
	[tilespmem:s20+$0x0] =	vst v1  }
0xf1: {  	v8 =	vld [tilespmem:s21+$0xFFFFFFD0];
	v1 =	vmax.f32 v2, $0.0e+00;
	v2 =	vadd.f32 v3, v9  }
0xf2: {  	v3 =	vadd.f32 v4, v7;
	v7 =	vld [tilespmem:s23+$0xFFFFFFF0];
	[tilespmem:s20+$0x30] =	vst v1  }
0xf3: {  	v9 =	vld [tilespmem:s21+$0xFFFFFFF0];
	v1 =	vmax.f32 v2, $0.0e+00  }
0xf4: {  	v2 =	vmax.f32 v3, $0.0e+00;
	v3 =	vadd.f32 v10, v5;
	v10 =	vld [tilespmem:s23+$0x10];
	[tilespmem:s20+$0x60] =	vst v1  }
0xf5: {  	[tilespmem:s20+$0xFFFFFF40] =	vst v2;
	v11 =	vld [tilespmem:s21+$0x10]  }
0xf6: {  	v1 =	vld [tilespmem:s23+$0xFFFFFF90];
	v2 =	vmax.f32 v3, $0.0e+00;
	v3 =	vadd.f32 v8, v6  }
.Ltmp4:
0xf7: {  	v4 =	vld [tilespmem:s21+$0xFFFFFF90];
	[tilespmem:s20+$0xFFFFFF80] =	vst v2;
	(pc) =	sbr.rel @p1 .LBB2_7-.Ltmp4, $4  }
0xf8: {  	v3 =	vmax.f32 v3, $0.0e+00;
	v6 =	vadd.f32 v9, v7;
	v2 =	vld [tilespmem:s23+$0x30]  }
0xf9: {  	[tilespmem:s20+$0xFFFFFFB0] =	vst v3;
	v5 =	vld [tilespmem:s21+$0x30]  }
0xfa: {  	v6 =	vmax.f32 v6, $0.0e+00;
	v7 =	vadd.f32 v11, v10;
	v3 =	vld [tilespmem:s23+$0x50]  }
0xfb: {  	s23 =	sadd.s32 $0x100, s23;
	[tilespmem:s20+$0xFFFFFFE0] =	vst v6;
	v6 =	vld [tilespmem:s21+$0x50]  }
0xfc: {  	_ =	sdelay $0x1  }
0xfd: {  	v1 =	vadd.f32 v4, v1  }
0xfe: {  	v63 =	vmax.f32 v7, $0.0e+00;
	v2 =	vadd.f32 v5, v2  }
0xff: {  	[tilespmem:s20+$0x10] =	vst v63;
	v1 =	vmax.f32 v1, $0.0e+00;
	v3 =	vadd.f32 v6, v3  }
0x100: {  	[tilespmem:s20+$0xFFFFFF50] =	vst v1;
	v1 =	vmax.f32 v2, $0.0e+00  }
0x101: {  	[tilespmem:s20+$0x40] =	vst v1;
	v1 =	vmax.f32 v3, $0.0e+00  }
0x102: {  	s19 =	sadd.s32 $0x2800, s19;
	[tilespmem:s20+$0x70] =	vst v1  }
0x103: {  	[spmem:s2] =	stream.indirect.scatter.add.f32 [tilespmem:s28], [sflag:$0x4], $0x30, s19, s18, $0xb8;
	[tilespmem:$0x13430] =	vst v63  }
0x104: {  	s19 =	sadd.s32 $0x3, s30  }
0x105: {  	p1 =	sge.u32 s19, s12  }
0x106: {  	s19 =	sshll.u32 @!p1 s19, $0x7;
	s20 =	simm.s32 @!p1 $0x80;
	s21 =	simm.s32 @!p1 $0x5F00  }
0x107: {  	[tilespmem:s21], [sflag:$0x2] =	stream.indirect.gather @!p1 [hbm4b:s1+s20], $0x20, s19, s20, $0xb8;
	[tilespmem:$0x13430] =	vst v63  }
0x108: {  	s3 =	sadd.s32 $0x1, s3;
	s19 =	sadd.s32 @!p1 $0x2780, s19;
	s21 =	simm.s32 @!p1 $0x7F00  }
0x109: {  	[tilespmem:s21], [sflag:$0x2] =	stream.indirect.gather @!p1 [hbm4b:s5+s20], $0x20, s19, s20, $0xb8;
	[tilespmem:$0x13430] =	vst v63  }
0x10a: {  	p1 =	sne.s32 s3, $0x27  }
.Ltmp5:
0x10b: {  	_ = 	snop;
	(pc) =	sbr.rel @p1 .LBB2_4-.Ltmp5, $1  }
0x10c: {  	_ =	sdelay $0x3  }
.Ltmp6:
0x10d: {  	(pc) =	sbr.rel @p0 .LBB2_13-.Ltmp6, $1  }
0x10e: {  	_ =	sdelay $0x3  }
0x10f: {  	_ =	swait.ge [sflag:s24], $0x1000  }
0x110: {  	[sflag:s24] =	ssyncset.done $0x0  }
0x111: {  	[sflag:s24] =	ssyncadd.s32 $0xFFFFF000  }
0x112: {  	_ =	swait.ge [sflag:s24], $0x1000  }
0x113: {  	[sflag:s24] =	ssyncset.done $0x0  }
0x114: {  	[sflag:s24] =	ssyncadd.s32 $0xFFFFF000  }
0x115: {  	_ =	swait.ge [sflag:s29], $0x1800  }
0x116: {  	[sflag:s29] =	ssyncset.done $0x0  }
0x117: {  	s20 =	simm.s32 $0x4F80;
	[sflag:s29] =	ssyncadd.s32 $0xFFFFE800  }
0x118: {  	s19 =	simm.s32 $0x6F80;
	v1 =	vld [tilespmem:s20+$0x60]  }
0x119: {  	v2 =	vld [tilespmem:s19+$0x60]  }
0x11a: {  	v3 =	vld [tilespmem:s19+$0xFFFFFF80]  }
0x11b: {  	v4 =	vld [tilespmem:s20+$0xFFFFFFA0]  }
0x11c: {  	v5 =	vld [tilespmem:s19+$0xFFFFFFA0]  }
0x11d: {  	v6 =	vld [tilespmem:s20+$0xFFFFFFC0]  }
0x11e: {  	v7 =	vld [tilespmem:s19+$0xFFFFFFC0]  }
0x11f: {  	v8 =	vld [tilespmem:s19+$0xFFFFFFE0]  }
0x120: {  	v9 =	vld [tilespmem:s20+$0x0]  }
0x121: {  	v11 =	vld [tilespmem:s19+$0x0]  }
0x122: {  	v12 =	vld [tilespmem:s20+$0x20]  }
0x123: {  	v13 =	vld [tilespmem:s20+$0x40];
	v1 =	vadd.f32 v2, v1  }
0x124: {  	v2 =	vld [tilespmem:s20+$0xFFFFFFE0];
	v4 =	vadd.f32 v5, v4  }
0x125: {  	s3 =	simm.s32 $0x8FC0;
	v5 =	vld [tilespmem:s19+$0x20];
	v1 =	vmax.f32 v1, $0.0e+00  }
0x126: {  	v6 =	vadd.f32 v7, v6;
	v7 =	vld [tilespmem:s19+$0x40];
	v4 =	vmax.f32 v4, $0.0e+00;
	[tilespmem:s3+$0x90] =	vst v1  }
0x127: {  	[tilespmem:s3+$0xFFFFFF70] =	vst v4;
	v4 =	vld [tilespmem:s20+$0xFFFFFF80]  }
0x128: {  	v1 =	vld [tilespmem:s20+$0x70]  }
0x129: {  	v6 =	vmax.f32 v6, $0.0e+00;
	v10 =	vld [tilespmem:s19+$0x70]  }
0x12a: {  	[tilespmem:s3+$0xFFFFFFA0] =	vst v6;
	v6 =	vld [tilespmem:s19+$0xFFFFFFB0];
	v2 =	vadd.f32 v8, v2  }
0x12b: {  	v61 =	vld [tilespmem:s20+$0xFFFFFFD0]  }
0x12c: {  	v9 =	vadd.f32 v11, v9;
	v8 =	vld [tilespmem:s20+$0xFFFFFFB0];
	v2 =	vmax.f32 v2, $0.0e+00  }
0x12d: {  	[tilespmem:s3+$0xFFFFFFD0] =	vst v2;
	v2 =	vld [tilespmem:s19+$0xFFFFFFD0]  }
0x12e: {  	v9 =	vmax.f32 v9, $0.0e+00;
	v3 =	vadd.f32 v3, v4;
	v14 =	vld [tilespmem:s20+$0xFFFFFFF0]  }
0x12f: {  	[tilespmem:s3+$0x0] =	vst v9;
	v1 =	vadd.f32 v10, v1;
	v62 =	vld [tilespmem:s19+$0xFFFFFFF0]  }
0x130: {  	v63 =	vld [tilespmem:s20+$0x10];
	v4 =	vadd.f32 v5, v12;
	v3 =	vmax.f32 v3, $0.0e+00  }
0x131: {  	v5 =	vadd.f32 v7, v13;
	v7 =	vld [tilespmem:s19+$0x10];
	v1 =	vmax.f32 v1, $0.0e+00;
	[tilespmem:s3+$0xFFFFFF40] =	vst v3  }
0x132: {  	v6 =	vadd.f32 v6, v8;
	v3 =	vmax.f32 v4, $0.0e+00;
	[tilespmem:s3+$0xA0] =	vst v1;
	v1 =	vld [tilespmem:s20+$0xFFFFFF90]  }
0x133: {  	[tilespmem:s3+$0x30] =	vst v3;
	v3 =	vmax.f32 v5, $0.0e+00;
	v4 =	vld [tilespmem:s19+$0xFFFFFF90];
	v5 =	vadd.f32 v2, v61  }
0x134: {  	[tilespmem:s3+$0x60] =	vst v3;
	v3 =	vmax.f32 v6, $0.0e+00;
	v2 =	vld [tilespmem:s20+$0x30];
	v6 =	vadd.f32 v62, v14  }
0x135: {  	[tilespmem:s3+$0xFFFFFF80] =	vst v3;
	v3 =	vmax.f32 v5, $0.0e+00;
	v5 =	vld [tilespmem:s19+$0x30]  }
0x136: {  	v7 =	vadd.f32 v7, v63;
	[tilespmem:s3+$0xFFFFFFB0] =	vst v3;
	v6 =	vmax.f32 v6, $0.0e+00;
	v3 =	vld [tilespmem:s20+$0x50]  }
0x137: {  	s21 =	simm.s32 $0x5080;
	s20 =	simm.s32 $0x0;
	[tilespmem:s3+$0xFFFFFFE0] =	vst v6;
	v6 =	vld [tilespmem:s19+$0x50]  }
.LBB2_11:
0x138: {  	v8 =	vld [tilespmem:s21+$0x60];
	v1 =	vadd.f32 v4, v1;
	v4 =	vmax.f32 v7, $0.0e+00;
	s19 =	sadd.s32 $0x100, s19  }
0x139: {  	v7 =	vld [tilespmem:s19+$0x60];
	[tilespmem:s3+$0x10] =	vst v4  }
0x13a: {  	s20 =	sadd.s32 $0x8, s20;
	v4 =	vld [tilespmem:s19+$0xFFFFFF80];
	v1 =	vmax.f32 v1, $0.0e+00;
	v2 =	vadd.f32 v5, v2  }
0x13b: {  	p1 =	slt.u32 s20, $0x78;
	v5 =	vld [tilespmem:s21+$0xFFFFFFA0];
	[tilespmem:s3+$0xFFFFFF50] =	vst v1  }
0x13c: {  	v1 =	vld [tilespmem:s19+$0xFFFFFFA0];
	v2 =	vmax.f32 v2, $0.0e+00;
	v3 =	vadd.f32 v6, v3  }
0x13d: {  	v6 =	vld [tilespmem:s21+$0xFFFFFFC0];
	[tilespmem:s3+$0x40] =	vst v2  }
0x13e: {  	v2 =	vld [tilespmem:s19+$0xFFFFFFC0];
	v7 =	vadd.f32 v7, v8;
	v3 =	vmax.f32 v3, $0.0e+00  }
0x13f: {  	v8 =	vld [tilespmem:s21+$0xFFFFFFE0];
	[tilespmem:s3+$0x70] =	vst v3  }
0x140: {  	s3 =	sadd.s32 $0x180, s3;
	v3 =	vld [tilespmem:s19+$0xFFFFFFE0];
	v7 =	vmax.f32 v7, $0.0e+00  }
0x141: {  	v1 =	vadd.f32 v1, v5;
	v5 =	vld [tilespmem:s21+$0x0];
	[tilespmem:s3+$0x90] =	vst v7  }
0x142: {  	v7 =	vld [tilespmem:s21+$0x70]  }
0x143: {  	v1 =	vmax.f32 v1, $0.0e+00;
	v2 =	vadd.f32 v2, v6;
	v6 =	vld [tilespmem:s19+$0x70]  }
0x144: {  	[tilespmem:s3+$0xFFFFFF70] =	vst v1;
	v1 =	vld [tilespmem:s19+$0x0]  }
0x145: {  	v2 =	vmax.f32 v2, $0.0e+00;
	v3 =	vadd.f32 v3, v8;
	v8 =	vld [tilespmem:s21+$0x20]  }
0x146: {  	[tilespmem:s3+$0xFFFFFFA0] =	vst v2;
	v2 =	vld [tilespmem:s19+$0x20]  }
0x147: {  	v3 =	vmax.f32 v3, $0.0e+00;
	v9 =	vld [tilespmem:s21+$0x40]  }
0x148: {  	[tilespmem:s3+$0xFFFFFFD0] =	vst v3;
	v3 =	vld [tilespmem:s19+$0x40];
	v6 =	vadd.f32 v6, v7  }
0x149: {  	v7 =	vld [tilespmem:s21+$0xFFFFFF80];
	v1 =	vadd.f32 v1, v5  }
0x14a: {  	v5 =	vld [tilespmem:s21+$0xFFFFFFB0];
	v6 =	vmax.f32 v6, $0.0e+00  }
0x14b: {  	v10 =	vld [tilespmem:s19+$0xFFFFFFB0];
	v1 =	vmax.f32 v1, $0.0e+00;
	v2 =	vadd.f32 v2, v8;
	[tilespmem:s3+$0xA0] =	vst v6  }
0x14c: {  	v6 =	vld [tilespmem:s21+$0xFFFFFFD0];
	[tilespmem:s3+$0x0] =	vst v1  }
0x14d: {  	v8 =	vld [tilespmem:s19+$0xFFFFFFD0];
	v1 =	vmax.f32 v2, $0.0e+00;
	v2 =	vadd.f32 v3, v9  }
0x14e: {  	v3 =	vadd.f32 v4, v7;
	v7 =	vld [tilespmem:s21+$0xFFFFFFF0];
	[tilespmem:s3+$0x30] =	vst v1  }
0x14f: {  	v9 =	vld [tilespmem:s19+$0xFFFFFFF0];
	v1 =	vmax.f32 v2, $0.0e+00  }
0x150: {  	v2 =	vmax.f32 v3, $0.0e+00;
	v3 =	vadd.f32 v10, v5;
	v10 =	vld [tilespmem:s21+$0x10];
	[tilespmem:s3+$0x60] =	vst v1  }
0x151: {  	[tilespmem:s3+$0xFFFFFF40] =	vst v2;
	v11 =	vld [tilespmem:s19+$0x10]  }
0x152: {  	v1 =	vld [tilespmem:s21+$0xFFFFFF90];
	v2 =	vmax.f32 v3, $0.0e+00;
	v3 =	vadd.f32 v8, v6  }
.Ltmp7:
0x153: {  	v4 =	vld [tilespmem:s19+$0xFFFFFF90];
	[tilespmem:s3+$0xFFFFFF80] =	vst v2;
	(pc) =	sbr.rel @p1 .LBB2_11-.Ltmp7, $4  }
0x154: {  	v3 =	vmax.f32 v3, $0.0e+00;
	v6 =	vadd.f32 v9, v7;
	v2 =	vld [tilespmem:s21+$0x30]  }
0x155: {  	[tilespmem:s3+$0xFFFFFFB0] =	vst v3;
	v5 =	vld [tilespmem:s19+$0x30]  }
0x156: {  	v6 =	vmax.f32 v6, $0.0e+00;
	v7 =	vadd.f32 v11, v10;
	v3 =	vld [tilespmem:s21+$0x50]  }
0x157: {  	s21 =	sadd.s32 $0x100, s21;
	[tilespmem:s3+$0xFFFFFFE0] =	vst v6;
	v6 =	vld [tilespmem:s19+$0x50]  }
0x158: {  	_ =	sdelay $0x1  }
0x159: {  	v1 =	vadd.f32 v4, v1  }
0x15a: {  	v63 =	vmax.f32 v7, $0.0e+00;
	v2 =	vadd.f32 v5, v2  }
.Ltmp8:
0x15b: {  	[tilespmem:s3+$0x10] =	vst v63;
	v1 =	vmax.f32 v1, $0.0e+00;
	v3 =	vadd.f32 v6, v3;
	(pc) =	sbr.rel .LBB2_13-.Ltmp8, $4  }
0x15c: {  	[tilespmem:s3+$0xFFFFFF50] =	vst v1;
	v1 =	vmax.f32 v2, $0.0e+00  }
0x15d: {  	[tilespmem:s3+$0x40] =	vst v1;
	v1 =	vmax.f32 v3, $0.0e+00  }
0x15e: {  	s30 =	simm.s32 $0x4E80;
	[tilespmem:s3+$0x70] =	vst v1  }
0x15f: {  	[spmem:s2] =	stream.indirect.scatter.add.f32 [tilespmem:s25], [sflag:$0x3], $0x30, s30, s18, $0xb8;
	[tilespmem:$0x13430] =	vst v63  }
.LBB2_14:
0x160: {  	_ =	sfence.sel $0x180000  }
0x161: {  	[bflag:$0x0] =	sbarrier.arrive $0xFFFF  }
0x162: {  	_ =	strace $0x90000047  }
0x163: {  	s0 =	stileid.u32;
	[bflag:$0x2] =	sbarrier.arrive $0xFFFF  }
0x164: {  	p0 =	sne.s32 s0, $0x0;
	s0 =	rddreg [dreg:$0x4]  }
0x165: {  	s0 =	sadd.s32 @!p0 $0x100000, s0  }
0x166: {  	[sflag:s0] =	ssyncadd.tile.s32 @!p0 $0x1;
	_ =	shalt  }
.Lfunc_end2:
_tile_overlayer_lowered:
.L_overlay_start_2:
0x167: {  	(tag) =	ssettag $0x2  }
0x168: {  	s0 =	rddreg [dreg:$0x0];
	s2 =	stileid.u32  }
0x169: {  	s1 =	rddreg [dreg:$0x1];
	p0 =	sne.s32 s2, $0x0  }
0x16a: {  	s3 =	rddreg [dreg:$0x2];
	[bflag:$0x3] =	sbarrier.arrive $0xFFFF;
	s2 =	simm.s32 @!p0 $0x1C05  }
0x16b: {  	[timem:s3], [sflag:s2] =	dma.local @!p0 [hbm:s0], s1  }
0x16c: {  	s0 =	simm.s32 @!p0 $0x5  }
0x16d: {  	_ =	swait.ge @!p0 [sflag:s0], s1  }
0x16e: {  	s1 =	ssub.s32 @!p0 $0x0, s1;
	[sflag:s0] =	ssyncset.done @!p0 $0x0  }
0x16f: {  	[sflag:s0] =	ssyncadd.s32 @!p0 s1  }
0x170: {  	[bflag:$0x3] =	sbarrier.arrive $0xFFFF  }
0x171: {  	_ =	shalt  }

// kernel: kernel.6.cloned.1.call-start
scs
__scs_entry_jumppad:
0x0: {  	(pc) =	sbr.rel $0x88, $3  }
0x1: {  	(tag) =	ssettag $0x0;
	lr =	simm.s32 $0x1  }
0x2: {  	[smem:$0x3F8C] =	sst lr;
	_ =	strace $0xD0000000  }
0x3: {  	_ = 	snop  }
0x4: {  	_ = 	snop  }
0x5: {  	_ = 	snop  }
0x6: {  	_ = 	snop  }
0x7: {  	_ = 	snop  }
__scs_overlays_trampoline_lowered:
0x8: {  	[smem:$0x3F9B] =	sst s0  }
0x9: {  	[smem:$0x3F9C] =	sst s1  }
0xa: {  	[smem:$0x3F9D] =	sst s2  }
0xb: {  	[smem:$0x3F9E] =	sst s3  }
0xc: {  	[smem:$0x3F9F] =	sst s4  }
0xd: {  	[smem:$0x3FA0] =	sst s5  }
0xe: {  	[smem:$0x3FA1] =	sst s6  }
0xf: {  	[smem:$0x3FA2] =	sst s7  }
0x10: {  	[smem:$0x3FA3] =	sst s8  }
0x11: {  	[smem:$0x3FA4] =	sst s9;
	s0 =	simm.s32 @!p0 $0x0  }
0x12: {  	s1 =	sld [smem:$0x3F8A];
	s0 =	simm.s32 @p0 $0x1  }
0x13: {  	[smem:$0x3FA5] =	sst s0;
	s0 =	simm.s32 @!p1 $0x0  }
0x14: {  	s2 =	sld [smem:$0x3F89];
	s0 =	simm.s32 @p1 $0x1  }
0x15: {  	[smem:$0x3FA6] =	sst s0;
	s0 =	simm.s32 @!p2 $0x0  }
0x16: {  	s3 =	sld [smem:$0x3FDB];
	s0 =	simm.s32 @p2 $0x1  }
0x17: {  	s4 =	simm.s32 $0x1BF5;
	[smem:$0x3FA8] =	sst s0  }
0x18: {  	s0 =	sld [smem:$0x3F8B];
	_ =	swait.ge [sflag:s4], $0x0  }
0x19: {  	s7 =	sld [smem:$0x3F8C]  }
0x1a: {  	s8 =	sadd.s32 $0xFFFFE003, lr  }
0x1b: {  	s9 =	sadd.s32 $0xFFFFFEF7, lr;
	s5 =	simm.s32 $0xFFFFFFFF;
	p2 =	slt.u32 s8, $0xFFFFF086  }
0x1c: {  	p1 =	slt.u32 s9, $0xF7A;
	s5 =	simm.s32 @!p2 $0x0  }
0x1d: {  	s5 =	simm.s32 @p1 $0x1;
	p0 =	seq.s32 s7, s2  }
0x1e: {  	s7 =	smul.u32 @!p0 $0xF7A, s2;
	p2 =	seq.s32 @!p0 s5, $0x0  }
0x1f: {  	s9 =	smul.u32 $0xF7A, s1;
	s8 =	simm.s32 @!p0 $0x1BF5;
	p2 =	por !p2, p0  }
0x20: {  	[sflag:s8] =	ssyncset.s32 @!p0 $0xFFFFF086;
	s6 =	sadd.s32 @!p0 s3, s7;
	s7 =	simm.s32 @!p0 $0x108  }
0x21: {  	s3 =	sadd.s32 s3, s9;
	s6 =	sadd.s32 @!p0 $0x88, s6;
	s7 =	simm.s32 @p2 $0x1082  }
0x22: {  	[simem:s7], [sflag:s8] =	dma.local @!p0 [hbm:s6], $0xF7A  }
0x23: {  	s9 =	sor.u32 $0xD0000000, s2;
	s6 =	simm.s32 $0x108;
	_ =	swait.ge @!p0 [sflag:s8], $0x0  }
0x24: {  	s3 =	sadd.s32 $0x88, s3;
	s6 =	simm.s32 @!p1 $0x1082;
	[sflag:s4] =	ssyncset.s32 $0xFFFFF086  }
0x25: {  	[simem:s6], [sflag:s4] =	dma.local [hbm:s3], $0xF7A  }
0x26: {  	[smem:$0x3F8C] =	sst s1;
	(tag) =	ssettag s2;
	_ =	strace s9  }
0x27: {  	s1 =	sld [smem:$0x3F9C]  }
0x28: {  	s2 =	sld [smem:$0x3F9D]  }
0x29: {  	s4 =	sld [smem:$0x3F9F]  }
0x2a: {  	p0 =	seq.s32 s5, $0x0;
	s5 =	sld [smem:$0x3FA0]  }
0x2b: {  	s6 =	sld [smem:$0x3FA1]  }
0x2c: {  	s7 =	sld [smem:$0x3FA2]  }
0x2d: {  	s3 =	simm.s32 $0x108;
	s8 =	sld [smem:$0x3FA3]  }
0x2e: {  	s3 =	simm.s32 @!p0 $0x1082;
	s9 =	sld [smem:$0x3FA4]  }
0x2f: {  	lr =	sadd.s32 s0, s3;
	s0 =	sld [smem:$0x3F9B]  }
0x30: {  	s3 =	sld [smem:$0x3F9E]  }
0x31: {  	[smem:$0x3FA7] =	sst s10  }
0x32: {  	s10 =	sld [smem:$0x3FA5];
	_ =	sdelay $0x3  }
0x33: {  	p0 =	seq.s32 s10, $0x1;
	s10 =	sld [smem:$0x3FA7];
	_ =	sdelay $0x3  }
0x34: {  	[smem:$0x3FA7] =	sst s10  }
0x35: {  	s10 =	sld [smem:$0x3FA6];
	_ =	sdelay $0x3  }
0x36: {  	p1 =	seq.s32 s10, $0x1;
	s10 =	sld [smem:$0x3FA7];
	_ =	sdelay $0x3  }
0x37: {  	[smem:$0x3FA7] =	sst s10  }
0x38: {  	s10 =	sld [smem:$0x3FA8]  }
0x39: {  	_ = 	snop;
	(pc) =	sbr.ind lr, $3  }
0x3a: {  	_ = 	snop  }
0x3b: {  	_ = 	snop  }
0x3c: {  	p2 =	seq.s32 s10, $0x1;
	s10 =	sld [smem:$0x3FA7]  }
0x3d: {  	_ =	shalt  }
0x3e: {  	_ =	shalt  }
0x3f: {  	_ =	shalt  }
0x40: {  	_ =	shalt  }
0x41: {  	_ =	shalt  }
0x42: {  	_ =	shalt  }
0x43: {  	_ =	shalt  }
0x44: {  	_ =	shalt  }
0x45: {  	_ =	shalt  }
0x46: {  	_ =	shalt  }
0x47: {  	_ =	shalt  }
0x48: {  	_ =	shalt  }
0x49: {  	_ =	shalt  }
0x4a: {  	_ =	shalt  }
0x4b: {  	_ =	shalt  }
0x4c: {  	_ =	shalt  }
0x4d: {  	_ =	shalt  }
0x4e: {  	_ =	shalt  }
0x4f: {  	_ =	shalt  }
0x50: {  	_ =	shalt  }
0x51: {  	_ =	shalt  }
0x52: {  	_ =	shalt  }
0x53: {  	_ =	shalt  }
0x54: {  	_ =	shalt  }
0x55: {  	_ =	shalt  }
0x56: {  	_ =	shalt  }
0x57: {  	_ =	shalt  }
0x58: {  	_ =	shalt  }
0x59: {  	_ =	shalt  }
0x5a: {  	_ =	shalt  }
0x5b: {  	_ =	shalt  }
0x5c: {  	_ =	shalt  }
0x5d: {  	_ =	shalt  }
0x5e: {  	_ =	shalt  }
0x5f: {  	_ =	shalt  }
0x60: {  	_ =	shalt  }
0x61: {  	_ =	shalt  }
0x62: {  	_ =	shalt  }
0x63: {  	_ =	shalt  }
0x64: {  	_ =	shalt  }
0x65: {  	_ =	shalt  }
0x66: {  	_ =	shalt  }
0x67: {  	_ =	shalt  }
0x68: {  	_ =	shalt  }
0x69: {  	_ =	shalt  }
0x6a: {  	_ =	shalt  }
0x6b: {  	_ =	shalt  }
0x6c: {  	_ =	shalt  }
0x6d: {  	_ =	shalt  }
0x6e: {  	_ =	shalt  }
0x6f: {  	_ =	shalt  }
0x70: {  	_ =	shalt  }
0x71: {  	_ =	shalt  }
0x72: {  	_ =	shalt  }
0x73: {  	_ =	shalt  }
0x74: {  	_ =	shalt  }
0x75: {  	_ =	shalt  }
0x76: {  	_ =	shalt  }
0x77: {  	_ =	shalt  }
0x78: {  	_ =	shalt  }
0x79: {  	_ =	shalt  }
0x7a: {  	_ =	shalt  }
0x7b: {  	_ =	shalt  }
0x7c: {  	_ =	shalt  }
0x7d: {  	_ =	shalt  }
0x7e: {  	_ =	shalt  }
0x7f: {  	_ =	shalt  }
0x80: {  	_ =	shalt  }
0x81: {  	_ =	shalt  }
0x82: {  	_ =	shalt  }
0x83: {  	_ =	shalt  }
0x84: {  	_ =	shalt  }
0x85: {  	_ =	shalt  }
0x86: {  	_ =	shalt  }
0x87: {  	_ =	shalt  }
.Lfunc_end0:
.L_simem_size_0:
called_computation.2_lowered:
.L_overlay_start_0:
0x88: {  	s2 =	sld [smem:$0x3FD9]  }
0x89: {  	s3 =	sld [smem:$0x3FFE];
	_ =	sdelay $0x1  }
0x8a: {  	s1 =	srdreg.scid  }
0x8b: {  	s0 =	sand.u32 $0x1, s1  }
0x8c: {  	s14 =	sshll.u32 s0, $0xA;
	s2 =	sadd.s32 s3, s2  }
0x8d: {  	s2 =	sadd.s32 s2, s14  }
0x8e: {  	[smem:$0x3FB3] =	sst s2  }
0x8f: {  	_ = 	snop  }
0x90: {  	s2 =	sld [smem:$0x3FD0];
	_ =	sdelay $0x2  }
0x91: {  	s15 =	simm.s32 $0xA;
	s4 =	simm.s32 $0x10  }
0x92: {  	[smem:s4], [sflag:s15] =	dma.local [hbm:s2], $0x1  }
0x93: {  	_ =	swait.eq [sflag:s15], $0x1  }
0x94: {  	[sflag:s15] =	ssyncset.done $0x0  }
0x95: {  	s16 =	sld [smem:$0x11];
	[sflag:s15] =	ssyncadd.s32 $0xFFFFFFFF  }
0x96: {  	s17 =	sld [smem:$0x12];
	(tm) =	ssettm $0x1  }
0x97: {  	s18 =	sld [smem:$0x3FFB];
	_ =	sdelay $0x3  }
0x98: {  	_ =	strace s18  }
0x99: {  	s4 =	sld [smem:$0x3FFC];
	_ =	sdelay $0x3  }
0x9a: {  	_ =	strace s4  }
0x9b: {  	s4 =	sld [smem:$0x3FFD];
	_ =	sdelay $0x3  }
0x9c: {  	_ =	strace s4  }
0x9d: {  	_ =	strace $0x8FFFFFFF  }
0x9e: {  	s19 =	sld [smem:$0x3FDB];
	_ =	sdelay $0x1  }
0x9f: {  	s5 =	simm.s32 $_scs_section_size  }
0xa0: {  	s6 =	simm.s32 $_size__tile_overlayer_lowered;
	s7 =	simm.s32 $_tile_overlayer_lowered  }
0xa1: {  	s22 =	simm.s32 $0x1BFF;
	s21 =	sshll.u32 s7, $0x1;
	s4 =	sadd.s32 s5, s19  }
0xa2: {  	s8 =	simm.s32 $0x0;
	s20 =	sshll.u32 s6, $0x1;
	s6 =	sadd.s32 s21, s4  }
0xa3: {  	[timem:s8], [sflag:s22] =	dma.local [hbm:s6], s20  }
0xa4: {  	_ =	swait.ge [sflag:s22], s20  }
0xa5: {  	s5 =	ssub.s32 $0x0, s20;
	[sflag:s22] =	ssyncset.done $0x0  }
0xa6: {  	[sflag:s22] =	ssyncadd.s32 s5;
	_ =	sdelay $0x1  }
0xa7: {  	s23 =	simm.s32 $0x1B8B  }
0xa8: {  	_ =	swait.ge [sflag:s23], $0x1  }
0xa9: {  	[sflag:s23] =	ssyncset.done $0x0  }
0xaa: {  	s25 =	simm.s32 $0x1B8E;
	s24 =	sld [smem:$0x3FFE];
	[sflag:s23] =	ssyncadd.s32 $0xFFFFFFFF  }
0xab: {  	s26 =	simm.s32 $execute0_lowered;
	[smem:$0x3FD2] =	sst s25  }
0xac: {  	s6 =	sshll.u32 s26, $0x1;
	_ =	strace $0x80000049;
	[dreg:$0x1] =	wrdreg $0xFFFFFFFF  }
0xad: {  	s28 =	simm.s32 $_size_execute0_lowered;
	s4 =	sadd.s32 s4, s6;
	[dreg:$0x0] =	wrdreg $0x0  }
0xae: {  	s6 =	sshll.u32 s28, $0x1;
	[dreg:$0x2] =	wrdreg s4  }
0xaf: {  	[dreg:$0x3] =	wrdreg s6  }
0xb0: {  	[dreg:$0x4] =	wrdreg $0xC0  }
0xb1: {  	_ =	task [dreg:s8], $0x5FFFF  }
0xb2: {  	[dreg:$0x1] =	wrdreg $0xFFFFFFFF  }
0xb3: {  	[dreg:$0x0] =	wrdreg $0x60  }
0xb4: {  	[dreg:$0x2] =	wrdreg s16  }
0xb5: {  	[dreg:$0x3] =	wrdreg s17  }
0xb6: {  	[dreg:$0x4] =	wrdreg s24  }
0xb7: {  	[dreg:$0x5] =	wrdreg $0x9  }
0xb8: {  	_ =	task.clear_ibuf [dreg:s8], $0x6FFFF;
	_ =	strace $0x90000049  }
0xb9: {  	s29 =	simm.s32 $0x9;
	_ =	strace $0x8000004B  }
0xba: {  	_ =	swait.ge [sflag:s29], $0x1  }
0xbb: {  	[sflag:s29] =	ssyncadd.s32 $0xFFFFFFFF  }
0xbc: {  	_ =	strace $0x9000004B  }
0xbd: {  	_ =	sfence  }
0xbe: {  	s30 =	sld [smem:$0x0];
	_ =	sdelay $0x2  }
0xbf: {  	s31 =	sshll.u32 s1, $0xD;
	s1 =	sshrl.u32 s1, $0x2  }
0xc0: {  	s3 =	sand.u32 $0x4000, s31;
	s1 =	sadd.s32 s1, s30  }
0xc1: {  	s0 =	sor.u32 s3, s0;
	s1 =	sshll.u32 s1, $0x11  }
0xc2: {  	s0 =	sor.u32 s1, s0  }
0xc3: {  	s0 =	sadd.s32 $0x8F2B, s0  }
0xc4: {  	[sflag:s0] =	ssyncadd.remote.s32 $0x1  }
0xc5: {  	_ =	sfence.sel $0xFFFF  }
0xc6: {  	[dreg:$0x0] =	wrdreg $0xFFFFFFFF;
	(pc) =	sbr.abs _section_cstart, $3  }
0xc7: {  	[dreg:$0x1] =	wrdreg $0xFFFFFFFF  }
0xc8: {  	_ =	task.clear_ibuf [dreg:s8], $0x2FFFF;
	_ =	strace $0x9FFFFFFF  }
0xc9: {  	(tm) =	ssettm $0x7FFFFFFF  }
tec
execute0_lowered:
.L_overlay_start_1:
0x0: {  	(tag) =	ssettag $0x1  }
0x1: {  	s1 =	rddreg [dreg:$0x0]  }
0x2: {  	s0 =	rddreg [dreg:$0x1];
	s2 =	srdreg.scid  }
0x3: {  	s13 =	stileid.u32;
	s4 =	rddreg [dreg:$0x2]  }
0x4: {  	s3 =	simm.s32 $0x0;
	s14 =	simm.s32 $0x2780;
	s15 =	simm.s32 $0x80  }
0x5: {  	s18 =	simm.s32 $0x5F00;
	s19 =	simm.s32 $0x2800;
	s20 =	simm.s32 $0x7F00  }
0x6: {  	s21 =	simm.s32 $0x1;
	s22 =	simm.s32 $0x8F00;
	s23 =	simm.s32 $0x2  }
0x7: {  	s24 =	simm.s32 $0x9700;
	s25 =	simm.s32 $0x3;
	s26 =	simm.s32 $0x4  }
0x8: {  	s28 =	simm.s32 $0x0;
	s2 =	sand.u32 $0x1, s2;
	s5 =	sshll.u32 s13, $0x1  }
0x9: {  	[smem:$0x7FF] =	sst s3;
	s4 =	sadd.s32 $0x6400, s4;
	p0 =	sgt.u32 s13, $0x1  }
0xa: {  	s13 =	simm.s32 $0x5;
	s9 =	sor.u32 s2, s5;
	s2 =	ssub.s32 $0x2, s2  }
0xb: {  	_ =	strace $0x8000004A;
	s5 =	smul.u32 $0x2700, s9;
	s6 =	sshrl.u32 s2, $0x1  }
.Ltmp0:
0xc: {  	s7 =	sshll.u32 s9, $0x4;
	s11 =	sshll.u32 s9, $0x8;
	(pc) =	sbr.rel .LBB2_1-.Ltmp0, $4  }
0xd: {  	s2 =	ssub.s32 s2, s6;
	s31 =	sadd.s32 s11, s4;
	s30 =	sshrl.u32 s5, $0x3  }
0xe: {  	s5 =	smul.u32 $0x4E, s9;
	s11 =	sadd.s32 $0x9C000, s31;
	s6 =	sadd.s32 s0, s30  }
0xf: {  	s12 =	smax.u32 s2, $0x1;
	s0 =	sadd.s32 s7, s0;
	s7 =	sadd.s32 $0x9C40, s6  }
0x10: {  	v0 =	vimm.bf16 $0.0e+00;
	s8 =	sadd.s32 $0x9C00, s0;
	s9 =	sadd.s32 $0x13840, s0;
	s10 =	sor.u32 $0x1, s5  }
.LBB2_11:
0x11: {  	s28 =	sadd.s32 $0x1, s28  }
0x12: {  	_ =	swait.ge [sflag:s25], $0x800;
	p1 =	sne.s32 s28, s12  }
.Ltmp1:
0x13: {  	[sflag:s25] =	ssyncset.done $0x0;
	(pc) =	sbr.rel @!p1 .LBB2_12-.Ltmp1, $4  }
0x14: {  	[sflag:s25] =	ssyncadd.s32 $0xFFFFF800  }
0x15: {  	_ =	swait.ge [sflag:s26], $0x800  }
0x16: {  	[sflag:s26] =	ssyncset.done $0x0  }
0x17: {  	[sflag:s26] =	ssyncadd.s32 $0xFFFFF800  }
.LBB2_1:
0x18: {  	[tilespmem:s3], [sflag:$0x5] =	stream.linear.gather [hbm4b:s6+s3], $0x2700, $0x38;
	[tilespmem:$0x9F00] =	vst v63  }
0x19: {  	_ =	swait.ge [sflag:s13], $0x2700  }
0x1a: {  	[sflag:s13] =	ssyncset.done $0x0  }
0x1b: {  	[sflag:s13] =	ssyncadd.s32 $0xFFFFD900  }
0x1c: {  	[tilespmem:s14], [sflag:$0x5] =	stream.linear.gather [hbm4b:s7+s3], $0x2700, $0x38;
	[tilespmem:$0x9F00] =	vst v63  }
0x1d: {  	_ =	swait.ge [sflag:s13], $0x2700  }
0x1e: {  	[sflag:s13] =	ssyncset.done $0x0  }
0x1f: {  	s0 =	simm.s32 @!p0 $0x0;
	s2 =	simm.s32 @!p0 $0x2700;
	[sflag:s13] =	ssyncadd.s32 $0xFFFFD900  }
0x20: {  	[tilespmem:s2], [sflag:$0x5] =	stream.linear.gather @!p0 [hbm4b:s8+s0], $0x80, $0x38;
	[tilespmem:$0x9F00] =	vst v63  }
0x21: {  	s2 =	simm.s32 @!p0 $0x5  }
0x22: {  	_ =	swait.ge @!p0 [sflag:s2], $0x80  }
0x23: {  	[sflag:s2] =	ssyncset.done @!p0 $0x0  }
0x24: {  	s16 =	simm.s32 @!p0 $0x4E80;
	[sflag:s2] =	ssyncadd.s32 @!p0 $0xFFFFFF80  }
0x25: {  	[tilespmem:s16], [sflag:$0x5] =	stream.linear.gather @!p0 [hbm4b:s9+s0], $0x80, $0x38;
	[tilespmem:$0x9F00] =	vst v63  }
0x26: {  	_ =	swait.ge @!p0 [sflag:s2], $0x80  }
0x27: {  	[sflag:s2] =	ssyncset.done @!p0 $0x0  }
0x28: {  	s17 =	simm.s32 $0x4F00;
	[sflag:s2] =	ssyncadd.s32 @!p0 $0xFFFFFF80  }
0x29: {  	[tilespmem:s17], [sflag:$0x1] =	stream.indirect.gather [hbm4b:s1+s15], $0x20, s3, s15, $0xb8;
	[tilespmem:$0x9F00] =	vst v63  }
0x2a: {  	s31 =	simm.s32 $0x6F00  }
0x2b: {  	[tilespmem:s31], [sflag:$0x1] =	stream.indirect.gather [hbm4b:s1+s15], $0x20, s14, s15, $0xb8;
	[tilespmem:$0x9F00] =	vst v63  }
0x2c: {  	s29 =	simm.s32 @!p0 $0x4F  }
0x2d: {  	[tilespmem:s18], [sflag:$0x2] =	stream.indirect.gather [hbm4b:s1+s15], $0x20, s15, s15, $0xb8;
	[tilespmem:$0x9F00] =	vst v63  }
0x2e: {  	s30 =	simm.s32 $0x0;
	s29 =	simm.s32 @p0 $0x4E  }
0x2f: {  	[tilespmem:s20], [sflag:$0x2] =	stream.indirect.gather [hbm4b:s1+s15], $0x20, s19, s15, $0xb8;
	[tilespmem:$0x9F00] =	vst v63  }
.LBB2_2:
0x30: {  	_ =	swait.ge [sflag:s21], $0x1000  }
0x31: {  	[sflag:s21] =	ssyncset.done $0x0  }
0x32: {  	[sflag:s21] =	ssyncadd.s32 $0xFFFFF000  }
0x33: {  	_ =	swait.ge [sflag:s21], $0x1000  }
0x34: {  	p1 =	seq.s32 s30, $0x0;
	[sflag:s21] =	ssyncset.done $0x0  }
0x35: {  	s0 =	simm.s32 @!p1 $0x3;
	[sflag:s21] =	ssyncadd.s32 $0xFFFFF000  }
0x36: {  	_ =	swait.ge @!p1 [sflag:s0], $0x800  }
0x37: {  	[sflag:s0] =	ssyncset.done @!p1 $0x0  }
0x38: {  	s17 =	simm.s32 $0x4F80;
	[sflag:s0] =	ssyncadd.s32 @!p1 $0xFFFFF800  }
0x39: {  	s2 =	simm.s32 $0x6F80;
	v2 =	vld [tilespmem:s17+$0x60]  }
0x3a: {  	v3 =	vld [tilespmem:s2+$0x70]  }
0x3b: {  	v4 =	vld [tilespmem:s2+$0x60]  }
0x3c: {  	v5 =	vld [tilespmem:s17+$0x70]  }
0x3d: {  	v1 =	vld [tilespmem:s2+$0xFFFFFF90]  }
0x3e: {  	v6 =	vld [tilespmem:s2+$0xFFFFFF80]  }
0x3f: {  	v7 =	vld [tilespmem:s17+$0xFFFFFF90]  }
0x40: {  	v8 =	vld [tilespmem:s17+$0xFFFFFFA0]  }
0x41: {  	v9 =	vld [tilespmem:s2+$0xFFFFFFB0]  }
0x42: {  	v10 =	vld [tilespmem:s2+$0xFFFFFFA0]  }
0x43: {  	v11 =	vld [tilespmem:s17+$0xFFFFFFB0]  }
0x44: {  	v12 =	vld [tilespmem:s17+$0xFFFFFFC0]  }
0x45: {  	v13 =	vld [tilespmem:s2+$0xFFFFFFD0]  }
0x46: {  	v14 =	vld [tilespmem:s2+$0xFFFFFFC0]  }
0x47: {  	v15 =	vld [tilespmem:s17+$0xFFFFFFD0]  }
0x48: {  	v16 =	vld [tilespmem:s17+$0xFFFFFFE0]  }
0x49: {  	v18 =	vld [tilespmem:s2+$0xFFFFFFE0]  }
0x4a: {  	v19 =	vld [tilespmem:s17+$0xFFFFFFF0]  }
0x4b: {  	v17 =	vld [tilespmem:s2+$0xFFFFFFF0]  }
0x4c: {  	v20 =	vld [tilespmem:s17+$0x0];
	v2 =	vadd.bf16 v3, v2  }
0x4d: {  	v3 =	vadd.bf16 v5, v4;
	v4 =	vld [tilespmem:s2+$0x10];
	v6 =	vadd.bf16 v7, v6  }
0x4e: {  	v5 =	vadd.bf16 v9, v8;
	v7 =	vld [tilespmem:s2+$0x0];
	v8 =	vadd.bf16 v11, v10  }
0x4f: {  	v9 =	vld [tilespmem:s17+$0x10];
	v11 =	vadd.bf16 v15, v14;
	v61 =	vadd.bf16 v19, v18  }
0x50: {  	v59 =	vld [tilespmem:s2+$0x30];
	v2 =	vmax.bf16 v2, v0;
	v3 =	vmax.bf16 v3, v0;
	v5 =	vmax.bf16 v5, v0  }
0x51: {  	v10 =	vld [tilespmem:s17+$0x20];
	v8 =	vmax.bf16 v8, v0;
	v2 =	vadd.bf16 v3, v2;
	v3 =	vadd.bf16 v13, v12  }
0x52: {  	v60 =	vld [tilespmem:s2+$0x20];
	v8 =	vadd.bf16 v8, v5;
	v5 =	vadd.bf16 v17, v16  }
0x53: {  	s0 =	simm.s32 $0x8F40;
	v62 =	vld [tilespmem:s17+$0x30];
	v11 =	vmax.bf16 v11, v0;
	v3 =	vmax.bf16 v3, v0;
	v63 =	vadd.bf16 v4, v20  }
0x54: {  	[tilespmem:s0+$0x30] =	vst v2;
	v2 =	vmax.bf16 v5, v0;
	v4 =	vmax.bf16 v61, v0;
	v7 =	vadd.bf16 v9, v7;
	v5 =	vld [tilespmem:s2+$0x50]  }
0x55: {  	[tilespmem:s0+$0xFFFFFFD0] =	vst v8;
	v11 =	vadd.bf16 v11, v3;
	v3 =	vld [tilespmem:s17+$0x40];
	v8 =	vadd.bf16 v4, v2  }
0x56: {  	v9 =	vadd.bf16 v59, v10;
	v4 =	vld [tilespmem:s2+$0x40];
	v10 =	vmax.bf16 v63, v0;
	v7 =	vmax.bf16 v7, v0  }
0x57: {  	v2 =	vmax.bf16 v6, v0;
	v6 =	vld [tilespmem:s17+$0x50];
	[tilespmem:s0+$0xFFFFFFF0] =	vst v8;
	v8 =	vadd.bf16 v7, v10  }
0x58: {  	s31 =	sshll.u32 s30, $0x1;
	s16 =	simm.s32 $0x0;
	v9 =	vmax.bf16 v9, v0;
	[tilespmem:s0+$0xFFFFFFE0] =	vst v11;
	v7 =	vld [tilespmem:s17+$0xFFFFFF80];
	v10 =	vadd.bf16 v62, v60;
	s17 =	simm.s32 $0x5080  }
.LBB2_3:
0x59: {  	v11 =	vld [tilespmem:s17+$0x60];
	[tilespmem:s0+$0x0] =	vst v8;
	s2 =	sadd.s32 $0x100, s2  }
0x5a: {  	v8 =	vld [tilespmem:s2+$0x70];
	v10 =	vmax.bf16 v10, v0;
	v3 =	vadd.bf16 v5, v3  }
0x5b: {  	v5 =	vld [tilespmem:s2+$0x60];
	v9 =	vadd.bf16 v10, v9  }
0x5c: {  	s16 =	sadd.s32 $0x8, s16;
	v10 =	vld [tilespmem:s17+$0x70];
	v3 =	vmax.bf16 v3, v0;
	v4 =	vadd.bf16 v6, v4  }
0x5d: {  	p2 =	slt.u32 s16, $0x78;
	v6 =	vadd.bf16 v1, v7;
	v1 =	vld [tilespmem:s2+$0xFFFFFF90];
	[tilespmem:s0+$0x10] =	vst v9  }
0x5e: {  	v7 =	vld [tilespmem:s2+$0xFFFFFF80];
	v4 =	vmax.bf16 v4, v0  }
0x5f: {  	v9 =	vld [tilespmem:s17+$0xFFFFFF90];
	v6 =	vmax.bf16 v6, v0;
	v3 =	vadd.bf16 v4, v3  }
0x60: {  	v4 =	vld [tilespmem:s17+$0xFFFFFFA0];
	v2 =	vadd.bf16 v2, v6  }
0x61: {  	v8 =	vadd.bf16 v8, v11;
	v6 =	vld [tilespmem:s2+$0xFFFFFFB0];
	v5 =	vadd.bf16 v10, v5;
	[tilespmem:s0+$0x20] =	vst v3  }
0x62: {  	v3 =	vld [tilespmem:s2+$0xFFFFFFA0];
	[tilespmem:s0+$0xFFFFFFC0] =	vst v2  }
0x63: {  	v2 =	vmax.bf16 v8, v0;
	v10 =	vld [tilespmem:s17+$0xFFFFFFB0];
	v5 =	vmax.bf16 v5, v0  }
0x64: {  	v7 =	vadd.bf16 v9, v7;
	v8 =	vld [tilespmem:s17+$0xFFFFFFC0];
	v5 =	vadd.bf16 v5, v2  }
0x65: {  	s0 =	sadd.s32 $0x80, s0;
	v9 =	vld [tilespmem:s2+$0xFFFFFFD0]  }
0x66: {  	v2 =	vmax.bf16 v7, v0;
	v4 =	vadd.bf16 v6, v4;
	v6 =	vld [tilespmem:s2+$0xFFFFFFC0];
	[tilespmem:s0+$0x30] =	vst v5  }
0x67: {  	v5 =	vld [tilespmem:s17+$0xFFFFFFD0]  }
0x68: {  	v4 =	vmax.bf16 v4, v0;
	v3 =	vadd.bf16 v10, v3;
	v7 =	vld [tilespmem:s17+$0xFFFFFFE0]  }
0x69: {  	v10 =	vld [tilespmem:s2+$0xFFFFFFF0]  }
0x6a: {  	v3 =	vmax.bf16 v3, v0;
	v8 =	vadd.bf16 v9, v8;
	v9 =	vld [tilespmem:s2+$0xFFFFFFE0]  }
0x6b: {  	v3 =	vadd.bf16 v3, v4;
	v4 =	vld [tilespmem:s17+$0xFFFFFFF0]  }
0x6c: {  	v8 =	vmax.bf16 v8, v0;
	v5 =	vadd.bf16 v5, v6;
	v6 =	vld [tilespmem:s17+$0x0]  }
0x6d: {  	[tilespmem:s0+$0xFFFFFFD0] =	vst v3;
	v3 =	vld [tilespmem:s2+$0x10]  }
0x6e: {  	v5 =	vmax.bf16 v5, v0;
	v7 =	vadd.bf16 v10, v7;
	v10 =	vld [tilespmem:s2+$0x0]  }
0x6f: {  	v5 =	vadd.bf16 v5, v8;
	v8 =	vld [tilespmem:s17+$0x10]  }
0x70: {  	v7 =	vmax.bf16 v7, v0;
	v4 =	vadd.bf16 v4, v9;
	v9 =	vld [tilespmem:s17+$0x20]  }
0x71: {  	[tilespmem:s0+$0xFFFFFFE0] =	vst v5;
	v11 =	vld [tilespmem:s2+$0x30]  }
0x72: {  	v4 =	vmax.bf16 v4, v0;
	v3 =	vadd.bf16 v3, v6;
	v12 =	vld [tilespmem:s2+$0x20]  }
0x73: {  	v4 =	vadd.bf16 v4, v7;
	v13 =	vld [tilespmem:s17+$0x30]  }
.Ltmp2:
0x74: {  	v6 =	vmax.bf16 v3, v0;
	v7 =	vadd.bf16 v8, v10;
	v3 =	vld [tilespmem:s17+$0x40];
	(pc) =	sbr.rel @p2 .LBB2_3-.Ltmp2, $4  }
0x75: {  	[tilespmem:s0+$0xFFFFFFF0] =	vst v4;
	v5 =	vld [tilespmem:s2+$0x50]  }
0x76: {  	v7 =	vmax.bf16 v7, v0;
	v9 =	vadd.bf16 v11, v9;
	v4 =	vld [tilespmem:s2+$0x40]  }
0x77: {  	v8 =	vadd.bf16 v7, v6;
	v6 =	vld [tilespmem:s17+$0x50]  }
0x78: {  	v7 =	vld [tilespmem:s17+$0xFFFFFF80];
	v9 =	vmax.bf16 v9, v0;
	v10 =	vadd.bf16 v13, v12;
	s17 =	sadd.s32 $0x100, s17  }
0x79: {  	_ =	sdelay $0x2  }
0x7a: {  	v3 =	vadd.bf16 v5, v3;
	v4 =	vadd.bf16 v6, v4  }
0x7b: {  	v5 =	vmax.bf16 v10, v0;
	v1 =	vadd.bf16 v1, v7  }
0x7c: {  	v5 =	vadd.bf16 v5, v9;
	v3 =	vmax.bf16 v3, v0;
	v4 =	vmax.bf16 v4, v0  }
0x7d: {  	[tilespmem:s0+$0x0] =	vst v8;
	v1 =	vmax.bf16 v1, v0;
	v3 =	vadd.bf16 v4, v3  }
0x7e: {  	s2 =	sadd.s32 s5, s31;
	[tilespmem:s0+$0x10] =	vst v5;
	v1 =	vadd.bf16 v2, v1  }
0x7f: {  	s2 =	sshll.u32 s2, $0x8;
	[tilespmem:s0+$0x20] =	vst v3  }
0x80: {  	s17 =	sadd.s32 s4, s2;
	[tilespmem:s0+$0xFFFFFFC0] =	vst v1;
	s0 =	sadd.s32 $0x2, s31  }
0x81: {  	[hbm4b:s17+s3] =	stream.linear.scatter [tilespmem:s22], [sflag:$0x3], $0x800, $0x38;
	[tilespmem:$0x9F00] =	vst v63  }
0x82: {  	p2 =	sge.u32 s0, s29  }
0x83: {  	s0 =	sshll.u32 @!p2 s0, $0x7;
	s2 =	simm.s32 @!p2 $0x80;
	s16 =	simm.s32 @!p2 $0x4F00  }
0x84: {  	[tilespmem:s16], [sflag:$0x1] =	stream.indirect.gather @!p2 [hbm4b:s1+s2], $0x20, s0, s2, $0xb8;
	[tilespmem:$0x9F00] =	vst v63  }
0x85: {  	s0 =	sadd.s32 @!p2 $0x2780, s0;
	s16 =	simm.s32 @!p2 $0x6F00  }
0x86: {  	[tilespmem:s16], [sflag:$0x1] =	stream.indirect.gather @!p2 [hbm4b:s1+s2], $0x20, s0, s2, $0xb8;
	[tilespmem:$0x9F00] =	vst v63  }
0x87: {  	_ =	swait.ge [sflag:s23], $0x1000  }
0x88: {  	[sflag:s23] =	ssyncset.done $0x0  }
0x89: {  	[sflag:s23] =	ssyncadd.s32 $0xFFFFF000  }
0x8a: {  	_ =	swait.ge [sflag:s23], $0x1000  }
0x8b: {  	[sflag:s23] =	ssyncset.done $0x0  }
0x8c: {  	s0 =	simm.s32 @!p1 $0x4;
	[sflag:s23] =	ssyncadd.s32 $0xFFFFF000  }
0x8d: {  	_ =	swait.ge @!p1 [sflag:s0], $0x800  }
0x8e: {  	[sflag:s0] =	ssyncset.done @!p1 $0x0  }
0x8f: {  	s17 =	simm.s32 $0x5F80;
	[sflag:s0] =	ssyncadd.s32 @!p1 $0xFFFFF800  }
0x90: {  	s2 =	simm.s32 $0x7F80;
	v2 =	vld [tilespmem:s17+$0x60]  }
0x91: {  	v3 =	vld [tilespmem:s2+$0x70]  }
0x92: {  	v4 =	vld [tilespmem:s2+$0x60]  }
0x93: {  	v5 =	vld [tilespmem:s17+$0x70]  }
0x94: {  	v1 =	vld [tilespmem:s2+$0xFFFFFF90]  }
0x95: {  	v6 =	vld [tilespmem:s2+$0xFFFFFF80]  }
0x96: {  	v7 =	vld [tilespmem:s17+$0xFFFFFF90]  }
0x97: {  	v8 =	vld [tilespmem:s17+$0xFFFFFFA0]  }
0x98: {  	v9 =	vld [tilespmem:s2+$0xFFFFFFB0]  }
0x99: {  	v10 =	vld [tilespmem:s2+$0xFFFFFFA0]  }
0x9a: {  	v11 =	vld [tilespmem:s17+$0xFFFFFFB0]  }
0x9b: {  	v12 =	vld [tilespmem:s17+$0xFFFFFFC0]  }
0x9c: {  	v13 =	vld [tilespmem:s2+$0xFFFFFFD0]  }
0x9d: {  	v14 =	vld [tilespmem:s2+$0xFFFFFFC0]  }
0x9e: {  	v15 =	vld [tilespmem:s17+$0xFFFFFFD0]  }
0x9f: {  	v16 =	vld [tilespmem:s17+$0xFFFFFFE0]  }
0xa0: {  	v18 =	vld [tilespmem:s2+$0xFFFFFFE0]  }
0xa1: {  	v19 =	vld [tilespmem:s17+$0xFFFFFFF0]  }
0xa2: {  	v17 =	vld [tilespmem:s2+$0xFFFFFFF0]  }
0xa3: {  	v20 =	vld [tilespmem:s17+$0x0];
	v2 =	vadd.bf16 v3, v2  }
0xa4: {  	v3 =	vadd.bf16 v5, v4;
	v4 =	vld [tilespmem:s2+$0x10];
	v6 =	vadd.bf16 v7, v6  }
0xa5: {  	v5 =	vadd.bf16 v9, v8;
	v7 =	vld [tilespmem:s2+$0x0];
	v8 =	vadd.bf16 v11, v10  }
0xa6: {  	v9 =	vld [tilespmem:s17+$0x10];
	v11 =	vadd.bf16 v15, v14;
	v61 =	vadd.bf16 v19, v18  }
0xa7: {  	v59 =	vld [tilespmem:s2+$0x30];
	v2 =	vmax.bf16 v2, v0;
	v3 =	vmax.bf16 v3, v0;
	v5 =	vmax.bf16 v5, v0  }
0xa8: {  	v10 =	vld [tilespmem:s17+$0x20];
	v8 =	vmax.bf16 v8, v0;
	v2 =	vadd.bf16 v3, v2;
	v3 =	vadd.bf16 v13, v12  }
0xa9: {  	v60 =	vld [tilespmem:s2+$0x20];
	v8 =	vadd.bf16 v8, v5;
	v5 =	vadd.bf16 v17, v16  }
0xaa: {  	s0 =	simm.s32 $0x9740;
	v62 =	vld [tilespmem:s17+$0x30];
	v11 =	vmax.bf16 v11, v0;
	v3 =	vmax.bf16 v3, v0;
	v63 =	vadd.bf16 v4, v20  }
0xab: {  	[tilespmem:s0+$0x30] =	vst v2;
	v2 =	vmax.bf16 v5, v0;
	v4 =	vmax.bf16 v61, v0;
	v7 =	vadd.bf16 v9, v7;
	v5 =	vld [tilespmem:s2+$0x50]  }
0xac: {  	[tilespmem:s0+$0xFFFFFFD0] =	vst v8;
	v11 =	vadd.bf16 v11, v3;
	v3 =	vld [tilespmem:s17+$0x40];
	v8 =	vadd.bf16 v4, v2  }
0xad: {  	v9 =	vadd.bf16 v59, v10;
	v4 =	vld [tilespmem:s2+$0x40];
	v10 =	vmax.bf16 v63, v0;
	v7 =	vmax.bf16 v7, v0  }
0xae: {  	v2 =	vmax.bf16 v6, v0;
	v6 =	vld [tilespmem:s17+$0x50];
	[tilespmem:s0+$0xFFFFFFF0] =	vst v8;
	v8 =	vadd.bf16 v7, v10  }
0xaf: {  	s16 =	simm.s32 $0x0;
	v9 =	vmax.bf16 v9, v0;
	[tilespmem:s0+$0xFFFFFFE0] =	vst v11;
	v7 =	vld [tilespmem:s17+$0xFFFFFF80];
	v10 =	vadd.bf16 v62, v60;
	s17 =	simm.s32 $0x6080  }
.LBB2_5:
0xb0: {  	v11 =	vld [tilespmem:s17+$0x60];
	[tilespmem:s0+$0x0] =	vst v8;
	s2 =	sadd.s32 $0x100, s2  }
0xb1: {  	v8 =	vld [tilespmem:s2+$0x70];
	v10 =	vmax.bf16 v10, v0;
	v3 =	vadd.bf16 v5, v3  }
0xb2: {  	v5 =	vld [tilespmem:s2+$0x60];
	v9 =	vadd.bf16 v10, v9  }
0xb3: {  	s16 =	sadd.s32 $0x8, s16;
	v10 =	vld [tilespmem:s17+$0x70];
	v3 =	vmax.bf16 v3, v0;
	v4 =	vadd.bf16 v6, v4  }
0xb4: {  	p1 =	slt.u32 s16, $0x78;
	v6 =	vadd.bf16 v1, v7;
	v1 =	vld [tilespmem:s2+$0xFFFFFF90];
	[tilespmem:s0+$0x10] =	vst v9  }
0xb5: {  	v7 =	vld [tilespmem:s2+$0xFFFFFF80];
	v4 =	vmax.bf16 v4, v0  }
0xb6: {  	v9 =	vld [tilespmem:s17+$0xFFFFFF90];
	v6 =	vmax.bf16 v6, v0;
	v3 =	vadd.bf16 v4, v3  }
0xb7: {  	v4 =	vld [tilespmem:s17+$0xFFFFFFA0];
	v2 =	vadd.bf16 v2, v6  }
0xb8: {  	v8 =	vadd.bf16 v8, v11;
	v6 =	vld [tilespmem:s2+$0xFFFFFFB0];
	v5 =	vadd.bf16 v10, v5;
	[tilespmem:s0+$0x20] =	vst v3  }
0xb9: {  	v3 =	vld [tilespmem:s2+$0xFFFFFFA0];
	[tilespmem:s0+$0xFFFFFFC0] =	vst v2  }
0xba: {  	v2 =	vmax.bf16 v8, v0;
	v10 =	vld [tilespmem:s17+$0xFFFFFFB0];
	v5 =	vmax.bf16 v5, v0  }
0xbb: {  	v7 =	vadd.bf16 v9, v7;
	v8 =	vld [tilespmem:s17+$0xFFFFFFC0];
	v5 =	vadd.bf16 v5, v2  }
0xbc: {  	s0 =	sadd.s32 $0x80, s0;
	v9 =	vld [tilespmem:s2+$0xFFFFFFD0]  }
0xbd: {  	v2 =	vmax.bf16 v7, v0;
	v4 =	vadd.bf16 v6, v4;
	v6 =	vld [tilespmem:s2+$0xFFFFFFC0];
	[tilespmem:s0+$0x30] =	vst v5  }
0xbe: {  	v5 =	vld [tilespmem:s17+$0xFFFFFFD0]  }
0xbf: {  	v4 =	vmax.bf16 v4, v0;
	v3 =	vadd.bf16 v10, v3;
	v7 =	vld [tilespmem:s17+$0xFFFFFFE0]  }
0xc0: {  	v10 =	vld [tilespmem:s2+$0xFFFFFFF0]  }
0xc1: {  	v3 =	vmax.bf16 v3, v0;
	v8 =	vadd.bf16 v9, v8;
	v9 =	vld [tilespmem:s2+$0xFFFFFFE0]  }
0xc2: {  	v3 =	vadd.bf16 v3, v4;
	v4 =	vld [tilespmem:s17+$0xFFFFFFF0]  }
0xc3: {  	v8 =	vmax.bf16 v8, v0;
	v5 =	vadd.bf16 v5, v6;
	v6 =	vld [tilespmem:s17+$0x0]  }
0xc4: {  	[tilespmem:s0+$0xFFFFFFD0] =	vst v3;
	v3 =	vld [tilespmem:s2+$0x10]  }
0xc5: {  	v5 =	vmax.bf16 v5, v0;
	v7 =	vadd.bf16 v10, v7;
	v10 =	vld [tilespmem:s2+$0x0]  }
0xc6: {  	v5 =	vadd.bf16 v5, v8;
	v8 =	vld [tilespmem:s17+$0x10]  }
0xc7: {  	v7 =	vmax.bf16 v7, v0;
	v4 =	vadd.bf16 v4, v9;
	v9 =	vld [tilespmem:s17+$0x20]  }
0xc8: {  	[tilespmem:s0+$0xFFFFFFE0] =	vst v5;
	v11 =	vld [tilespmem:s2+$0x30]  }
0xc9: {  	v4 =	vmax.bf16 v4, v0;
	v3 =	vadd.bf16 v3, v6;
	v12 =	vld [tilespmem:s2+$0x20]  }
0xca: {  	v4 =	vadd.bf16 v4, v7;
	v13 =	vld [tilespmem:s17+$0x30]  }
.Ltmp3:
0xcb: {  	v6 =	vmax.bf16 v3, v0;
	v7 =	vadd.bf16 v8, v10;
	v3 =	vld [tilespmem:s17+$0x40];
	(pc) =	sbr.rel @p1 .LBB2_5-.Ltmp3, $4  }
0xcc: {  	[tilespmem:s0+$0xFFFFFFF0] =	vst v4;
	v5 =	vld [tilespmem:s2+$0x50]  }
0xcd: {  	v7 =	vmax.bf16 v7, v0;
	v9 =	vadd.bf16 v11, v9;
	v4 =	vld [tilespmem:s2+$0x40]  }
0xce: {  	v8 =	vadd.bf16 v7, v6;
	v6 =	vld [tilespmem:s17+$0x50]  }
0xcf: {  	v7 =	vld [tilespmem:s17+$0xFFFFFF80];
	v9 =	vmax.bf16 v9, v0;
	v10 =	vadd.bf16 v13, v12;
	s17 =	sadd.s32 $0x100, s17  }
0xd0: {  	_ =	sdelay $0x2  }
0xd1: {  	v3 =	vadd.bf16 v5, v3;
	v4 =	vadd.bf16 v6, v4  }
0xd2: {  	v63 =	vmax.bf16 v10, v0;
	v1 =	vadd.bf16 v1, v7  }
0xd3: {  	v5 =	vadd.bf16 v63, v9;
	v3 =	vmax.bf16 v3, v0;
	v4 =	vmax.bf16 v4, v0  }
0xd4: {  	[tilespmem:s0+$0x0] =	vst v8;
	s2 =	sadd.s32 s31, s10;
	v1 =	vmax.bf16 v1, v0;
	v3 =	vadd.bf16 v4, v3  }
0xd5: {  	s2 =	sshll.u32 s2, $0x8;
	[tilespmem:s0+$0x10] =	vst v5;
	v1 =	vadd.bf16 v2, v1  }
0xd6: {  	s2 =	sand.u32 $0xFFFFF00, s2;
	[tilespmem:s0+$0x20] =	vst v3  }
0xd7: {  	s17 =	sadd.s32 s4, s2;
	[tilespmem:s0+$0xFFFFFFC0] =	vst v1;
	s0 =	sadd.s32 $0x3, s31  }
0xd8: {  	[hbm4b:s17+s3] =	stream.linear.scatter [tilespmem:s24], [sflag:$0x4], $0x800, $0x38;
	[tilespmem:$0x9F00] =	vst v63  }
0xd9: {  	p1 =	sge.u32 s0, s29  }
0xda: {  	s0 =	sshll.u32 @!p1 s0, $0x7;
	s2 =	simm.s32 @!p1 $0x80;
	s16 =	simm.s32 @!p1 $0x5F00  }
0xdb: {  	[tilespmem:s16], [sflag:$0x2] =	stream.indirect.gather @!p1 [hbm4b:s1+s2], $0x20, s0, s2, $0xb8;
	[tilespmem:$0x9F00] =	vst v63  }
0xdc: {  	s30 =	sadd.s32 $0x1, s30;
	s0 =	sadd.s32 @!p1 $0x2780, s0;
	s16 =	simm.s32 @!p1 $0x7F00  }
0xdd: {  	[tilespmem:s16], [sflag:$0x2] =	stream.indirect.gather @!p1 [hbm4b:s1+s2], $0x20, s0, s2, $0xb8;
	[tilespmem:$0x9F00] =	vst v63  }
0xde: {  	p1 =	sne.s32 s30, $0x27  }
.Ltmp4:
0xdf: {  	_ = 	snop;
	(pc) =	sbr.rel @p1 .LBB2_2-.Ltmp4, $1  }
0xe0: {  	_ =	sdelay $0x3  }
.Ltmp5:
0xe1: {  	(pc) =	sbr.rel @p0 .LBB2_11-.Ltmp5, $1  }
0xe2: {  	_ =	sdelay $0x3  }
0xe3: {  	_ =	swait.ge [sflag:s21], $0x1000  }
0xe4: {  	[sflag:s21] =	ssyncset.done $0x0  }
0xe5: {  	[sflag:s21] =	ssyncadd.s32 $0xFFFFF000  }
0xe6: {  	_ =	swait.ge [sflag:s21], $0x1000  }
0xe7: {  	[sflag:s21] =	ssyncset.done $0x0  }
0xe8: {  	[sflag:s21] =	ssyncadd.s32 $0xFFFFF000  }
0xe9: {  	_ =	swait.ge [sflag:s25], $0x800  }
0xea: {  	[sflag:s25] =	ssyncset.done $0x0  }
0xeb: {  	s17 =	simm.s32 $0x4F80;
	[sflag:s25] =	ssyncadd.s32 $0xFFFFF800  }
0xec: {  	s2 =	simm.s32 $0x6F80;
	v2 =	vld [tilespmem:s17+$0x60]  }
0xed: {  	v3 =	vld [tilespmem:s2+$0x70]  }
0xee: {  	v4 =	vld [tilespmem:s2+$0x60]  }
0xef: {  	v5 =	vld [tilespmem:s17+$0x70]  }
0xf0: {  	v1 =	vld [tilespmem:s2+$0xFFFFFF90]  }
0xf1: {  	v6 =	vld [tilespmem:s2+$0xFFFFFF80]  }
0xf2: {  	v7 =	vld [tilespmem:s17+$0xFFFFFF90]  }
0xf3: {  	v8 =	vld [tilespmem:s17+$0xFFFFFFA0]  }
0xf4: {  	v9 =	vld [tilespmem:s2+$0xFFFFFFB0]  }
0xf5: {  	v10 =	vld [tilespmem:s2+$0xFFFFFFA0]  }
0xf6: {  	v11 =	vld [tilespmem:s17+$0xFFFFFFB0]  }
0xf7: {  	v12 =	vld [tilespmem:s17+$0xFFFFFFC0]  }
0xf8: {  	v13 =	vld [tilespmem:s2+$0xFFFFFFD0]  }
0xf9: {  	v14 =	vld [tilespmem:s2+$0xFFFFFFC0]  }
0xfa: {  	v15 =	vld [tilespmem:s17+$0xFFFFFFD0]  }
0xfb: {  	v16 =	vld [tilespmem:s17+$0xFFFFFFE0]  }
0xfc: {  	v18 =	vld [tilespmem:s2+$0xFFFFFFE0]  }
0xfd: {  	v19 =	vld [tilespmem:s17+$0xFFFFFFF0]  }
0xfe: {  	v17 =	vld [tilespmem:s2+$0xFFFFFFF0]  }
0xff: {  	v20 =	vld [tilespmem:s17+$0x0];
	v2 =	vadd.bf16 v3, v2  }
0x100: {  	v3 =	vadd.bf16 v5, v4;
	v4 =	vld [tilespmem:s2+$0x10];
	v6 =	vadd.bf16 v7, v6  }
0x101: {  	v5 =	vadd.bf16 v9, v8;
	v7 =	vld [tilespmem:s2+$0x0];
	v8 =	vadd.bf16 v11, v10  }
0x102: {  	v9 =	vld [tilespmem:s17+$0x10];
	v11 =	vadd.bf16 v15, v14;
	v61 =	vadd.bf16 v19, v18  }
0x103: {  	v59 =	vld [tilespmem:s2+$0x30];
	v2 =	vmax.bf16 v2, v0;
	v3 =	vmax.bf16 v3, v0;
	v5 =	vmax.bf16 v5, v0  }
0x104: {  	v10 =	vld [tilespmem:s17+$0x20];
	v8 =	vmax.bf16 v8, v0;
	v2 =	vadd.bf16 v3, v2;
	v3 =	vadd.bf16 v13, v12  }
0x105: {  	v60 =	vld [tilespmem:s2+$0x20];
	v8 =	vadd.bf16 v8, v5;
	v5 =	vadd.bf16 v17, v16  }
0x106: {  	s0 =	simm.s32 $0x8F40;
	v62 =	vld [tilespmem:s17+$0x30];
	v11 =	vmax.bf16 v11, v0;
	v3 =	vmax.bf16 v3, v0;
	v63 =	vadd.bf16 v4, v20  }
0x107: {  	[tilespmem:s0+$0x30] =	vst v2;
	v2 =	vmax.bf16 v5, v0;
	v4 =	vmax.bf16 v61, v0;
	v7 =	vadd.bf16 v9, v7;
	v5 =	vld [tilespmem:s2+$0x50]  }
0x108: {  	[tilespmem:s0+$0xFFFFFFD0] =	vst v8;
	v11 =	vadd.bf16 v11, v3;
	v3 =	vld [tilespmem:s17+$0x40];
	v8 =	vadd.bf16 v4, v2  }
0x109: {  	v9 =	vadd.bf16 v59, v10;
	v4 =	vld [tilespmem:s2+$0x40];
	v10 =	vmax.bf16 v63, v0;
	v7 =	vmax.bf16 v7, v0  }
0x10a: {  	v2 =	vmax.bf16 v6, v0;
	v6 =	vld [tilespmem:s17+$0x50];
	[tilespmem:s0+$0xFFFFFFF0] =	vst v8;
	v8 =	vadd.bf16 v7, v10  }
0x10b: {  	s16 =	simm.s32 $0x0;
	v9 =	vmax.bf16 v9, v0;
	[tilespmem:s0+$0xFFFFFFE0] =	vst v11;
	v7 =	vld [tilespmem:s17+$0xFFFFFF80];
	v10 =	vadd.bf16 v62, v60;
	s17 =	simm.s32 $0x5080  }
.LBB2_9:
0x10c: {  	v11 =	vld [tilespmem:s17+$0x60];
	[tilespmem:s0+$0x0] =	vst v8;
	s2 =	sadd.s32 $0x100, s2  }
0x10d: {  	v8 =	vld [tilespmem:s2+$0x70];
	v10 =	vmax.bf16 v10, v0;
	v3 =	vadd.bf16 v5, v3  }
0x10e: {  	v5 =	vld [tilespmem:s2+$0x60];
	v9 =	vadd.bf16 v10, v9  }
0x10f: {  	s16 =	sadd.s32 $0x8, s16;
	v10 =	vld [tilespmem:s17+$0x70];
	v3 =	vmax.bf16 v3, v0;
	v4 =	vadd.bf16 v6, v4  }
0x110: {  	p1 =	slt.u32 s16, $0x78;
	v6 =	vadd.bf16 v1, v7;
	v1 =	vld [tilespmem:s2+$0xFFFFFF90];
	[tilespmem:s0+$0x10] =	vst v9  }
0x111: {  	v7 =	vld [tilespmem:s2+$0xFFFFFF80];
	v4 =	vmax.bf16 v4, v0  }
0x112: {  	v9 =	vld [tilespmem:s17+$0xFFFFFF90];
	v6 =	vmax.bf16 v6, v0;
	v3 =	vadd.bf16 v4, v3  }
0x113: {  	v4 =	vld [tilespmem:s17+$0xFFFFFFA0];
	v2 =	vadd.bf16 v2, v6  }
0x114: {  	v8 =	vadd.bf16 v8, v11;
	v6 =	vld [tilespmem:s2+$0xFFFFFFB0];
	v5 =	vadd.bf16 v10, v5;
	[tilespmem:s0+$0x20] =	vst v3  }
0x115: {  	v3 =	vld [tilespmem:s2+$0xFFFFFFA0];
	[tilespmem:s0+$0xFFFFFFC0] =	vst v2  }
0x116: {  	v2 =	vmax.bf16 v8, v0;
	v10 =	vld [tilespmem:s17+$0xFFFFFFB0];
	v5 =	vmax.bf16 v5, v0  }
0x117: {  	v7 =	vadd.bf16 v9, v7;
	v8 =	vld [tilespmem:s17+$0xFFFFFFC0];
	v5 =	vadd.bf16 v5, v2  }
0x118: {  	s0 =	sadd.s32 $0x80, s0;
	v9 =	vld [tilespmem:s2+$0xFFFFFFD0]  }
0x119: {  	v2 =	vmax.bf16 v7, v0;
	v4 =	vadd.bf16 v6, v4;
	v6 =	vld [tilespmem:s2+$0xFFFFFFC0];
	[tilespmem:s0+$0x30] =	vst v5  }
0x11a: {  	v5 =	vld [tilespmem:s17+$0xFFFFFFD0]  }
0x11b: {  	v4 =	vmax.bf16 v4, v0;
	v3 =	vadd.bf16 v10, v3;
	v7 =	vld [tilespmem:s17+$0xFFFFFFE0]  }
0x11c: {  	v10 =	vld [tilespmem:s2+$0xFFFFFFF0]  }
0x11d: {  	v3 =	vmax.bf16 v3, v0;
	v8 =	vadd.bf16 v9, v8;
	v9 =	vld [tilespmem:s2+$0xFFFFFFE0]  }
0x11e: {  	v3 =	vadd.bf16 v3, v4;
	v4 =	vld [tilespmem:s17+$0xFFFFFFF0]  }
0x11f: {  	v8 =	vmax.bf16 v8, v0;
	v5 =	vadd.bf16 v5, v6;
	v6 =	vld [tilespmem:s17+$0x0]  }
0x120: {  	[tilespmem:s0+$0xFFFFFFD0] =	vst v3;
	v3 =	vld [tilespmem:s2+$0x10]  }
0x121: {  	v5 =	vmax.bf16 v5, v0;
	v7 =	vadd.bf16 v10, v7;
	v10 =	vld [tilespmem:s2+$0x0]  }
0x122: {  	v5 =	vadd.bf16 v5, v8;
	v8 =	vld [tilespmem:s17+$0x10]  }
0x123: {  	v7 =	vmax.bf16 v7, v0;
	v4 =	vadd.bf16 v4, v9;
	v9 =	vld [tilespmem:s17+$0x20]  }
0x124: {  	[tilespmem:s0+$0xFFFFFFE0] =	vst v5;
	v11 =	vld [tilespmem:s2+$0x30]  }
0x125: {  	v4 =	vmax.bf16 v4, v0;
	v3 =	vadd.bf16 v3, v6;
	v12 =	vld [tilespmem:s2+$0x20]  }
0x126: {  	v4 =	vadd.bf16 v4, v7;
	v13 =	vld [tilespmem:s17+$0x30]  }
.Ltmp6:
0x127: {  	v6 =	vmax.bf16 v3, v0;
	v7 =	vadd.bf16 v8, v10;
	v3 =	vld [tilespmem:s17+$0x40];
	(pc) =	sbr.rel @p1 .LBB2_9-.Ltmp6, $4  }
0x128: {  	[tilespmem:s0+$0xFFFFFFF0] =	vst v4;
	v5 =	vld [tilespmem:s2+$0x50]  }
0x129: {  	v7 =	vmax.bf16 v7, v0;
	v9 =	vadd.bf16 v11, v9;
	v4 =	vld [tilespmem:s2+$0x40]  }
0x12a: {  	v8 =	vadd.bf16 v7, v6;
	v6 =	vld [tilespmem:s17+$0x50]  }
0x12b: {  	v7 =	vld [tilespmem:s17+$0xFFFFFF80];
	v9 =	vmax.bf16 v9, v0;
	v10 =	vadd.bf16 v13, v12;
	s17 =	sadd.s32 $0x100, s17  }
0x12c: {  	_ =	sdelay $0x2  }
0x12d: {  	v3 =	vadd.bf16 v5, v3;
	v4 =	vadd.bf16 v6, v4  }
0x12e: {  	v63 =	vmax.bf16 v10, v0;
	v1 =	vadd.bf16 v1, v7  }
0x12f: {  	v5 =	vadd.bf16 v63, v9;
	v3 =	vmax.bf16 v3, v0;
	v4 =	vmax.bf16 v4, v0  }
.Ltmp7:
0x130: {  	[tilespmem:s0+$0x0] =	vst v8;
	v1 =	vmax.bf16 v1, v0;
	v3 =	vadd.bf16 v4, v3;
	(pc) =	sbr.rel .LBB2_11-.Ltmp7, $4  }
0x131: {  	[tilespmem:s0+$0x10] =	vst v5;
	v1 =	vadd.bf16 v2, v1  }
0x132: {  	[tilespmem:s0+$0x20] =	vst v3  }
0x133: {  	[tilespmem:s0+$0xFFFFFFC0] =	vst v1  }
0x134: {  	[hbm4b:s11+s3] =	stream.linear.scatter [tilespmem:s22], [sflag:$0x3], $0x800, $0x38;
	[tilespmem:$0x9F00] =	vst v63  }
.LBB2_12:
0x135: {  	_ =	sfence.sel $0x180000  }
0x136: {  	[bflag:$0x0] =	sbarrier.arrive $0xFFFF  }
0x137: {  	_ =	strace $0x9000004A  }
0x138: {  	s0 =	stileid.u32;
	[bflag:$0x2] =	sbarrier.arrive $0xFFFF  }
0x139: {  	p0 =	sne.s32 s0, $0x0;
	s0 =	rddreg [dreg:$0x3]  }
0x13a: {  	s0 =	sadd.s32 @!p0 $0x100000, s0  }
0x13b: {  	[sflag:s0] =	ssyncadd.tile.s32 @!p0 $0x1;
	_ =	shalt  }
.Lfunc_end2:
_tile_overlayer_lowered:
.L_overlay_start_2:
0x13c: {  	(tag) =	ssettag $0x2  }
0x13d: {  	s0 =	rddreg [dreg:$0x0];
	s2 =	stileid.u32  }
0x13e: {  	s1 =	rddreg [dreg:$0x1];
	p0 =	sne.s32 s2, $0x0  }
0x13f: {  	s3 =	rddreg [dreg:$0x2];
	[bflag:$0x3] =	sbarrier.arrive $0xFFFF;
	s2 =	simm.s32 @!p0 $0x1C05  }
0x140: {  	[timem:s3], [sflag:s2] =	dma.local @!p0 [hbm:s0], s1  }
0x141: {  	s0 =	simm.s32 @!p0 $0x5  }
0x142: {  	_ =	swait.ge @!p0 [sflag:s0], s1  }
0x143: {  	s1 =	ssub.s32 @!p0 $0x0, s1;
	[sflag:s0] =	ssyncset.done @!p0 $0x0  }
0x144: {  	[sflag:s0] =	ssyncadd.s32 @!p0 s1  }
0x145: {  	[bflag:$0x3] =	sbarrier.arrive $0xFFFF  }
0x146: {  	_ =	shalt  }

</sc_bundles>
